<compile_context>
chip_gen: v7x
topology: tpu7x:2x2x1
jax: 0.10.2.dev20260603
libtpu: 0.0.44.dev20260713+nightly
codegen_flags: <defaults>
</compile_context>

<pallas_src>
import jax
import jax.numpy as jnp
from jax import lax
from jax.experimental import pallas as pl
from jax.experimental.pallas import tpu as pltpu
from jax.experimental.pallas import tpu_sc as plsc

N = 10000
E = 320000
F_IN = 128
F_HID = 128
F_OUT = 64

NC = 2
NS = 16
NW = NC * NS
EPT = E // NW
CH = 64
NFULL = EPT // CH
REM_E = EPT - NFULL * CH
NSETS = 4
NQUAD = NFULL // NSETS
NMAIN = NQUAD * NSETS
RPT = 624
R_TAIL0 = NS * RPT
R_TAIL = N - R_TAIL0
ZFULL = RPT // CH
ZREM = RPT - ZFULL * CH


def _make_sc_agg(D, with_deg):
    out_type = jax.ShapeDtypeStruct((NC, N, D), jnp.float32)
    if with_deg:
        out_type = (out_type, jax.ShapeDtypeStruct((NC * N,), jnp.float32))
    scratch = [
        pltpu.VMEM_SHARED((N, D), jnp.float32),
        pltpu.VMEM((EPT,), jnp.int32),
        pltpu.VMEM((REM_E,), jnp.int32),
        pltpu.VMEM((REM_E, D), jnp.float32),
        pltpu.SemaphoreType.DMA,
    ]
    for _ in range(NSETS):
        scratch += [
            pltpu.VMEM((CH,), jnp.int32),
            pltpu.VMEM((CH, D), jnp.float32),
            pltpu.SemaphoreType.DMA,
            pltpu.SemaphoreType.DMA,
            pltpu.SemaphoreType.DMA,
            pltpu.SemaphoreType.DMA,
        ]
    if with_deg:
        scratch += [
            pltpu.VMEM_SHARED((N,), jnp.float32),
            pltpu.VMEM((CH,), jnp.float32),
            pltpu.VMEM((RPT,), jnp.float32),
        ]

    def body(feat, src, dst, *refs):
        if with_deg:
            out, deg_out = refs[0], refs[1]
            rest = refs[2:]
        else:
            out = refs[0]
            rest = refs[1:]
        acc_sh, src_all, dst_rem, rows_rem, rsem = rest[:5]
        sets = [tuple(rest[5 + 6 * q: 5 + 6 * (q + 1)]) for q in range(NSETS)]
        if with_deg:
            deg_sh, ones_v, degrow_v = rest[5 + 6 * NSETS:]
        rows0 = sets[0][1]
        c = lax.axis_index("c")
        s = lax.axis_index("s")
        wid = c * NS + s
        r0 = pl.multiple_of(s * RPT, 8)
        ebase = pl.multiple_of(wid * EPT, 8)

        zv = jnp.zeros((16,), jnp.float32)

        def zrow(i, carry):
            for j in range(D // 16):
                rows0[i, pl.ds(j * 16, 16)] = zv
            return carry

        lax.fori_loop(0, CH, zrow, 0)
        zdescs = []
        for k in range(ZFULL):
            zdescs.append(pltpu.async_copy(
                rows0, acc_sh.at[pl.ds(r0 + k * CH, CH)], sets[k % NSETS][4]))
        zdescs.append(pltpu.async_copy(
            rows0.at[pl.ds(0, ZREM)],
            acc_sh.at[pl.ds(r0 + ZFULL * CH, ZREM)], sets[ZFULL % NSETS][4]))
        if with_deg:
            for j in range(CH // 16):
                ones_v[pl.ds(j * 16, 16)] = jnp.ones((16,), jnp.float32)
            for j in range(RPT // 16):
                degrow_v[pl.ds(j * 16, 16)] = zv
            zdescs.append(pltpu.async_copy(
                degrow_v, deg_sh.at[pl.ds(r0, RPT)], sets[0][5]))
        pltpu.sync_copy(src.at[pl.ds(ebase, EPT)], src_all)
        for d in zdescs:
            d.wait()

        @pl.when(s == NS - 1)
        def _zero_tail():
            pltpu.sync_copy(rows0.at[pl.ds(0, R_TAIL)],
                            acc_sh.at[pl.ds(R_TAIL0, R_TAIL)])
            if with_deg:
                pltpu.sync_copy(degrow_v.at[pl.ds(0, R_TAIL)],
                                deg_sh.at[pl.ds(R_TAIL0, R_TAIL)])

        plsc.subcore_barrier()

        def src_sl(i):
            return src_all.at[pl.ds(pl.multiple_of(i * CH, 8), CH)]

        def start_chunk(i, q):
            dst_v, rows, isem, gsem = sets[q][0], sets[q][1], sets[q][2], sets[q][3]
            pltpu.async_copy(dst.at[pl.ds(pl.multiple_of(ebase + i * CH, 8), CH)],
                             dst_v, isem)
            pltpu.async_copy(feat.at[src_sl(i)], rows, gsem)

        def start_scatter(q):
            dst_v, rows, ssem, dsem = sets[q][0], sets[q][1], sets[q][4], sets[q][5]
            pltpu.async_copy(rows, acc_sh.at[dst_v], ssem, add=True)
            if with_deg:
                pltpu.async_copy(ones_v, deg_sh.at[dst_v], dsem, add=True)

        def wait_idx(q):
            dst_v, isem = sets[q][0], sets[q][2]
            pltpu.make_async_copy(dst.at[pl.ds(ebase, CH)], dst_v, isem).wait()

        def wait_gather(q):
            rows, gsem = sets[q][1], sets[q][3]
            pltpu.make_async_copy(feat.at[src_sl(0)], rows, gsem).wait()

        def wait_scatter(q):
            dst_v, rows, ssem, dsem = sets[q][0], sets[q][1], sets[q][4], sets[q][5]
            pltpu.make_async_copy(rows, acc_sh.at[dst_v], ssem).wait()
            if with_deg:
                pltpu.make_async_copy(ones_v, deg_sh.at[dst_v], dsem).wait()

        rem_lo = pl.multiple_of(NFULL * CH, 8)
        pltpu.sync_copy(dst.at[pl.ds(ebase + rem_lo, REM_E)], dst_rem)
        g_rem = pltpu.async_copy(feat.at[src_all.at[pl.ds(rem_lo, REM_E)]],
                                 rows_rem, rsem)
        for t, i in enumerate(range(NMAIN, NFULL)):
            start_chunk(i, t)
        for t, i in enumerate(range(NMAIN, NFULL)):
            wait_gather(t)
            wait_idx(t)
            start_scatter(t)
        for t, i in enumerate(range(NMAIN, NFULL)):
            wait_scatter(t)

        for q in range(NSETS):
            start_chunk(q, q)

        def quad(g, carry):
            i = NSETS * g
            for q in range(NSETS):
                wait_gather(q)
                wait_idx(q)
                start_scatter(q)
            for q in range(NSETS):
                nq = jnp.where(i + q + NSETS < NMAIN, i + q + NSETS, 0)
                wait_scatter(q)
                start_chunk(nq, q)
            return carry

        lax.fori_loop(0, NQUAD, quad, 0)
        for q in range(NSETS):
            wait_idx(q)
            wait_gather(q)
        g_rem.wait()
        d_rem = pltpu.async_copy(rows_rem, acc_sh.at[dst_rem],
                                 sets[0][4], add=True)
        if with_deg:
            pltpu.async_copy(ones_v.at[pl.ds(0, REM_E)],
                             deg_sh.at[dst_rem], sets[0][5], add=True).wait()
        d_rem.wait()
        plsc.subcore_barrier()

        def wr_start(lo, nrows, q):
            rows, ssem = sets[q][1], sets[q][4]
            pltpu.sync_copy(acc_sh.at[pl.ds(lo, nrows)],
                            rows.at[pl.ds(0, nrows)])
            pltpu.async_copy(rows.at[pl.ds(0, nrows)],
                             out.at[c, pl.ds(lo, nrows)], ssem)

        def wr_wait(lo, nrows, q):
            rows, ssem = sets[q][1], sets[q][4]
            pltpu.make_async_copy(rows.at[pl.ds(0, nrows)],
                                  out.at[c, pl.ds(lo, nrows)], ssem).wait()

        lo_rem = pl.multiple_of(r0 + ZFULL * CH, 8)
        outstanding = {}
        for k in range(ZFULL):
            q = k % NSETS
            if q in outstanding:
                wr_wait(lo_rem, outstanding.pop(q), q)
            wr_start(pl.multiple_of(r0 + k * CH, 8), CH, q)
            outstanding[q] = CH
        q = ZFULL % NSETS
        if q in outstanding:
            wr_wait(lo_rem, outstanding.pop(q), q)
        wr_start(lo_rem, ZREM, q)
        outstanding[q] = ZREM
        for q2, nr in outstanding.items():
            wr_wait(lo_rem, nr, q2)
        if with_deg:
            pltpu.sync_copy(deg_sh.at[pl.ds(r0, RPT)], degrow_v)
            d0 = pl.multiple_of(c * N + r0, 8)
            pltpu.sync_copy(degrow_v, deg_out.at[pl.ds(d0, RPT)])

        @pl.when(s == NS - 1)
        def _write_tail():
            pltpu.sync_copy(acc_sh.at[pl.ds(R_TAIL0, R_TAIL)],
                            rows0.at[pl.ds(0, R_TAIL)])
            pltpu.sync_copy(rows0.at[pl.ds(0, R_TAIL)],
                            out.at[c, pl.ds(R_TAIL0, R_TAIL)])
            if with_deg:
                pltpu.sync_copy(deg_sh.at[pl.ds(R_TAIL0, R_TAIL)],
                                degrow_v.at[pl.ds(0, R_TAIL)])
                dt = pl.multiple_of(c * N + R_TAIL0, 8)
                pltpu.sync_copy(degrow_v.at[pl.ds(0, R_TAIL)],
                                deg_out.at[pl.ds(dt, R_TAIL)])

    return pl.kernel(
        body,
        out_type=out_type,
        mesh=plsc.VectorSubcoreMesh(core_axis_name="c", subcore_axis_name="s"),
        scratch_types=scratch,
        name=f"sc_agg_d{D}" + ("_deg" if with_deg else ""),
    )


_sc_agg_deg = _make_sc_agg(F_HID, with_deg=True)
_sc_agg = _make_sc_agg(F_HID, with_deg=False)



_BR = 5000


def _mm2_body(x_ref, wn_ref, ws_ref, b_ref, on_ref, os_ref):
    xb = x_ref[...]
    on_ref[...] = jnp.dot(xb, wn_ref[...], preferred_element_type=jnp.float32)
    os_ref[...] = jnp.dot(xb, ws_ref[...], preferred_element_type=jnp.float32) + b_ref[...]


def _tc_mm2(x, W_neigh, W_self, b):
    return pl.pallas_call(
        _mm2_body,
        grid=(N // _BR,),
        in_specs=[
            pl.BlockSpec((_BR, F_IN), lambda i: (i, 0)),
            pl.BlockSpec((F_IN, F_HID), lambda i: (0, 0)),
            pl.BlockSpec((F_IN, F_HID), lambda i: (0, 0)),
            pl.BlockSpec((1, F_HID), lambda i: (0, 0)),
        ],
        out_specs=[
            pl.BlockSpec((_BR, F_HID), lambda i: (i, 0)),
            pl.BlockSpec((_BR, F_HID), lambda i: (i, 0)),
        ],
        out_shape=[
            jax.ShapeDtypeStruct((N, F_HID), jnp.float32),
            jax.ShapeDtypeStruct((N, F_HID), jnp.float32),
        ],
    )(x, W_neigh, W_self, b.reshape(1, -1))


def _mm_body(x_ref, w_ref, b_ref, o_ref):
    o_ref[...] = jnp.dot(x_ref[...], w_ref[...],
                         preferred_element_type=jnp.float32) + b_ref[...]


def _tc_mm(x, W, b):
    Din, Dout = W.shape
    return pl.pallas_call(
        _mm_body,
        grid=(N // _BR,),
        in_specs=[
            pl.BlockSpec((_BR, Din), lambda i: (i, 0)),
            pl.BlockSpec((Din, Dout), lambda i: (0, 0)),
            pl.BlockSpec((1, Dout), lambda i: (0, 0)),
        ],
        out_specs=pl.BlockSpec((_BR, Dout), lambda i: (i, 0)),
        out_shape=jax.ShapeDtypeStruct((N, Dout), jnp.float32),
    )(x, W, b.reshape(1, -1))


def _relu_comb_body(xs_ref, agg_ref, deg_ref, h_ref):
    deg = jnp.maximum(deg_ref[0] + deg_ref[1], 1.0)
    h_ref[...] = jnp.maximum(xs_ref[...] + (agg_ref[0] + agg_ref[1]) / deg, 0.0)


def _tc_relu_comb(xs, agg, deg2):
    return pl.pallas_call(
        _relu_comb_body,
        grid=(N // _BR,),
        in_specs=[
            pl.BlockSpec((_BR, F_HID), lambda i: (i, 0)),
            pl.BlockSpec((NC, _BR, F_HID), lambda i: (0, i, 0)),
            pl.BlockSpec((NC, _BR, 1), lambda i: (0, i, 0)),
        ],
        out_specs=pl.BlockSpec((_BR, F_HID), lambda i: (i, 0)),
        out_shape=jax.ShapeDtypeStruct((N, F_HID), jnp.float32),
    )(xs, agg, deg2)


def _comb_body(hs_ref, agg_ref, deg_ref, wn_ref, out_ref):
    deg = jnp.maximum(deg_ref[0] + deg_ref[1], 1.0)
    h_neigh = (agg_ref[0] + agg_ref[1]) / deg
    out_ref[...] = hs_ref[...] + jnp.dot(
        h_neigh, wn_ref[...], preferred_element_type=jnp.float32)


def _tc_combine(hs, agg, deg2, W_neigh):
    return pl.pallas_call(
        _comb_body,
        grid=(N // _BR,),
        in_specs=[
            pl.BlockSpec((_BR, F_OUT), lambda i: (i, 0)),
            pl.BlockSpec((NC, _BR, F_HID), lambda i: (0, i, 0)),
            pl.BlockSpec((NC, _BR, 1), lambda i: (0, i, 0)),
            pl.BlockSpec((F_HID, F_OUT), lambda i: (0, 0)),
        ],
        out_specs=pl.BlockSpec((_BR, F_OUT), lambda i: (i, 0)),
        out_shape=jax.ShapeDtypeStruct((N, F_OUT), jnp.float32),
    )(hs, agg, deg2, W_neigh)


def kernel(x, edge_index, W_self1, W_neigh1, b1, W_self2, W_neigh2, b2):
    src = edge_index[0].astype(jnp.int32)
    dst = edge_index[1].astype(jnp.int32)

    zb1 = jnp.zeros((F_HID,), jnp.float32)
    xn1 = _tc_mm(x, W_neigh1, zb1)
    agg1, deg = _sc_agg_deg(xn1, src, dst)
    xs1 = _tc_mm(x, W_self1, b1)
    deg2 = deg.reshape(NC, N, 1)
    h = _tc_relu_comb(xs1, agg1, deg2)
    agg2 = _sc_agg(h, src, dst)
    hs2 = _tc_mm(h, W_self2, b2)
    return _tc_combine(hs2, agg2, deg2, W_neigh2)

# --- scband reference (transcript-rebuilt; emitter-appended) ---
"""Pipeline reference for scband-sage-4879082848348 (READ-ONLY COPY).

The authoritative reference and input builder live on the scoring server;
editing this copy changes nothing except your own understanding.
"""

import jax, jax.numpy as jnp
import numpy as np

N_NODES = 10000
N_EDGES = 320000
IN_FEATS = 128
N_HIDDEN = 128
N_CLASSES = 64


def setup_inputs(seed: int = 0) -> dict:
    key = jax.random.key(seed)
    ks = jax.random.split(key, 10)
    x = jax.random.normal(ks[0], (N_NODES, IN_FEATS), dtype=jnp.float32)
    src = jax.random.randint(ks[1], (N_EDGES,), 0, N_NODES, dtype=jnp.int64)
    dst = jax.random.randint(ks[2], (N_EDGES,), 0, N_NODES, dtype=jnp.int64)
    edge_index = jnp.stack([src, dst], axis=0)
    s1 = 1.0 / np.sqrt(IN_FEATS)
    s2 = 1.0 / np.sqrt(N_HIDDEN)
    W_self1 = jax.random.uniform(ks[3], (IN_FEATS, N_HIDDEN), jnp.float32, -s1, s1)
    W_neigh1 = jax.random.uniform(ks[4], (IN_FEATS, N_HIDDEN), jnp.float32, -s1, s1)
    b1 = jnp.zeros((N_HIDDEN,), jnp.float32)
    W_self2 = jax.random.uniform(ks[5], (N_HIDDEN, N_CLASSES), jnp.float32, -s2, s2)
    W_neigh2 = jax.random.uniform(ks[6], (N_HIDDEN, N_CLASSES), jnp.float32, -s2, s2)
    b2 = jnp.zeros((N_CLASSES,), jnp.float32)
    return {"x": x, "edge_index": edge_index, "W_self1": W_self1, "W_neigh1": W_neigh1,
            "b1": b1, "W_self2": W_self2, "W_neigh2": W_neigh2, "b2": b2}


def _sage_conv(h, src, dst, W_self, W_neigh, b, activation):
    # DGL SAGEConv with 'mean' aggregator: rst = fc_self(h_dst) + fc_neigh(mean_{u in N(v)} h_u) + bias
    msg = jnp.take(h, src, axis=0)
    agg = jax.ops.segment_sum(msg, dst, num_segments=N_NODES)
    deg = jax.ops.segment_sum(jnp.ones((msg.shape[0],), jnp.float32), dst, num_segments=N_NODES)
    h_neigh = agg / jnp.maximum(deg, 1.0)[:, None]
    rst = h @ W_self + h_neigh @ W_neigh + b
    if activation:
        rst = jax.nn.relu(rst)
    return rst


def reference(x, edge_index, W_self1, W_neigh1, b1, W_self2, W_neigh2, b2):
    src, dst = edge_index[0], edge_index[1]
    h = _sage_conv(x, src, dst, W_self1, W_neigh1, b1, activation=True)
    h = _sage_conv(h, src, dst, W_self2, W_neigh2, b2, activation=False)
    return h

if __name__ == "__main__":
    import jax
    _d = setup_inputs()
    print(jax.jit(kernel)(*tuple(_d.values())))

</pallas_src>

<mosaic_0001>
#map = affine_map<(d0, d1) -> (0, 0)>
#map1 = affine_map<(d0, d1) -> (0)>
#map2 = affine_map<(d0, d1) -> (0, 0, 0)>
module attributes {stable_mosaic.version = 14 : i64} {
  func.func @sc_agg_d128(%arg0: i32, %arg1: i32, %arg2: memref<10000x128xf32, #tpu.memory_space<hbm>>, %arg3: memref<320000xi32, #tpu.memory_space<hbm>>, %arg4: memref<320000xi32, #tpu.memory_space<hbm>>, %arg5: memref<2x10000x128xf32, #tpu.memory_space<hbm>>, %arg6: memref<10000x128xf32, #tpu.memory_space<vmem_shared>>, %arg7: memref<10000xi32, #tpu.memory_space<vmem>>, %arg8: memref<16xi32, #tpu.memory_space<vmem>>, %arg9: memref<16x128xf32, #tpu.memory_space<vmem>>, %arg10: memref<!tpu.dma_semaphore, #tpu.memory_space<semaphore_mem>>, %arg11: memref<64xi32, #tpu.memory_space<vmem>>, %arg12: memref<64x128xf32, #tpu.memory_space<vmem>>, %arg13: memref<!tpu.dma_semaphore, #tpu.memory_space<semaphore_mem>>, %arg14: memref<!tpu.dma_semaphore, #tpu.memory_space<semaphore_mem>>, %arg15: memref<!tpu.dma_semaphore, #tpu.memory_space<semaphore_mem>>, %arg16: memref<!tpu.dma_semaphore, #tpu.memory_space<semaphore_mem>>, %arg17: memref<64xi32, #tpu.memory_space<vmem>>, %arg18: memref<64x128xf32, #tpu.memory_space<vmem>>, %arg19: memref<!tpu.dma_semaphore, #tpu.memory_space<semaphore_mem>>, %arg20: memref<!tpu.dma_semaphore, #tpu.memory_space<semaphore_mem>>, %arg21: memref<!tpu.dma_semaphore, #tpu.memory_space<semaphore_mem>>, %arg22: memref<!tpu.dma_semaphore, #tpu.memory_space<semaphore_mem>>, %arg23: memref<64xi32, #tpu.memory_space<vmem>>, %arg24: memref<64x128xf32, #tpu.memory_space<vmem>>, %arg25: memref<!tpu.dma_semaphore, #tpu.memory_space<semaphore_mem>>, %arg26: memref<!tpu.dma_semaphore, #tpu.memory_space<semaphore_mem>>, %arg27: memref<!tpu.dma_semaphore, #tpu.memory_space<semaphore_mem>>, %arg28: memref<!tpu.dma_semaphore, #tpu.memory_space<semaphore_mem>>, %arg29: memref<64xi32, #tpu.memory_space<vmem>>, %arg30: memref<64x128xf32, #tpu.memory_space<vmem>>, %arg31: memref<!tpu.dma_semaphore, #tpu.memory_space<semaphore_mem>>, %arg32: memref<!tpu.dma_semaphore, #tpu.memory_space<semaphore_mem>>, %arg33: memref<!tpu.dma_semaphore, #tpu.memory_space<semaphore_mem>>, %arg34: memref<!tpu.dma_semaphore, #tpu.memory_space<semaphore_mem>>) attributes {dimension_semantics = [#tpu.dimension_semantics<core_parallel>, #tpu.dimension_semantics<subcore_parallel>], iteration_bounds = array<i64: 2, 16>, scalar_prefetch = 0 : i64, scratch_operands = 29 : i64, tpu.core_type = #tpu.core_type<sc_vector_subcore>, window_params = [{transform_indices = #map}, {transform_indices = #map1}, {transform_indices = #map1}, {transform_indices = #map2}]} {
    %mul3A = arith.constant 16 : i32
    %mul3A_0 = arith.muli %arg0, %mul3A : i32
    %add3A = arith.addi %mul3A_0, %arg1 : i32
    %mul3A_1 = arith.constant 624 : i32
    %mul3A_2 = arith.muli %arg1, %mul3A_1 : i32
    %multiple_of3A = tpu.assume_multiple %mul3A_2, 8 : i32
    %mul3A_3 = arith.constant 10000 : i32
    %mul3A_4 = arith.muli %add3A, %mul3A_3 : i32
    %multiple_of3A_5 = tpu.assume_multiple %mul3A_4, 8 : i32
    %broadcast_in_dim3A = arith.constant 0.000000e+00 : f32
    %broadcast_in_dim3A_6 = vector.broadcast %broadcast_in_dim3A : f32 to vector<16xf32>
    %scan3A = arith.constant 0 : i32
    %scan3A_7 = arith.constant 0 : i32
    %scan3A_8 = arith.constant 64 : i32
    %scan3A_9 = arith.addi %scan3A_7, %scan3A_8 : i32
    %scan3A_10 = arith.constant 1 : i32
    scf.for %scan3A_499 = %scan3A_7 to %scan3A_9 step %scan3A_10  : i32 {
      %swap3A = arith.index_cast %scan3A_499 : i32 to index
      %swap3A_500 = arith.constant 0 : index
      %swap3A_501 = tpu.vector_load %arg12[%swap3A, %swap3A_500] {strides = array<i32>} : memref<64x128xf32, #tpu.memory_space<vmem>>, vector<1x16xf32>,
      %swap3A_502 = vector.shape_cast %swap3A_501 : vector<1x16xf32> to vector<16xf32>
      %swap3A_503 = vector.shape_cast %broadcast_in_dim3A_6 : vector<16xf32> to vector<1x16xf32>
      tpu.vector_store %arg12[%swap3A, %swap3A_500], %swap3A_503 {strides = array<i32>} : memref<64x128xf32, #tpu.memory_space<vmem>>, vector<1x16xf32>,
      %swap3A_504 = arith.index_cast %scan3A_499 : i32 to index
      %swap3A_505 = arith.constant 16 : index
      %swap3A_506 = tpu.vector_load %arg12[%swap3A_504, %swap3A_505] {strides = array<i32>} : memref<64x128xf32, #tpu.memory_space<vmem>>, vector<1x16xf32>,
      %swap3A_507 = vector.shape_cast %swap3A_506 : vector<1x16xf32> to vector<16xf32>
      %swap3A_508 = vector.shape_cast %broadcast_in_dim3A_6 : vector<16xf32> to vector<1x16xf32>
      tpu.vector_store %arg12[%swap3A_504, %swap3A_505], %swap3A_508 {strides = array<i32>} : memref<64x128xf32, #tpu.memory_space<vmem>>, vector<1x16xf32>,
      %swap3A_509 = arith.index_cast %scan3A_499 : i32 to index
      %swap3A_510 = arith.constant 32 : index
      %swap3A_511 = tpu.vector_load %arg12[%swap3A_509, %swap3A_510] {strides = array<i32>} : memref<64x128xf32, #tpu.memory_space<vmem>>, vector<1x16xf32>,
      %swap3A_512 = vector.shape_cast %swap3A_511 : vector<1x16xf32> to vector<16xf32>
      %swap3A_513 = vector.shape_cast %broadcast_in_dim3A_6 : vector<16xf32> to vector<1x16xf32>
      tpu.vector_store %arg12[%swap3A_509, %swap3A_510], %swap3A_513 {strides = array<i32>} : memref<64x128xf32, #tpu.memory_space<vmem>>, vector<1x16xf32>,
      %swap3A_514 = arith.index_cast %scan3A_499 : i32 to index
      %swap3A_515 = arith.constant 48 : index
      %swap3A_516 = tpu.vector_load %arg12[%swap3A_514, %swap3A_515] {strides = array<i32>} : memref<64x128xf32, #tpu.memory_space<vmem>>, vector<1x16xf32>,
      %swap3A_517 = vector.shape_cast %swap3A_516 : vector<1x16xf32> to vector<16xf32>
      %swap3A_518 = vector.shape_cast %broadcast_in_dim3A_6 : vector<16xf32> to vector<1x16xf32>
      tpu.vector_store %arg12[%swap3A_514, %swap3A_515], %swap3A_518 {strides = array<i32>} : memref<64x128xf32, #tpu.memory_space<vmem>>, vector<1x16xf32>,
      %swap3A_519 = arith.index_cast %scan3A_499 : i32 to index
      %swap3A_520 = arith.constant 64 : index
      %swap3A_521 = tpu.vector_load %arg12[%swap3A_519, %swap3A_520] {strides = array<i32>} : memref<64x128xf32, #tpu.memory_space<vmem>>, vector<1x16xf32>,
      %swap3A_522 = vector.shape_cast %swap3A_521 : vector<1x16xf32> to vector<16xf32>
      %swap3A_523 = vector.shape_cast %broadcast_in_dim3A_6 : vector<16xf32> to vector<1x16xf32>
      tpu.vector_store %arg12[%swap3A_519, %swap3A_520], %swap3A_523 {strides = array<i32>} : memref<64x128xf32, #tpu.memory_space<vmem>>, vector<1x16xf32>,
      %swap3A_524 = arith.index_cast %scan3A_499 : i32 to index
      %swap3A_525 = arith.constant 80 : index
      %swap3A_526 = tpu.vector_load %arg12[%swap3A_524, %swap3A_525] {strides = array<i32>} : memref<64x128xf32, #tpu.memory_space<vmem>>, vector<1x16xf32>,
      %swap3A_527 = vector.shape_cast %swap3A_526 : vector<1x16xf32> to vector<16xf32>
      %swap3A_528 = vector.shape_cast %broadcast_in_dim3A_6 : vector<16xf32> to vector<1x16xf32>
      tpu.vector_store %arg12[%swap3A_524, %swap3A_525], %swap3A_528 {strides = array<i32>} : memref<64x128xf32, #tpu.memory_space<vmem>>, vector<1x16xf32>,
      %swap3A_529 = arith.index_cast %scan3A_499 : i32 to index
      %swap3A_530 = arith.constant 96 : index
      %swap3A_531 = tpu.vector_load %arg12[%swap3A_529, %swap3A_530] {strides = array<i32>} : memref<64x128xf32, #tpu.memory_space<vmem>>, vector<1x16xf32>,
      %swap3A_532 = vector.shape_cast %swap3A_531 : vector<1x16xf32> to vector<16xf32>
      %swap3A_533 = vector.shape_cast %broadcast_in_dim3A_6 : vector<16xf32> to vector<1x16xf32>
      tpu.vector_store %arg12[%swap3A_529, %swap3A_530], %swap3A_533 {strides = array<i32>} : memref<64x128xf32, #tpu.memory_space<vmem>>, vector<1x16xf32>,
      %swap3A_534 = arith.index_cast %scan3A_499 : i32 to index
      %swap3A_535 = arith.constant 112 : index
      %swap3A_536 = tpu.vector_load %arg12[%swap3A_534, %swap3A_535] {strides = array<i32>} : memref<64x128xf32, #tpu.memory_space<vmem>>, vector<1x16xf32>,
      %swap3A_537 = vector.shape_cast %swap3A_536 : vector<1x16xf32> to vector<16xf32>
      %swap3A_538 = vector.shape_cast %broadcast_in_dim3A_6 : vector<16xf32> to vector<1x16xf32>
      tpu.vector_store %arg12[%swap3A_534, %swap3A_535], %swap3A_538 {strides = array<i32>} : memref<64x128xf32, #tpu.memory_space<vmem>>, vector<1x16xf32>,
    }
    %scan3A_11 = arith.constant 64 : i32
    %add3A_12 = arith.constant 0 : i32
    %add3A_13 = arith.addi %multiple_of3A, %add3A_12 : i32
    %dma_start3A = arith.constant 0 : i32
    %dma_start3A_14 = tpu.memref_slice %arg6[%add3A_13, %dma_start3A] : memref<10000x128xf32, #tpu.memory_space<vmem_shared>> -> memref<64x128xf32, #tpu.memory_space<vmem_shared>>
    %dma_start3A_15 = arith.constant 0 : i32
    %dma_start3A_16 = tpu.memref_slice %arg6[%add3A_13, %dma_start3A_15] : memref<10000x128xf32, #tpu.memory_space<vmem_shared>> -> memref<64x128xf32, #tpu.memory_space<vmem_shared>>
    tpu.enqueue_dma source(%arg12 : memref<64x128xf32, #tpu.memory_space<vmem>>) target(%dma_start3A_16 : memref<64x128xf32, #tpu.memory_space<vmem_shared>>) target_semaphore(%arg15 : memref<!tpu.dma_semaphore, #tpu.memory_space<semaphore_mem>>)
    %add3A_17 = arith.constant 64 : i32
    %add3A_18 = arith.addi %multiple_of3A, %add3A_17 : i32
    %dma_start3A_19 = arith.constant 0 : i32
    %dma_start3A_20 = tpu.memref_slice %arg6[%add3A_18, %dma_start3A_19] : memref<10000x128xf32, #tpu.memory_space<vmem_shared>> -> memref<64x128xf32, #tpu.memory_space<vmem_shared>>
    %dma_start3A_21 = arith.constant 0 : i32
    %dma_start3A_22 = tpu.memref_slice %arg6[%add3A_18, %dma_start3A_21] : memref<10000x128xf32, #tpu.memory_space<vmem_shared>> -> memref<64x128xf32, #tpu.memory_space<vmem_shared>>
    tpu.enqueue_dma source(%arg12 : memref<64x128xf32, #tpu.memory_space<vmem>>) target(%dma_start3A_22 : memref<64x128xf32, #tpu.memory_space<vmem_shared>>) target_semaphore(%arg21 : memref<!tpu.dma_semaphore, #tpu.memory_space<semaphore_mem>>)
    %add3A_23 = arith.constant 128 : i32
    %add3A_24 = arith.addi %multiple_of3A, %add3A_23 : i32
    %dma_start3A_25 = arith.constant 0 : i32
    %dma_start3A_26 = tpu.memref_slice %arg6[%add3A_24, %dma_start3A_25] : memref<10000x128xf32, #tpu.memory_space<vmem_shared>> -> memref<64x128xf32, #tpu.memory_space<vmem_shared>>
    %dma_start3A_27 = arith.constant 0 : i32
    %dma_start3A_28 = tpu.memref_slice %arg6[%add3A_24, %dma_start3A_27] : memref<10000x128xf32, #tpu.memory_space<vmem_shared>> -> memref<64x128xf32, #tpu.memory_space<vmem_shared>>
    tpu.enqueue_dma source(%arg12 : memref<64x128xf32, #tpu.memory_space<vmem>>) target(%dma_start3A_28 : memref<64x128xf32, #tpu.memory_space<vmem_shared>>) target_semaphore(%arg27 : memref<!tpu.dma_semaphore, #tpu.memory_space<semaphore_mem>>)
    %add3A_29 = arith.constant 192 : i32
    %add3A_30 = arith.addi %multiple_of3A, %add3A_29 : i32
    %dma_start3A_31 = arith.constant 0 : i32
    %dma_start3A_32 = tpu.memref_slice %arg6[%add3A_30, %dma_start3A_31] : memref<10000x128xf32, #tpu.memory_space<vmem_shared>> -> memref<64x128xf32, #tpu.memory_space<vmem_shared>>
    %dma_start3A_33 = arith.constant 0 : i32
    %dma_start3A_34 = tpu.memref_slice %arg6[%add3A_30, %dma_start3A_33] : memref<10000x128xf32, #tpu.memory_space<vmem_shared>> -> memref<64x128xf32, #tpu.memory_space<vmem_shared>>
    tpu.enqueue_dma source(%arg12 : memref<64x128xf32, #tpu.memory_space<vmem>>) target(%dma_start3A_34 : memref<64x128xf32, #tpu.memory_space<vmem_shared>>) target_semaphore(%arg33 : memref<!tpu.dma_semaphore, #tpu.memory_space<semaphore_mem>>)
    %add3A_35 = arith.constant 256 : i32
    %add3A_36 = arith.addi %multiple_of3A, %add3A_35 : i32
    %dma_start3A_37 = arith.constant 0 : i32
    %dma_start3A_38 = tpu.memref_slice %arg6[%add3A_36, %dma_start3A_37] : memref<10000x128xf32, #tpu.memory_space<vmem_shared>> -> memref<64x128xf32, #tpu.memory_space<vmem_shared>>
    %dma_start3A_39 = arith.constant 0 : i32
    %dma_start3A_40 = tpu.memref_slice %arg6[%add3A_36, %dma_start3A_39] : memref<10000x128xf32, #tpu.memory_space<vmem_shared>> -> memref<64x128xf32, #tpu.memory_space<vmem_shared>>
    tpu.enqueue_dma source(%arg12 : memref<64x128xf32, #tpu.memory_space<vmem>>) target(%dma_start3A_40 : memref<64x128xf32, #tpu.memory_space<vmem_shared>>) target_semaphore(%arg15 : memref<!tpu.dma_semaphore, #tpu.memory_space<semaphore_mem>>)
    %add3A_41 = arith.constant 320 : i32
    %add3A_42 = arith.addi %multiple_of3A, %add3A_41 : i32
    %dma_start3A_43 = arith.constant 0 : i32
    %dma_start3A_44 = tpu.memref_slice %arg6[%add3A_42, %dma_start3A_43] : memref<10000x128xf32, #tpu.memory_space<vmem_shared>> -> memref<64x128xf32, #tpu.memory_space<vmem_shared>>
    %dma_start3A_45 = arith.constant 0 : i32
    %dma_start3A_46 = tpu.memref_slice %arg6[%add3A_42, %dma_start3A_45] : memref<10000x128xf32, #tpu.memory_space<vmem_shared>> -> memref<64x128xf32, #tpu.memory_space<vmem_shared>>
    tpu.enqueue_dma source(%arg12 : memref<64x128xf32, #tpu.memory_space<vmem>>) target(%dma_start3A_46 : memref<64x128xf32, #tpu.memory_space<vmem_shared>>) target_semaphore(%arg21 : memref<!tpu.dma_semaphore, #tpu.memory_space<semaphore_mem>>)
    %add3A_47 = arith.constant 384 : i32
    %add3A_48 = arith.addi %multiple_of3A, %add3A_47 : i32
    %dma_start3A_49 = arith.constant 0 : i32
    %dma_start3A_50 = tpu.memref_slice %arg6[%add3A_48, %dma_start3A_49] : memref<10000x128xf32, #tpu.memory_space<vmem_shared>> -> memref<64x128xf32, #tpu.memory_space<vmem_shared>>
    %dma_start3A_51 = arith.constant 0 : i32
    %dma_start3A_52 = tpu.memref_slice %arg6[%add3A_48, %dma_start3A_51] : memref<10000x128xf32, #tpu.memory_space<vmem_shared>> -> memref<64x128xf32, #tpu.memory_space<vmem_shared>>
    tpu.enqueue_dma source(%arg12 : memref<64x128xf32, #tpu.memory_space<vmem>>) target(%dma_start3A_52 : memref<64x128xf32, #tpu.memory_space<vmem_shared>>) target_semaphore(%arg27 : memref<!tpu.dma_semaphore, #tpu.memory_space<semaphore_mem>>)
    %add3A_53 = arith.constant 448 : i32
    %add3A_54 = arith.addi %multiple_of3A, %add3A_53 : i32
    %dma_start3A_55 = arith.constant 0 : i32
    %dma_start3A_56 = tpu.memref_slice %arg6[%add3A_54, %dma_start3A_55] : memref<10000x128xf32, #tpu.memory_space<vmem_shared>> -> memref<64x128xf32, #tpu.memory_space<vmem_shared>>
    %dma_start3A_57 = arith.constant 0 : i32
    %dma_start3A_58 = tpu.memref_slice %arg6[%add3A_54, %dma_start3A_57] : memref<10000x128xf32, #tpu.memory_space<vmem_shared>> -> memref<64x128xf32, #tpu.memory_space<vmem_shared>>
    tpu.enqueue_dma source(%arg12 : memref<64x128xf32, #tpu.memory_space<vmem>>) target(%dma_start3A_58 : memref<64x128xf32, #tpu.memory_space<vmem_shared>>) target_semaphore(%arg33 : memref<!tpu.dma_semaphore, #tpu.memory_space<semaphore_mem>>)
    %add3A_59 = arith.constant 512 : i32
    %add3A_60 = arith.addi %multiple_of3A, %add3A_59 : i32
    %dma_start3A_61 = arith.constant 0 : i32
    %dma_start3A_62 = tpu.memref_slice %arg6[%add3A_60, %dma_start3A_61] : memref<10000x128xf32, #tpu.memory_space<vmem_shared>> -> memref<64x128xf32, #tpu.memory_space<vmem_shared>>
    %dma_start3A_63 = arith.constant 0 : i32
    %dma_start3A_64 = tpu.memref_slice %arg6[%add3A_60, %dma_start3A_63] : memref<10000x128xf32, #tpu.memory_space<vmem_shared>> -> memref<64x128xf32, #tpu.memory_space<vmem_shared>>
    tpu.enqueue_dma source(%arg12 : memref<64x128xf32, #tpu.memory_space<vmem>>) target(%dma_start3A_64 : memref<64x128xf32, #tpu.memory_space<vmem_shared>>) target_semaphore(%arg15 : memref<!tpu.dma_semaphore, #tpu.memory_space<semaphore_mem>>)
    %add3A_65 = arith.constant 576 : i32
    %add3A_66 = arith.addi %multiple_of3A, %add3A_65 : i32
    %dma_start3A_67 = arith.constant 0 : i32
    %dma_start3A_68 = arith.constant 0 : i32
    %dma_start3A_69 = tpu.memref_slice %arg12[%dma_start3A_67, %dma_start3A_68] : memref<64x128xf32, #tpu.memory_space<vmem>> -> memref<48x128xf32, #tpu.memory_space<vmem>>
    %dma_start3A_70 = arith.constant 0 : i32
    %dma_start3A_71 = tpu.memref_slice %arg6[%add3A_66, %dma_start3A_70] : memref<10000x128xf32, #tpu.memory_space<vmem_shared>> -> memref<48x128xf32, #tpu.memory_space<vmem_shared>>
    %dma_start3A_72 = arith.constant 0 : i32
    %dma_start3A_73 = tpu.memref_slice %arg6[%add3A_66, %dma_start3A_72] : memref<10000x128xf32, #tpu.memory_space<vmem_shared>> -> memref<48x128xf32, #tpu.memory_space<vmem_shared>>
    %dma_start3A_74 = arith.constant 0 : i32
    %dma_start3A_75 = arith.constant 0 : i32
    %dma_start3A_76 = tpu.memref_slice %arg12[%dma_start3A_74, %dma_start3A_75] : memref<64x128xf32, #tpu.memory_space<vmem>> -> memref<48x128xf32, #tpu.memory_space<vmem>>
    tpu.enqueue_dma source(%dma_start3A_76 : memref<48x128xf32, #tpu.memory_space<vmem>>) target(%dma_start3A_73 : memref<48x128xf32, #tpu.memory_space<vmem_shared>>) target_semaphore(%arg21 : memref<!tpu.dma_semaphore, #tpu.memory_space<semaphore_mem>>)
    "tpu.region"() ({
      %run_scoped3A = tpu.sem_alloc : memref<!tpu.dma_semaphore, #tpu.memory_space<semaphore_mem>>
      %dma_start3A_499 = tpu.memref_slice %arg3[%multiple_of3A_5] : memref<320000xi32, #tpu.memory_space<hbm>> -> memref<10000xi32, #tpu.memory_space<hbm>>
      %dma_start3A_500 = tpu.memref_slice %arg3[%multiple_of3A_5] : memref<320000xi32, #tpu.memory_space<hbm>> -> memref<10000xi32, #tpu.memory_space<hbm>>
      tpu.enqueue_dma source(%dma_start3A_500 : memref<10000xi32, #tpu.memory_space<hbm>>) target(%arg7 : memref<10000xi32, #tpu.memory_space<vmem>>) target_semaphore(%run_scoped3A : memref<!tpu.dma_semaphore, #tpu.memory_space<semaphore_mem>>)
      %dma_wait3A_501 = tpu.memref_slice %arg3[%multiple_of3A_5] : memref<320000xi32, #tpu.memory_space<hbm>> -> memref<10000xi32, #tpu.memory_space<hbm>>
      %dma_wait3A_502 = tpu.memref_slice %arg3[%multiple_of3A_5] : memref<320000xi32, #tpu.memory_space<hbm>> -> memref<10000xi32, #tpu.memory_space<hbm>>
      tpu.wait_dma2 semaphore(%run_scoped3A : memref<!tpu.dma_semaphore, #tpu.memory_space<semaphore_mem>>) src(%dma_wait3A_502 : memref<10000xi32, #tpu.memory_space<hbm>>) dst(%arg7 : memref<10000xi32, #tpu.memory_space<vmem>>)
      tpu.yield
    }) : () -> ()
    %dma_wait3A = arith.constant 0 : i32
    %dma_wait3A_77 = tpu.memref_slice %arg6[%add3A_13, %dma_wait3A] : memref<10000x128xf32, #tpu.memory_space<vmem_shared>> -> memref<64x128xf32, #tpu.memory_space<vmem_shared>>
    %dma_wait3A_78 = arith.constant 0 : i32
    %dma_wait3A_79 = tpu.memref_slice %arg6[%add3A_13, %dma_wait3A_78] : memref<10000x128xf32, #tpu.memory_space<vmem_shared>> -> memref<64x128xf32, #tpu.memory_space<vmem_shared>>
    tpu.wait_dma2 semaphore(%arg15 : memref<!tpu.dma_semaphore, #tpu.memory_space<semaphore_mem>>) src(%arg12 : memref<64x128xf32, #tpu.memory_space<vmem>>) dst(%dma_wait3A_79 : memref<64x128xf32, #tpu.memory_space<vmem_shared>>)
    %dma_wait3A_80 = arith.constant 0 : i32
    %dma_wait3A_81 = tpu.memref_slice %arg6[%add3A_18, %dma_wait3A_80] : memref<10000x128xf32, #tpu.memory_space<vmem_shared>> -> memref<64x128xf32, #tpu.memory_space<vmem_shared>>
    %dma_wait3A_82 = arith.constant 0 : i32
    %dma_wait3A_83 = tpu.memref_slice %arg6[%add3A_18, %dma_wait3A_82] : memref<10000x128xf32, #tpu.memory_space<vmem_shared>> -> memref<64x128xf32, #tpu.memory_space<vmem_shared>>
    tpu.wait_dma2 semaphore(%arg21 : memref<!tpu.dma_semaphore, #tpu.memory_space<semaphore_mem>>) src(%arg12 : memref<64x128xf32, #tpu.memory_space<vmem>>) dst(%dma_wait3A_83 : memref<64x128xf32, #tpu.memory_space<vmem_shared>>)
    %dma_wait3A_84 = arith.constant 0 : i32
    %dma_wait3A_85 = tpu.memref_slice %arg6[%add3A_24, %dma_wait3A_84] : memref<10000x128xf32, #tpu.memory_space<vmem_shared>> -> memref<64x128xf32, #tpu.memory_space<vmem_shared>>
    %dma_wait3A_86 = arith.constant 0 : i32
    %dma_wait3A_87 = tpu.memref_slice %arg6[%add3A_24, %dma_wait3A_86] : memref<10000x128xf32, #tpu.memory_space<vmem_shared>> -> memref<64x128xf32, #tpu.memory_space<vmem_shared>>
    tpu.wait_dma2 semaphore(%arg27 : memref<!tpu.dma_semaphore, #tpu.memory_space<semaphore_mem>>) src(%arg12 : memref<64x128xf32, #tpu.memory_space<vmem>>) dst(%dma_wait3A_87 : memref<64x128xf32, #tpu.memory_space<vmem_shared>>)
    %dma_wait3A_88 = arith.constant 0 : i32
    %dma_wait3A_89 = tpu.memref_slice %arg6[%add3A_30, %dma_wait3A_88] : memref<10000x128xf32, #tpu.memory_space<vmem_shared>> -> memref<64x128xf32, #tpu.memory_space<vmem_shared>>
    %dma_wait3A_90 = arith.constant 0 : i32
    %dma_wait3A_91 = tpu.memref_slice %arg6[%add3A_30, %dma_wait3A_90] : memref<10000x128xf32, #tpu.memory_space<vmem_shared>> -> memref<64x128xf32, #tpu.memory_space<vmem_shared>>
    tpu.wait_dma2 semaphore(%arg33 : memref<!tpu.dma_semaphore, #tpu.memory_space<semaphore_mem>>) src(%arg12 : memref<64x128xf32, #tpu.memory_space<vmem>>) dst(%dma_wait3A_91 : memref<64x128xf32, #tpu.memory_space<vmem_shared>>)
    %dma_wait3A_92 = arith.constant 0 : i32
    %dma_wait3A_93 = tpu.memref_slice %arg6[%add3A_36, %dma_wait3A_92] : memref<10000x128xf32, #tpu.memory_space<vmem_shared>> -> memref<64x128xf32, #tpu.memory_space<vmem_shared>>
    %dma_wait3A_94 = arith.constant 0 : i32
    %dma_wait3A_95 = tpu.memref_slice %arg6[%add3A_36, %dma_wait3A_94] : memref<10000x128xf32, #tpu.memory_space<vmem_shared>> -> memref<64x128xf32, #tpu.memory_space<vmem_shared>>
    tpu.wait_dma2 semaphore(%arg15 : memref<!tpu.dma_semaphore, #tpu.memory_space<semaphore_mem>>) src(%arg12 : memref<64x128xf32, #tpu.memory_space<vmem>>) dst(%dma_wait3A_95 : memref<64x128xf32, #tpu.memory_space<vmem_shared>>)
    %dma_wait3A_96 = arith.constant 0 : i32
    %dma_wait3A_97 = tpu.memref_slice %arg6[%add3A_42, %dma_wait3A_96] : memref<10000x128xf32, #tpu.memory_space<vmem_shared>> -> memref<64x128xf32, #tpu.memory_space<vmem_shared>>
    %dma_wait3A_98 = arith.constant 0 : i32
    %dma_wait3A_99 = tpu.memref_slice %arg6[%add3A_42, %dma_wait3A_98] : memref<10000x128xf32, #tpu.memory_space<vmem_shared>> -> memref<64x128xf32, #tpu.memory_space<vmem_shared>>
    tpu.wait_dma2 semaphore(%arg21 : memref<!tpu.dma_semaphore, #tpu.memory_space<semaphore_mem>>) src(%arg12 : memref<64x128xf32, #tpu.memory_space<vmem>>) dst(%dma_wait3A_99 : memref<64x128xf32, #tpu.memory_space<vmem_shared>>)
    %dma_wait3A_100 = arith.constant 0 : i32
    %dma_wait3A_101 = tpu.memref_slice %arg6[%add3A_48, %dma_wait3A_100] : memref<10000x128xf32, #tpu.memory_space<vmem_shared>> -> memref<64x128xf32, #tpu.memory_space<vmem_shared>>
    %dma_wait3A_102 = arith.constant 0 : i32
    %dma_wait3A_103 = tpu.memref_slice %arg6[%add3A_48, %dma_wait3A_102] : memref<10000x128xf32, #tpu.memory_space<vmem_shared>> -> memref<64x128xf32, #tpu.memory_space<vmem_shared>>
    tpu.wait_dma2 semaphore(%arg27 : memref<!tpu.dma_semaphore, #tpu.memory_space<semaphore_mem>>) src(%arg12 : memref<64x128xf32, #tpu.memory_space<vmem>>) dst(%dma_wait3A_103 : memref<64x128xf32, #tpu.memory_space<vmem_shared>>)
    %dma_wait3A_104 = arith.constant 0 : i32
    %dma_wait3A_105 = tpu.memref_slice %arg6[%add3A_54, %dma_wait3A_104] : memref<10000x128xf32, #tpu.memory_space<vmem_shared>> -> memref<64x128xf32, #tpu.memory_space<vmem_shared>>
    %dma_wait3A_106 = arith.constant 0 : i32
    %dma_wait3A_107 = tpu.memref_slice %arg6[%add3A_54, %dma_wait3A_106] : memref<10000x128xf32, #tpu.memory_space<vmem_shared>> -> memref<64x128xf32, #tpu.memory_space<vmem_shared>>
    tpu.wait_dma2 semaphore(%arg33 : memref<!tpu.dma_semaphore, #tpu.memory_space<semaphore_mem>>) src(%arg12 : memref<64x128xf32, #tpu.memory_space<vmem>>) dst(%dma_wait3A_107 : memref<64x128xf32, #tpu.memory_space<vmem_shared>>)
    %dma_wait3A_108 = arith.constant 0 : i32
    %dma_wait3A_109 = tpu.memref_slice %arg6[%add3A_60, %dma_wait3A_108] : memref<10000x128xf32, #tpu.memory_space<vmem_shared>> -> memref<64x128xf32, #tpu.memory_space<vmem_shared>>
    %dma_wait3A_110 = arith.constant 0 : i32
    %dma_wait3A_111 = tpu.memref_slice %arg6[%add3A_60, %dma_wait3A_110] : memref<10000x128xf32, #tpu.memory_space<vmem_shared>> -> memref<64x128xf32, #tpu.memory_space<vmem_shared>>
    tpu.wait_dma2 semaphore(%arg15 : memref<!tpu.dma_semaphore, #tpu.memory_space<semaphore_mem>>) src(%arg12 : memref<64x128xf32, #tpu.memory_space<vmem>>) dst(%dma_wait3A_111 : memref<64x128xf32, #tpu.memory_space<vmem_shared>>)
    %dma_wait3A_112 = arith.constant 0 : i32
    %dma_wait3A_113 = arith.constant 0 : i32
    %dma_wait3A_114 = tpu.memref_slice %arg12[%dma_wait3A_112, %dma_wait3A_113] : memref<64x128xf32, #tpu.memory_space<vmem>> -> memref<48x128xf32, #tpu.memory_space<vmem>>
    %dma_wait3A_115 = arith.constant 0 : i32
    %dma_wait3A_116 = tpu.memref_slice %arg6[%add3A_66, %dma_wait3A_115] : memref<10000x128xf32, #tpu.memory_space<vmem_shared>> -> memref<48x128xf32, #tpu.memory_space<vmem_shared>>
    %dma_wait3A_117 = arith.constant 0 : i32
    %dma_wait3A_118 = tpu.memref_slice %arg6[%add3A_66, %dma_wait3A_117] : memref<10000x128xf32, #tpu.memory_space<vmem_shared>> -> memref<48x128xf32, #tpu.memory_space<vmem_shared>>
    %dma_wait3A_119 = arith.constant 0 : i32
    %dma_wait3A_120 = arith.constant 0 : i32
    %dma_wait3A_121 = tpu.memref_slice %arg12[%dma_wait3A_119, %dma_wait3A_120] : memref<64x128xf32, #tpu.memory_space<vmem>> -> memref<48x128xf32, #tpu.memory_space<vmem>>
    tpu.wait_dma2 semaphore(%arg21 : memref<!tpu.dma_semaphore, #tpu.memory_space<semaphore_mem>>) src(%dma_wait3A_121 : memref<48x128xf32, #tpu.memory_space<vmem>>) dst(%dma_wait3A_118 : memref<48x128xf32, #tpu.memory_space<vmem_shared>>)
    %eq3A = arith.constant 15 : i32
    %eq3A_122 = arith.cmpi eq, %arg1, %eq3A : i32
    %convert_element_type3A = arith.extui %eq3A_122 : i1 to i32
    %cond3A = arith.constant 0 : i32
    %cond3A_123 = arith.cmpi ne, %convert_element_type3A, %cond3A : i32
    scf.if %cond3A_123 {
      "tpu.region"() ({
        %run_scoped3A = tpu.sem_alloc : memref<!tpu.dma_semaphore, #tpu.memory_space<semaphore_mem>>
        %dma_start3A_499 = arith.constant 0 : i32
        %dma_start3A_500 = arith.constant 0 : i32
        %dma_start3A_501 = tpu.memref_slice %arg12[%dma_start3A_499, %dma_start3A_500] : memref<64x128xf32, #tpu.memory_space<vmem>> -> memref<16x128xf32, #tpu.memory_space<vmem>>
        %dma_start3A_502 = arith.constant 9984 : i32
        %dma_start3A_503 = arith.constant 0 : i32
        %dma_start3A_504 = tpu.memref_slice %arg6[%dma_start3A_502, %dma_start3A_503] : memref<10000x128xf32, #tpu.memory_space<vmem_shared>> -> memref<16x128xf32, #tpu.memory_space<vmem_shared>>
        %dma_start3A_505 = arith.constant 9984 : i32
        %dma_start3A_506 = arith.constant 0 : i32
        %dma_start3A_507 = tpu.memref_slice %arg6[%dma_start3A_505, %dma_start3A_506] : memref<10000x128xf32, #tpu.memory_space<vmem_shared>> -> memref<16x128xf32, #tpu.memory_space<vmem_shared>>
        %dma_start3A_508 = arith.constant 0 : i32
        %dma_start3A_509 = arith.constant 0 : i32
        %dma_start3A_510 = tpu.memref_slice %arg12[%dma_start3A_508, %dma_start3A_509] : memref<64x128xf32, #tpu.memory_space<vmem>> -> memref<16x128xf32, #tpu.memory_space<vmem>>
        tpu.enqueue_dma source(%dma_start3A_510 : memref<16x128xf32, #tpu.memory_space<vmem>>) target(%dma_start3A_507 : memref<16x128xf32, #tpu.memory_space<vmem_shared>>) target_semaphore(%run_scoped3A : memref<!tpu.dma_semaphore, #tpu.memory_space<semaphore_mem>>)
        %dma_wait3A_511 = arith.constant 0 : i32
        %dma_wait3A_512 = arith.constant 0 : i32
        %dma_wait3A_513 = tpu.memref_slice %arg12[%dma_wait3A_511, %dma_wait3A_512] : memref<64x128xf32, #tpu.memory_space<vmem>> -> memref<16x128xf32, #tpu.memory_space<vmem>>
        %dma_wait3A_514 = arith.constant 9984 : i32
        %dma_wait3A_515 = arith.constant 0 : i32
        %dma_wait3A_516 = tpu.memref_slice %arg6[%dma_wait3A_514, %dma_wait3A_515] : memref<10000x128xf32, #tpu.memory_space<vmem_shared>> -> memref<16x128xf32, #tpu.memory_space<vmem_shared>>
        %dma_wait3A_517 = arith.constant 9984 : i32
        %dma_wait3A_518 = arith.constant 0 : i32
        %dma_wait3A_519 = tpu.memref_slice %arg6[%dma_wait3A_517, %dma_wait3A_518] : memref<10000x128xf32, #tpu.memory_space<vmem_shared>> -> memref<16x128xf32, #tpu.memory_space<vmem_shared>>
        %dma_wait3A_520 = arith.constant 0 : i32
        %dma_wait3A_521 = arith.constant 0 : i32
        %dma_wait3A_522 = tpu.memref_slice %arg12[%dma_wait3A_520, %dma_wait3A_521] : memref<64x128xf32, #tpu.memory_space<vmem>> -> memref<16x128xf32, #tpu.memory_space<vmem>>
        tpu.wait_dma2 semaphore(%run_scoped3A : memref<!tpu.dma_semaphore, #tpu.memory_space<semaphore_mem>>) src(%dma_wait3A_522 : memref<16x128xf32, #tpu.memory_space<vmem>>) dst(%dma_wait3A_519 : memref<16x128xf32, #tpu.memory_space<vmem_shared>>)
        tpu.yield
      }) : () -> ()
    } else {
    }
    %barrier3A = arith.constant 0 : index
    tpu.barrier barrier_id(%barrier3A)
    %multiple_of3A_124 = arith.constant 9984 : i32
    %multiple_of3A_125 = tpu.assume_multiple %multiple_of3A_124, 8 : i32
    %add3A_126 = arith.addi %multiple_of3A_5, %multiple_of3A_125 : i32
    "tpu.region"() ({
      %run_scoped3A = tpu.sem_alloc : memref<!tpu.dma_semaphore, #tpu.memory_space<semaphore_mem>>
      %dma_start3A_499 = tpu.memref_slice %arg4[%add3A_126] : memref<320000xi32, #tpu.memory_space<hbm>> -> memref<16xi32, #tpu.memory_space<hbm>>
      %dma_start3A_500 = tpu.memref_slice %arg4[%add3A_126] : memref<320000xi32, #tpu.memory_space<hbm>> -> memref<16xi32, #tpu.memory_space<hbm>>
      tpu.enqueue_dma source(%dma_start3A_500 : memref<16xi32, #tpu.memory_space<hbm>>) target(%arg8 : memref<16xi32, #tpu.memory_space<vmem>>) target_semaphore(%run_scoped3A : memref<!tpu.dma_semaphore, #tpu.memory_space<semaphore_mem>>)
      %dma_wait3A_501 = tpu.memref_slice %arg4[%add3A_126] : memref<320000xi32, #tpu.memory_space<hbm>> -> memref<16xi32, #tpu.memory_space<hbm>>
      %dma_wait3A_502 = tpu.memref_slice %arg4[%add3A_126] : memref<320000xi32, #tpu.memory_space<hbm>> -> memref<16xi32, #tpu.memory_space<hbm>>
      tpu.wait_dma2 semaphore(%run_scoped3A : memref<!tpu.dma_semaphore, #tpu.memory_space<semaphore_mem>>) src(%dma_wait3A_502 : memref<16xi32, #tpu.memory_space<hbm>>) dst(%arg8 : memref<16xi32, #tpu.memory_space<vmem>>)
      tpu.yield
    }) : () -> ()
    %dma_start3A_127 = tpu.memref_slice %arg7[%multiple_of3A_125] : memref<10000xi32, #tpu.memory_space<vmem>> -> memref<16xi32, #tpu.memory_space<vmem>>
    %dma_start3A_128 = arith.constant 0 : i32
    %dma_start3A_129 = arith.constant 0 : i32
    %dma_start3A_130 = tpu.memref_slice %arg2[%dma_start3A_128, %dma_start3A_129] : memref<10000x128xf32, #tpu.memory_space<hbm>> -> memref<10000x128xf32, #tpu.memory_space<hbm>>
    tpu.enqueue_indirect_dma source(%dma_start3A_130 : memref<10000x128xf32, #tpu.memory_space<hbm>>) target(%arg9 : memref<16x128xf32, #tpu.memory_space<vmem>>) offsets(%dma_start3A_127 : memref<16xi32, #tpu.memory_space<vmem>>) semaphore(%arg10 : memref<!tpu.dma_semaphore, #tpu.memory_space<semaphore_mem>>)
    %add3A_131 = arith.constant 0 : i32
    %add3A_132 = arith.addi %multiple_of3A_5, %add3A_131 : i32
    %multiple_of3A_133 = tpu.assume_multiple %add3A_132, 8 : i32
    %dma_start3A_134 = tpu.memref_slice %arg4[%multiple_of3A_133] : memref<320000xi32, #tpu.memory_space<hbm>> -> memref<64xi32, #tpu.memory_space<hbm>>
    %dma_start3A_135 = tpu.memref_slice %arg4[%multiple_of3A_133] : memref<320000xi32, #tpu.memory_space<hbm>> -> memref<64xi32, #tpu.memory_space<hbm>>
    tpu.enqueue_dma source(%dma_start3A_135 : memref<64xi32, #tpu.memory_space<hbm>>) target(%arg11 : memref<64xi32, #tpu.memory_space<vmem>>) target_semaphore(%arg13 : memref<!tpu.dma_semaphore, #tpu.memory_space<semaphore_mem>>)
    %multiple_of3A_136 = arith.constant 0 : i32
    %multiple_of3A_137 = tpu.assume_multiple %multiple_of3A_136, 8 : i32
    %dma_start3A_138 = tpu.memref_slice %arg7[%multiple_of3A_137] : memref<10000xi32, #tpu.memory_space<vmem>> -> memref<64xi32, #tpu.memory_space<vmem>>
    %dma_start3A_139 = arith.constant 0 : i32
    %dma_start3A_140 = arith.constant 0 : i32
    %dma_start3A_141 = tpu.memref_slice %arg2[%dma_start3A_139, %dma_start3A_140] : memref<10000x128xf32, #tpu.memory_space<hbm>> -> memref<10000x128xf32, #tpu.memory_space<hbm>>
    tpu.enqueue_indirect_dma source(%dma_start3A_141 : memref<10000x128xf32, #tpu.memory_space<hbm>>) target(%arg12 : memref<64x128xf32, #tpu.memory_space<vmem>>) offsets(%dma_start3A_138 : memref<64xi32, #tpu.memory_space<vmem>>) semaphore(%arg14 : memref<!tpu.dma_semaphore, #tpu.memory_space<semaphore_mem>>)
    %add3A_142 = arith.constant 64 : i32
    %add3A_143 = arith.addi %multiple_of3A_5, %add3A_142 : i32
    %multiple_of3A_144 = tpu.assume_multiple %add3A_143, 8 : i32
    %dma_start3A_145 = tpu.memref_slice %arg4[%multiple_of3A_144] : memref<320000xi32, #tpu.memory_space<hbm>> -> memref<64xi32, #tpu.memory_space<hbm>>
    %dma_start3A_146 = tpu.memref_slice %arg4[%multiple_of3A_144] : memref<320000xi32, #tpu.memory_space<hbm>> -> memref<64xi32, #tpu.memory_space<hbm>>
    tpu.enqueue_dma source(%dma_start3A_146 : memref<64xi32, #tpu.memory_space<hbm>>) target(%arg17 : memref<64xi32, #tpu.memory_space<vmem>>) target_semaphore(%arg19 : memref<!tpu.dma_semaphore, #tpu.memory_space<semaphore_mem>>)
    %multiple_of3A_147 = arith.constant 64 : i32
    %multiple_of3A_148 = tpu.assume_multiple %multiple_of3A_147, 8 : i32
    %dma_start3A_149 = tpu.memref_slice %arg7[%multiple_of3A_148] : memref<10000xi32, #tpu.memory_space<vmem>> -> memref<64xi32, #tpu.memory_space<vmem>>
    %dma_start3A_150 = arith.constant 0 : i32
    %dma_start3A_151 = arith.constant 0 : i32
    %dma_start3A_152 = tpu.memref_slice %arg2[%dma_start3A_150, %dma_start3A_151] : memref<10000x128xf32, #tpu.memory_space<hbm>> -> memref<10000x128xf32, #tpu.memory_space<hbm>>
    tpu.enqueue_indirect_dma source(%dma_start3A_152 : memref<10000x128xf32, #tpu.memory_space<hbm>>) target(%arg18 : memref<64x128xf32, #tpu.memory_space<vmem>>) offsets(%dma_start3A_149 : memref<64xi32, #tpu.memory_space<vmem>>) semaphore(%arg20 : memref<!tpu.dma_semaphore, #tpu.memory_space<semaphore_mem>>)
    %add3A_153 = arith.constant 128 : i32
    %add3A_154 = arith.addi %multiple_of3A_5, %add3A_153 : i32
    %multiple_of3A_155 = tpu.assume_multiple %add3A_154, 8 : i32
    %dma_start3A_156 = tpu.memref_slice %arg4[%multiple_of3A_155] : memref<320000xi32, #tpu.memory_space<hbm>> -> memref<64xi32, #tpu.memory_space<hbm>>
    %dma_start3A_157 = tpu.memref_slice %arg4[%multiple_of3A_155] : memref<320000xi32, #tpu.memory_space<hbm>> -> memref<64xi32, #tpu.memory_space<hbm>>
    tpu.enqueue_dma source(%dma_start3A_157 : memref<64xi32, #tpu.memory_space<hbm>>) target(%arg23 : memref<64xi32, #tpu.memory_space<vmem>>) target_semaphore(%arg25 : memref<!tpu.dma_semaphore, #tpu.memory_space<semaphore_mem>>)
    %multiple_of3A_158 = arith.constant 128 : i32
    %multiple_of3A_159 = tpu.assume_multiple %multiple_of3A_158, 8 : i32
    %dma_start3A_160 = tpu.memref_slice %arg7[%multiple_of3A_159] : memref<10000xi32, #tpu.memory_space<vmem>> -> memref<64xi32, #tpu.memory_space<vmem>>
    %dma_start3A_161 = arith.constant 0 : i32
    %dma_start3A_162 = arith.constant 0 : i32
    %dma_start3A_163 = tpu.memref_slice %arg2[%dma_start3A_161, %dma_start3A_162] : memref<10000x128xf32, #tpu.memory_space<hbm>> -> memref<10000x128xf32, #tpu.memory_space<hbm>>
    tpu.enqueue_indirect_dma source(%dma_start3A_163 : memref<10000x128xf32, #tpu.memory_space<hbm>>) target(%arg24 : memref<64x128xf32, #tpu.memory_space<vmem>>) offsets(%dma_start3A_160 : memref<64xi32, #tpu.memory_space<vmem>>) semaphore(%arg26 : memref<!tpu.dma_semaphore, #tpu.memory_space<semaphore_mem>>)
    %add3A_164 = arith.constant 192 : i32
    %add3A_165 = arith.addi %multiple_of3A_5, %add3A_164 : i32
    %multiple_of3A_166 = tpu.assume_multiple %add3A_165, 8 : i32
    %dma_start3A_167 = tpu.memref_slice %arg4[%multiple_of3A_166] : memref<320000xi32, #tpu.memory_space<hbm>> -> memref<64xi32, #tpu.memory_space<hbm>>
    %dma_start3A_168 = tpu.memref_slice %arg4[%multiple_of3A_166] : memref<320000xi32, #tpu.memory_space<hbm>> -> memref<64xi32, #tpu.memory_space<hbm>>
    tpu.enqueue_dma source(%dma_start3A_168 : memref<64xi32, #tpu.memory_space<hbm>>) target(%arg29 : memref<64xi32, #tpu.memory_space<vmem>>) target_semaphore(%arg31 : memref<!tpu.dma_semaphore, #tpu.memory_space<semaphore_mem>>)
    %multiple_of3A_169 = arith.constant 192 : i32
    %multiple_of3A_170 = tpu.assume_multiple %multiple_of3A_169, 8 : i32
    %dma_start3A_171 = tpu.memref_slice %arg7[%multiple_of3A_170] : memref<10000xi32, #tpu.memory_space<vmem>> -> memref<64xi32, #tpu.memory_space<vmem>>
    %dma_start3A_172 = arith.constant 0 : i32
    %dma_start3A_173 = arith.constant 0 : i32
    %dma_start3A_174 = tpu.memref_slice %arg2[%dma_start3A_172, %dma_start3A_173] : memref<10000x128xf32, #tpu.memory_space<hbm>> -> memref<10000x128xf32, #tpu.memory_space<hbm>>
    tpu.enqueue_indirect_dma source(%dma_start3A_174 : memref<10000x128xf32, #tpu.memory_space<hbm>>) target(%arg30 : memref<64x128xf32, #tpu.memory_space<vmem>>) offsets(%dma_start3A_171 : memref<64xi32, #tpu.memory_space<vmem>>) semaphore(%arg32 : memref<!tpu.dma_semaphore, #tpu.memory_space<semaphore_mem>>)
    %scan3A_175 = arith.constant 0 : i32
    %scan3A_176 = arith.constant 0 : i32
    %scan3A_177 = arith.constant 39 : i32
    %scan3A_178 = arith.addi %scan3A_176, %scan3A_177 : i32
    %scan3A_179 = arith.constant 1 : i32
    scf.for %scan3A_499 = %scan3A_176 to %scan3A_178 step %scan3A_179  : i32 {
      %mul3A_500 = arith.constant 4 : i32
      %mul3A_501 = arith.muli %mul3A_500, %scan3A_499 : i32
      %multiple_of3A_502 = arith.constant 0 : i32
      %multiple_of3A_503 = tpu.assume_multiple %multiple_of3A_502, 8 : i32
      %dma_wait3A_504 = tpu.memref_slice %arg7[%multiple_of3A_503] : memref<10000xi32, #tpu.memory_space<vmem>> -> memref<64xi32, #tpu.memory_space<vmem>>
      %dma_wait3A_505 = arith.constant 0 : i32
      %dma_wait3A_506 = arith.constant 0 : i32
      %dma_wait3A_507 = tpu.memref_slice %arg2[%dma_wait3A_505, %dma_wait3A_506] : memref<10000x128xf32, #tpu.memory_space<hbm>> -> memref<10000x128xf32, #tpu.memory_space<hbm>>
      tpu.wait_indirect_dma semaphore(%arg14 : memref<!tpu.dma_semaphore, #tpu.memory_space<semaphore_mem>>) src(%dma_wait3A_507 : memref<10000x128xf32, #tpu.memory_space<hbm>>) dst(%arg12 : memref<64x128xf32, #tpu.memory_space<vmem>>)
      %dma_wait3A_508 = tpu.memref_slice %arg4[%multiple_of3A_5] : memref<320000xi32, #tpu.memory_space<hbm>> -> memref<64xi32, #tpu.memory_space<hbm>>
      %dma_wait3A_509 = tpu.memref_slice %arg4[%multiple_of3A_5] : memref<320000xi32, #tpu.memory_space<hbm>> -> memref<64xi32, #tpu.memory_space<hbm>>
      tpu.wait_dma2 semaphore(%arg13 : memref<!tpu.dma_semaphore, #tpu.memory_space<semaphore_mem>>) src(%dma_wait3A_509 : memref<64xi32, #tpu.memory_space<hbm>>) dst(%arg11 : memref<64xi32, #tpu.memory_space<vmem>>)
      %dma_start3A_510 = arith.constant 0 : i32
      %dma_start3A_511 = arith.constant 0 : i32
      %dma_start3A_512 = tpu.memref_slice %arg6[%dma_start3A_510, %dma_start3A_511] : memref<10000x128xf32, #tpu.memory_space<vmem_shared>> -> memref<10000x128xf32, #tpu.memory_space<vmem_shared>>
      tpu.enqueue_indirect_dma source(%arg12 : memref<64x128xf32, #tpu.memory_space<vmem>>) target(%dma_start3A_512 : memref<10000x128xf32, #tpu.memory_space<vmem_shared>>) offsets(%arg11 : memref<64xi32, #tpu.memory_space<vmem>>) semaphore(%arg15 : memref<!tpu.dma_semaphore, #tpu.memory_space<semaphore_mem>>) {add = true}
      %multiple_of3A_513 = arith.constant 0 : i32
      %multiple_of3A_514 = tpu.assume_multiple %multiple_of3A_513, 8 : i32
      %dma_wait3A_515 = tpu.memref_slice %arg7[%multiple_of3A_514] : memref<10000xi32, #tpu.memory_space<vmem>> -> memref<64xi32, #tpu.memory_space<vmem>>
      %dma_wait3A_516 = arith.constant 0 : i32
      %dma_wait3A_517 = arith.constant 0 : i32
      %dma_wait3A_518 = tpu.memref_slice %arg2[%dma_wait3A_516, %dma_wait3A_517] : memref<10000x128xf32, #tpu.memory_space<hbm>> -> memref<10000x128xf32, #tpu.memory_space<hbm>>
      tpu.wait_indirect_dma semaphore(%arg20 : memref<!tpu.dma_semaphore, #tpu.memory_space<semaphore_mem>>) src(%dma_wait3A_518 : memref<10000x128xf32, #tpu.memory_space<hbm>>) dst(%arg18 : memref<64x128xf32, #tpu.memory_space<vmem>>)
      %dma_wait3A_519 = tpu.memref_slice %arg4[%multiple_of3A_5] : memref<320000xi32, #tpu.memory_space<hbm>> -> memref<64xi32, #tpu.memory_space<hbm>>
      %dma_wait3A_520 = tpu.memref_slice %arg4[%multiple_of3A_5] : memref<320000xi32, #tpu.memory_space<hbm>> -> memref<64xi32, #tpu.memory_space<hbm>>
      tpu.wait_dma2 semaphore(%arg19 : memref<!tpu.dma_semaphore, #tpu.memory_space<semaphore_mem>>) src(%dma_wait3A_520 : memref<64xi32, #tpu.memory_space<hbm>>) dst(%arg17 : memref<64xi32, #tpu.memory_space<vmem>>)
      %dma_start3A_521 = arith.constant 0 : i32
      %dma_start3A_522 = arith.constant 0 : i32
      %dma_start3A_523 = tpu.memref_slice %arg6[%dma_start3A_521, %dma_start3A_522] : memref<10000x128xf32, #tpu.memory_space<vmem_shared>> -> memref<10000x128xf32, #tpu.memory_space<vmem_shared>>
      tpu.enqueue_indirect_dma source(%arg18 : memref<64x128xf32, #tpu.memory_space<vmem>>) target(%dma_start3A_523 : memref<10000x128xf32, #tpu.memory_space<vmem_shared>>) offsets(%arg17 : memref<64xi32, #tpu.memory_space<vmem>>) semaphore(%arg21 : memref<!tpu.dma_semaphore, #tpu.memory_space<semaphore_mem>>) {add = true}
      %multiple_of3A_524 = arith.constant 0 : i32
      %multiple_of3A_525 = tpu.assume_multiple %multiple_of3A_524, 8 : i32
      %dma_wait3A_526 = tpu.memref_slice %arg7[%multiple_of3A_525] : memref<10000xi32, #tpu.memory_space<vmem>> -> memref<64xi32, #tpu.memory_space<vmem>>
      %dma_wait3A_527 = arith.constant 0 : i32
      %dma_wait3A_528 = arith.constant 0 : i32
      %dma_wait3A_529 = tpu.memref_slice %arg2[%dma_wait3A_527, %dma_wait3A_528] : memref<10000x128xf32, #tpu.memory_space<hbm>> -> memref<10000x128xf32, #tpu.memory_space<hbm>>
      tpu.wait_indirect_dma semaphore(%arg26 : memref<!tpu.dma_semaphore, #tpu.memory_space<semaphore_mem>>) src(%dma_wait3A_529 : memref<10000x128xf32, #tpu.memory_space<hbm>>) dst(%arg24 : memref<64x128xf32, #tpu.memory_space<vmem>>)
      %dma_wait3A_530 = tpu.memref_slice %arg4[%multiple_of3A_5] : memref<320000xi32, #tpu.memory_space<hbm>> -> memref<64xi32, #tpu.memory_space<hbm>>
      %dma_wait3A_531 = tpu.memref_slice %arg4[%multiple_of3A_5] : memref<320000xi32, #tpu.memory_space<hbm>> -> memref<64xi32, #tpu.memory_space<hbm>>
      tpu.wait_dma2 semaphore(%arg25 : memref<!tpu.dma_semaphore, #tpu.memory_space<semaphore_mem>>) src(%dma_wait3A_531 : memref<64xi32, #tpu.memory_space<hbm>>) dst(%arg23 : memref<64xi32, #tpu.memory_space<vmem>>)
      %dma_start3A_532 = arith.constant 0 : i32
      %dma_start3A_533 = arith.constant 0 : i32
      %dma_start3A_534 = tpu.memref_slice %arg6[%dma_start3A_532, %dma_start3A_533] : memref<10000x128xf32, #tpu.memory_space<vmem_shared>> -> memref<10000x128xf32, #tpu.memory_space<vmem_shared>>
      tpu.enqueue_indirect_dma source(%arg24 : memref<64x128xf32, #tpu.memory_space<vmem>>) target(%dma_start3A_534 : memref<10000x128xf32, #tpu.memory_space<vmem_shared>>) offsets(%arg23 : memref<64xi32, #tpu.memory_space<vmem>>) semaphore(%arg27 : memref<!tpu.dma_semaphore, #tpu.memory_space<semaphore_mem>>) {add = true}
      %multiple_of3A_535 = arith.constant 0 : i32
      %multiple_of3A_536 = tpu.assume_multiple %multiple_of3A_535, 8 : i32
      %dma_wait3A_537 = tpu.memref_slice %arg7[%multiple_of3A_536] : memref<10000xi32, #tpu.memory_space<vmem>> -> memref<64xi32, #tpu.memory_space<vmem>>
      %dma_wait3A_538 = arith.constant 0 : i32
      %dma_wait3A_539 = arith.constant 0 : i32
      %dma_wait3A_540 = tpu.memref_slice %arg2[%dma_wait3A_538, %dma_wait3A_539] : memref<10000x128xf32, #tpu.memory_space<hbm>> -> memref<10000x128xf32, #tpu.memory_space<hbm>>
      tpu.wait_indirect_dma semaphore(%arg32 : memref<!tpu.dma_semaphore, #tpu.memory_space<semaphore_mem>>) src(%dma_wait3A_540 : memref<10000x128xf32, #tpu.memory_space<hbm>>) dst(%arg30 : memref<64x128xf32, #tpu.memory_space<vmem>>)
      %dma_wait3A_541 = tpu.memref_slice %arg4[%multiple_of3A_5] : memref<320000xi32, #tpu.memory_space<hbm>> -> memref<64xi32, #tpu.memory_space<hbm>>
      %dma_wait3A_542 = tpu.memref_slice %arg4[%multiple_of3A_5] : memref<320000xi32, #tpu.memory_space<hbm>> -> memref<64xi32, #tpu.memory_space<hbm>>
      tpu.wait_dma2 semaphore(%arg31 : memref<!tpu.dma_semaphore, #tpu.memory_space<semaphore_mem>>) src(%dma_wait3A_542 : memref<64xi32, #tpu.memory_space<hbm>>) dst(%arg29 : memref<64xi32, #tpu.memory_space<vmem>>)
      %dma_start3A_543 = arith.constant 0 : i32
      %dma_start3A_544 = arith.constant 0 : i32
      %dma_start3A_545 = tpu.memref_slice %arg6[%dma_start3A_543, %dma_start3A_544] : memref<10000x128xf32, #tpu.memory_space<vmem_shared>> -> memref<10000x128xf32, #tpu.memory_space<vmem_shared>>
      tpu.enqueue_indirect_dma source(%arg30 : memref<64x128xf32, #tpu.memory_space<vmem>>) target(%dma_start3A_545 : memref<10000x128xf32, #tpu.memory_space<vmem_shared>>) offsets(%arg29 : memref<64xi32, #tpu.memory_space<vmem>>) semaphore(%arg33 : memref<!tpu.dma_semaphore, #tpu.memory_space<semaphore_mem>>) {add = true}
      %add3A_546 = arith.constant 0 : i32
      %add3A_547 = arith.addi %mul3A_501, %add3A_546 : i32
      %add3A_548 = arith.constant 4 : i32
      %add3A_549 = arith.addi %add3A_547, %add3A_548 : i32
      %lt3A = arith.constant 156 : i32
      %lt3A_550 = arith.cmpi slt, %add3A_549, %lt3A : i32
      %add3A_551 = arith.constant 0 : i32
      %add3A_552 = arith.addi %mul3A_501, %add3A_551 : i32
      %add3A_553 = arith.constant 4 : i32
      %add3A_554 = arith.addi %add3A_552, %add3A_553 : i32
      %jit3A = arith.constant 0 : i32
      %select_n3A = arith.select %lt3A_550, %add3A_554, %jit3A : i32
      %dma_wait3A_555 = arith.constant 0 : i32
      %dma_wait3A_556 = arith.constant 0 : i32
      %dma_wait3A_557 = tpu.memref_slice %arg6[%dma_wait3A_555, %dma_wait3A_556] : memref<10000x128xf32, #tpu.memory_space<vmem_shared>> -> memref<10000x128xf32, #tpu.memory_space<vmem_shared>>
      tpu.wait_indirect_dma semaphore(%arg15 : memref<!tpu.dma_semaphore, #tpu.memory_space<semaphore_mem>>) src(%arg12 : memref<64x128xf32, #tpu.memory_space<vmem>>) dst(%dma_wait3A_557 : memref<10000x128xf32, #tpu.memory_space<vmem_shared>>)
      %mul3A_558 = arith.constant 64 : i32
      %mul3A_559 = arith.muli %select_n3A, %mul3A_558 : i32
      %add3A_560 = arith.addi %multiple_of3A_5, %mul3A_559 : i32
      %multiple_of3A_561 = tpu.assume_multiple %add3A_560, 8 : i32
      %dma_start3A_562 = tpu.memref_slice %arg4[%multiple_of3A_561] : memref<320000xi32, #tpu.memory_space<hbm>> -> memref<64xi32, #tpu.memory_space<hbm>>
      %dma_start3A_563 = tpu.memref_slice %arg4[%multiple_of3A_561] : memref<320000xi32, #tpu.memory_space<hbm>> -> memref<64xi32, #tpu.memory_space<hbm>>
      tpu.enqueue_dma source(%dma_start3A_563 : memref<64xi32, #tpu.memory_space<hbm>>) target(%arg11 : memref<64xi32, #tpu.memory_space<vmem>>) target_semaphore(%arg13 : memref<!tpu.dma_semaphore, #tpu.memory_space<semaphore_mem>>)
      %mul3A_564 = arith.constant 64 : i32
      %mul3A_565 = arith.muli %select_n3A, %mul3A_564 : i32
      %multiple_of3A_566 = tpu.assume_multiple %mul3A_565, 8 : i32
      %dma_start3A_567 = tpu.memref_slice %arg7[%multiple_of3A_566] : memref<10000xi32, #tpu.memory_space<vmem>> -> memref<64xi32, #tpu.memory_space<vmem>>
      %dma_start3A_568 = arith.constant 0 : i32
      %dma_start3A_569 = arith.constant 0 : i32
      %dma_start3A_570 = tpu.memref_slice %arg2[%dma_start3A_568, %dma_start3A_569] : memref<10000x128xf32, #tpu.memory_space<hbm>> -> memref<10000x128xf32, #tpu.memory_space<hbm>>
      tpu.enqueue_indirect_dma source(%dma_start3A_570 : memref<10000x128xf32, #tpu.memory_space<hbm>>) target(%arg12 : memref<64x128xf32, #tpu.memory_space<vmem>>) offsets(%dma_start3A_567 : memref<64xi32, #tpu.memory_space<vmem>>) semaphore(%arg14 : memref<!tpu.dma_semaphore, #tpu.memory_space<semaphore_mem>>)
      %add3A_571 = arith.constant 1 : i32
      %add3A_572 = arith.addi %mul3A_501, %add3A_571 : i32
      %add3A_573 = arith.constant 4 : i32
      %add3A_574 = arith.addi %add3A_572, %add3A_573 : i32
      %lt3A_575 = arith.constant 156 : i32
      %lt3A_576 = arith.cmpi slt, %add3A_574, %lt3A_575 : i32
      %add3A_577 = arith.constant 1 : i32
      %add3A_578 = arith.addi %mul3A_501, %add3A_577 : i32
      %add3A_579 = arith.constant 4 : i32
      %add3A_580 = arith.addi %add3A_578, %add3A_579 : i32
      %jit3A_581 = arith.constant 0 : i32
      %select_n3A_582 = arith.select %lt3A_576, %add3A_580, %jit3A_581 : i32
      %dma_wait3A_583 = arith.constant 0 : i32
      %dma_wait3A_584 = arith.constant 0 : i32
      %dma_wait3A_585 = tpu.memref_slice %arg6[%dma_wait3A_583, %dma_wait3A_584] : memref<10000x128xf32, #tpu.memory_space<vmem_shared>> -> memref<10000x128xf32, #tpu.memory_space<vmem_shared>>
      tpu.wait_indirect_dma semaphore(%arg21 : memref<!tpu.dma_semaphore, #tpu.memory_space<semaphore_mem>>) src(%arg18 : memref<64x128xf32, #tpu.memory_space<vmem>>) dst(%dma_wait3A_585 : memref<10000x128xf32, #tpu.memory_space<vmem_shared>>)
      %mul3A_586 = arith.constant 64 : i32
      %mul3A_587 = arith.muli %select_n3A_582, %mul3A_586 : i32
      %add3A_588 = arith.addi %multiple_of3A_5, %mul3A_587 : i32
      %multiple_of3A_589 = tpu.assume_multiple %add3A_588, 8 : i32
      %dma_start3A_590 = tpu.memref_slice %arg4[%multiple_of3A_589] : memref<320000xi32, #tpu.memory_space<hbm>> -> memref<64xi32, #tpu.memory_space<hbm>>
      %dma_start3A_591 = tpu.memref_slice %arg4[%multiple_of3A_589] : memref<320000xi32, #tpu.memory_space<hbm>> -> memref<64xi32, #tpu.memory_space<hbm>>
      tpu.enqueue_dma source(%dma_start3A_591 : memref<64xi32, #tpu.memory_space<hbm>>) target(%arg17 : memref<64xi32, #tpu.memory_space<vmem>>) target_semaphore(%arg19 : memref<!tpu.dma_semaphore, #tpu.memory_space<semaphore_mem>>)
      %mul3A_592 = arith.constant 64 : i32
      %mul3A_593 = arith.muli %select_n3A_582, %mul3A_592 : i32
      %multiple_of3A_594 = tpu.assume_multiple %mul3A_593, 8 : i32
      %dma_start3A_595 = tpu.memref_slice %arg7[%multiple_of3A_594] : memref<10000xi32, #tpu.memory_space<vmem>> -> memref<64xi32, #tpu.memory_space<vmem>>
      %dma_start3A_596 = arith.constant 0 : i32
      %dma_start3A_597 = arith.constant 0 : i32
      %dma_start3A_598 = tpu.memref_slice %arg2[%dma_start3A_596, %dma_start3A_597] : memref<10000x128xf32, #tpu.memory_space<hbm>> -> memref<10000x128xf32, #tpu.memory_space<hbm>>
      tpu.enqueue_indirect_dma source(%dma_start3A_598 : memref<10000x128xf32, #tpu.memory_space<hbm>>) target(%arg18 : memref<64x128xf32, #tpu.memory_space<vmem>>) offsets(%dma_start3A_595 : memref<64xi32, #tpu.memory_space<vmem>>) semaphore(%arg20 : memref<!tpu.dma_semaphore, #tpu.memory_space<semaphore_mem>>)
      %add3A_599 = arith.constant 2 : i32
      %add3A_600 = arith.addi %mul3A_501, %add3A_599 : i32
      %add3A_601 = arith.constant 4 : i32
      %add3A_602 = arith.addi %add3A_600, %add3A_601 : i32
      %lt3A_603 = arith.constant 156 : i32
      %lt3A_604 = arith.cmpi slt, %add3A_602, %lt3A_603 : i32
      %add3A_605 = arith.constant 2 : i32
      %add3A_606 = arith.addi %mul3A_501, %add3A_605 : i32
      %add3A_607 = arith.constant 4 : i32
      %add3A_608 = arith.addi %add3A_606, %add3A_607 : i32
      %jit3A_609 = arith.constant 0 : i32
      %select_n3A_610 = arith.select %lt3A_604, %add3A_608, %jit3A_609 : i32
      %dma_wait3A_611 = arith.constant 0 : i32
      %dma_wait3A_612 = arith.constant 0 : i32
      %dma_wait3A_613 = tpu.memref_slice %arg6[%dma_wait3A_611, %dma_wait3A_612] : memref<10000x128xf32, #tpu.memory_space<vmem_shared>> -> memref<10000x128xf32, #tpu.memory_space<vmem_shared>>
      tpu.wait_indirect_dma semaphore(%arg27 : memref<!tpu.dma_semaphore, #tpu.memory_space<semaphore_mem>>) src(%arg24 : memref<64x128xf32, #tpu.memory_space<vmem>>) dst(%dma_wait3A_613 : memref<10000x128xf32, #tpu.memory_space<vmem_shared>>)
      %mul3A_614 = arith.constant 64 : i32
      %mul3A_615 = arith.muli %select_n3A_610, %mul3A_614 : i32
      %add3A_616 = arith.addi %multiple_of3A_5, %mul3A_615 : i32
      %multiple_of3A_617 = tpu.assume_multiple %add3A_616, 8 : i32
      %dma_start3A_618 = tpu.memref_slice %arg4[%multiple_of3A_617] : memref<320000xi32, #tpu.memory_space<hbm>> -> memref<64xi32, #tpu.memory_space<hbm>>
      %dma_start3A_619 = tpu.memref_slice %arg4[%multiple_of3A_617] : memref<320000xi32, #tpu.memory_space<hbm>> -> memref<64xi32, #tpu.memory_space<hbm>>
      tpu.enqueue_dma source(%dma_start3A_619 : memref<64xi32, #tpu.memory_space<hbm>>) target(%arg23 : memref<64xi32, #tpu.memory_space<vmem>>) target_semaphore(%arg25 : memref<!tpu.dma_semaphore, #tpu.memory_space<semaphore_mem>>)
      %mul3A_620 = arith.constant 64 : i32
      %mul3A_621 = arith.muli %select_n3A_610, %mul3A_620 : i32
      %multiple_of3A_622 = tpu.assume_multiple %mul3A_621, 8 : i32
      %dma_start3A_623 = tpu.memref_slice %arg7[%multiple_of3A_622] : memref<10000xi32, #tpu.memory_space<vmem>> -> memref<64xi32, #tpu.memory_space<vmem>>
      %dma_start3A_624 = arith.constant 0 : i32
      %dma_start3A_625 = arith.constant 0 : i32
      %dma_start3A_626 = tpu.memref_slice %arg2[%dma_start3A_624, %dma_start3A_625] : memref<10000x128xf32, #tpu.memory_space<hbm>> -> memref<10000x128xf32, #tpu.memory_space<hbm>>
      tpu.enqueue_indirect_dma source(%dma_start3A_626 : memref<10000x128xf32, #tpu.memory_space<hbm>>) target(%arg24 : memref<64x128xf32, #tpu.memory_space<vmem>>) offsets(%dma_start3A_623 : memref<64xi32, #tpu.memory_space<vmem>>) semaphore(%arg26 : memref<!tpu.dma_semaphore, #tpu.memory_space<semaphore_mem>>)
      %add3A_627 = arith.constant 3 : i32
      %add3A_628 = arith.addi %mul3A_501, %add3A_627 : i32
      %add3A_629 = arith.constant 4 : i32
      %add3A_630 = arith.addi %add3A_628, %add3A_629 : i32
      %lt3A_631 = arith.constant 156 : i32
      %lt3A_632 = arith.cmpi slt, %add3A_630, %lt3A_631 : i32
      %add3A_633 = arith.constant 3 : i32
      %add3A_634 = arith.addi %mul3A_501, %add3A_633 : i32
      %add3A_635 = arith.constant 4 : i32
      %add3A_636 = arith.addi %add3A_634, %add3A_635 : i32
      %jit3A_637 = arith.constant 0 : i32
      %select_n3A_638 = arith.select %lt3A_632, %add3A_636, %jit3A_637 : i32
      %dma_wait3A_639 = arith.constant 0 : i32
      %dma_wait3A_640 = arith.constant 0 : i32
      %dma_wait3A_641 = tpu.memref_slice %arg6[%dma_wait3A_639, %dma_wait3A_640] : memref<10000x128xf32, #tpu.memory_space<vmem_shared>> -> memref<10000x128xf32, #tpu.memory_space<vmem_shared>>
      tpu.wait_indirect_dma semaphore(%arg33 : memref<!tpu.dma_semaphore, #tpu.memory_space<semaphore_mem>>) src(%arg30 : memref<64x128xf32, #tpu.memory_space<vmem>>) dst(%dma_wait3A_641 : memref<10000x128xf32, #tpu.memory_space<vmem_shared>>)
      %mul3A_642 = arith.constant 64 : i32
      %mul3A_643 = arith.muli %select_n3A_638, %mul3A_642 : i32
      %add3A_644 = arith.addi %multiple_of3A_5, %mul3A_643 : i32
      %multiple_of3A_645 = tpu.assume_multiple %add3A_644, 8 : i32
      %dma_start3A_646 = tpu.memref_slice %arg4[%multiple_of3A_645] : memref<320000xi32, #tpu.memory_space<hbm>> -> memref<64xi32, #tpu.memory_space<hbm>>
      %dma_start3A_647 = tpu.memref_slice %arg4[%multiple_of3A_645] : memref<320000xi32, #tpu.memory_space<hbm>> -> memref<64xi32, #tpu.memory_space<hbm>>
      tpu.enqueue_dma source(%dma_start3A_647 : memref<64xi32, #tpu.memory_space<hbm>>) target(%arg29 : memref<64xi32, #tpu.memory_space<vmem>>) target_semaphore(%arg31 : memref<!tpu.dma_semaphore, #tpu.memory_space<semaphore_mem>>)
      %mul3A_648 = arith.constant 64 : i32
      %mul3A_649 = arith.muli %select_n3A_638, %mul3A_648 : i32
      %multiple_of3A_650 = tpu.assume_multiple %mul3A_649, 8 : i32
      %dma_start3A_651 = tpu.memref_slice %arg7[%multiple_of3A_650] : memref<10000xi32, #tpu.memory_space<vmem>> -> memref<64xi32, #tpu.memory_space<vmem>>
      %dma_start3A_652 = arith.constant 0 : i32
      %dma_start3A_653 = arith.constant 0 : i32
      %dma_start3A_654 = tpu.memref_slice %arg2[%dma_start3A_652, %dma_start3A_653] : memref<10000x128xf32, #tpu.memory_space<hbm>> -> memref<10000x128xf32, #tpu.memory_space<hbm>>
      tpu.enqueue_indirect_dma source(%dma_start3A_654 : memref<10000x128xf32, #tpu.memory_space<hbm>>) target(%arg30 : memref<64x128xf32, #tpu.memory_space<vmem>>) offsets(%dma_start3A_651 : memref<64xi32, #tpu.memory_space<vmem>>) semaphore(%arg32 : memref<!tpu.dma_semaphore, #tpu.memory_space<semaphore_mem>>)
    }
    %scan3A_180 = arith.constant 39 : i32
    %dma_wait3A_181 = tpu.memref_slice %arg4[%multiple_of3A_5] : memref<320000xi32, #tpu.memory_space<hbm>> -> memref<64xi32, #tpu.memory_space<hbm>>
    %dma_wait3A_182 = tpu.memref_slice %arg4[%multiple_of3A_5] : memref<320000xi32, #tpu.memory_space<hbm>> -> memref<64xi32, #tpu.memory_space<hbm>>
    tpu.wait_dma2 semaphore(%arg13 : memref<!tpu.dma_semaphore, #tpu.memory_space<semaphore_mem>>) src(%dma_wait3A_182 : memref<64xi32, #tpu.memory_space<hbm>>) dst(%arg11 : memref<64xi32, #tpu.memory_space<vmem>>)
    %multiple_of3A_183 = arith.constant 0 : i32
    %multiple_of3A_184 = tpu.assume_multiple %multiple_of3A_183, 8 : i32
    %dma_wait3A_185 = tpu.memref_slice %arg7[%multiple_of3A_184] : memref<10000xi32, #tpu.memory_space<vmem>> -> memref<64xi32, #tpu.memory_space<vmem>>
    %dma_wait3A_186 = arith.constant 0 : i32
    %dma_wait3A_187 = arith.constant 0 : i32
    %dma_wait3A_188 = tpu.memref_slice %arg2[%dma_wait3A_186, %dma_wait3A_187] : memref<10000x128xf32, #tpu.memory_space<hbm>> -> memref<10000x128xf32, #tpu.memory_space<hbm>>
    tpu.wait_indirect_dma semaphore(%arg14 : memref<!tpu.dma_semaphore, #tpu.memory_space<semaphore_mem>>) src(%dma_wait3A_188 : memref<10000x128xf32, #tpu.memory_space<hbm>>) dst(%arg12 : memref<64x128xf32, #tpu.memory_space<vmem>>)
    %dma_wait3A_189 = tpu.memref_slice %arg4[%multiple_of3A_5] : memref<320000xi32, #tpu.memory_space<hbm>> -> memref<64xi32, #tpu.memory_space<hbm>>
    %dma_wait3A_190 = tpu.memref_slice %arg4[%multiple_of3A_5] : memref<320000xi32, #tpu.memory_space<hbm>> -> memref<64xi32, #tpu.memory_space<hbm>>
    tpu.wait_dma2 semaphore(%arg19 : memref<!tpu.dma_semaphore, #tpu.memory_space<semaphore_mem>>) src(%dma_wait3A_190 : memref<64xi32, #tpu.memory_space<hbm>>) dst(%arg17 : memref<64xi32, #tpu.memory_space<vmem>>)
    %multiple_of3A_191 = arith.constant 0 : i32
    %multiple_of3A_192 = tpu.assume_multiple %multiple_of3A_191, 8 : i32
    %dma_wait3A_193 = tpu.memref_slice %arg7[%multiple_of3A_192] : memref<10000xi32, #tpu.memory_space<vmem>> -> memref<64xi32, #tpu.memory_space<vmem>>
    %dma_wait3A_194 = arith.constant 0 : i32
    %dma_wait3A_195 = arith.constant 0 : i32
    %dma_wait3A_196 = tpu.memref_slice %arg2[%dma_wait3A_194, %dma_wait3A_195] : memref<10000x128xf32, #tpu.memory_space<hbm>> -> memref<10000x128xf32, #tpu.memory_space<hbm>>
    tpu.wait_indirect_dma semaphore(%arg20 : memref<!tpu.dma_semaphore, #tpu.memory_space<semaphore_mem>>) src(%dma_wait3A_196 : memref<10000x128xf32, #tpu.memory_space<hbm>>) dst(%arg18 : memref<64x128xf32, #tpu.memory_space<vmem>>)
    %dma_wait3A_197 = tpu.memref_slice %arg4[%multiple_of3A_5] : memref<320000xi32, #tpu.memory_space<hbm>> -> memref<64xi32, #tpu.memory_space<hbm>>
    %dma_wait3A_198 = tpu.memref_slice %arg4[%multiple_of3A_5] : memref<320000xi32, #tpu.memory_space<hbm>> -> memref<64xi32, #tpu.memory_space<hbm>>
    tpu.wait_dma2 semaphore(%arg25 : memref<!tpu.dma_semaphore, #tpu.memory_space<semaphore_mem>>) src(%dma_wait3A_198 : memref<64xi32, #tpu.memory_space<hbm>>) dst(%arg23 : memref<64xi32, #tpu.memory_space<vmem>>)
    %multiple_of3A_199 = arith.constant 0 : i32
    %multiple_of3A_200 = tpu.assume_multiple %multiple_of3A_199, 8 : i32
    %dma_wait3A_201 = tpu.memref_slice %arg7[%multiple_of3A_200] : memref<10000xi32, #tpu.memory_space<vmem>> -> memref<64xi32, #tpu.memory_space<vmem>>
    %dma_wait3A_202 = arith.constant 0 : i32
    %dma_wait3A_203 = arith.constant 0 : i32
    %dma_wait3A_204 = tpu.memref_slice %arg2[%dma_wait3A_202, %dma_wait3A_203] : memref<10000x128xf32, #tpu.memory_space<hbm>> -> memref<10000x128xf32, #tpu.memory_space<hbm>>
    tpu.wait_indirect_dma semaphore(%arg26 : memref<!tpu.dma_semaphore, #tpu.memory_space<semaphore_mem>>) src(%dma_wait3A_204 : memref<10000x128xf32, #tpu.memory_space<hbm>>) dst(%arg24 : memref<64x128xf32, #tpu.memory_space<vmem>>)
    %dma_wait3A_205 = tpu.memref_slice %arg4[%multiple_of3A_5] : memref<320000xi32, #tpu.memory_space<hbm>> -> memref<64xi32, #tpu.memory_space<hbm>>
    %dma_wait3A_206 = tpu.memref_slice %arg4[%multiple_of3A_5] : memref<320000xi32, #tpu.memory_space<hbm>> -> memref<64xi32, #tpu.memory_space<hbm>>
    tpu.wait_dma2 semaphore(%arg31 : memref<!tpu.dma_semaphore, #tpu.memory_space<semaphore_mem>>) src(%dma_wait3A_206 : memref<64xi32, #tpu.memory_space<hbm>>) dst(%arg29 : memref<64xi32, #tpu.memory_space<vmem>>)
    %multiple_of3A_207 = arith.constant 0 : i32
    %multiple_of3A_208 = tpu.assume_multiple %multiple_of3A_207, 8 : i32
    %dma_wait3A_209 = tpu.memref_slice %arg7[%multiple_of3A_208] : memref<10000xi32, #tpu.memory_space<vmem>> -> memref<64xi32, #tpu.memory_space<vmem>>
    %dma_wait3A_210 = arith.constant 0 : i32
    %dma_wait3A_211 = arith.constant 0 : i32
    %dma_wait3A_212 = tpu.memref_slice %arg2[%dma_wait3A_210, %dma_wait3A_211] : memref<10000x128xf32, #tpu.memory_space<hbm>> -> memref<10000x128xf32, #tpu.memory_space<hbm>>
    tpu.wait_indirect_dma semaphore(%arg32 : memref<!tpu.dma_semaphore, #tpu.memory_space<semaphore_mem>>) src(%dma_wait3A_212 : memref<10000x128xf32, #tpu.memory_space<hbm>>) dst(%arg30 : memref<64x128xf32, #tpu.memory_space<vmem>>)
    %dma_wait3A_213 = tpu.memref_slice %arg7[%multiple_of3A_125] : memref<10000xi32, #tpu.memory_space<vmem>> -> memref<16xi32, #tpu.memory_space<vmem>>
    %dma_wait3A_214 = arith.constant 0 : i32
    %dma_wait3A_215 = arith.constant 0 : i32
    %dma_wait3A_216 = tpu.memref_slice %arg2[%dma_wait3A_214, %dma_wait3A_215] : memref<10000x128xf32, #tpu.memory_space<hbm>> -> memref<10000x128xf32, #tpu.memory_space<hbm>>
    tpu.wait_indirect_dma semaphore(%arg10 : memref<!tpu.dma_semaphore, #tpu.memory_space<semaphore_mem>>) src(%dma_wait3A_216 : memref<10000x128xf32, #tpu.memory_space<hbm>>) dst(%arg9 : memref<16x128xf32, #tpu.memory_space<vmem>>)
    %dma_start3A_217 = arith.constant 0 : i32
    %dma_start3A_218 = arith.constant 0 : i32
    %dma_start3A_219 = tpu.memref_slice %arg6[%dma_start3A_217, %dma_start3A_218] : memref<10000x128xf32, #tpu.memory_space<vmem_shared>> -> memref<10000x128xf32, #tpu.memory_space<vmem_shared>>
    tpu.enqueue_indirect_dma source(%arg9 : memref<16x128xf32, #tpu.memory_space<vmem>>) target(%dma_start3A_219 : memref<10000x128xf32, #tpu.memory_space<vmem_shared>>) offsets(%arg8 : memref<16xi32, #tpu.memory_space<vmem>>) semaphore(%arg15 : memref<!tpu.dma_semaphore, #tpu.memory_space<semaphore_mem>>) {add = true}
    %dma_wait3A_220 = arith.constant 0 : i32
    %dma_wait3A_221 = arith.constant 0 : i32
    %dma_wait3A_222 = tpu.memref_slice %arg6[%dma_wait3A_220, %dma_wait3A_221] : memref<10000x128xf32, #tpu.memory_space<vmem_shared>> -> memref<10000x128xf32, #tpu.memory_space<vmem_shared>>
    tpu.wait_indirect_dma semaphore(%arg15 : memref<!tpu.dma_semaphore, #tpu.memory_space<semaphore_mem>>) src(%arg9 : memref<16x128xf32, #tpu.memory_space<vmem>>) dst(%dma_wait3A_222 : memref<10000x128xf32, #tpu.memory_space<vmem_shared>>)
    %barrier3A_223 = arith.constant 0 : index
    tpu.barrier barrier_id(%barrier3A_223)
    %add3A_224 = arith.constant 576 : i32
    %add3A_225 = arith.addi %multiple_of3A, %add3A_224 : i32
    %multiple_of3A_226 = tpu.assume_multiple %add3A_225, 8 : i32
    %add3A_227 = arith.constant 0 : i32
    %add3A_228 = arith.addi %multiple_of3A, %add3A_227 : i32
    %multiple_of3A_229 = tpu.assume_multiple %add3A_228, 8 : i32
    "tpu.region"() ({
      %run_scoped3A = tpu.sem_alloc : memref<!tpu.dma_semaphore, #tpu.memory_space<semaphore_mem>>
      %dma_start3A_499 = arith.constant 0 : i32
      %dma_start3A_500 = arith.constant 0 : i32
      %dma_start3A_501 = tpu.memref_slice %arg12[%dma_start3A_499, %dma_start3A_500] : memref<64x128xf32, #tpu.memory_space<vmem>> -> memref<64x128xf32, #tpu.memory_space<vmem>>
      %dma_start3A_502 = arith.constant 0 : i32
      %dma_start3A_503 = tpu.memref_slice %arg6[%multiple_of3A_229, %dma_start3A_502] : memref<10000x128xf32, #tpu.memory_space<vmem_shared>> -> memref<64x128xf32, #tpu.memory_space<vmem_shared>>
      %dma_start3A_504 = arith.constant 0 : i32
      %dma_start3A_505 = arith.constant 0 : i32
      %dma_start3A_506 = tpu.memref_slice %arg12[%dma_start3A_504, %dma_start3A_505] : memref<64x128xf32, #tpu.memory_space<vmem>> -> memref<64x128xf32, #tpu.memory_space<vmem>>
      %dma_start3A_507 = arith.constant 0 : i32
      %dma_start3A_508 = tpu.memref_slice %arg6[%multiple_of3A_229, %dma_start3A_507] : memref<10000x128xf32, #tpu.memory_space<vmem_shared>> -> memref<64x128xf32, #tpu.memory_space<vmem_shared>>
      tpu.enqueue_dma source(%dma_start3A_508 : memref<64x128xf32, #tpu.memory_space<vmem_shared>>) target(%dma_start3A_506 : memref<64x128xf32, #tpu.memory_space<vmem>>) target_semaphore(%run_scoped3A : memref<!tpu.dma_semaphore, #tpu.memory_space<semaphore_mem>>)
      %dma_wait3A_509 = arith.constant 0 : i32
      %dma_wait3A_510 = arith.constant 0 : i32
      %dma_wait3A_511 = tpu.memref_slice %arg12[%dma_wait3A_509, %dma_wait3A_510] : memref<64x128xf32, #tpu.memory_space<vmem>> -> memref<64x128xf32, #tpu.memory_space<vmem>>
      %dma_wait3A_512 = arith.constant 0 : i32
      %dma_wait3A_513 = tpu.memref_slice %arg6[%multiple_of3A_229, %dma_wait3A_512] : memref<10000x128xf32, #tpu.memory_space<vmem_shared>> -> memref<64x128xf32, #tpu.memory_space<vmem_shared>>
      %dma_wait3A_514 = arith.constant 0 : i32
      %dma_wait3A_515 = arith.constant 0 : i32
      %dma_wait3A_516 = tpu.memref_slice %arg12[%dma_wait3A_514, %dma_wait3A_515] : memref<64x128xf32, #tpu.memory_space<vmem>> -> memref<64x128xf32, #tpu.memory_space<vmem>>
      %dma_wait3A_517 = arith.constant 0 : i32
      %dma_wait3A_518 = tpu.memref_slice %arg6[%multiple_of3A_229, %dma_wait3A_517] : memref<10000x128xf32, #tpu.memory_space<vmem_shared>> -> memref<64x128xf32, #tpu.memory_space<vmem_shared>>
      tpu.wait_dma2 semaphore(%run_scoped3A : memref<!tpu.dma_semaphore, #tpu.memory_space<semaphore_mem>>) src(%dma_wait3A_518 : memref<64x128xf32, #tpu.memory_space<vmem_shared>>) dst(%dma_wait3A_516 : memref<64x128xf32, #tpu.memory_space<vmem>>)
      tpu.yield
    }) : () -> ()
    %dma_start3A_230 = arith.constant 0 : i32
    %dma_start3A_231 = arith.constant 0 : i32
    %dma_start3A_232 = tpu.memref_slice %arg12[%dma_start3A_230, %dma_start3A_231] : memref<64x128xf32, #tpu.memory_space<vmem>> -> memref<64x128xf32, #tpu.memory_space<vmem>>
    %dma_start3A_233 = arith.constant 0 : i32
    %dma_start3A_234 = tpu.memref_slice %arg5[%arg0, %multiple_of3A_229, %dma_start3A_233] : memref<2x10000x128xf32, #tpu.memory_space<hbm>> -> memref<1x64x128xf32, #tpu.memory_space<hbm>>
    %dma_start3A_235 = tpu.memref_squeeze %dma_start3A_234 : memref<1x64x128xf32, #tpu.memory_space<hbm>> -> memref<64x128xf32, #tpu.memory_space<hbm>>
    %dma_start3A_236 = arith.constant 0 : i32
    %dma_start3A_237 = tpu.memref_slice %arg5[%arg0, %multiple_of3A_229, %dma_start3A_236] : memref<2x10000x128xf32, #tpu.memory_space<hbm>> -> memref<1x64x128xf32, #tpu.memory_space<hbm>>
    %dma_start3A_238 = tpu.memref_squeeze %dma_start3A_237 : memref<1x64x128xf32, #tpu.memory_space<hbm>> -> memref<64x128xf32, #tpu.memory_space<hbm>>
    %dma_start3A_239 = arith.constant 0 : i32
    %dma_start3A_240 = arith.constant 0 : i32
    %dma_start3A_241 = tpu.memref_slice %arg12[%dma_start3A_239, %dma_start3A_240] : memref<64x128xf32, #tpu.memory_space<vmem>> -> memref<64x128xf32, #tpu.memory_space<vmem>>
    tpu.enqueue_dma source(%dma_start3A_241 : memref<64x128xf32, #tpu.memory_space<vmem>>) target(%dma_start3A_238 : memref<64x128xf32, #tpu.memory_space<hbm>>) target_semaphore(%arg15 : memref<!tpu.dma_semaphore, #tpu.memory_space<semaphore_mem>>)
    %add3A_242 = arith.constant 64 : i32
    %add3A_243 = arith.addi %multiple_of3A, %add3A_242 : i32
    %multiple_of3A_244 = tpu.assume_multiple %add3A_243, 8 : i32
    "tpu.region"() ({
      %run_scoped3A = tpu.sem_alloc : memref<!tpu.dma_semaphore, #tpu.memory_space<semaphore_mem>>
      %dma_start3A_499 = arith.constant 0 : i32
      %dma_start3A_500 = arith.constant 0 : i32
      %dma_start3A_501 = tpu.memref_slice %arg18[%dma_start3A_499, %dma_start3A_500] : memref<64x128xf32, #tpu.memory_space<vmem>> -> memref<64x128xf32, #tpu.memory_space<vmem>>
      %dma_start3A_502 = arith.constant 0 : i32
      %dma_start3A_503 = tpu.memref_slice %arg6[%multiple_of3A_244, %dma_start3A_502] : memref<10000x128xf32, #tpu.memory_space<vmem_shared>> -> memref<64x128xf32, #tpu.memory_space<vmem_shared>>
      %dma_start3A_504 = arith.constant 0 : i32
      %dma_start3A_505 = arith.constant 0 : i32
      %dma_start3A_506 = tpu.memref_slice %arg18[%dma_start3A_504, %dma_start3A_505] : memref<64x128xf32, #tpu.memory_space<vmem>> -> memref<64x128xf32, #tpu.memory_space<vmem>>
      %dma_start3A_507 = arith.constant 0 : i32
      %dma_start3A_508 = tpu.memref_slice %arg6[%multiple_of3A_244, %dma_start3A_507] : memref<10000x128xf32, #tpu.memory_space<vmem_shared>> -> memref<64x128xf32, #tpu.memory_space<vmem_shared>>
      tpu.enqueue_dma source(%dma_start3A_508 : memref<64x128xf32, #tpu.memory_space<vmem_shared>>) target(%dma_start3A_506 : memref<64x128xf32, #tpu.memory_space<vmem>>) target_semaphore(%run_scoped3A : memref<!tpu.dma_semaphore, #tpu.memory_space<semaphore_mem>>)
      %dma_wait3A_509 = arith.constant 0 : i32
      %dma_wait3A_510 = arith.constant 0 : i32
      %dma_wait3A_511 = tpu.memref_slice %arg18[%dma_wait3A_509, %dma_wait3A_510] : memref<64x128xf32, #tpu.memory_space<vmem>> -> memref<64x128xf32, #tpu.memory_space<vmem>>
      %dma_wait3A_512 = arith.constant 0 : i32
      %dma_wait3A_513 = tpu.memref_slice %arg6[%multiple_of3A_244, %dma_wait3A_512] : memref<10000x128xf32, #tpu.memory_space<vmem_shared>> -> memref<64x128xf32, #tpu.memory_space<vmem_shared>>
      %dma_wait3A_514 = arith.constant 0 : i32
      %dma_wait3A_515 = arith.constant 0 : i32
      %dma_wait3A_516 = tpu.memref_slice %arg18[%dma_wait3A_514, %dma_wait3A_515] : memref<64x128xf32, #tpu.memory_space<vmem>> -> memref<64x128xf32, #tpu.memory_space<vmem>>
      %dma_wait3A_517 = arith.constant 0 : i32
      %dma_wait3A_518 = tpu.memref_slice %arg6[%multiple_of3A_244, %dma_wait3A_517] : memref<10000x128xf32, #tpu.memory_space<vmem_shared>> -> memref<64x128xf32, #tpu.memory_space<vmem_shared>>
      tpu.wait_dma2 semaphore(%run_scoped3A : memref<!tpu.dma_semaphore, #tpu.memory_space<semaphore_mem>>) src(%dma_wait3A_518 : memref<64x128xf32, #tpu.memory_space<vmem_shared>>) dst(%dma_wait3A_516 : memref<64x128xf32, #tpu.memory_space<vmem>>)
      tpu.yield
    }) : () -> ()
    %dma_start3A_245 = arith.constant 0 : i32
    %dma_start3A_246 = arith.constant 0 : i32
    %dma_start3A_247 = tpu.memref_slice %arg18[%dma_start3A_245, %dma_start3A_246] : memref<64x128xf32, #tpu.memory_space<vmem>> -> memref<64x128xf32, #tpu.memory_space<vmem>>
    %dma_start3A_248 = arith.constant 0 : i32
    %dma_start3A_249 = tpu.memref_slice %arg5[%arg0, %multiple_of3A_244, %dma_start3A_248] : memref<2x10000x128xf32, #tpu.memory_space<hbm>> -> memref<1x64x128xf32, #tpu.memory_space<hbm>>
    %dma_start3A_250 = tpu.memref_squeeze %dma_start3A_249 : memref<1x64x128xf32, #tpu.memory_space<hbm>> -> memref<64x128xf32, #tpu.memory_space<hbm>>
    %dma_start3A_251 = arith.constant 0 : i32
    %dma_start3A_252 = tpu.memref_slice %arg5[%arg0, %multiple_of3A_244, %dma_start3A_251] : memref<2x10000x128xf32, #tpu.memory_space<hbm>> -> memref<1x64x128xf32, #tpu.memory_space<hbm>>
    %dma_start3A_253 = tpu.memref_squeeze %dma_start3A_252 : memref<1x64x128xf32, #tpu.memory_space<hbm>> -> memref<64x128xf32, #tpu.memory_space<hbm>>
    %dma_start3A_254 = arith.constant 0 : i32
    %dma_start3A_255 = arith.constant 0 : i32
    %dma_start3A_256 = tpu.memref_slice %arg18[%dma_start3A_254, %dma_start3A_255] : memref<64x128xf32, #tpu.memory_space<vmem>> -> memref<64x128xf32, #tpu.memory_space<vmem>>
    tpu.enqueue_dma source(%dma_start3A_256 : memref<64x128xf32, #tpu.memory_space<vmem>>) target(%dma_start3A_253 : memref<64x128xf32, #tpu.memory_space<hbm>>) target_semaphore(%arg21 : memref<!tpu.dma_semaphore, #tpu.memory_space<semaphore_mem>>)
    %add3A_257 = arith.constant 128 : i32
    %add3A_258 = arith.addi %multiple_of3A, %add3A_257 : i32
    %multiple_of3A_259 = tpu.assume_multiple %add3A_258, 8 : i32
    "tpu.region"() ({
      %run_scoped3A = tpu.sem_alloc : memref<!tpu.dma_semaphore, #tpu.memory_space<semaphore_mem>>
      %dma_start3A_499 = arith.constant 0 : i32
      %dma_start3A_500 = arith.constant 0 : i32
      %dma_start3A_501 = tpu.memref_slice %arg24[%dma_start3A_499, %dma_start3A_500] : memref<64x128xf32, #tpu.memory_space<vmem>> -> memref<64x128xf32, #tpu.memory_space<vmem>>
      %dma_start3A_502 = arith.constant 0 : i32
      %dma_start3A_503 = tpu.memref_slice %arg6[%multiple_of3A_259, %dma_start3A_502] : memref<10000x128xf32, #tpu.memory_space<vmem_shared>> -> memref<64x128xf32, #tpu.memory_space<vmem_shared>>
      %dma_start3A_504 = arith.constant 0 : i32
      %dma_start3A_505 = arith.constant 0 : i32
      %dma_start3A_506 = tpu.memref_slice %arg24[%dma_start3A_504, %dma_start3A_505] : memref<64x128xf32, #tpu.memory_space<vmem>> -> memref<64x128xf32, #tpu.memory_space<vmem>>
      %dma_start3A_507 = arith.constant 0 : i32
      %dma_start3A_508 = tpu.memref_slice %arg6[%multiple_of3A_259, %dma_start3A_507] : memref<10000x128xf32, #tpu.memory_space<vmem_shared>> -> memref<64x128xf32, #tpu.memory_space<vmem_shared>>
      tpu.enqueue_dma source(%dma_start3A_508 : memref<64x128xf32, #tpu.memory_space<vmem_shared>>) target(%dma_start3A_506 : memref<64x128xf32, #tpu.memory_space<vmem>>) target_semaphore(%run_scoped3A : memref<!tpu.dma_semaphore, #tpu.memory_space<semaphore_mem>>)
      %dma_wait3A_509 = arith.constant 0 : i32
      %dma_wait3A_510 = arith.constant 0 : i32
      %dma_wait3A_511 = tpu.memref_slice %arg24[%dma_wait3A_509, %dma_wait3A_510] : memref<64x128xf32, #tpu.memory_space<vmem>> -> memref<64x128xf32, #tpu.memory_space<vmem>>
      %dma_wait3A_512 = arith.constant 0 : i32
      %dma_wait3A_513 = tpu.memref_slice %arg6[%multiple_of3A_259, %dma_wait3A_512] : memref<10000x128xf32, #tpu.memory_space<vmem_shared>> -> memref<64x128xf32, #tpu.memory_space<vmem_shared>>
      %dma_wait3A_514 = arith.constant 0 : i32
      %dma_wait3A_515 = arith.constant 0 : i32
      %dma_wait3A_516 = tpu.memref_slice %arg24[%dma_wait3A_514, %dma_wait3A_515] : memref<64x128xf32, #tpu.memory_space<vmem>> -> memref<64x128xf32, #tpu.memory_space<vmem>>
      %dma_wait3A_517 = arith.constant 0 : i32
      %dma_wait3A_518 = tpu.memref_slice %arg6[%multiple_of3A_259, %dma_wait3A_517] : memref<10000x128xf32, #tpu.memory_space<vmem_shared>> -> memref<64x128xf32, #tpu.memory_space<vmem_shared>>
      tpu.wait_dma2 semaphore(%run_scoped3A : memref<!tpu.dma_semaphore, #tpu.memory_space<semaphore_mem>>) src(%dma_wait3A_518 : memref<64x128xf32, #tpu.memory_space<vmem_shared>>) dst(%dma_wait3A_516 : memref<64x128xf32, #tpu.memory_space<vmem>>)
      tpu.yield
    }) : () -> ()
    %dma_start3A_260 = arith.constant 0 : i32
    %dma_start3A_261 = arith.constant 0 : i32
    %dma_start3A_262 = tpu.memref_slice %arg24[%dma_start3A_260, %dma_start3A_261] : memref<64x128xf32, #tpu.memory_space<vmem>> -> memref<64x128xf32, #tpu.memory_space<vmem>>
    %dma_start3A_263 = arith.constant 0 : i32
    %dma_start3A_264 = tpu.memref_slice %arg5[%arg0, %multiple_of3A_259, %dma_start3A_263] : memref<2x10000x128xf32, #tpu.memory_space<hbm>> -> memref<1x64x128xf32, #tpu.memory_space<hbm>>
    %dma_start3A_265 = tpu.memref_squeeze %dma_start3A_264 : memref<1x64x128xf32, #tpu.memory_space<hbm>> -> memref<64x128xf32, #tpu.memory_space<hbm>>
    %dma_start3A_266 = arith.constant 0 : i32
    %dma_start3A_267 = tpu.memref_slice %arg5[%arg0, %multiple_of3A_259, %dma_start3A_266] : memref<2x10000x128xf32, #tpu.memory_space<hbm>> -> memref<1x64x128xf32, #tpu.memory_space<hbm>>
    %dma_start3A_268 = tpu.memref_squeeze %dma_start3A_267 : memref<1x64x128xf32, #tpu.memory_space<hbm>> -> memref<64x128xf32, #tpu.memory_space<hbm>>
    %dma_start3A_269 = arith.constant 0 : i32
    %dma_start3A_270 = arith.constant 0 : i32
    %dma_start3A_271 = tpu.memref_slice %arg24[%dma_start3A_269, %dma_start3A_270] : memref<64x128xf32, #tpu.memory_space<vmem>> -> memref<64x128xf32, #tpu.memory_space<vmem>>
    tpu.enqueue_dma source(%dma_start3A_271 : memref<64x128xf32, #tpu.memory_space<vmem>>) target(%dma_start3A_268 : memref<64x128xf32, #tpu.memory_space<hbm>>) target_semaphore(%arg27 : memref<!tpu.dma_semaphore, #tpu.memory_space<semaphore_mem>>)
    %add3A_272 = arith.constant 192 : i32
    %add3A_273 = arith.addi %multiple_of3A, %add3A_272 : i32
    %multiple_of3A_274 = tpu.assume_multiple %add3A_273, 8 : i32
    "tpu.region"() ({
      %run_scoped3A = tpu.sem_alloc : memref<!tpu.dma_semaphore, #tpu.memory_space<semaphore_mem>>
      %dma_start3A_499 = arith.constant 0 : i32
      %dma_start3A_500 = arith.constant 0 : i32
      %dma_start3A_501 = tpu.memref_slice %arg30[%dma_start3A_499, %dma_start3A_500] : memref<64x128xf32, #tpu.memory_space<vmem>> -> memref<64x128xf32, #tpu.memory_space<vmem>>
      %dma_start3A_502 = arith.constant 0 : i32
      %dma_start3A_503 = tpu.memref_slice %arg6[%multiple_of3A_274, %dma_start3A_502] : memref<10000x128xf32, #tpu.memory_space<vmem_shared>> -> memref<64x128xf32, #tpu.memory_space<vmem_shared>>
      %dma_start3A_504 = arith.constant 0 : i32
      %dma_start3A_505 = arith.constant 0 : i32
      %dma_start3A_506 = tpu.memref_slice %arg30[%dma_start3A_504, %dma_start3A_505] : memref<64x128xf32, #tpu.memory_space<vmem>> -> memref<64x128xf32, #tpu.memory_space<vmem>>
      %dma_start3A_507 = arith.constant 0 : i32
      %dma_start3A_508 = tpu.memref_slice %arg6[%multiple_of3A_274, %dma_start3A_507] : memref<10000x128xf32, #tpu.memory_space<vmem_shared>> -> memref<64x128xf32, #tpu.memory_space<vmem_shared>>
      tpu.enqueue_dma source(%dma_start3A_508 : memref<64x128xf32, #tpu.memory_space<vmem_shared>>) target(%dma_start3A_506 : memref<64x128xf32, #tpu.memory_space<vmem>>) target_semaphore(%run_scoped3A : memref<!tpu.dma_semaphore, #tpu.memory_space<semaphore_mem>>)
      %dma_wait3A_509 = arith.constant 0 : i32
      %dma_wait3A_510 = arith.constant 0 : i32
      %dma_wait3A_511 = tpu.memref_slice %arg30[%dma_wait3A_509, %dma_wait3A_510] : memref<64x128xf32, #tpu.memory_space<vmem>> -> memref<64x128xf32, #tpu.memory_space<vmem>>
      %dma_wait3A_512 = arith.constant 0 : i32
      %dma_wait3A_513 = tpu.memref_slice %arg6[%multiple_of3A_274, %dma_wait3A_512] : memref<10000x128xf32, #tpu.memory_space<vmem_shared>> -> memref<64x128xf32, #tpu.memory_space<vmem_shared>>
      %dma_wait3A_514 = arith.constant 0 : i32
      %dma_wait3A_515 = arith.constant 0 : i32
      %dma_wait3A_516 = tpu.memref_slice %arg30[%dma_wait3A_514, %dma_wait3A_515] : memref<64x128xf32, #tpu.memory_space<vmem>> -> memref<64x128xf32, #tpu.memory_space<vmem>>
      %dma_wait3A_517 = arith.constant 0 : i32
      %dma_wait3A_518 = tpu.memref_slice %arg6[%multiple_of3A_274, %dma_wait3A_517] : memref<10000x128xf32, #tpu.memory_space<vmem_shared>> -> memref<64x128xf32, #tpu.memory_space<vmem_shared>>
      tpu.wait_dma2 semaphore(%run_scoped3A : memref<!tpu.dma_semaphore, #tpu.memory_space<semaphore_mem>>) src(%dma_wait3A_518 : memref<64x128xf32, #tpu.memory_space<vmem_shared>>) dst(%dma_wait3A_516 : memref<64x128xf32, #tpu.memory_space<vmem>>)
      tpu.yield
    }) : () -> ()
    %dma_start3A_275 = arith.constant 0 : i32
    %dma_start3A_276 = arith.constant 0 : i32
    %dma_start3A_277 = tpu.memref_slice %arg30[%dma_start3A_275, %dma_start3A_276] : memref<64x128xf32, #tpu.memory_space<vmem>> -> memref<64x128xf32, #tpu.memory_space<vmem>>
    %dma_start3A_278 = arith.constant 0 : i32
    %dma_start3A_279 = tpu.memref_slice %arg5[%arg0, %multiple_of3A_274, %dma_start3A_278] : memref<2x10000x128xf32, #tpu.memory_space<hbm>> -> memref<1x64x128xf32, #tpu.memory_space<hbm>>
    %dma_start3A_280 = tpu.memref_squeeze %dma_start3A_279 : memref<1x64x128xf32, #tpu.memory_space<hbm>> -> memref<64x128xf32, #tpu.memory_space<hbm>>
    %dma_start3A_281 = arith.constant 0 : i32
    %dma_start3A_282 = tpu.memref_slice %arg5[%arg0, %multiple_of3A_274, %dma_start3A_281] : memref<2x10000x128xf32, #tpu.memory_space<hbm>> -> memref<1x64x128xf32, #tpu.memory_space<hbm>>
    %dma_start3A_283 = tpu.memref_squeeze %dma_start3A_282 : memref<1x64x128xf32, #tpu.memory_space<hbm>> -> memref<64x128xf32, #tpu.memory_space<hbm>>
    %dma_start3A_284 = arith.constant 0 : i32
    %dma_start3A_285 = arith.constant 0 : i32
    %dma_start3A_286 = tpu.memref_slice %arg30[%dma_start3A_284, %dma_start3A_285] : memref<64x128xf32, #tpu.memory_space<vmem>> -> memref<64x128xf32, #tpu.memory_space<vmem>>
    tpu.enqueue_dma source(%dma_start3A_286 : memref<64x128xf32, #tpu.memory_space<vmem>>) target(%dma_start3A_283 : memref<64x128xf32, #tpu.memory_space<hbm>>) target_semaphore(%arg33 : memref<!tpu.dma_semaphore, #tpu.memory_space<semaphore_mem>>)
    %dma_wait3A_287 = arith.constant 0 : i32
    %dma_wait3A_288 = arith.constant 0 : i32
    %dma_wait3A_289 = tpu.memref_slice %arg12[%dma_wait3A_287, %dma_wait3A_288] : memref<64x128xf32, #tpu.memory_space<vmem>> -> memref<64x128xf32, #tpu.memory_space<vmem>>
    %dma_wait3A_290 = arith.constant 0 : i32
    %dma_wait3A_291 = tpu.memref_slice %arg5[%arg0, %multiple_of3A_226, %dma_wait3A_290] : memref<2x10000x128xf32, #tpu.memory_space<hbm>> -> memref<1x64x128xf32, #tpu.memory_space<hbm>>
    %dma_wait3A_292 = tpu.memref_squeeze %dma_wait3A_291 : memref<1x64x128xf32, #tpu.memory_space<hbm>> -> memref<64x128xf32, #tpu.memory_space<hbm>>
    %dma_wait3A_293 = arith.constant 0 : i32
    %dma_wait3A_294 = tpu.memref_slice %arg5[%arg0, %multiple_of3A_226, %dma_wait3A_293] : memref<2x10000x128xf32, #tpu.memory_space<hbm>> -> memref<1x64x128xf32, #tpu.memory_space<hbm>>
    %dma_wait3A_295 = tpu.memref_squeeze %dma_wait3A_294 : memref<1x64x128xf32, #tpu.memory_space<hbm>> -> memref<64x128xf32, #tpu.memory_space<hbm>>
    %dma_wait3A_296 = arith.constant 0 : i32
    %dma_wait3A_297 = arith.constant 0 : i32
    %dma_wait3A_298 = tpu.memref_slice %arg12[%dma_wait3A_296, %dma_wait3A_297] : memref<64x128xf32, #tpu.memory_space<vmem>> -> memref<64x128xf32, #tpu.memory_space<vmem>>
    tpu.wait_dma2 semaphore(%arg15 : memref<!tpu.dma_semaphore, #tpu.memory_space<semaphore_mem>>) src(%dma_wait3A_298 : memref<64x128xf32, #tpu.memory_space<vmem>>) dst(%dma_wait3A_295 : memref<64x128xf32, #tpu.memory_space<hbm>>)
    %add3A_299 = arith.constant 256 : i32
    %add3A_300 = arith.addi %multiple_of3A, %add3A_299 : i32
    %multiple_of3A_301 = tpu.assume_multiple %add3A_300, 8 : i32
    "tpu.region"() ({
      %run_scoped3A = tpu.sem_alloc : memref<!tpu.dma_semaphore, #tpu.memory_space<semaphore_mem>>
      %dma_start3A_499 = arith.constant 0 : i32
      %dma_start3A_500 = arith.constant 0 : i32
      %dma_start3A_501 = tpu.memref_slice %arg12[%dma_start3A_499, %dma_start3A_500] : memref<64x128xf32, #tpu.memory_space<vmem>> -> memref<64x128xf32, #tpu.memory_space<vmem>>
      %dma_start3A_502 = arith.constant 0 : i32
      %dma_start3A_503 = tpu.memref_slice %arg6[%multiple_of3A_301, %dma_start3A_502] : memref<10000x128xf32, #tpu.memory_space<vmem_shared>> -> memref<64x128xf32, #tpu.memory_space<vmem_shared>>
      %dma_start3A_504 = arith.constant 0 : i32
      %dma_start3A_505 = arith.constant 0 : i32
      %dma_start3A_506 = tpu.memref_slice %arg12[%dma_start3A_504, %dma_start3A_505] : memref<64x128xf32, #tpu.memory_space<vmem>> -> memref<64x128xf32, #tpu.memory_space<vmem>>
      %dma_start3A_507 = arith.constant 0 : i32
      %dma_start3A_508 = tpu.memref_slice %arg6[%multiple_of3A_301, %dma_start3A_507] : memref<10000x128xf32, #tpu.memory_space<vmem_shared>> -> memref<64x128xf32, #tpu.memory_space<vmem_shared>>
      tpu.enqueue_dma source(%dma_start3A_508 : memref<64x128xf32, #tpu.memory_space<vmem_shared>>) target(%dma_start3A_506 : memref<64x128xf32, #tpu.memory_space<vmem>>) target_semaphore(%run_scoped3A : memref<!tpu.dma_semaphore, #tpu.memory_space<semaphore_mem>>)
      %dma_wait3A_509 = arith.constant 0 : i32
      %dma_wait3A_510 = arith.constant 0 : i32
      %dma_wait3A_511 = tpu.memref_slice %arg12[%dma_wait3A_509, %dma_wait3A_510] : memref<64x128xf32, #tpu.memory_space<vmem>> -> memref<64x128xf32, #tpu.memory_space<vmem>>
      %dma_wait3A_512 = arith.constant 0 : i32
      %dma_wait3A_513 = tpu.memref_slice %arg6[%multiple_of3A_301, %dma_wait3A_512] : memref<10000x128xf32, #tpu.memory_space<vmem_shared>> -> memref<64x128xf32, #tpu.memory_space<vmem_shared>>
      %dma_wait3A_514 = arith.constant 0 : i32
      %dma_wait3A_515 = arith.constant 0 : i32
      %dma_wait3A_516 = tpu.memref_slice %arg12[%dma_wait3A_514, %dma_wait3A_515] : memref<64x128xf32, #tpu.memory_space<vmem>> -> memref<64x128xf32, #tpu.memory_space<vmem>>
      %dma_wait3A_517 = arith.constant 0 : i32
      %dma_wait3A_518 = tpu.memref_slice %arg6[%multiple_of3A_301, %dma_wait3A_517] : memref<10000x128xf32, #tpu.memory_space<vmem_shared>> -> memref<64x128xf32, #tpu.memory_space<vmem_shared>>
      tpu.wait_dma2 semaphore(%run_scoped3A : memref<!tpu.dma_semaphore, #tpu.memory_space<semaphore_mem>>) src(%dma_wait3A_518 : memref<64x128xf32, #tpu.memory_space<vmem_shared>>) dst(%dma_wait3A_516 : memref<64x128xf32, #tpu.memory_space<vmem>>)
      tpu.yield
    }) : () -> ()
    %dma_start3A_302 = arith.constant 0 : i32
    %dma_start3A_303 = arith.constant 0 : i32
    %dma_start3A_304 = tpu.memref_slice %arg12[%dma_start3A_302, %dma_start3A_303] : memref<64x128xf32, #tpu.memory_space<vmem>> -> memref<64x128xf32, #tpu.memory_space<vmem>>
    %dma_start3A_305 = arith.constant 0 : i32
    %dma_start3A_306 = tpu.memref_slice %arg5[%arg0, %multiple_of3A_301, %dma_start3A_305] : memref<2x10000x128xf32, #tpu.memory_space<hbm>> -> memref<1x64x128xf32, #tpu.memory_space<hbm>>
    %dma_start3A_307 = tpu.memref_squeeze %dma_start3A_306 : memref<1x64x128xf32, #tpu.memory_space<hbm>> -> memref<64x128xf32, #tpu.memory_space<hbm>>
    %dma_start3A_308 = arith.constant 0 : i32
    %dma_start3A_309 = tpu.memref_slice %arg5[%arg0, %multiple_of3A_301, %dma_start3A_308] : memref<2x10000x128xf32, #tpu.memory_space<hbm>> -> memref<1x64x128xf32, #tpu.memory_space<hbm>>
    %dma_start3A_310 = tpu.memref_squeeze %dma_start3A_309 : memref<1x64x128xf32, #tpu.memory_space<hbm>> -> memref<64x128xf32, #tpu.memory_space<hbm>>
    %dma_start3A_311 = arith.constant 0 : i32
    %dma_start3A_312 = arith.constant 0 : i32
    %dma_start3A_313 = tpu.memref_slice %arg12[%dma_start3A_311, %dma_start3A_312] : memref<64x128xf32, #tpu.memory_space<vmem>> -> memref<64x128xf32, #tpu.memory_space<vmem>>
    tpu.enqueue_dma source(%dma_start3A_313 : memref<64x128xf32, #tpu.memory_space<vmem>>) target(%dma_start3A_310 : memref<64x128xf32, #tpu.memory_space<hbm>>) target_semaphore(%arg15 : memref<!tpu.dma_semaphore, #tpu.memory_space<semaphore_mem>>)
    %dma_wait3A_314 = arith.constant 0 : i32
    %dma_wait3A_315 = arith.constant 0 : i32
    %dma_wait3A_316 = tpu.memref_slice %arg18[%dma_wait3A_314, %dma_wait3A_315] : memref<64x128xf32, #tpu.memory_space<vmem>> -> memref<64x128xf32, #tpu.memory_space<vmem>>
    %dma_wait3A_317 = arith.constant 0 : i32
    %dma_wait3A_318 = tpu.memref_slice %arg5[%arg0, %multiple_of3A_226, %dma_wait3A_317] : memref<2x10000x128xf32, #tpu.memory_space<hbm>> -> memref<1x64x128xf32, #tpu.memory_space<hbm>>
    %dma_wait3A_319 = tpu.memref_squeeze %dma_wait3A_318 : memref<1x64x128xf32, #tpu.memory_space<hbm>> -> memref<64x128xf32, #tpu.memory_space<hbm>>
    %dma_wait3A_320 = arith.constant 0 : i32
    %dma_wait3A_321 = tpu.memref_slice %arg5[%arg0, %multiple_of3A_226, %dma_wait3A_320] : memref<2x10000x128xf32, #tpu.memory_space<hbm>> -> memref<1x64x128xf32, #tpu.memory_space<hbm>>
    %dma_wait3A_322 = tpu.memref_squeeze %dma_wait3A_321 : memref<1x64x128xf32, #tpu.memory_space<hbm>> -> memref<64x128xf32, #tpu.memory_space<hbm>>
    %dma_wait3A_323 = arith.constant 0 : i32
    %dma_wait3A_324 = arith.constant 0 : i32
    %dma_wait3A_325 = tpu.memref_slice %arg18[%dma_wait3A_323, %dma_wait3A_324] : memref<64x128xf32, #tpu.memory_space<vmem>> -> memref<64x128xf32, #tpu.memory_space<vmem>>
    tpu.wait_dma2 semaphore(%arg21 : memref<!tpu.dma_semaphore, #tpu.memory_space<semaphore_mem>>) src(%dma_wait3A_325 : memref<64x128xf32, #tpu.memory_space<vmem>>) dst(%dma_wait3A_322 : memref<64x128xf32, #tpu.memory_space<hbm>>)
    %add3A_326 = arith.constant 320 : i32
    %add3A_327 = arith.addi %multiple_of3A, %add3A_326 : i32
    %multiple_of3A_328 = tpu.assume_multiple %add3A_327, 8 : i32
    "tpu.region"() ({
      %run_scoped3A = tpu.sem_alloc : memref<!tpu.dma_semaphore, #tpu.memory_space<semaphore_mem>>
      %dma_start3A_499 = arith.constant 0 : i32
      %dma_start3A_500 = arith.constant 0 : i32
      %dma_start3A_501 = tpu.memref_slice %arg18[%dma_start3A_499, %dma_start3A_500] : memref<64x128xf32, #tpu.memory_space<vmem>> -> memref<64x128xf32, #tpu.memory_space<vmem>>
      %dma_start3A_502 = arith.constant 0 : i32
      %dma_start3A_503 = tpu.memref_slice %arg6[%multiple_of3A_328, %dma_start3A_502] : memref<10000x128xf32, #tpu.memory_space<vmem_shared>> -> memref<64x128xf32, #tpu.memory_space<vmem_shared>>
      %dma_start3A_504 = arith.constant 0 : i32
      %dma_start3A_505 = arith.constant 0 : i32
      %dma_start3A_506 = tpu.memref_slice %arg18[%dma_start3A_504, %dma_start3A_505] : memref<64x128xf32, #tpu.memory_space<vmem>> -> memref<64x128xf32, #tpu.memory_space<vmem>>
      %dma_start3A_507 = arith.constant 0 : i32
      %dma_start3A_508 = tpu.memref_slice %arg6[%multiple_of3A_328, %dma_start3A_507] : memref<10000x128xf32, #tpu.memory_space<vmem_shared>> -> memref<64x128xf32, #tpu.memory_space<vmem_shared>>
      tpu.enqueue_dma source(%dma_start3A_508 : memref<64x128xf32, #tpu.memory_space<vmem_shared>>) target(%dma_start3A_506 : memref<64x128xf32, #tpu.memory_space<vmem>>) target_semaphore(%run_scoped3A : memref<!tpu.dma_semaphore, #tpu.memory_space<semaphore_mem>>)
      %dma_wait3A_509 = arith.constant 0 : i32
      %dma_wait3A_510 = arith.constant 0 : i32
      %dma_wait3A_511 = tpu.memref_slice %arg18[%dma_wait3A_509, %dma_wait3A_510] : memref<64x128xf32, #tpu.memory_space<vmem>> -> memref<64x128xf32, #tpu.memory_space<vmem>>
      %dma_wait3A_512 = arith.constant 0 : i32
      %dma_wait3A_513 = tpu.memref_slice %arg6[%multiple_of3A_328, %dma_wait3A_512] : memref<10000x128xf32, #tpu.memory_space<vmem_shared>> -> memref<64x128xf32, #tpu.memory_space<vmem_shared>>
      %dma_wait3A_514 = arith.constant 0 : i32
      %dma_wait3A_515 = arith.constant 0 : i32
      %dma_wait3A_516 = tpu.memref_slice %arg18[%dma_wait3A_514, %dma_wait3A_515] : memref<64x128xf32, #tpu.memory_space<vmem>> -> memref<64x128xf32, #tpu.memory_space<vmem>>
      %dma_wait3A_517 = arith.constant 0 : i32
      %dma_wait3A_518 = tpu.memref_slice %arg6[%multiple_of3A_328, %dma_wait3A_517] : memref<10000x128xf32, #tpu.memory_space<vmem_shared>> -> memref<64x128xf32, #tpu.memory_space<vmem_shared>>
      tpu.wait_dma2 semaphore(%run_scoped3A : memref<!tpu.dma_semaphore, #tpu.memory_space<semaphore_mem>>) src(%dma_wait3A_518 : memref<64x128xf32, #tpu.memory_space<vmem_shared>>) dst(%dma_wait3A_516 : memref<64x128xf32, #tpu.memory_space<vmem>>)
      tpu.yield
    }) : () -> ()
    %dma_start3A_329 = arith.constant 0 : i32
    %dma_start3A_330 = arith.constant 0 : i32
    %dma_start3A_331 = tpu.memref_slice %arg18[%dma_start3A_329, %dma_start3A_330] : memref<64x128xf32, #tpu.memory_space<vmem>> -> memref<64x128xf32, #tpu.memory_space<vmem>>
    %dma_start3A_332 = arith.constant 0 : i32
    %dma_start3A_333 = tpu.memref_slice %arg5[%arg0, %multiple_of3A_328, %dma_start3A_332] : memref<2x10000x128xf32, #tpu.memory_space<hbm>> -> memref<1x64x128xf32, #tpu.memory_space<hbm>>
    %dma_start3A_334 = tpu.memref_squeeze %dma_start3A_333 : memref<1x64x128xf32, #tpu.memory_space<hbm>> -> memref<64x128xf32, #tpu.memory_space<hbm>>
    %dma_start3A_335 = arith.constant 0 : i32
    %dma_start3A_336 = tpu.memref_slice %arg5[%arg0, %multiple_of3A_328, %dma_start3A_335] : memref<2x10000x128xf32, #tpu.memory_space<hbm>> -> memref<1x64x128xf32, #tpu.memory_space<hbm>>
    %dma_start3A_337 = tpu.memref_squeeze %dma_start3A_336 : memref<1x64x128xf32, #tpu.memory_space<hbm>> -> memref<64x128xf32, #tpu.memory_space<hbm>>
    %dma_start3A_338 = arith.constant 0 : i32
    %dma_start3A_339 = arith.constant 0 : i32
    %dma_start3A_340 = tpu.memref_slice %arg18[%dma_start3A_338, %dma_start3A_339] : memref<64x128xf32, #tpu.memory_space<vmem>> -> memref<64x128xf32, #tpu.memory_space<vmem>>
    tpu.enqueue_dma source(%dma_start3A_340 : memref<64x128xf32, #tpu.memory_space<vmem>>) target(%dma_start3A_337 : memref<64x128xf32, #tpu.memory_space<hbm>>) target_semaphore(%arg21 : memref<!tpu.dma_semaphore, #tpu.memory_space<semaphore_mem>>)
    %dma_wait3A_341 = arith.constant 0 : i32
    %dma_wait3A_342 = arith.constant 0 : i32
    %dma_wait3A_343 = tpu.memref_slice %arg24[%dma_wait3A_341, %dma_wait3A_342] : memref<64x128xf32, #tpu.memory_space<vmem>> -> memref<64x128xf32, #tpu.memory_space<vmem>>
    %dma_wait3A_344 = arith.constant 0 : i32
    %dma_wait3A_345 = tpu.memref_slice %arg5[%arg0, %multiple_of3A_226, %dma_wait3A_344] : memref<2x10000x128xf32, #tpu.memory_space<hbm>> -> memref<1x64x128xf32, #tpu.memory_space<hbm>>
    %dma_wait3A_346 = tpu.memref_squeeze %dma_wait3A_345 : memref<1x64x128xf32, #tpu.memory_space<hbm>> -> memref<64x128xf32, #tpu.memory_space<hbm>>
    %dma_wait3A_347 = arith.constant 0 : i32
    %dma_wait3A_348 = tpu.memref_slice %arg5[%arg0, %multiple_of3A_226, %dma_wait3A_347] : memref<2x10000x128xf32, #tpu.memory_space<hbm>> -> memref<1x64x128xf32, #tpu.memory_space<hbm>>
    %dma_wait3A_349 = tpu.memref_squeeze %dma_wait3A_348 : memref<1x64x128xf32, #tpu.memory_space<hbm>> -> memref<64x128xf32, #tpu.memory_space<hbm>>
    %dma_wait3A_350 = arith.constant 0 : i32
    %dma_wait3A_351 = arith.constant 0 : i32
    %dma_wait3A_352 = tpu.memref_slice %arg24[%dma_wait3A_350, %dma_wait3A_351] : memref<64x128xf32, #tpu.memory_space<vmem>> -> memref<64x128xf32, #tpu.memory_space<vmem>>
    tpu.wait_dma2 semaphore(%arg27 : memref<!tpu.dma_semaphore, #tpu.memory_space<semaphore_mem>>) src(%dma_wait3A_352 : memref<64x128xf32, #tpu.memory_space<vmem>>) dst(%dma_wait3A_349 : memref<64x128xf32, #tpu.memory_space<hbm>>)
    %add3A_353 = arith.constant 384 : i32
    %add3A_354 = arith.addi %multiple_of3A, %add3A_353 : i32
    %multiple_of3A_355 = tpu.assume_multiple %add3A_354, 8 : i32
    "tpu.region"() ({
      %run_scoped3A = tpu.sem_alloc : memref<!tpu.dma_semaphore, #tpu.memory_space<semaphore_mem>>
      %dma_start3A_499 = arith.constant 0 : i32
      %dma_start3A_500 = arith.constant 0 : i32
      %dma_start3A_501 = tpu.memref_slice %arg24[%dma_start3A_499, %dma_start3A_500] : memref<64x128xf32, #tpu.memory_space<vmem>> -> memref<64x128xf32, #tpu.memory_space<vmem>>
      %dma_start3A_502 = arith.constant 0 : i32
      %dma_start3A_503 = tpu.memref_slice %arg6[%multiple_of3A_355, %dma_start3A_502] : memref<10000x128xf32, #tpu.memory_space<vmem_shared>> -> memref<64x128xf32, #tpu.memory_space<vmem_shared>>
      %dma_start3A_504 = arith.constant 0 : i32
      %dma_start3A_505 = arith.constant 0 : i32
      %dma_start3A_506 = tpu.memref_slice %arg24[%dma_start3A_504, %dma_start3A_505] : memref<64x128xf32, #tpu.memory_space<vmem>> -> memref<64x128xf32, #tpu.memory_space<vmem>>
      %dma_start3A_507 = arith.constant 0 : i32
      %dma_start3A_508 = tpu.memref_slice %arg6[%multiple_of3A_355, %dma_start3A_507] : memref<10000x128xf32, #tpu.memory_space<vmem_shared>> -> memref<64x128xf32, #tpu.memory_space<vmem_shared>>
      tpu.enqueue_dma source(%dma_start3A_508 : memref<64x128xf32, #tpu.memory_space<vmem_shared>>) target(%dma_start3A_506 : memref<64x128xf32, #tpu.memory_space<vmem>>) target_semaphore(%run_scoped3A : memref<!tpu.dma_semaphore, #tpu.memory_space<semaphore_mem>>)
      %dma_wait3A_509 = arith.constant 0 : i32
      %dma_wait3A_510 = arith.constant 0 : i32
      %dma_wait3A_511 = tpu.memref_slice %arg24[%dma_wait3A_509, %dma_wait3A_510] : memref<64x128xf32, #tpu.memory_space<vmem>> -> memref<64x128xf32, #tpu.memory_space<vmem>>
      %dma_wait3A_512 = arith.constant 0 : i32
      %dma_wait3A_513 = tpu.memref_slice %arg6[%multiple_of3A_355, %dma_wait3A_512] : memref<10000x128xf32, #tpu.memory_space<vmem_shared>> -> memref<64x128xf32, #tpu.memory_space<vmem_shared>>
      %dma_wait3A_514 = arith.constant 0 : i32
      %dma_wait3A_515 = arith.constant 0 : i32
      %dma_wait3A_516 = tpu.memref_slice %arg24[%dma_wait3A_514, %dma_wait3A_515] : memref<64x128xf32, #tpu.memory_space<vmem>> -> memref<64x128xf32, #tpu.memory_space<vmem>>
      %dma_wait3A_517 = arith.constant 0 : i32
      %dma_wait3A_518 = tpu.memref_slice %arg6[%multiple_of3A_355, %dma_wait3A_517] : memref<10000x128xf32, #tpu.memory_space<vmem_shared>> -> memref<64x128xf32, #tpu.memory_space<vmem_shared>>
      tpu.wait_dma2 semaphore(%run_scoped3A : memref<!tpu.dma_semaphore, #tpu.memory_space<semaphore_mem>>) src(%dma_wait3A_518 : memref<64x128xf32, #tpu.memory_space<vmem_shared>>) dst(%dma_wait3A_516 : memref<64x128xf32, #tpu.memory_space<vmem>>)
      tpu.yield
    }) : () -> ()
    %dma_start3A_356 = arith.constant 0 : i32
    %dma_start3A_357 = arith.constant 0 : i32
    %dma_start3A_358 = tpu.memref_slice %arg24[%dma_start3A_356, %dma_start3A_357] : memref<64x128xf32, #tpu.memory_space<vmem>> -> memref<64x128xf32, #tpu.memory_space<vmem>>
    %dma_start3A_359 = arith.constant 0 : i32
    %dma_start3A_360 = tpu.memref_slice %arg5[%arg0, %multiple_of3A_355, %dma_start3A_359] : memref<2x10000x128xf32, #tpu.memory_space<hbm>> -> memref<1x64x128xf32, #tpu.memory_space<hbm>>
    %dma_start3A_361 = tpu.memref_squeeze %dma_start3A_360 : memref<1x64x128xf32, #tpu.memory_space<hbm>> -> memref<64x128xf32, #tpu.memory_space<hbm>>
    %dma_start3A_362 = arith.constant 0 : i32
    %dma_start3A_363 = tpu.memref_slice %arg5[%arg0, %multiple_of3A_355, %dma_start3A_362] : memref<2x10000x128xf32, #tpu.memory_space<hbm>> -> memref<1x64x128xf32, #tpu.memory_space<hbm>>
    %dma_start3A_364 = tpu.memref_squeeze %dma_start3A_363 : memref<1x64x128xf32, #tpu.memory_space<hbm>> -> memref<64x128xf32, #tpu.memory_space<hbm>>
    %dma_start3A_365 = arith.constant 0 : i32
    %dma_start3A_366 = arith.constant 0 : i32
    %dma_start3A_367 = tpu.memref_slice %arg24[%dma_start3A_365, %dma_start3A_366] : memref<64x128xf32, #tpu.memory_space<vmem>> -> memref<64x128xf32, #tpu.memory_space<vmem>>
    tpu.enqueue_dma source(%dma_start3A_367 : memref<64x128xf32, #tpu.memory_space<vmem>>) target(%dma_start3A_364 : memref<64x128xf32, #tpu.memory_space<hbm>>) target_semaphore(%arg27 : memref<!tpu.dma_semaphore, #tpu.memory_space<semaphore_mem>>)
    %dma_wait3A_368 = arith.constant 0 : i32
    %dma_wait3A_369 = arith.constant 0 : i32
    %dma_wait3A_370 = tpu.memref_slice %arg30[%dma_wait3A_368, %dma_wait3A_369] : memref<64x128xf32, #tpu.memory_space<vmem>> -> memref<64x128xf32, #tpu.memory_space<vmem>>
    %dma_wait3A_371 = arith.constant 0 : i32
    %dma_wait3A_372 = tpu.memref_slice %arg5[%arg0, %multiple_of3A_226, %dma_wait3A_371] : memref<2x10000x128xf32, #tpu.memory_space<hbm>> -> memref<1x64x128xf32, #tpu.memory_space<hbm>>
    %dma_wait3A_373 = tpu.memref_squeeze %dma_wait3A_372 : memref<1x64x128xf32, #tpu.memory_space<hbm>> -> memref<64x128xf32, #tpu.memory_space<hbm>>
    %dma_wait3A_374 = arith.constant 0 : i32
    %dma_wait3A_375 = tpu.memref_slice %arg5[%arg0, %multiple_of3A_226, %dma_wait3A_374] : memref<2x10000x128xf32, #tpu.memory_space<hbm>> -> memref<1x64x128xf32, #tpu.memory_space<hbm>>
    %dma_wait3A_376 = tpu.memref_squeeze %dma_wait3A_375 : memref<1x64x128xf32, #tpu.memory_space<hbm>> -> memref<64x128xf32, #tpu.memory_space<hbm>>
    %dma_wait3A_377 = arith.constant 0 : i32
    %dma_wait3A_378 = arith.constant 0 : i32
    %dma_wait3A_379 = tpu.memref_slice %arg30[%dma_wait3A_377, %dma_wait3A_378] : memref<64x128xf32, #tpu.memory_space<vmem>> -> memref<64x128xf32, #tpu.memory_space<vmem>>
    tpu.wait_dma2 semaphore(%arg33 : memref<!tpu.dma_semaphore, #tpu.memory_space<semaphore_mem>>) src(%dma_wait3A_379 : memref<64x128xf32, #tpu.memory_space<vmem>>) dst(%dma_wait3A_376 : memref<64x128xf32, #tpu.memory_space<hbm>>)
    %add3A_380 = arith.constant 448 : i32
    %add3A_381 = arith.addi %multiple_of3A, %add3A_380 : i32
    %multiple_of3A_382 = tpu.assume_multiple %add3A_381, 8 : i32
    "tpu.region"() ({
      %run_scoped3A = tpu.sem_alloc : memref<!tpu.dma_semaphore, #tpu.memory_space<semaphore_mem>>
      %dma_start3A_499 = arith.constant 0 : i32
      %dma_start3A_500 = arith.constant 0 : i32
      %dma_start3A_501 = tpu.memref_slice %arg30[%dma_start3A_499, %dma_start3A_500] : memref<64x128xf32, #tpu.memory_space<vmem>> -> memref<64x128xf32, #tpu.memory_space<vmem>>
      %dma_start3A_502 = arith.constant 0 : i32
      %dma_start3A_503 = tpu.memref_slice %arg6[%multiple_of3A_382, %dma_start3A_502] : memref<10000x128xf32, #tpu.memory_space<vmem_shared>> -> memref<64x128xf32, #tpu.memory_space<vmem_shared>>
      %dma_start3A_504 = arith.constant 0 : i32
      %dma_start3A_505 = arith.constant 0 : i32
      %dma_start3A_506 = tpu.memref_slice %arg30[%dma_start3A_504, %dma_start3A_505] : memref<64x128xf32, #tpu.memory_space<vmem>> -> memref<64x128xf32, #tpu.memory_space<vmem>>
      %dma_start3A_507 = arith.constant 0 : i32
      %dma_start3A_508 = tpu.memref_slice %arg6[%multiple_of3A_382, %dma_start3A_507] : memref<10000x128xf32, #tpu.memory_space<vmem_shared>> -> memref<64x128xf32, #tpu.memory_space<vmem_shared>>
      tpu.enqueue_dma source(%dma_start3A_508 : memref<64x128xf32, #tpu.memory_space<vmem_shared>>) target(%dma_start3A_506 : memref<64x128xf32, #tpu.memory_space<vmem>>) target_semaphore(%run_scoped3A : memref<!tpu.dma_semaphore, #tpu.memory_space<semaphore_mem>>)
      %dma_wait3A_509 = arith.constant 0 : i32
      %dma_wait3A_510 = arith.constant 0 : i32
      %dma_wait3A_511 = tpu.memref_slice %arg30[%dma_wait3A_509, %dma_wait3A_510] : memref<64x128xf32, #tpu.memory_space<vmem>> -> memref<64x128xf32, #tpu.memory_space<vmem>>
      %dma_wait3A_512 = arith.constant 0 : i32
      %dma_wait3A_513 = tpu.memref_slice %arg6[%multiple_of3A_382, %dma_wait3A_512] : memref<10000x128xf32, #tpu.memory_space<vmem_shared>> -> memref<64x128xf32, #tpu.memory_space<vmem_shared>>
      %dma_wait3A_514 = arith.constant 0 : i32
      %dma_wait3A_515 = arith.constant 0 : i32
      %dma_wait3A_516 = tpu.memref_slice %arg30[%dma_wait3A_514, %dma_wait3A_515] : memref<64x128xf32, #tpu.memory_space<vmem>> -> memref<64x128xf32, #tpu.memory_space<vmem>>
      %dma_wait3A_517 = arith.constant 0 : i32
      %dma_wait3A_518 = tpu.memref_slice %arg6[%multiple_of3A_382, %dma_wait3A_517] : memref<10000x128xf32, #tpu.memory_space<vmem_shared>> -> memref<64x128xf32, #tpu.memory_space<vmem_shared>>
      tpu.wait_dma2 semaphore(%run_scoped3A : memref<!tpu.dma_semaphore, #tpu.memory_space<semaphore_mem>>) src(%dma_wait3A_518 : memref<64x128xf32, #tpu.memory_space<vmem_shared>>) dst(%dma_wait3A_516 : memref<64x128xf32, #tpu.memory_space<vmem>>)
      tpu.yield
    }) : () -> ()
    %dma_start3A_383 = arith.constant 0 : i32
    %dma_start3A_384 = arith.constant 0 : i32
    %dma_start3A_385 = tpu.memref_slice %arg30[%dma_start3A_383, %dma_start3A_384] : memref<64x128xf32, #tpu.memory_space<vmem>> -> memref<64x128xf32, #tpu.memory_space<vmem>>
    %dma_start3A_386 = arith.constant 0 : i32
    %dma_start3A_387 = tpu.memref_slice %arg5[%arg0, %multiple_of3A_382, %dma_start3A_386] : memref<2x10000x128xf32, #tpu.memory_space<hbm>> -> memref<1x64x128xf32, #tpu.memory_space<hbm>>
    %dma_start3A_388 = tpu.memref_squeeze %dma_start3A_387 : memref<1x64x128xf32, #tpu.memory_space<hbm>> -> memref<64x128xf32, #tpu.memory_space<hbm>>
    %dma_start3A_389 = arith.constant 0 : i32
    %dma_start3A_390 = tpu.memref_slice %arg5[%arg0, %multiple_of3A_382, %dma_start3A_389] : memref<2x10000x128xf32, #tpu.memory_space<hbm>> -> memref<1x64x128xf32, #tpu.memory_space<hbm>>
    %dma_start3A_391 = tpu.memref_squeeze %dma_start3A_390 : memref<1x64x128xf32, #tpu.memory_space<hbm>> -> memref<64x128xf32, #tpu.memory_space<hbm>>
    %dma_start3A_392 = arith.constant 0 : i32
    %dma_start3A_393 = arith.constant 0 : i32
    %dma_start3A_394 = tpu.memref_slice %arg30[%dma_start3A_392, %dma_start3A_393] : memref<64x128xf32, #tpu.memory_space<vmem>> -> memref<64x128xf32, #tpu.memory_space<vmem>>
    tpu.enqueue_dma source(%dma_start3A_394 : memref<64x128xf32, #tpu.memory_space<vmem>>) target(%dma_start3A_391 : memref<64x128xf32, #tpu.memory_space<hbm>>) target_semaphore(%arg33 : memref<!tpu.dma_semaphore, #tpu.memory_space<semaphore_mem>>)
    %dma_wait3A_395 = arith.constant 0 : i32
    %dma_wait3A_396 = arith.constant 0 : i32
    %dma_wait3A_397 = tpu.memref_slice %arg12[%dma_wait3A_395, %dma_wait3A_396] : memref<64x128xf32, #tpu.memory_space<vmem>> -> memref<64x128xf32, #tpu.memory_space<vmem>>
    %dma_wait3A_398 = arith.constant 0 : i32
    %dma_wait3A_399 = tpu.memref_slice %arg5[%arg0, %multiple_of3A_226, %dma_wait3A_398] : memref<2x10000x128xf32, #tpu.memory_space<hbm>> -> memref<1x64x128xf32, #tpu.memory_space<hbm>>
    %dma_wait3A_400 = tpu.memref_squeeze %dma_wait3A_399 : memref<1x64x128xf32, #tpu.memory_space<hbm>> -> memref<64x128xf32, #tpu.memory_space<hbm>>
    %dma_wait3A_401 = arith.constant 0 : i32
    %dma_wait3A_402 = tpu.memref_slice %arg5[%arg0, %multiple_of3A_226, %dma_wait3A_401] : memref<2x10000x128xf32, #tpu.memory_space<hbm>> -> memref<1x64x128xf32, #tpu.memory_space<hbm>>
    %dma_wait3A_403 = tpu.memref_squeeze %dma_wait3A_402 : memref<1x64x128xf32, #tpu.memory_space<hbm>> -> memref<64x128xf32, #tpu.memory_space<hbm>>
    %dma_wait3A_404 = arith.constant 0 : i32
    %dma_wait3A_405 = arith.constant 0 : i32
    %dma_wait3A_406 = tpu.memref_slice %arg12[%dma_wait3A_404, %dma_wait3A_405] : memref<64x128xf32, #tpu.memory_space<vmem>> -> memref<64x128xf32, #tpu.memory_space<vmem>>
    tpu.wait_dma2 semaphore(%arg15 : memref<!tpu.dma_semaphore, #tpu.memory_space<semaphore_mem>>) src(%dma_wait3A_406 : memref<64x128xf32, #tpu.memory_space<vmem>>) dst(%dma_wait3A_403 : memref<64x128xf32, #tpu.memory_space<hbm>>)
    %add3A_407 = arith.constant 512 : i32
    %add3A_408 = arith.addi %multiple_of3A, %add3A_407 : i32
    %multiple_of3A_409 = tpu.assume_multiple %add3A_408, 8 : i32
    "tpu.region"() ({
      %run_scoped3A = tpu.sem_alloc : memref<!tpu.dma_semaphore, #tpu.memory_space<semaphore_mem>>
      %dma_start3A_499 = arith.constant 0 : i32
      %dma_start3A_500 = arith.constant 0 : i32
      %dma_start3A_501 = tpu.memref_slice %arg12[%dma_start3A_499, %dma_start3A_500] : memref<64x128xf32, #tpu.memory_space<vmem>> -> memref<64x128xf32, #tpu.memory_space<vmem>>
      %dma_start3A_502 = arith.constant 0 : i32
      %dma_start3A_503 = tpu.memref_slice %arg6[%multiple_of3A_409, %dma_start3A_502] : memref<10000x128xf32, #tpu.memory_space<vmem_shared>> -> memref<64x128xf32, #tpu.memory_space<vmem_shared>>
      %dma_start3A_504 = arith.constant 0 : i32
      %dma_start3A_505 = arith.constant 0 : i32
      %dma_start3A_506 = tpu.memref_slice %arg12[%dma_start3A_504, %dma_start3A_505] : memref<64x128xf32, #tpu.memory_space<vmem>> -> memref<64x128xf32, #tpu.memory_space<vmem>>
      %dma_start3A_507 = arith.constant 0 : i32
      %dma_start3A_508 = tpu.memref_slice %arg6[%multiple_of3A_409, %dma_start3A_507] : memref<10000x128xf32, #tpu.memory_space<vmem_shared>> -> memref<64x128xf32, #tpu.memory_space<vmem_shared>>
      tpu.enqueue_dma source(%dma_start3A_508 : memref<64x128xf32, #tpu.memory_space<vmem_shared>>) target(%dma_start3A_506 : memref<64x128xf32, #tpu.memory_space<vmem>>) target_semaphore(%run_scoped3A : memref<!tpu.dma_semaphore, #tpu.memory_space<semaphore_mem>>)
      %dma_wait3A_509 = arith.constant 0 : i32
      %dma_wait3A_510 = arith.constant 0 : i32
      %dma_wait3A_511 = tpu.memref_slice %arg12[%dma_wait3A_509, %dma_wait3A_510] : memref<64x128xf32, #tpu.memory_space<vmem>> -> memref<64x128xf32, #tpu.memory_space<vmem>>
      %dma_wait3A_512 = arith.constant 0 : i32
      %dma_wait3A_513 = tpu.memref_slice %arg6[%multiple_of3A_409, %dma_wait3A_512] : memref<10000x128xf32, #tpu.memory_space<vmem_shared>> -> memref<64x128xf32, #tpu.memory_space<vmem_shared>>
      %dma_wait3A_514 = arith.constant 0 : i32
      %dma_wait3A_515 = arith.constant 0 : i32
      %dma_wait3A_516 = tpu.memref_slice %arg12[%dma_wait3A_514, %dma_wait3A_515] : memref<64x128xf32, #tpu.memory_space<vmem>> -> memref<64x128xf32, #tpu.memory_space<vmem>>
      %dma_wait3A_517 = arith.constant 0 : i32
      %dma_wait3A_518 = tpu.memref_slice %arg6[%multiple_of3A_409, %dma_wait3A_517] : memref<10000x128xf32, #tpu.memory_space<vmem_shared>> -> memref<64x128xf32, #tpu.memory_space<vmem_shared>>
      tpu.wait_dma2 semaphore(%run_scoped3A : memref<!tpu.dma_semaphore, #tpu.memory_space<semaphore_mem>>) src(%dma_wait3A_518 : memref<64x128xf32, #tpu.memory_space<vmem_shared>>) dst(%dma_wait3A_516 : memref<64x128xf32, #tpu.memory_space<vmem>>)
      tpu.yield
    }) : () -> ()
    %dma_start3A_410 = arith.constant 0 : i32
    %dma_start3A_411 = arith.constant 0 : i32
    %dma_start3A_412 = tpu.memref_slice %arg12[%dma_start3A_410, %dma_start3A_411] : memref<64x128xf32, #tpu.memory_space<vmem>> -> memref<64x128xf32, #tpu.memory_space<vmem>>
    %dma_start3A_413 = arith.constant 0 : i32
    %dma_start3A_414 = tpu.memref_slice %arg5[%arg0, %multiple_of3A_409, %dma_start3A_413] : memref<2x10000x128xf32, #tpu.memory_space<hbm>> -> memref<1x64x128xf32, #tpu.memory_space<hbm>>
    %dma_start3A_415 = tpu.memref_squeeze %dma_start3A_414 : memref<1x64x128xf32, #tpu.memory_space<hbm>> -> memref<64x128xf32, #tpu.memory_space<hbm>>
    %dma_start3A_416 = arith.constant 0 : i32
    %dma_start3A_417 = tpu.memref_slice %arg5[%arg0, %multiple_of3A_409, %dma_start3A_416] : memref<2x10000x128xf32, #tpu.memory_space<hbm>> -> memref<1x64x128xf32, #tpu.memory_space<hbm>>
    %dma_start3A_418 = tpu.memref_squeeze %dma_start3A_417 : memref<1x64x128xf32, #tpu.memory_space<hbm>> -> memref<64x128xf32, #tpu.memory_space<hbm>>
    %dma_start3A_419 = arith.constant 0 : i32
    %dma_start3A_420 = arith.constant 0 : i32
    %dma_start3A_421 = tpu.memref_slice %arg12[%dma_start3A_419, %dma_start3A_420] : memref<64x128xf32, #tpu.memory_space<vmem>> -> memref<64x128xf32, #tpu.memory_space<vmem>>
    tpu.enqueue_dma source(%dma_start3A_421 : memref<64x128xf32, #tpu.memory_space<vmem>>) target(%dma_start3A_418 : memref<64x128xf32, #tpu.memory_space<hbm>>) target_semaphore(%arg15 : memref<!tpu.dma_semaphore, #tpu.memory_space<semaphore_mem>>)
    %dma_wait3A_422 = arith.constant 0 : i32
    %dma_wait3A_423 = arith.constant 0 : i32
    %dma_wait3A_424 = tpu.memref_slice %arg18[%dma_wait3A_422, %dma_wait3A_423] : memref<64x128xf32, #tpu.memory_space<vmem>> -> memref<64x128xf32, #tpu.memory_space<vmem>>
    %dma_wait3A_425 = arith.constant 0 : i32
    %dma_wait3A_426 = tpu.memref_slice %arg5[%arg0, %multiple_of3A_226, %dma_wait3A_425] : memref<2x10000x128xf32, #tpu.memory_space<hbm>> -> memref<1x64x128xf32, #tpu.memory_space<hbm>>
    %dma_wait3A_427 = tpu.memref_squeeze %dma_wait3A_426 : memref<1x64x128xf32, #tpu.memory_space<hbm>> -> memref<64x128xf32, #tpu.memory_space<hbm>>
    %dma_wait3A_428 = arith.constant 0 : i32
    %dma_wait3A_429 = tpu.memref_slice %arg5[%arg0, %multiple_of3A_226, %dma_wait3A_428] : memref<2x10000x128xf32, #tpu.memory_space<hbm>> -> memref<1x64x128xf32, #tpu.memory_space<hbm>>
    %dma_wait3A_430 = tpu.memref_squeeze %dma_wait3A_429 : memref<1x64x128xf32, #tpu.memory_space<hbm>> -> memref<64x128xf32, #tpu.memory_space<hbm>>
    %dma_wait3A_431 = arith.constant 0 : i32
    %dma_wait3A_432 = arith.constant 0 : i32
    %dma_wait3A_433 = tpu.memref_slice %arg18[%dma_wait3A_431, %dma_wait3A_432] : memref<64x128xf32, #tpu.memory_space<vmem>> -> memref<64x128xf32, #tpu.memory_space<vmem>>
    tpu.wait_dma2 semaphore(%arg21 : memref<!tpu.dma_semaphore, #tpu.memory_space<semaphore_mem>>) src(%dma_wait3A_433 : memref<64x128xf32, #tpu.memory_space<vmem>>) dst(%dma_wait3A_430 : memref<64x128xf32, #tpu.memory_space<hbm>>)
    "tpu.region"() ({
      %run_scoped3A = tpu.sem_alloc : memref<!tpu.dma_semaphore, #tpu.memory_space<semaphore_mem>>
      %dma_start3A_499 = arith.constant 0 : i32
      %dma_start3A_500 = arith.constant 0 : i32
      %dma_start3A_501 = tpu.memref_slice %arg18[%dma_start3A_499, %dma_start3A_500] : memref<64x128xf32, #tpu.memory_space<vmem>> -> memref<48x128xf32, #tpu.memory_space<vmem>>
      %dma_start3A_502 = arith.constant 0 : i32
      %dma_start3A_503 = tpu.memref_slice %arg6[%multiple_of3A_226, %dma_start3A_502] : memref<10000x128xf32, #tpu.memory_space<vmem_shared>> -> memref<48x128xf32, #tpu.memory_space<vmem_shared>>
      %dma_start3A_504 = arith.constant 0 : i32
      %dma_start3A_505 = arith.constant 0 : i32
      %dma_start3A_506 = tpu.memref_slice %arg18[%dma_start3A_504, %dma_start3A_505] : memref<64x128xf32, #tpu.memory_space<vmem>> -> memref<48x128xf32, #tpu.memory_space<vmem>>
      %dma_start3A_507 = arith.constant 0 : i32
      %dma_start3A_508 = tpu.memref_slice %arg6[%multiple_of3A_226, %dma_start3A_507] : memref<10000x128xf32, #tpu.memory_space<vmem_shared>> -> memref<48x128xf32, #tpu.memory_space<vmem_shared>>
      tpu.enqueue_dma source(%dma_start3A_508 : memref<48x128xf32, #tpu.memory_space<vmem_shared>>) target(%dma_start3A_506 : memref<48x128xf32, #tpu.memory_space<vmem>>) target_semaphore(%run_scoped3A : memref<!tpu.dma_semaphore, #tpu.memory_space<semaphore_mem>>)
      %dma_wait3A_509 = arith.constant 0 : i32
      %dma_wait3A_510 = arith.constant 0 : i32
      %dma_wait3A_511 = tpu.memref_slice %arg18[%dma_wait3A_509, %dma_wait3A_510] : memref<64x128xf32, #tpu.memory_space<vmem>> -> memref<48x128xf32, #tpu.memory_space<vmem>>
      %dma_wait3A_512 = arith.constant 0 : i32
      %dma_wait3A_513 = tpu.memref_slice %arg6[%multiple_of3A_226, %dma_wait3A_512] : memref<10000x128xf32, #tpu.memory_space<vmem_shared>> -> memref<48x128xf32, #tpu.memory_space<vmem_shared>>
      %dma_wait3A_514 = arith.constant 0 : i32
      %dma_wait3A_515 = arith.constant 0 : i32
      %dma_wait3A_516 = tpu.memref_slice %arg18[%dma_wait3A_514, %dma_wait3A_515] : memref<64x128xf32, #tpu.memory_space<vmem>> -> memref<48x128xf32, #tpu.memory_space<vmem>>
      %dma_wait3A_517 = arith.constant 0 : i32
      %dma_wait3A_518 = tpu.memref_slice %arg6[%multiple_of3A_226, %dma_wait3A_517] : memref<10000x128xf32, #tpu.memory_space<vmem_shared>> -> memref<48x128xf32, #tpu.memory_space<vmem_shared>>
      tpu.wait_dma2 semaphore(%run_scoped3A : memref<!tpu.dma_semaphore, #tpu.memory_space<semaphore_mem>>) src(%dma_wait3A_518 : memref<48x128xf32, #tpu.memory_space<vmem_shared>>) dst(%dma_wait3A_516 : memref<48x128xf32, #tpu.memory_space<vmem>>)
      tpu.yield
    }) : () -> ()
    %dma_start3A_434 = arith.constant 0 : i32
    %dma_start3A_435 = arith.constant 0 : i32
    %dma_start3A_436 = tpu.memref_slice %arg18[%dma_start3A_434, %dma_start3A_435] : memref<64x128xf32, #tpu.memory_space<vmem>> -> memref<48x128xf32, #tpu.memory_space<vmem>>
    %dma_start3A_437 = arith.constant 0 : i32
    %dma_start3A_438 = tpu.memref_slice %arg5[%arg0, %multiple_of3A_226, %dma_start3A_437] : memref<2x10000x128xf32, #tpu.memory_space<hbm>> -> memref<1x48x128xf32, #tpu.memory_space<hbm>>
    %dma_start3A_439 = tpu.memref_squeeze %dma_start3A_438 : memref<1x48x128xf32, #tpu.memory_space<hbm>> -> memref<48x128xf32, #tpu.memory_space<hbm>>
    %dma_start3A_440 = arith.constant 0 : i32
    %dma_start3A_441 = tpu.memref_slice %arg5[%arg0, %multiple_of3A_226, %dma_start3A_440] : memref<2x10000x128xf32, #tpu.memory_space<hbm>> -> memref<1x48x128xf32, #tpu.memory_space<hbm>>
    %dma_start3A_442 = tpu.memref_squeeze %dma_start3A_441 : memref<1x48x128xf32, #tpu.memory_space<hbm>> -> memref<48x128xf32, #tpu.memory_space<hbm>>
    %dma_start3A_443 = arith.constant 0 : i32
    %dma_start3A_444 = arith.constant 0 : i32
    %dma_start3A_445 = tpu.memref_slice %arg18[%dma_start3A_443, %dma_start3A_444] : memref<64x128xf32, #tpu.memory_space<vmem>> -> memref<48x128xf32, #tpu.memory_space<vmem>>
    tpu.enqueue_dma source(%dma_start3A_445 : memref<48x128xf32, #tpu.memory_space<vmem>>) target(%dma_start3A_442 : memref<48x128xf32, #tpu.memory_space<hbm>>) target_semaphore(%arg21 : memref<!tpu.dma_semaphore, #tpu.memory_space<semaphore_mem>>)
    %dma_wait3A_446 = arith.constant 0 : i32
    %dma_wait3A_447 = arith.constant 0 : i32
    %dma_wait3A_448 = tpu.memref_slice %arg24[%dma_wait3A_446, %dma_wait3A_447] : memref<64x128xf32, #tpu.memory_space<vmem>> -> memref<64x128xf32, #tpu.memory_space<vmem>>
    %dma_wait3A_449 = arith.constant 0 : i32
    %dma_wait3A_450 = tpu.memref_slice %arg5[%arg0, %multiple_of3A_226, %dma_wait3A_449] : memref<2x10000x128xf32, #tpu.memory_space<hbm>> -> memref<1x64x128xf32, #tpu.memory_space<hbm>>
    %dma_wait3A_451 = tpu.memref_squeeze %dma_wait3A_450 : memref<1x64x128xf32, #tpu.memory_space<hbm>> -> memref<64x128xf32, #tpu.memory_space<hbm>>
    %dma_wait3A_452 = arith.constant 0 : i32
    %dma_wait3A_453 = tpu.memref_slice %arg5[%arg0, %multiple_of3A_226, %dma_wait3A_452] : memref<2x10000x128xf32, #tpu.memory_space<hbm>> -> memref<1x64x128xf32, #tpu.memory_space<hbm>>
    %dma_wait3A_454 = tpu.memref_squeeze %dma_wait3A_453 : memref<1x64x128xf32, #tpu.memory_space<hbm>> -> memref<64x128xf32, #tpu.memory_space<hbm>>
    %dma_wait3A_455 = arith.constant 0 : i32
    %dma_wait3A_456 = arith.constant 0 : i32
    %dma_wait3A_457 = tpu.memref_slice %arg24[%dma_wait3A_455, %dma_wait3A_456] : memref<64x128xf32, #tpu.memory_space<vmem>> -> memref<64x128xf32, #tpu.memory_space<vmem>>
    tpu.wait_dma2 semaphore(%arg27 : memref<!tpu.dma_semaphore, #tpu.memory_space<semaphore_mem>>) src(%dma_wait3A_457 : memref<64x128xf32, #tpu.memory_space<vmem>>) dst(%dma_wait3A_454 : memref<64x128xf32, #tpu.memory_space<hbm>>)
    %dma_wait3A_458 = arith.constant 0 : i32
    %dma_wait3A_459 = arith.constant 0 : i32
    %dma_wait3A_460 = tpu.memref_slice %arg30[%dma_wait3A_458, %dma_wait3A_459] : memref<64x128xf32, #tpu.memory_space<vmem>> -> memref<64x128xf32, #tpu.memory_space<vmem>>
    %dma_wait3A_461 = arith.constant 0 : i32
    %dma_wait3A_462 = tpu.memref_slice %arg5[%arg0, %multiple_of3A_226, %dma_wait3A_461] : memref<2x10000x128xf32, #tpu.memory_space<hbm>> -> memref<1x64x128xf32, #tpu.memory_space<hbm>>
    %dma_wait3A_463 = tpu.memref_squeeze %dma_wait3A_462 : memref<1x64x128xf32, #tpu.memory_space<hbm>> -> memref<64x128xf32, #tpu.memory_space<hbm>>
    %dma_wait3A_464 = arith.constant 0 : i32
    %dma_wait3A_465 = tpu.memref_slice %arg5[%arg0, %multiple_of3A_226, %dma_wait3A_464] : memref<2x10000x128xf32, #tpu.memory_space<hbm>> -> memref<1x64x128xf32, #tpu.memory_space<hbm>>
    %dma_wait3A_466 = tpu.memref_squeeze %dma_wait3A_465 : memref<1x64x128xf32, #tpu.memory_space<hbm>> -> memref<64x128xf32, #tpu.memory_space<hbm>>
    %dma_wait3A_467 = arith.constant 0 : i32
    %dma_wait3A_468 = arith.constant 0 : i32
    %dma_wait3A_469 = tpu.memref_slice %arg30[%dma_wait3A_467, %dma_wait3A_468] : memref<64x128xf32, #tpu.memory_space<vmem>> -> memref<64x128xf32, #tpu.memory_space<vmem>>
    tpu.wait_dma2 semaphore(%arg33 : memref<!tpu.dma_semaphore, #tpu.memory_space<semaphore_mem>>) src(%dma_wait3A_469 : memref<64x128xf32, #tpu.memory_space<vmem>>) dst(%dma_wait3A_466 : memref<64x128xf32, #tpu.memory_space<hbm>>)
    %dma_wait3A_470 = arith.constant 0 : i32
    %dma_wait3A_471 = arith.constant 0 : i32
    %dma_wait3A_472 = tpu.memref_slice %arg12[%dma_wait3A_470, %dma_wait3A_471] : memref<64x128xf32, #tpu.memory_space<vmem>> -> memref<64x128xf32, #tpu.memory_space<vmem>>
    %dma_wait3A_473 = arith.constant 0 : i32
    %dma_wait3A_474 = tpu.memref_slice %arg5[%arg0, %multiple_of3A_226, %dma_wait3A_473] : memref<2x10000x128xf32, #tpu.memory_space<hbm>> -> memref<1x64x128xf32, #tpu.memory_space<hbm>>
    %dma_wait3A_475 = tpu.memref_squeeze %dma_wait3A_474 : memref<1x64x128xf32, #tpu.memory_space<hbm>> -> memref<64x128xf32, #tpu.memory_space<hbm>>
    %dma_wait3A_476 = arith.constant 0 : i32
    %dma_wait3A_477 = tpu.memref_slice %arg5[%arg0, %multiple_of3A_226, %dma_wait3A_476] : memref<2x10000x128xf32, #tpu.memory_space<hbm>> -> memref<1x64x128xf32, #tpu.memory_space<hbm>>
    %dma_wait3A_478 = tpu.memref_squeeze %dma_wait3A_477 : memref<1x64x128xf32, #tpu.memory_space<hbm>> -> memref<64x128xf32, #tpu.memory_space<hbm>>
    %dma_wait3A_479 = arith.constant 0 : i32
    %dma_wait3A_480 = arith.constant 0 : i32
    %dma_wait3A_481 = tpu.memref_slice %arg12[%dma_wait3A_479, %dma_wait3A_480] : memref<64x128xf32, #tpu.memory_space<vmem>> -> memref<64x128xf32, #tpu.memory_space<vmem>>
    tpu.wait_dma2 semaphore(%arg15 : memref<!tpu.dma_semaphore, #tpu.memory_space<semaphore_mem>>) src(%dma_wait3A_481 : memref<64x128xf32, #tpu.memory_space<vmem>>) dst(%dma_wait3A_478 : memref<64x128xf32, #tpu.memory_space<hbm>>)
    %dma_wait3A_482 = arith.constant 0 : i32
    %dma_wait3A_483 = arith.constant 0 : i32
    %dma_wait3A_484 = tpu.memref_slice %arg18[%dma_wait3A_482, %dma_wait3A_483] : memref<64x128xf32, #tpu.memory_space<vmem>> -> memref<48x128xf32, #tpu.memory_space<vmem>>
    %dma_wait3A_485 = arith.constant 0 : i32
    %dma_wait3A_486 = tpu.memref_slice %arg5[%arg0, %multiple_of3A_226, %dma_wait3A_485] : memref<2x10000x128xf32, #tpu.memory_space<hbm>> -> memref<1x48x128xf32, #tpu.memory_space<hbm>>
    %dma_wait3A_487 = tpu.memref_squeeze %dma_wait3A_486 : memref<1x48x128xf32, #tpu.memory_space<hbm>> -> memref<48x128xf32, #tpu.memory_space<hbm>>
    %dma_wait3A_488 = arith.constant 0 : i32
    %dma_wait3A_489 = tpu.memref_slice %arg5[%arg0, %multiple_of3A_226, %dma_wait3A_488] : memref<2x10000x128xf32, #tpu.memory_space<hbm>> -> memref<1x48x128xf32, #tpu.memory_space<hbm>>
    %dma_wait3A_490 = tpu.memref_squeeze %dma_wait3A_489 : memref<1x48x128xf32, #tpu.memory_space<hbm>> -> memref<48x128xf32, #tpu.memory_space<hbm>>
    %dma_wait3A_491 = arith.constant 0 : i32
    %dma_wait3A_492 = arith.constant 0 : i32
    %dma_wait3A_493 = tpu.memref_slice %arg18[%dma_wait3A_491, %dma_wait3A_492] : memref<64x128xf32, #tpu.memory_space<vmem>> -> memref<48x128xf32, #tpu.memory_space<vmem>>
    tpu.wait_dma2 semaphore(%arg21 : memref<!tpu.dma_semaphore, #tpu.memory_space<semaphore_mem>>) src(%dma_wait3A_493 : memref<48x128xf32, #tpu.memory_space<vmem>>) dst(%dma_wait3A_490 : memref<48x128xf32, #tpu.memory_space<hbm>>)
    %eq3A_494 = arith.constant 15 : i32
    %eq3A_495 = arith.cmpi eq, %arg1, %eq3A_494 : i32
    %convert_element_type3A_496 = arith.extui %eq3A_495 : i1 to i32
    %cond3A_497 = arith.constant 0 : i32
    %cond3A_498 = arith.cmpi ne, %convert_element_type3A_496, %cond3A_497 : i32
    scf.if %cond3A_498 {
      "tpu.region"() ({
        %run_scoped3A = tpu.sem_alloc : memref<!tpu.dma_semaphore, #tpu.memory_space<semaphore_mem>>
        %dma_start3A_499 = arith.constant 0 : i32
        %dma_start3A_500 = arith.constant 0 : i32
        %dma_start3A_501 = tpu.memref_slice %arg12[%dma_start3A_499, %dma_start3A_500] : memref<64x128xf32, #tpu.memory_space<vmem>> -> memref<16x128xf32, #tpu.memory_space<vmem>>
        %dma_start3A_502 = arith.constant 9984 : i32
        %dma_start3A_503 = arith.constant 0 : i32
        %dma_start3A_504 = tpu.memref_slice %arg6[%dma_start3A_502, %dma_start3A_503] : memref<10000x128xf32, #tpu.memory_space<vmem_shared>> -> memref<16x128xf32, #tpu.memory_space<vmem_shared>>
        %dma_start3A_505 = arith.constant 0 : i32
        %dma_start3A_506 = arith.constant 0 : i32
        %dma_start3A_507 = tpu.memref_slice %arg12[%dma_start3A_505, %dma_start3A_506] : memref<64x128xf32, #tpu.memory_space<vmem>> -> memref<16x128xf32, #tpu.memory_space<vmem>>
        %dma_start3A_508 = arith.constant 9984 : i32
        %dma_start3A_509 = arith.constant 0 : i32
        %dma_start3A_510 = tpu.memref_slice %arg6[%dma_start3A_508, %dma_start3A_509] : memref<10000x128xf32, #tpu.memory_space<vmem_shared>> -> memref<16x128xf32, #tpu.memory_space<vmem_shared>>
        tpu.enqueue_dma source(%dma_start3A_510 : memref<16x128xf32, #tpu.memory_space<vmem_shared>>) target(%dma_start3A_507 : memref<16x128xf32, #tpu.memory_space<vmem>>) target_semaphore(%run_scoped3A : memref<!tpu.dma_semaphore, #tpu.memory_space<semaphore_mem>>)
        %dma_wait3A_511 = arith.constant 0 : i32
        %dma_wait3A_512 = arith.constant 0 : i32
        %dma_wait3A_513 = tpu.memref_slice %arg12[%dma_wait3A_511, %dma_wait3A_512] : memref<64x128xf32, #tpu.memory_space<vmem>> -> memref<16x128xf32, #tpu.memory_space<vmem>>
        %dma_wait3A_514 = arith.constant 9984 : i32
        %dma_wait3A_515 = arith.constant 0 : i32
        %dma_wait3A_516 = tpu.memref_slice %arg6[%dma_wait3A_514, %dma_wait3A_515] : memref<10000x128xf32, #tpu.memory_space<vmem_shared>> -> memref<16x128xf32, #tpu.memory_space<vmem_shared>>
        %dma_wait3A_517 = arith.constant 0 : i32
        %dma_wait3A_518 = arith.constant 0 : i32
        %dma_wait3A_519 = tpu.memref_slice %arg12[%dma_wait3A_517, %dma_wait3A_518] : memref<64x128xf32, #tpu.memory_space<vmem>> -> memref<16x128xf32, #tpu.memory_space<vmem>>
        %dma_wait3A_520 = arith.constant 9984 : i32
        %dma_wait3A_521 = arith.constant 0 : i32
        %dma_wait3A_522 = tpu.memref_slice %arg6[%dma_wait3A_520, %dma_wait3A_521] : memref<10000x128xf32, #tpu.memory_space<vmem_shared>> -> memref<16x128xf32, #tpu.memory_space<vmem_shared>>
        tpu.wait_dma2 semaphore(%run_scoped3A : memref<!tpu.dma_semaphore, #tpu.memory_space<semaphore_mem>>) src(%dma_wait3A_522 : memref<16x128xf32, #tpu.memory_space<vmem_shared>>) dst(%dma_wait3A_519 : memref<16x128xf32, #tpu.memory_space<vmem>>)
        tpu.yield
      }) : () -> ()
      "tpu.region"() ({
        %run_scoped3A = tpu.sem_alloc : memref<!tpu.dma_semaphore, #tpu.memory_space<semaphore_mem>>
        %dma_start3A_499 = arith.constant 0 : i32
        %dma_start3A_500 = arith.constant 0 : i32
        %dma_start3A_501 = tpu.memref_slice %arg12[%dma_start3A_499, %dma_start3A_500] : memref<64x128xf32, #tpu.memory_space<vmem>> -> memref<16x128xf32, #tpu.memory_space<vmem>>
        %dma_start3A_502 = arith.constant 9984 : i32
        %dma_start3A_503 = arith.constant 0 : i32
        %dma_start3A_504 = tpu.memref_slice %arg5[%arg0, %dma_start3A_502, %dma_start3A_503] : memref<2x10000x128xf32, #tpu.memory_space<hbm>> -> memref<1x16x128xf32, #tpu.memory_space<hbm>>
        %dma_start3A_505 = tpu.memref_squeeze %dma_start3A_504 : memref<1x16x128xf32, #tpu.memory_space<hbm>> -> memref<16x128xf32, #tpu.memory_space<hbm>>
        %dma_start3A_506 = arith.constant 9984 : i32
        %dma_start3A_507 = arith.constant 0 : i32
        %dma_start3A_508 = tpu.memref_slice %arg5[%arg0, %dma_start3A_506, %dma_start3A_507] : memref<2x10000x128xf32, #tpu.memory_space<hbm>> -> memref<1x16x128xf32, #tpu.memory_space<hbm>>
        %dma_start3A_509 = tpu.memref_squeeze %dma_start3A_508 : memref<1x16x128xf32, #tpu.memory_space<hbm>> -> memref<16x128xf32, #tpu.memory_space<hbm>>
        %dma_start3A_510 = arith.constant 0 : i32
        %dma_start3A_511 = arith.constant 0 : i32
        %dma_start3A_512 = tpu.memref_slice %arg12[%dma_start3A_510, %dma_start3A_511] : memref<64x128xf32, #tpu.memory_space<vmem>> -> memref<16x128xf32, #tpu.memory_space<vmem>>
        tpu.enqueue_dma source(%dma_start3A_512 : memref<16x128xf32, #tpu.memory_space<vmem>>) target(%dma_start3A_509 : memref<16x128xf32, #tpu.memory_space<hbm>>) target_semaphore(%run_scoped3A : memref<!tpu.dma_semaphore, #tpu.memory_space<semaphore_mem>>)
        %dma_wait3A_513 = arith.constant 0 : i32
        %dma_wait3A_514 = arith.constant 0 : i32
        %dma_wait3A_515 = tpu.memref_slice %arg12[%dma_wait3A_513, %dma_wait3A_514] : memref<64x128xf32, #tpu.memory_space<vmem>> -> memref<16x128xf32, #tpu.memory_space<vmem>>
        %dma_wait3A_516 = arith.constant 9984 : i32
        %dma_wait3A_517 = arith.constant 0 : i32
        %dma_wait3A_518 = tpu.memref_slice %arg5[%arg0, %dma_wait3A_516, %dma_wait3A_517] : memref<2x10000x128xf32, #tpu.memory_space<hbm>> -> memref<1x16x128xf32, #tpu.memory_space<hbm>>
        %dma_wait3A_519 = tpu.memref_squeeze %dma_wait3A_518 : memref<1x16x128xf32, #tpu.memory_space<hbm>> -> memref<16x128xf32, #tpu.memory_space<hbm>>
        %dma_wait3A_520 = arith.constant 9984 : i32
        %dma_wait3A_521 = arith.constant 0 : i32
        %dma_wait3A_522 = tpu.memref_slice %arg5[%arg0, %dma_wait3A_520, %dma_wait3A_521] : memref<2x10000x128xf32, #tpu.memory_space<hbm>> -> memref<1x16x128xf32, #tpu.memory_space<hbm>>
        %dma_wait3A_523 = tpu.memref_squeeze %dma_wait3A_522 : memref<1x16x128xf32, #tpu.memory_space<hbm>> -> memref<16x128xf32, #tpu.memory_space<hbm>>
        %dma_wait3A_524 = arith.constant 0 : i32
        %dma_wait3A_525 = arith.constant 0 : i32
        %dma_wait3A_526 = tpu.memref_slice %arg12[%dma_wait3A_524, %dma_wait3A_525] : memref<64x128xf32, #tpu.memory_space<vmem>> -> memref<16x128xf32, #tpu.memory_space<vmem>>
        tpu.wait_dma2 semaphore(%run_scoped3A : memref<!tpu.dma_semaphore, #tpu.memory_space<semaphore_mem>>) src(%dma_wait3A_526 : memref<16x128xf32, #tpu.memory_space<vmem>>) dst(%dma_wait3A_523 : memref<16x128xf32, #tpu.memory_space<hbm>>)
        tpu.yield
      }) : () -> ()
    } else {
    }
    return
  }
}

#map = affine_map<(d0, d1) -> (0, 0)>
#map1 = affine_map<(d0, d1) -> (0)>
#map2 = affine_map<(d0, d1) -> (0, 0, 0)>
module attributes {stable_mosaic.version = 14 : i64} {
  func.func @sc_agg_d128_deg(%arg0: i32, %arg1: i32, %arg2: memref<10000x128xf32, #tpu.memory_space<hbm>>, %arg3: memref<320000xi32, #tpu.memory_space<hbm>>, %arg4: memref<320000xi32, #tpu.memory_space<hbm>>, %arg5: memref<2x10000x128xf32, #tpu.memory_space<hbm>>, %arg6: memref<20000xf32, #tpu.memory_space<hbm>>, %arg7: memref<10000x128xf32, #tpu.memory_space<vmem_shared>>, %arg8: memref<10000xi32, #tpu.memory_space<vmem>>, %arg9: memref<16xi32, #tpu.memory_space<vmem>>, %arg10: memref<16x128xf32, #tpu.memory_space<vmem>>, %arg11: memref<!tpu.dma_semaphore, #tpu.memory_space<semaphore_mem>>, %arg12: memref<64xi32, #tpu.memory_space<vmem>>, %arg13: memref<64x128xf32, #tpu.memory_space<vmem>>, %arg14: memref<!tpu.dma_semaphore, #tpu.memory_space<semaphore_mem>>, %arg15: memref<!tpu.dma_semaphore, #tpu.memory_space<semaphore_mem>>, %arg16: memref<!tpu.dma_semaphore, #tpu.memory_space<semaphore_mem>>, %arg17: memref<!tpu.dma_semaphore, #tpu.memory_space<semaphore_mem>>, %arg18: memref<64xi32, #tpu.memory_space<vmem>>, %arg19: memref<64x128xf32, #tpu.memory_space<vmem>>, %arg20: memref<!tpu.dma_semaphore, #tpu.memory_space<semaphore_mem>>, %arg21: memref<!tpu.dma_semaphore, #tpu.memory_space<semaphore_mem>>, %arg22: memref<!tpu.dma_semaphore, #tpu.memory_space<semaphore_mem>>, %arg23: memref<!tpu.dma_semaphore, #tpu.memory_space<semaphore_mem>>, %arg24: memref<64xi32, #tpu.memory_space<vmem>>, %arg25: memref<64x128xf32, #tpu.memory_space<vmem>>, %arg26: memref<!tpu.dma_semaphore, #tpu.memory_space<semaphore_mem>>, %arg27: memref<!tpu.dma_semaphore, #tpu.memory_space<semaphore_mem>>, %arg28: memref<!tpu.dma_semaphore, #tpu.memory_space<semaphore_mem>>, %arg29: memref<!tpu.dma_semaphore, #tpu.memory_space<semaphore_mem>>, %arg30: memref<64xi32, #tpu.memory_space<vmem>>, %arg31: memref<64x128xf32, #tpu.memory_space<vmem>>, %arg32: memref<!tpu.dma_semaphore, #tpu.memory_space<semaphore_mem>>, %arg33: memref<!tpu.dma_semaphore, #tpu.memory_space<semaphore_mem>>, %arg34: memref<!tpu.dma_semaphore, #tpu.memory_space<semaphore_mem>>, %arg35: memref<!tpu.dma_semaphore, #tpu.memory_space<semaphore_mem>>, %arg36: memref<10000xf32, #tpu.memory_space<vmem_shared>>, %arg37: memref<64xf32, #tpu.memory_space<vmem>>, %arg38: memref<624xf32, #tpu.memory_space<vmem>>) attributes {dimension_semantics = [#tpu.dimension_semantics<core_parallel>, #tpu.dimension_semantics<subcore_parallel>], iteration_bounds = array<i64: 2, 16>, scalar_prefetch = 0 : i64, scratch_operands = 32 : i64, tpu.core_type = #tpu.core_type<sc_vector_subcore>, window_params = [{transform_indices = #map}, {transform_indices = #map1}, {transform_indices = #map1}, {transform_indices = #map2}, {transform_indices = #map1}]} {
    %mul3A = arith.constant 16 : i32
    %mul3A_0 = arith.muli %arg0, %mul3A : i32
    %add3A = arith.addi %mul3A_0, %arg1 : i32
    %mul3A_1 = arith.constant 624 : i32
    %mul3A_2 = arith.muli %arg1, %mul3A_1 : i32
    %multiple_of3A = tpu.assume_multiple %mul3A_2, 8 : i32
    %mul3A_3 = arith.constant 10000 : i32
    %mul3A_4 = arith.muli %add3A, %mul3A_3 : i32
    %multiple_of3A_5 = tpu.assume_multiple %mul3A_4, 8 : i32
    %broadcast_in_dim3A = arith.constant 0.000000e+00 : f32
    %broadcast_in_dim3A_6 = vector.broadcast %broadcast_in_dim3A : f32 to vector<16xf32>
    %scan3A = arith.constant 0 : i32
    %scan3A_7 = arith.constant 0 : i32
    %scan3A_8 = arith.constant 64 : i32
    %scan3A_9 = arith.addi %scan3A_7, %scan3A_8 : i32
    %scan3A_10 = arith.constant 1 : i32
    scf.for %scan3A_694 = %scan3A_7 to %scan3A_9 step %scan3A_10  : i32 {
      %swap3A_695 = arith.index_cast %scan3A_694 : i32 to index
      %swap3A_696 = arith.constant 0 : index
      %swap3A_697 = tpu.vector_load %arg13[%swap3A_695, %swap3A_696] {strides = array<i32>} : memref<64x128xf32, #tpu.memory_space<vmem>>, vector<1x16xf32>,
      %swap3A_698 = vector.shape_cast %swap3A_697 : vector<1x16xf32> to vector<16xf32>
      %swap3A_699 = vector.shape_cast %broadcast_in_dim3A_6 : vector<16xf32> to vector<1x16xf32>
      tpu.vector_store %arg13[%swap3A_695, %swap3A_696], %swap3A_699 {strides = array<i32>} : memref<64x128xf32, #tpu.memory_space<vmem>>, vector<1x16xf32>,
      %swap3A_700 = arith.index_cast %scan3A_694 : i32 to index
      %swap3A_701 = arith.constant 16 : index
      %swap3A_702 = tpu.vector_load %arg13[%swap3A_700, %swap3A_701] {strides = array<i32>} : memref<64x128xf32, #tpu.memory_space<vmem>>, vector<1x16xf32>,
      %swap3A_703 = vector.shape_cast %swap3A_702 : vector<1x16xf32> to vector<16xf32>
      %swap3A_704 = vector.shape_cast %broadcast_in_dim3A_6 : vector<16xf32> to vector<1x16xf32>
      tpu.vector_store %arg13[%swap3A_700, %swap3A_701], %swap3A_704 {strides = array<i32>} : memref<64x128xf32, #tpu.memory_space<vmem>>, vector<1x16xf32>,
      %swap3A_705 = arith.index_cast %scan3A_694 : i32 to index
      %swap3A_706 = arith.constant 32 : index
      %swap3A_707 = tpu.vector_load %arg13[%swap3A_705, %swap3A_706] {strides = array<i32>} : memref<64x128xf32, #tpu.memory_space<vmem>>, vector<1x16xf32>,
      %swap3A_708 = vector.shape_cast %swap3A_707 : vector<1x16xf32> to vector<16xf32>
      %swap3A_709 = vector.shape_cast %broadcast_in_dim3A_6 : vector<16xf32> to vector<1x16xf32>
      tpu.vector_store %arg13[%swap3A_705, %swap3A_706], %swap3A_709 {strides = array<i32>} : memref<64x128xf32, #tpu.memory_space<vmem>>, vector<1x16xf32>,
      %swap3A_710 = arith.index_cast %scan3A_694 : i32 to index
      %swap3A_711 = arith.constant 48 : index
      %swap3A_712 = tpu.vector_load %arg13[%swap3A_710, %swap3A_711] {strides = array<i32>} : memref<64x128xf32, #tpu.memory_space<vmem>>, vector<1x16xf32>,
      %swap3A_713 = vector.shape_cast %swap3A_712 : vector<1x16xf32> to vector<16xf32>
      %swap3A_714 = vector.shape_cast %broadcast_in_dim3A_6 : vector<16xf32> to vector<1x16xf32>
      tpu.vector_store %arg13[%swap3A_710, %swap3A_711], %swap3A_714 {strides = array<i32>} : memref<64x128xf32, #tpu.memory_space<vmem>>, vector<1x16xf32>,
      %swap3A_715 = arith.index_cast %scan3A_694 : i32 to index
      %swap3A_716 = arith.constant 64 : index
      %swap3A_717 = tpu.vector_load %arg13[%swap3A_715, %swap3A_716] {strides = array<i32>} : memref<64x128xf32, #tpu.memory_space<vmem>>, vector<1x16xf32>,
      %swap3A_718 = vector.shape_cast %swap3A_717 : vector<1x16xf32> to vector<16xf32>
      %swap3A_719 = vector.shape_cast %broadcast_in_dim3A_6 : vector<16xf32> to vector<1x16xf32>
      tpu.vector_store %arg13[%swap3A_715, %swap3A_716], %swap3A_719 {strides = array<i32>} : memref<64x128xf32, #tpu.memory_space<vmem>>, vector<1x16xf32>,
      %swap3A_720 = arith.index_cast %scan3A_694 : i32 to index
      %swap3A_721 = arith.constant 80 : index
      %swap3A_722 = tpu.vector_load %arg13[%swap3A_720, %swap3A_721] {strides = array<i32>} : memref<64x128xf32, #tpu.memory_space<vmem>>, vector<1x16xf32>,
      %swap3A_723 = vector.shape_cast %swap3A_722 : vector<1x16xf32> to vector<16xf32>
      %swap3A_724 = vector.shape_cast %broadcast_in_dim3A_6 : vector<16xf32> to vector<1x16xf32>
      tpu.vector_store %arg13[%swap3A_720, %swap3A_721], %swap3A_724 {strides = array<i32>} : memref<64x128xf32, #tpu.memory_space<vmem>>, vector<1x16xf32>,
      %swap3A_725 = arith.index_cast %scan3A_694 : i32 to index
      %swap3A_726 = arith.constant 96 : index
      %swap3A_727 = tpu.vector_load %arg13[%swap3A_725, %swap3A_726] {strides = array<i32>} : memref<64x128xf32, #tpu.memory_space<vmem>>, vector<1x16xf32>,
      %swap3A_728 = vector.shape_cast %swap3A_727 : vector<1x16xf32> to vector<16xf32>
      %swap3A_729 = vector.shape_cast %broadcast_in_dim3A_6 : vector<16xf32> to vector<1x16xf32>
      tpu.vector_store %arg13[%swap3A_725, %swap3A_726], %swap3A_729 {strides = array<i32>} : memref<64x128xf32, #tpu.memory_space<vmem>>, vector<1x16xf32>,
      %swap3A_730 = arith.index_cast %scan3A_694 : i32 to index
      %swap3A_731 = arith.constant 112 : index
      %swap3A_732 = tpu.vector_load %arg13[%swap3A_730, %swap3A_731] {strides = array<i32>} : memref<64x128xf32, #tpu.memory_space<vmem>>, vector<1x16xf32>,
      %swap3A_733 = vector.shape_cast %swap3A_732 : vector<1x16xf32> to vector<16xf32>
      %swap3A_734 = vector.shape_cast %broadcast_in_dim3A_6 : vector<16xf32> to vector<1x16xf32>
      tpu.vector_store %arg13[%swap3A_730, %swap3A_731], %swap3A_734 {strides = array<i32>} : memref<64x128xf32, #tpu.memory_space<vmem>>, vector<1x16xf32>,
    }
    %scan3A_11 = arith.constant 64 : i32
    %add3A_12 = arith.constant 0 : i32
    %add3A_13 = arith.addi %multiple_of3A, %add3A_12 : i32
    %dma_start3A = arith.constant 0 : i32
    %dma_start3A_14 = tpu.memref_slice %arg7[%add3A_13, %dma_start3A] : memref<10000x128xf32, #tpu.memory_space<vmem_shared>> -> memref<64x128xf32, #tpu.memory_space<vmem_shared>>
    %dma_start3A_15 = arith.constant 0 : i32
    %dma_start3A_16 = tpu.memref_slice %arg7[%add3A_13, %dma_start3A_15] : memref<10000x128xf32, #tpu.memory_space<vmem_shared>> -> memref<64x128xf32, #tpu.memory_space<vmem_shared>>
    tpu.enqueue_dma source(%arg13 : memref<64x128xf32, #tpu.memory_space<vmem>>) target(%dma_start3A_16 : memref<64x128xf32, #tpu.memory_space<vmem_shared>>) target_semaphore(%arg16 : memref<!tpu.dma_semaphore, #tpu.memory_space<semaphore_mem>>)
    %add3A_17 = arith.constant 64 : i32
    %add3A_18 = arith.addi %multiple_of3A, %add3A_17 : i32
    %dma_start3A_19 = arith.constant 0 : i32
    %dma_start3A_20 = tpu.memref_slice %arg7[%add3A_18, %dma_start3A_19] : memref<10000x128xf32, #tpu.memory_space<vmem_shared>> -> memref<64x128xf32, #tpu.memory_space<vmem_shared>>
    %dma_start3A_21 = arith.constant 0 : i32
    %dma_start3A_22 = tpu.memref_slice %arg7[%add3A_18, %dma_start3A_21] : memref<10000x128xf32, #tpu.memory_space<vmem_shared>> -> memref<64x128xf32, #tpu.memory_space<vmem_shared>>
    tpu.enqueue_dma source(%arg13 : memref<64x128xf32, #tpu.memory_space<vmem>>) target(%dma_start3A_22 : memref<64x128xf32, #tpu.memory_space<vmem_shared>>) target_semaphore(%arg22 : memref<!tpu.dma_semaphore, #tpu.memory_space<semaphore_mem>>)
    %add3A_23 = arith.constant 128 : i32
    %add3A_24 = arith.addi %multiple_of3A, %add3A_23 : i32
    %dma_start3A_25 = arith.constant 0 : i32
    %dma_start3A_26 = tpu.memref_slice %arg7[%add3A_24, %dma_start3A_25] : memref<10000x128xf32, #tpu.memory_space<vmem_shared>> -> memref<64x128xf32, #tpu.memory_space<vmem_shared>>
    %dma_start3A_27 = arith.constant 0 : i32
    %dma_start3A_28 = tpu.memref_slice %arg7[%add3A_24, %dma_start3A_27] : memref<10000x128xf32, #tpu.memory_space<vmem_shared>> -> memref<64x128xf32, #tpu.memory_space<vmem_shared>>
    tpu.enqueue_dma source(%arg13 : memref<64x128xf32, #tpu.memory_space<vmem>>) target(%dma_start3A_28 : memref<64x128xf32, #tpu.memory_space<vmem_shared>>) target_semaphore(%arg28 : memref<!tpu.dma_semaphore, #tpu.memory_space<semaphore_mem>>)
    %add3A_29 = arith.constant 192 : i32
    %add3A_30 = arith.addi %multiple_of3A, %add3A_29 : i32
    %dma_start3A_31 = arith.constant 0 : i32
    %dma_start3A_32 = tpu.memref_slice %arg7[%add3A_30, %dma_start3A_31] : memref<10000x128xf32, #tpu.memory_space<vmem_shared>> -> memref<64x128xf32, #tpu.memory_space<vmem_shared>>
    %dma_start3A_33 = arith.constant 0 : i32
    %dma_start3A_34 = tpu.memref_slice %arg7[%add3A_30, %dma_start3A_33] : memref<10000x128xf32, #tpu.memory_space<vmem_shared>> -> memref<64x128xf32, #tpu.memory_space<vmem_shared>>
    tpu.enqueue_dma source(%arg13 : memref<64x128xf32, #tpu.memory_space<vmem>>) target(%dma_start3A_34 : memref<64x128xf32, #tpu.memory_space<vmem_shared>>) target_semaphore(%arg34 : memref<!tpu.dma_semaphore, #tpu.memory_space<semaphore_mem>>)
    %add3A_35 = arith.constant 256 : i32
    %add3A_36 = arith.addi %multiple_of3A, %add3A_35 : i32
    %dma_start3A_37 = arith.constant 0 : i32
    %dma_start3A_38 = tpu.memref_slice %arg7[%add3A_36, %dma_start3A_37] : memref<10000x128xf32, #tpu.memory_space<vmem_shared>> -> memref<64x128xf32, #tpu.memory_space<vmem_shared>>
    %dma_start3A_39 = arith.constant 0 : i32
    %dma_start3A_40 = tpu.memref_slice %arg7[%add3A_36, %dma_start3A_39] : memref<10000x128xf32, #tpu.memory_space<vmem_shared>> -> memref<64x128xf32, #tpu.memory_space<vmem_shared>>
    tpu.enqueue_dma source(%arg13 : memref<64x128xf32, #tpu.memory_space<vmem>>) target(%dma_start3A_40 : memref<64x128xf32, #tpu.memory_space<vmem_shared>>) target_semaphore(%arg16 : memref<!tpu.dma_semaphore, #tpu.memory_space<semaphore_mem>>)
    %add3A_41 = arith.constant 320 : i32
    %add3A_42 = arith.addi %multiple_of3A, %add3A_41 : i32
    %dma_start3A_43 = arith.constant 0 : i32
    %dma_start3A_44 = tpu.memref_slice %arg7[%add3A_42, %dma_start3A_43] : memref<10000x128xf32, #tpu.memory_space<vmem_shared>> -> memref<64x128xf32, #tpu.memory_space<vmem_shared>>
    %dma_start3A_45 = arith.constant 0 : i32
    %dma_start3A_46 = tpu.memref_slice %arg7[%add3A_42, %dma_start3A_45] : memref<10000x128xf32, #tpu.memory_space<vmem_shared>> -> memref<64x128xf32, #tpu.memory_space<vmem_shared>>
    tpu.enqueue_dma source(%arg13 : memref<64x128xf32, #tpu.memory_space<vmem>>) target(%dma_start3A_46 : memref<64x128xf32, #tpu.memory_space<vmem_shared>>) target_semaphore(%arg22 : memref<!tpu.dma_semaphore, #tpu.memory_space<semaphore_mem>>)
    %add3A_47 = arith.constant 384 : i32
    %add3A_48 = arith.addi %multiple_of3A, %add3A_47 : i32
    %dma_start3A_49 = arith.constant 0 : i32
    %dma_start3A_50 = tpu.memref_slice %arg7[%add3A_48, %dma_start3A_49] : memref<10000x128xf32, #tpu.memory_space<vmem_shared>> -> memref<64x128xf32, #tpu.memory_space<vmem_shared>>
    %dma_start3A_51 = arith.constant 0 : i32
    %dma_start3A_52 = tpu.memref_slice %arg7[%add3A_48, %dma_start3A_51] : memref<10000x128xf32, #tpu.memory_space<vmem_shared>> -> memref<64x128xf32, #tpu.memory_space<vmem_shared>>
    tpu.enqueue_dma source(%arg13 : memref<64x128xf32, #tpu.memory_space<vmem>>) target(%dma_start3A_52 : memref<64x128xf32, #tpu.memory_space<vmem_shared>>) target_semaphore(%arg28 : memref<!tpu.dma_semaphore, #tpu.memory_space<semaphore_mem>>)
    %add3A_53 = arith.constant 448 : i32
    %add3A_54 = arith.addi %multiple_of3A, %add3A_53 : i32
    %dma_start3A_55 = arith.constant 0 : i32
    %dma_start3A_56 = tpu.memref_slice %arg7[%add3A_54, %dma_start3A_55] : memref<10000x128xf32, #tpu.memory_space<vmem_shared>> -> memref<64x128xf32, #tpu.memory_space<vmem_shared>>
    %dma_start3A_57 = arith.constant 0 : i32
    %dma_start3A_58 = tpu.memref_slice %arg7[%add3A_54, %dma_start3A_57] : memref<10000x128xf32, #tpu.memory_space<vmem_shared>> -> memref<64x128xf32, #tpu.memory_space<vmem_shared>>
    tpu.enqueue_dma source(%arg13 : memref<64x128xf32, #tpu.memory_space<vmem>>) target(%dma_start3A_58 : memref<64x128xf32, #tpu.memory_space<vmem_shared>>) target_semaphore(%arg34 : memref<!tpu.dma_semaphore, #tpu.memory_space<semaphore_mem>>)
    %add3A_59 = arith.constant 512 : i32
    %add3A_60 = arith.addi %multiple_of3A, %add3A_59 : i32
    %dma_start3A_61 = arith.constant 0 : i32
    %dma_start3A_62 = tpu.memref_slice %arg7[%add3A_60, %dma_start3A_61] : memref<10000x128xf32, #tpu.memory_space<vmem_shared>> -> memref<64x128xf32, #tpu.memory_space<vmem_shared>>
    %dma_start3A_63 = arith.constant 0 : i32
    %dma_start3A_64 = tpu.memref_slice %arg7[%add3A_60, %dma_start3A_63] : memref<10000x128xf32, #tpu.memory_space<vmem_shared>> -> memref<64x128xf32, #tpu.memory_space<vmem_shared>>
    tpu.enqueue_dma source(%arg13 : memref<64x128xf32, #tpu.memory_space<vmem>>) target(%dma_start3A_64 : memref<64x128xf32, #tpu.memory_space<vmem_shared>>) target_semaphore(%arg16 : memref<!tpu.dma_semaphore, #tpu.memory_space<semaphore_mem>>)
    %add3A_65 = arith.constant 576 : i32
    %add3A_66 = arith.addi %multiple_of3A, %add3A_65 : i32
    %dma_start3A_67 = arith.constant 0 : i32
    %dma_start3A_68 = arith.constant 0 : i32
    %dma_start3A_69 = tpu.memref_slice %arg13[%dma_start3A_67, %dma_start3A_68] : memref<64x128xf32, #tpu.memory_space<vmem>> -> memref<48x128xf32, #tpu.memory_space<vmem>>
    %dma_start3A_70 = arith.constant 0 : i32
    %dma_start3A_71 = tpu.memref_slice %arg7[%add3A_66, %dma_start3A_70] : memref<10000x128xf32, #tpu.memory_space<vmem_shared>> -> memref<48x128xf32, #tpu.memory_space<vmem_shared>>
    %dma_start3A_72 = arith.constant 0 : i32
    %dma_start3A_73 = tpu.memref_slice %arg7[%add3A_66, %dma_start3A_72] : memref<10000x128xf32, #tpu.memory_space<vmem_shared>> -> memref<48x128xf32, #tpu.memory_space<vmem_shared>>
    %dma_start3A_74 = arith.constant 0 : i32
    %dma_start3A_75 = arith.constant 0 : i32
    %dma_start3A_76 = tpu.memref_slice %arg13[%dma_start3A_74, %dma_start3A_75] : memref<64x128xf32, #tpu.memory_space<vmem>> -> memref<48x128xf32, #tpu.memory_space<vmem>>
    tpu.enqueue_dma source(%dma_start3A_76 : memref<48x128xf32, #tpu.memory_space<vmem>>) target(%dma_start3A_73 : memref<48x128xf32, #tpu.memory_space<vmem_shared>>) target_semaphore(%arg22 : memref<!tpu.dma_semaphore, #tpu.memory_space<semaphore_mem>>)
    %broadcast_in_dim3A_77 = arith.constant 1.000000e+00 : f32
    %broadcast_in_dim3A_78 = vector.broadcast %broadcast_in_dim3A_77 : f32 to vector<16xf32>
    %swap3A = arith.constant 0 : index
    %swap3A_79 = tpu.vector_load %arg37[%swap3A] {strides = array<i32>} : memref<64xf32, #tpu.memory_space<vmem>>, vector<16xf32>,
    %swap3A_80 = vector.shape_cast %swap3A_79 : vector<16xf32> to vector<16xf32>
    %swap3A_81 = vector.shape_cast %broadcast_in_dim3A_78 : vector<16xf32> to vector<16xf32>
    tpu.vector_store %arg37[%swap3A], %swap3A_81 {strides = array<i32>} : memref<64xf32, #tpu.memory_space<vmem>>, vector<16xf32>,
    %broadcast_in_dim3A_82 = arith.constant 1.000000e+00 : f32
    %broadcast_in_dim3A_83 = vector.broadcast %broadcast_in_dim3A_82 : f32 to vector<16xf32>
    %swap3A_84 = arith.constant 16 : index
    %swap3A_85 = tpu.vector_load %arg37[%swap3A_84] {strides = array<i32>} : memref<64xf32, #tpu.memory_space<vmem>>, vector<16xf32>,
    %swap3A_86 = vector.shape_cast %swap3A_85 : vector<16xf32> to vector<16xf32>
    %swap3A_87 = vector.shape_cast %broadcast_in_dim3A_83 : vector<16xf32> to vector<16xf32>
    tpu.vector_store %arg37[%swap3A_84], %swap3A_87 {strides = array<i32>} : memref<64xf32, #tpu.memory_space<vmem>>, vector<16xf32>,
    %broadcast_in_dim3A_88 = arith.constant 1.000000e+00 : f32
    %broadcast_in_dim3A_89 = vector.broadcast %broadcast_in_dim3A_88 : f32 to vector<16xf32>
    %swap3A_90 = arith.constant 32 : index
    %swap3A_91 = tpu.vector_load %arg37[%swap3A_90] {strides = array<i32>} : memref<64xf32, #tpu.memory_space<vmem>>, vector<16xf32>,
    %swap3A_92 = vector.shape_cast %swap3A_91 : vector<16xf32> to vector<16xf32>
    %swap3A_93 = vector.shape_cast %broadcast_in_dim3A_89 : vector<16xf32> to vector<16xf32>
    tpu.vector_store %arg37[%swap3A_90], %swap3A_93 {strides = array<i32>} : memref<64xf32, #tpu.memory_space<vmem>>, vector<16xf32>,
    %broadcast_in_dim3A_94 = arith.constant 1.000000e+00 : f32
    %broadcast_in_dim3A_95 = vector.broadcast %broadcast_in_dim3A_94 : f32 to vector<16xf32>
    %swap3A_96 = arith.constant 48 : index
    %swap3A_97 = tpu.vector_load %arg37[%swap3A_96] {strides = array<i32>} : memref<64xf32, #tpu.memory_space<vmem>>, vector<16xf32>,
    %swap3A_98 = vector.shape_cast %swap3A_97 : vector<16xf32> to vector<16xf32>
    %swap3A_99 = vector.shape_cast %broadcast_in_dim3A_95 : vector<16xf32> to vector<16xf32>
    tpu.vector_store %arg37[%swap3A_96], %swap3A_99 {strides = array<i32>} : memref<64xf32, #tpu.memory_space<vmem>>, vector<16xf32>,
    %swap3A_100 = arith.constant 0 : index
    %swap3A_101 = tpu.vector_load %arg38[%swap3A_100] {strides = array<i32>} : memref<624xf32, #tpu.memory_space<vmem>>, vector<16xf32>,
    %swap3A_102 = vector.shape_cast %swap3A_101 : vector<16xf32> to vector<16xf32>
    %swap3A_103 = vector.shape_cast %broadcast_in_dim3A_6 : vector<16xf32> to vector<16xf32>
    tpu.vector_store %arg38[%swap3A_100], %swap3A_103 {strides = array<i32>} : memref<624xf32, #tpu.memory_space<vmem>>, vector<16xf32>,
    %swap3A_104 = arith.constant 16 : index
    %swap3A_105 = tpu.vector_load %arg38[%swap3A_104] {strides = array<i32>} : memref<624xf32, #tpu.memory_space<vmem>>, vector<16xf32>,
    %swap3A_106 = vector.shape_cast %swap3A_105 : vector<16xf32> to vector<16xf32>
    %swap3A_107 = vector.shape_cast %broadcast_in_dim3A_6 : vector<16xf32> to vector<16xf32>
    tpu.vector_store %arg38[%swap3A_104], %swap3A_107 {strides = array<i32>} : memref<624xf32, #tpu.memory_space<vmem>>, vector<16xf32>,
    %swap3A_108 = arith.constant 32 : index
    %swap3A_109 = tpu.vector_load %arg38[%swap3A_108] {strides = array<i32>} : memref<624xf32, #tpu.memory_space<vmem>>, vector<16xf32>,
    %swap3A_110 = vector.shape_cast %swap3A_109 : vector<16xf32> to vector<16xf32>
    %swap3A_111 = vector.shape_cast %broadcast_in_dim3A_6 : vector<16xf32> to vector<16xf32>
    tpu.vector_store %arg38[%swap3A_108], %swap3A_111 {strides = array<i32>} : memref<624xf32, #tpu.memory_space<vmem>>, vector<16xf32>,
    %swap3A_112 = arith.constant 48 : index
    %swap3A_113 = tpu.vector_load %arg38[%swap3A_112] {strides = array<i32>} : memref<624xf32, #tpu.memory_space<vmem>>, vector<16xf32>,
    %swap3A_114 = vector.shape_cast %swap3A_113 : vector<16xf32> to vector<16xf32>
    %swap3A_115 = vector.shape_cast %broadcast_in_dim3A_6 : vector<16xf32> to vector<16xf32>
    tpu.vector_store %arg38[%swap3A_112], %swap3A_115 {strides = array<i32>} : memref<624xf32, #tpu.memory_space<vmem>>, vector<16xf32>,
    %swap3A_116 = arith.constant 64 : index
    %swap3A_117 = tpu.vector_load %arg38[%swap3A_116] {strides = array<i32>} : memref<624xf32, #tpu.memory_space<vmem>>, vector<16xf32>,
    %swap3A_118 = vector.shape_cast %swap3A_117 : vector<16xf32> to vector<16xf32>
    %swap3A_119 = vector.shape_cast %broadcast_in_dim3A_6 : vector<16xf32> to vector<16xf32>
    tpu.vector_store %arg38[%swap3A_116], %swap3A_119 {strides = array<i32>} : memref<624xf32, #tpu.memory_space<vmem>>, vector<16xf32>,
    %swap3A_120 = arith.constant 80 : index
    %swap3A_121 = tpu.vector_load %arg38[%swap3A_120] {strides = array<i32>} : memref<624xf32, #tpu.memory_space<vmem>>, vector<16xf32>,
    %swap3A_122 = vector.shape_cast %swap3A_121 : vector<16xf32> to vector<16xf32>
    %swap3A_123 = vector.shape_cast %broadcast_in_dim3A_6 : vector<16xf32> to vector<16xf32>
    tpu.vector_store %arg38[%swap3A_120], %swap3A_123 {strides = array<i32>} : memref<624xf32, #tpu.memory_space<vmem>>, vector<16xf32>,
    %swap3A_124 = arith.constant 96 : index
    %swap3A_125 = tpu.vector_load %arg38[%swap3A_124] {strides = array<i32>} : memref<624xf32, #tpu.memory_space<vmem>>, vector<16xf32>,
    %swap3A_126 = vector.shape_cast %swap3A_125 : vector<16xf32> to vector<16xf32>
    %swap3A_127 = vector.shape_cast %broadcast_in_dim3A_6 : vector<16xf32> to vector<16xf32>
    tpu.vector_store %arg38[%swap3A_124], %swap3A_127 {strides = array<i32>} : memref<624xf32, #tpu.memory_space<vmem>>, vector<16xf32>,
    %swap3A_128 = arith.constant 112 : index
    %swap3A_129 = tpu.vector_load %arg38[%swap3A_128] {strides = array<i32>} : memref<624xf32, #tpu.memory_space<vmem>>, vector<16xf32>,
    %swap3A_130 = vector.shape_cast %swap3A_129 : vector<16xf32> to vector<16xf32>
    %swap3A_131 = vector.shape_cast %broadcast_in_dim3A_6 : vector<16xf32> to vector<16xf32>
    tpu.vector_store %arg38[%swap3A_128], %swap3A_131 {strides = array<i32>} : memref<624xf32, #tpu.memory_space<vmem>>, vector<16xf32>,
    %swap3A_132 = arith.constant 128 : index
    %swap3A_133 = tpu.vector_load %arg38[%swap3A_132] {strides = array<i32>} : memref<624xf32, #tpu.memory_space<vmem>>, vector<16xf32>,
    %swap3A_134 = vector.shape_cast %swap3A_133 : vector<16xf32> to vector<16xf32>
    %swap3A_135 = vector.shape_cast %broadcast_in_dim3A_6 : vector<16xf32> to vector<16xf32>
    tpu.vector_store %arg38[%swap3A_132], %swap3A_135 {strides = array<i32>} : memref<624xf32, #tpu.memory_space<vmem>>, vector<16xf32>,
    %swap3A_136 = arith.constant 144 : index
    %swap3A_137 = tpu.vector_load %arg38[%swap3A_136] {strides = array<i32>} : memref<624xf32, #tpu.memory_space<vmem>>, vector<16xf32>,
    %swap3A_138 = vector.shape_cast %swap3A_137 : vector<16xf32> to vector<16xf32>
    %swap3A_139 = vector.shape_cast %broadcast_in_dim3A_6 : vector<16xf32> to vector<16xf32>
    tpu.vector_store %arg38[%swap3A_136], %swap3A_139 {strides = array<i32>} : memref<624xf32, #tpu.memory_space<vmem>>, vector<16xf32>,
    %swap3A_140 = arith.constant 160 : index
    %swap3A_141 = tpu.vector_load %arg38[%swap3A_140] {strides = array<i32>} : memref<624xf32, #tpu.memory_space<vmem>>, vector<16xf32>,
    %swap3A_142 = vector.shape_cast %swap3A_141 : vector<16xf32> to vector<16xf32>
    %swap3A_143 = vector.shape_cast %broadcast_in_dim3A_6 : vector<16xf32> to vector<16xf32>
    tpu.vector_store %arg38[%swap3A_140], %swap3A_143 {strides = array<i32>} : memref<624xf32, #tpu.memory_space<vmem>>, vector<16xf32>,
    %swap3A_144 = arith.constant 176 : index
    %swap3A_145 = tpu.vector_load %arg38[%swap3A_144] {strides = array<i32>} : memref<624xf32, #tpu.memory_space<vmem>>, vector<16xf32>,
    %swap3A_146 = vector.shape_cast %swap3A_145 : vector<16xf32> to vector<16xf32>
    %swap3A_147 = vector.shape_cast %broadcast_in_dim3A_6 : vector<16xf32> to vector<16xf32>
    tpu.vector_store %arg38[%swap3A_144], %swap3A_147 {strides = array<i32>} : memref<624xf32, #tpu.memory_space<vmem>>, vector<16xf32>,
    %swap3A_148 = arith.constant 192 : index
    %swap3A_149 = tpu.vector_load %arg38[%swap3A_148] {strides = array<i32>} : memref<624xf32, #tpu.memory_space<vmem>>, vector<16xf32>,
    %swap3A_150 = vector.shape_cast %swap3A_149 : vector<16xf32> to vector<16xf32>
    %swap3A_151 = vector.shape_cast %broadcast_in_dim3A_6 : vector<16xf32> to vector<16xf32>
    tpu.vector_store %arg38[%swap3A_148], %swap3A_151 {strides = array<i32>} : memref<624xf32, #tpu.memory_space<vmem>>, vector<16xf32>,
    %swap3A_152 = arith.constant 208 : index
    %swap3A_153 = tpu.vector_load %arg38[%swap3A_152] {strides = array<i32>} : memref<624xf32, #tpu.memory_space<vmem>>, vector<16xf32>,
    %swap3A_154 = vector.shape_cast %swap3A_153 : vector<16xf32> to vector<16xf32>
    %swap3A_155 = vector.shape_cast %broadcast_in_dim3A_6 : vector<16xf32> to vector<16xf32>
    tpu.vector_store %arg38[%swap3A_152], %swap3A_155 {strides = array<i32>} : memref<624xf32, #tpu.memory_space<vmem>>, vector<16xf32>,
    %swap3A_156 = arith.constant 224 : index
    %swap3A_157 = tpu.vector_load %arg38[%swap3A_156] {strides = array<i32>} : memref<624xf32, #tpu.memory_space<vmem>>, vector<16xf32>,
    %swap3A_158 = vector.shape_cast %swap3A_157 : vector<16xf32> to vector<16xf32>
    %swap3A_159 = vector.shape_cast %broadcast_in_dim3A_6 : vector<16xf32> to vector<16xf32>
    tpu.vector_store %arg38[%swap3A_156], %swap3A_159 {strides = array<i32>} : memref<624xf32, #tpu.memory_space<vmem>>, vector<16xf32>,
    %swap3A_160 = arith.constant 240 : index
    %swap3A_161 = tpu.vector_load %arg38[%swap3A_160] {strides = array<i32>} : memref<624xf32, #tpu.memory_space<vmem>>, vector<16xf32>,
    %swap3A_162 = vector.shape_cast %swap3A_161 : vector<16xf32> to vector<16xf32>
    %swap3A_163 = vector.shape_cast %broadcast_in_dim3A_6 : vector<16xf32> to vector<16xf32>
    tpu.vector_store %arg38[%swap3A_160], %swap3A_163 {strides = array<i32>} : memref<624xf32, #tpu.memory_space<vmem>>, vector<16xf32>,
    %swap3A_164 = arith.constant 256 : index
    %swap3A_165 = tpu.vector_load %arg38[%swap3A_164] {strides = array<i32>} : memref<624xf32, #tpu.memory_space<vmem>>, vector<16xf32>,
    %swap3A_166 = vector.shape_cast %swap3A_165 : vector<16xf32> to vector<16xf32>
    %swap3A_167 = vector.shape_cast %broadcast_in_dim3A_6 : vector<16xf32> to vector<16xf32>
    tpu.vector_store %arg38[%swap3A_164], %swap3A_167 {strides = array<i32>} : memref<624xf32, #tpu.memory_space<vmem>>, vector<16xf32>,
    %swap3A_168 = arith.constant 272 : index
    %swap3A_169 = tpu.vector_load %arg38[%swap3A_168] {strides = array<i32>} : memref<624xf32, #tpu.memory_space<vmem>>, vector<16xf32>,
    %swap3A_170 = vector.shape_cast %swap3A_169 : vector<16xf32> to vector<16xf32>
    %swap3A_171 = vector.shape_cast %broadcast_in_dim3A_6 : vector<16xf32> to vector<16xf32>
    tpu.vector_store %arg38[%swap3A_168], %swap3A_171 {strides = array<i32>} : memref<624xf32, #tpu.memory_space<vmem>>, vector<16xf32>,
    %swap3A_172 = arith.constant 288 : index
    %swap3A_173 = tpu.vector_load %arg38[%swap3A_172] {strides = array<i32>} : memref<624xf32, #tpu.memory_space<vmem>>, vector<16xf32>,
    %swap3A_174 = vector.shape_cast %swap3A_173 : vector<16xf32> to vector<16xf32>
    %swap3A_175 = vector.shape_cast %broadcast_in_dim3A_6 : vector<16xf32> to vector<16xf32>
    tpu.vector_store %arg38[%swap3A_172], %swap3A_175 {strides = array<i32>} : memref<624xf32, #tpu.memory_space<vmem>>, vector<16xf32>,
    %swap3A_176 = arith.constant 304 : index
    %swap3A_177 = tpu.vector_load %arg38[%swap3A_176] {strides = array<i32>} : memref<624xf32, #tpu.memory_space<vmem>>, vector<16xf32>,
    %swap3A_178 = vector.shape_cast %swap3A_177 : vector<16xf32> to vector<16xf32>
    %swap3A_179 = vector.shape_cast %broadcast_in_dim3A_6 : vector<16xf32> to vector<16xf32>
    tpu.vector_store %arg38[%swap3A_176], %swap3A_179 {strides = array<i32>} : memref<624xf32, #tpu.memory_space<vmem>>, vector<16xf32>,
    %swap3A_180 = arith.constant 320 : index
    %swap3A_181 = tpu.vector_load %arg38[%swap3A_180] {strides = array<i32>} : memref<624xf32, #tpu.memory_space<vmem>>, vector<16xf32>,
    %swap3A_182 = vector.shape_cast %swap3A_181 : vector<16xf32> to vector<16xf32>
    %swap3A_183 = vector.shape_cast %broadcast_in_dim3A_6 : vector<16xf32> to vector<16xf32>
    tpu.vector_store %arg38[%swap3A_180], %swap3A_183 {strides = array<i32>} : memref<624xf32, #tpu.memory_space<vmem>>, vector<16xf32>,
    %swap3A_184 = arith.constant 336 : index
    %swap3A_185 = tpu.vector_load %arg38[%swap3A_184] {strides = array<i32>} : memref<624xf32, #tpu.memory_space<vmem>>, vector<16xf32>,
    %swap3A_186 = vector.shape_cast %swap3A_185 : vector<16xf32> to vector<16xf32>
    %swap3A_187 = vector.shape_cast %broadcast_in_dim3A_6 : vector<16xf32> to vector<16xf32>
    tpu.vector_store %arg38[%swap3A_184], %swap3A_187 {strides = array<i32>} : memref<624xf32, #tpu.memory_space<vmem>>, vector<16xf32>,
    %swap3A_188 = arith.constant 352 : index
    %swap3A_189 = tpu.vector_load %arg38[%swap3A_188] {strides = array<i32>} : memref<624xf32, #tpu.memory_space<vmem>>, vector<16xf32>,
    %swap3A_190 = vector.shape_cast %swap3A_189 : vector<16xf32> to vector<16xf32>
    %swap3A_191 = vector.shape_cast %broadcast_in_dim3A_6 : vector<16xf32> to vector<16xf32>
    tpu.vector_store %arg38[%swap3A_188], %swap3A_191 {strides = array<i32>} : memref<624xf32, #tpu.memory_space<vmem>>, vector<16xf32>,
    %swap3A_192 = arith.constant 368 : index
    %swap3A_193 = tpu.vector_load %arg38[%swap3A_192] {strides = array<i32>} : memref<624xf32, #tpu.memory_space<vmem>>, vector<16xf32>,
    %swap3A_194 = vector.shape_cast %swap3A_193 : vector<16xf32> to vector<16xf32>
    %swap3A_195 = vector.shape_cast %broadcast_in_dim3A_6 : vector<16xf32> to vector<16xf32>
    tpu.vector_store %arg38[%swap3A_192], %swap3A_195 {strides = array<i32>} : memref<624xf32, #tpu.memory_space<vmem>>, vector<16xf32>,
    %swap3A_196 = arith.constant 384 : index
    %swap3A_197 = tpu.vector_load %arg38[%swap3A_196] {strides = array<i32>} : memref<624xf32, #tpu.memory_space<vmem>>, vector<16xf32>,
    %swap3A_198 = vector.shape_cast %swap3A_197 : vector<16xf32> to vector<16xf32>
    %swap3A_199 = vector.shape_cast %broadcast_in_dim3A_6 : vector<16xf32> to vector<16xf32>
    tpu.vector_store %arg38[%swap3A_196], %swap3A_199 {strides = array<i32>} : memref<624xf32, #tpu.memory_space<vmem>>, vector<16xf32>,
    %swap3A_200 = arith.constant 400 : index
    %swap3A_201 = tpu.vector_load %arg38[%swap3A_200] {strides = array<i32>} : memref<624xf32, #tpu.memory_space<vmem>>, vector<16xf32>,
    %swap3A_202 = vector.shape_cast %swap3A_201 : vector<16xf32> to vector<16xf32>
    %swap3A_203 = vector.shape_cast %broadcast_in_dim3A_6 : vector<16xf32> to vector<16xf32>
    tpu.vector_store %arg38[%swap3A_200], %swap3A_203 {strides = array<i32>} : memref<624xf32, #tpu.memory_space<vmem>>, vector<16xf32>,
    %swap3A_204 = arith.constant 416 : index
    %swap3A_205 = tpu.vector_load %arg38[%swap3A_204] {strides = array<i32>} : memref<624xf32, #tpu.memory_space<vmem>>, vector<16xf32>,
    %swap3A_206 = vector.shape_cast %swap3A_205 : vector<16xf32> to vector<16xf32>
    %swap3A_207 = vector.shape_cast %broadcast_in_dim3A_6 : vector<16xf32> to vector<16xf32>
    tpu.vector_store %arg38[%swap3A_204], %swap3A_207 {strides = array<i32>} : memref<624xf32, #tpu.memory_space<vmem>>, vector<16xf32>,
    %swap3A_208 = arith.constant 432 : index
    %swap3A_209 = tpu.vector_load %arg38[%swap3A_208] {strides = array<i32>} : memref<624xf32, #tpu.memory_space<vmem>>, vector<16xf32>,
    %swap3A_210 = vector.shape_cast %swap3A_209 : vector<16xf32> to vector<16xf32>
    %swap3A_211 = vector.shape_cast %broadcast_in_dim3A_6 : vector<16xf32> to vector<16xf32>
    tpu.vector_store %arg38[%swap3A_208], %swap3A_211 {strides = array<i32>} : memref<624xf32, #tpu.memory_space<vmem>>, vector<16xf32>,
    %swap3A_212 = arith.constant 448 : index
    %swap3A_213 = tpu.vector_load %arg38[%swap3A_212] {strides = array<i32>} : memref<624xf32, #tpu.memory_space<vmem>>, vector<16xf32>,
    %swap3A_214 = vector.shape_cast %swap3A_213 : vector<16xf32> to vector<16xf32>
    %swap3A_215 = vector.shape_cast %broadcast_in_dim3A_6 : vector<16xf32> to vector<16xf32>
    tpu.vector_store %arg38[%swap3A_212], %swap3A_215 {strides = array<i32>} : memref<624xf32, #tpu.memory_space<vmem>>, vector<16xf32>,
    %swap3A_216 = arith.constant 464 : index
    %swap3A_217 = tpu.vector_load %arg38[%swap3A_216] {strides = array<i32>} : memref<624xf32, #tpu.memory_space<vmem>>, vector<16xf32>,
    %swap3A_218 = vector.shape_cast %swap3A_217 : vector<16xf32> to vector<16xf32>
    %swap3A_219 = vector.shape_cast %broadcast_in_dim3A_6 : vector<16xf32> to vector<16xf32>
    tpu.vector_store %arg38[%swap3A_216], %swap3A_219 {strides = array<i32>} : memref<624xf32, #tpu.memory_space<vmem>>, vector<16xf32>,
    %swap3A_220 = arith.constant 480 : index
    %swap3A_221 = tpu.vector_load %arg38[%swap3A_220] {strides = array<i32>} : memref<624xf32, #tpu.memory_space<vmem>>, vector<16xf32>,
    %swap3A_222 = vector.shape_cast %swap3A_221 : vector<16xf32> to vector<16xf32>
    %swap3A_223 = vector.shape_cast %broadcast_in_dim3A_6 : vector<16xf32> to vector<16xf32>
    tpu.vector_store %arg38[%swap3A_220], %swap3A_223 {strides = array<i32>} : memref<624xf32, #tpu.memory_space<vmem>>, vector<16xf32>,
    %swap3A_224 = arith.constant 496 : index
    %swap3A_225 = tpu.vector_load %arg38[%swap3A_224] {strides = array<i32>} : memref<624xf32, #tpu.memory_space<vmem>>, vector<16xf32>,
    %swap3A_226 = vector.shape_cast %swap3A_225 : vector<16xf32> to vector<16xf32>
    %swap3A_227 = vector.shape_cast %broadcast_in_dim3A_6 : vector<16xf32> to vector<16xf32>
    tpu.vector_store %arg38[%swap3A_224], %swap3A_227 {strides = array<i32>} : memref<624xf32, #tpu.memory_space<vmem>>, vector<16xf32>,
    %swap3A_228 = arith.constant 512 : index
    %swap3A_229 = tpu.vector_load %arg38[%swap3A_228] {strides = array<i32>} : memref<624xf32, #tpu.memory_space<vmem>>, vector<16xf32>,
    %swap3A_230 = vector.shape_cast %swap3A_229 : vector<16xf32> to vector<16xf32>
    %swap3A_231 = vector.shape_cast %broadcast_in_dim3A_6 : vector<16xf32> to vector<16xf32>
    tpu.vector_store %arg38[%swap3A_228], %swap3A_231 {strides = array<i32>} : memref<624xf32, #tpu.memory_space<vmem>>, vector<16xf32>,
    %swap3A_232 = arith.constant 528 : index
    %swap3A_233 = tpu.vector_load %arg38[%swap3A_232] {strides = array<i32>} : memref<624xf32, #tpu.memory_space<vmem>>, vector<16xf32>,
    %swap3A_234 = vector.shape_cast %swap3A_233 : vector<16xf32> to vector<16xf32>
    %swap3A_235 = vector.shape_cast %broadcast_in_dim3A_6 : vector<16xf32> to vector<16xf32>
    tpu.vector_store %arg38[%swap3A_232], %swap3A_235 {strides = array<i32>} : memref<624xf32, #tpu.memory_space<vmem>>, vector<16xf32>,
    %swap3A_236 = arith.constant 544 : index
    %swap3A_237 = tpu.vector_load %arg38[%swap3A_236] {strides = array<i32>} : memref<624xf32, #tpu.memory_space<vmem>>, vector<16xf32>,
    %swap3A_238 = vector.shape_cast %swap3A_237 : vector<16xf32> to vector<16xf32>
    %swap3A_239 = vector.shape_cast %broadcast_in_dim3A_6 : vector<16xf32> to vector<16xf32>
    tpu.vector_store %arg38[%swap3A_236], %swap3A_239 {strides = array<i32>} : memref<624xf32, #tpu.memory_space<vmem>>, vector<16xf32>,
    %swap3A_240 = arith.constant 560 : index
    %swap3A_241 = tpu.vector_load %arg38[%swap3A_240] {strides = array<i32>} : memref<624xf32, #tpu.memory_space<vmem>>, vector<16xf32>,
    %swap3A_242 = vector.shape_cast %swap3A_241 : vector<16xf32> to vector<16xf32>
    %swap3A_243 = vector.shape_cast %broadcast_in_dim3A_6 : vector<16xf32> to vector<16xf32>
    tpu.vector_store %arg38[%swap3A_240], %swap3A_243 {strides = array<i32>} : memref<624xf32, #tpu.memory_space<vmem>>, vector<16xf32>,
    %swap3A_244 = arith.constant 576 : index
    %swap3A_245 = tpu.vector_load %arg38[%swap3A_244] {strides = array<i32>} : memref<624xf32, #tpu.memory_space<vmem>>, vector<16xf32>,
    %swap3A_246 = vector.shape_cast %swap3A_245 : vector<16xf32> to vector<16xf32>
    %swap3A_247 = vector.shape_cast %broadcast_in_dim3A_6 : vector<16xf32> to vector<16xf32>
    tpu.vector_store %arg38[%swap3A_244], %swap3A_247 {strides = array<i32>} : memref<624xf32, #tpu.memory_space<vmem>>, vector<16xf32>,
    %swap3A_248 = arith.constant 592 : index
    %swap3A_249 = tpu.vector_load %arg38[%swap3A_248] {strides = array<i32>} : memref<624xf32, #tpu.memory_space<vmem>>, vector<16xf32>,
    %swap3A_250 = vector.shape_cast %swap3A_249 : vector<16xf32> to vector<16xf32>
    %swap3A_251 = vector.shape_cast %broadcast_in_dim3A_6 : vector<16xf32> to vector<16xf32>
    tpu.vector_store %arg38[%swap3A_248], %swap3A_251 {strides = array<i32>} : memref<624xf32, #tpu.memory_space<vmem>>, vector<16xf32>,
    %swap3A_252 = arith.constant 608 : index
    %swap3A_253 = tpu.vector_load %arg38[%swap3A_252] {strides = array<i32>} : memref<624xf32, #tpu.memory_space<vmem>>, vector<16xf32>,
    %swap3A_254 = vector.shape_cast %swap3A_253 : vector<16xf32> to vector<16xf32>
    %swap3A_255 = vector.shape_cast %broadcast_in_dim3A_6 : vector<16xf32> to vector<16xf32>
    tpu.vector_store %arg38[%swap3A_252], %swap3A_255 {strides = array<i32>} : memref<624xf32, #tpu.memory_space<vmem>>, vector<16xf32>,
    %dma_start3A_256 = tpu.memref_slice %arg36[%multiple_of3A] : memref<10000xf32, #tpu.memory_space<vmem_shared>> -> memref<624xf32, #tpu.memory_space<vmem_shared>>
    %dma_start3A_257 = tpu.memref_slice %arg36[%multiple_of3A] : memref<10000xf32, #tpu.memory_space<vmem_shared>> -> memref<624xf32, #tpu.memory_space<vmem_shared>>
    tpu.enqueue_dma source(%arg38 : memref<624xf32, #tpu.memory_space<vmem>>) target(%dma_start3A_257 : memref<624xf32, #tpu.memory_space<vmem_shared>>) target_semaphore(%arg17 : memref<!tpu.dma_semaphore, #tpu.memory_space<semaphore_mem>>)
    "tpu.region"() ({
      %run_scoped3A = tpu.sem_alloc : memref<!tpu.dma_semaphore, #tpu.memory_space<semaphore_mem>>
      %dma_start3A_694 = tpu.memref_slice %arg3[%multiple_of3A_5] : memref<320000xi32, #tpu.memory_space<hbm>> -> memref<10000xi32, #tpu.memory_space<hbm>>
      %dma_start3A_695 = tpu.memref_slice %arg3[%multiple_of3A_5] : memref<320000xi32, #tpu.memory_space<hbm>> -> memref<10000xi32, #tpu.memory_space<hbm>>
      tpu.enqueue_dma source(%dma_start3A_695 : memref<10000xi32, #tpu.memory_space<hbm>>) target(%arg8 : memref<10000xi32, #tpu.memory_space<vmem>>) target_semaphore(%run_scoped3A : memref<!tpu.dma_semaphore, #tpu.memory_space<semaphore_mem>>)
      %dma_wait3A_696 = tpu.memref_slice %arg3[%multiple_of3A_5] : memref<320000xi32, #tpu.memory_space<hbm>> -> memref<10000xi32, #tpu.memory_space<hbm>>
      %dma_wait3A_697 = tpu.memref_slice %arg3[%multiple_of3A_5] : memref<320000xi32, #tpu.memory_space<hbm>> -> memref<10000xi32, #tpu.memory_space<hbm>>
      tpu.wait_dma2 semaphore(%run_scoped3A : memref<!tpu.dma_semaphore, #tpu.memory_space<semaphore_mem>>) src(%dma_wait3A_697 : memref<10000xi32, #tpu.memory_space<hbm>>) dst(%arg8 : memref<10000xi32, #tpu.memory_space<vmem>>)
      tpu.yield
    }) : () -> ()
    %dma_wait3A = arith.constant 0 : i32
    %dma_wait3A_258 = tpu.memref_slice %arg7[%add3A_13, %dma_wait3A] : memref<10000x128xf32, #tpu.memory_space<vmem_shared>> -> memref<64x128xf32, #tpu.memory_space<vmem_shared>>
    %dma_wait3A_259 = arith.constant 0 : i32
    %dma_wait3A_260 = tpu.memref_slice %arg7[%add3A_13, %dma_wait3A_259] : memref<10000x128xf32, #tpu.memory_space<vmem_shared>> -> memref<64x128xf32, #tpu.memory_space<vmem_shared>>
    tpu.wait_dma2 semaphore(%arg16 : memref<!tpu.dma_semaphore, #tpu.memory_space<semaphore_mem>>) src(%arg13 : memref<64x128xf32, #tpu.memory_space<vmem>>) dst(%dma_wait3A_260 : memref<64x128xf32, #tpu.memory_space<vmem_shared>>)
    %dma_wait3A_261 = arith.constant 0 : i32
    %dma_wait3A_262 = tpu.memref_slice %arg7[%add3A_18, %dma_wait3A_261] : memref<10000x128xf32, #tpu.memory_space<vmem_shared>> -> memref<64x128xf32, #tpu.memory_space<vmem_shared>>
    %dma_wait3A_263 = arith.constant 0 : i32
    %dma_wait3A_264 = tpu.memref_slice %arg7[%add3A_18, %dma_wait3A_263] : memref<10000x128xf32, #tpu.memory_space<vmem_shared>> -> memref<64x128xf32, #tpu.memory_space<vmem_shared>>
    tpu.wait_dma2 semaphore(%arg22 : memref<!tpu.dma_semaphore, #tpu.memory_space<semaphore_mem>>) src(%arg13 : memref<64x128xf32, #tpu.memory_space<vmem>>) dst(%dma_wait3A_264 : memref<64x128xf32, #tpu.memory_space<vmem_shared>>)
    %dma_wait3A_265 = arith.constant 0 : i32
    %dma_wait3A_266 = tpu.memref_slice %arg7[%add3A_24, %dma_wait3A_265] : memref<10000x128xf32, #tpu.memory_space<vmem_shared>> -> memref<64x128xf32, #tpu.memory_space<vmem_shared>>
    %dma_wait3A_267 = arith.constant 0 : i32
    %dma_wait3A_268 = tpu.memref_slice %arg7[%add3A_24, %dma_wait3A_267] : memref<10000x128xf32, #tpu.memory_space<vmem_shared>> -> memref<64x128xf32, #tpu.memory_space<vmem_shared>>
    tpu.wait_dma2 semaphore(%arg28 : memref<!tpu.dma_semaphore, #tpu.memory_space<semaphore_mem>>) src(%arg13 : memref<64x128xf32, #tpu.memory_space<vmem>>) dst(%dma_wait3A_268 : memref<64x128xf32, #tpu.memory_space<vmem_shared>>)
    %dma_wait3A_269 = arith.constant 0 : i32
    %dma_wait3A_270 = tpu.memref_slice %arg7[%add3A_30, %dma_wait3A_269] : memref<10000x128xf32, #tpu.memory_space<vmem_shared>> -> memref<64x128xf32, #tpu.memory_space<vmem_shared>>
    %dma_wait3A_271 = arith.constant 0 : i32
    %dma_wait3A_272 = tpu.memref_slice %arg7[%add3A_30, %dma_wait3A_271] : memref<10000x128xf32, #tpu.memory_space<vmem_shared>> -> memref<64x128xf32, #tpu.memory_space<vmem_shared>>
    tpu.wait_dma2 semaphore(%arg34 : memref<!tpu.dma_semaphore, #tpu.memory_space<semaphore_mem>>) src(%arg13 : memref<64x128xf32, #tpu.memory_space<vmem>>) dst(%dma_wait3A_272 : memref<64x128xf32, #tpu.memory_space<vmem_shared>>)
    %dma_wait3A_273 = arith.constant 0 : i32
    %dma_wait3A_274 = tpu.memref_slice %arg7[%add3A_36, %dma_wait3A_273] : memref<10000x128xf32, #tpu.memory_space<vmem_shared>> -> memref<64x128xf32, #tpu.memory_space<vmem_shared>>
    %dma_wait3A_275 = arith.constant 0 : i32
    %dma_wait3A_276 = tpu.memref_slice %arg7[%add3A_36, %dma_wait3A_275] : memref<10000x128xf32, #tpu.memory_space<vmem_shared>> -> memref<64x128xf32, #tpu.memory_space<vmem_shared>>
    tpu.wait_dma2 semaphore(%arg16 : memref<!tpu.dma_semaphore, #tpu.memory_space<semaphore_mem>>) src(%arg13 : memref<64x128xf32, #tpu.memory_space<vmem>>) dst(%dma_wait3A_276 : memref<64x128xf32, #tpu.memory_space<vmem_shared>>)
    %dma_wait3A_277 = arith.constant 0 : i32
    %dma_wait3A_278 = tpu.memref_slice %arg7[%add3A_42, %dma_wait3A_277] : memref<10000x128xf32, #tpu.memory_space<vmem_shared>> -> memref<64x128xf32, #tpu.memory_space<vmem_shared>>
    %dma_wait3A_279 = arith.constant 0 : i32
    %dma_wait3A_280 = tpu.memref_slice %arg7[%add3A_42, %dma_wait3A_279] : memref<10000x128xf32, #tpu.memory_space<vmem_shared>> -> memref<64x128xf32, #tpu.memory_space<vmem_shared>>
    tpu.wait_dma2 semaphore(%arg22 : memref<!tpu.dma_semaphore, #tpu.memory_space<semaphore_mem>>) src(%arg13 : memref<64x128xf32, #tpu.memory_space<vmem>>) dst(%dma_wait3A_280 : memref<64x128xf32, #tpu.memory_space<vmem_shared>>)
    %dma_wait3A_281 = arith.constant 0 : i32
    %dma_wait3A_282 = tpu.memref_slice %arg7[%add3A_48, %dma_wait3A_281] : memref<10000x128xf32, #tpu.memory_space<vmem_shared>> -> memref<64x128xf32, #tpu.memory_space<vmem_shared>>
    %dma_wait3A_283 = arith.constant 0 : i32
    %dma_wait3A_284 = tpu.memref_slice %arg7[%add3A_48, %dma_wait3A_283] : memref<10000x128xf32, #tpu.memory_space<vmem_shared>> -> memref<64x128xf32, #tpu.memory_space<vmem_shared>>
    tpu.wait_dma2 semaphore(%arg28 : memref<!tpu.dma_semaphore, #tpu.memory_space<semaphore_mem>>) src(%arg13 : memref<64x128xf32, #tpu.memory_space<vmem>>) dst(%dma_wait3A_284 : memref<64x128xf32, #tpu.memory_space<vmem_shared>>)
    %dma_wait3A_285 = arith.constant 0 : i32
    %dma_wait3A_286 = tpu.memref_slice %arg7[%add3A_54, %dma_wait3A_285] : memref<10000x128xf32, #tpu.memory_space<vmem_shared>> -> memref<64x128xf32, #tpu.memory_space<vmem_shared>>
    %dma_wait3A_287 = arith.constant 0 : i32
    %dma_wait3A_288 = tpu.memref_slice %arg7[%add3A_54, %dma_wait3A_287] : memref<10000x128xf32, #tpu.memory_space<vmem_shared>> -> memref<64x128xf32, #tpu.memory_space<vmem_shared>>
    tpu.wait_dma2 semaphore(%arg34 : memref<!tpu.dma_semaphore, #tpu.memory_space<semaphore_mem>>) src(%arg13 : memref<64x128xf32, #tpu.memory_space<vmem>>) dst(%dma_wait3A_288 : memref<64x128xf32, #tpu.memory_space<vmem_shared>>)
    %dma_wait3A_289 = arith.constant 0 : i32
    %dma_wait3A_290 = tpu.memref_slice %arg7[%add3A_60, %dma_wait3A_289] : memref<10000x128xf32, #tpu.memory_space<vmem_shared>> -> memref<64x128xf32, #tpu.memory_space<vmem_shared>>
    %dma_wait3A_291 = arith.constant 0 : i32
    %dma_wait3A_292 = tpu.memref_slice %arg7[%add3A_60, %dma_wait3A_291] : memref<10000x128xf32, #tpu.memory_space<vmem_shared>> -> memref<64x128xf32, #tpu.memory_space<vmem_shared>>
    tpu.wait_dma2 semaphore(%arg16 : memref<!tpu.dma_semaphore, #tpu.memory_space<semaphore_mem>>) src(%arg13 : memref<64x128xf32, #tpu.memory_space<vmem>>) dst(%dma_wait3A_292 : memref<64x128xf32, #tpu.memory_space<vmem_shared>>)
    %dma_wait3A_293 = arith.constant 0 : i32
    %dma_wait3A_294 = arith.constant 0 : i32
    %dma_wait3A_295 = tpu.memref_slice %arg13[%dma_wait3A_293, %dma_wait3A_294] : memref<64x128xf32, #tpu.memory_space<vmem>> -> memref<48x128xf32, #tpu.memory_space<vmem>>
    %dma_wait3A_296 = arith.constant 0 : i32
    %dma_wait3A_297 = tpu.memref_slice %arg7[%add3A_66, %dma_wait3A_296] : memref<10000x128xf32, #tpu.memory_space<vmem_shared>> -> memref<48x128xf32, #tpu.memory_space<vmem_shared>>
    %dma_wait3A_298 = arith.constant 0 : i32
    %dma_wait3A_299 = tpu.memref_slice %arg7[%add3A_66, %dma_wait3A_298] : memref<10000x128xf32, #tpu.memory_space<vmem_shared>> -> memref<48x128xf32, #tpu.memory_space<vmem_shared>>
    %dma_wait3A_300 = arith.constant 0 : i32
    %dma_wait3A_301 = arith.constant 0 : i32
    %dma_wait3A_302 = tpu.memref_slice %arg13[%dma_wait3A_300, %dma_wait3A_301] : memref<64x128xf32, #tpu.memory_space<vmem>> -> memref<48x128xf32, #tpu.memory_space<vmem>>
    tpu.wait_dma2 semaphore(%arg22 : memref<!tpu.dma_semaphore, #tpu.memory_space<semaphore_mem>>) src(%dma_wait3A_302 : memref<48x128xf32, #tpu.memory_space<vmem>>) dst(%dma_wait3A_299 : memref<48x128xf32, #tpu.memory_space<vmem_shared>>)
    %dma_wait3A_303 = tpu.memref_slice %arg36[%multiple_of3A] : memref<10000xf32, #tpu.memory_space<vmem_shared>> -> memref<624xf32, #tpu.memory_space<vmem_shared>>
    %dma_wait3A_304 = tpu.memref_slice %arg36[%multiple_of3A] : memref<10000xf32, #tpu.memory_space<vmem_shared>> -> memref<624xf32, #tpu.memory_space<vmem_shared>>
    tpu.wait_dma2 semaphore(%arg17 : memref<!tpu.dma_semaphore, #tpu.memory_space<semaphore_mem>>) src(%arg38 : memref<624xf32, #tpu.memory_space<vmem>>) dst(%dma_wait3A_304 : memref<624xf32, #tpu.memory_space<vmem_shared>>)
    %eq3A = arith.constant 15 : i32
    %eq3A_305 = arith.cmpi eq, %arg1, %eq3A : i32
    %convert_element_type3A = arith.extui %eq3A_305 : i1 to i32
    %cond3A = arith.constant 0 : i32
    %cond3A_306 = arith.cmpi ne, %convert_element_type3A, %cond3A : i32
    scf.if %cond3A_306 {
      "tpu.region"() ({
        %run_scoped3A = tpu.sem_alloc : memref<!tpu.dma_semaphore, #tpu.memory_space<semaphore_mem>>
        %dma_start3A_694 = arith.constant 0 : i32
        %dma_start3A_695 = arith.constant 0 : i32
        %dma_start3A_696 = tpu.memref_slice %arg13[%dma_start3A_694, %dma_start3A_695] : memref<64x128xf32, #tpu.memory_space<vmem>> -> memref<16x128xf32, #tpu.memory_space<vmem>>
        %dma_start3A_697 = arith.constant 9984 : i32
        %dma_start3A_698 = arith.constant 0 : i32
        %dma_start3A_699 = tpu.memref_slice %arg7[%dma_start3A_697, %dma_start3A_698] : memref<10000x128xf32, #tpu.memory_space<vmem_shared>> -> memref<16x128xf32, #tpu.memory_space<vmem_shared>>
        %dma_start3A_700 = arith.constant 9984 : i32
        %dma_start3A_701 = arith.constant 0 : i32
        %dma_start3A_702 = tpu.memref_slice %arg7[%dma_start3A_700, %dma_start3A_701] : memref<10000x128xf32, #tpu.memory_space<vmem_shared>> -> memref<16x128xf32, #tpu.memory_space<vmem_shared>>
        %dma_start3A_703 = arith.constant 0 : i32
        %dma_start3A_704 = arith.constant 0 : i32
        %dma_start3A_705 = tpu.memref_slice %arg13[%dma_start3A_703, %dma_start3A_704] : memref<64x128xf32, #tpu.memory_space<vmem>> -> memref<16x128xf32, #tpu.memory_space<vmem>>
        tpu.enqueue_dma source(%dma_start3A_705 : memref<16x128xf32, #tpu.memory_space<vmem>>) target(%dma_start3A_702 : memref<16x128xf32, #tpu.memory_space<vmem_shared>>) target_semaphore(%run_scoped3A : memref<!tpu.dma_semaphore, #tpu.memory_space<semaphore_mem>>)
        %dma_wait3A_706 = arith.constant 0 : i32
        %dma_wait3A_707 = arith.constant 0 : i32
        %dma_wait3A_708 = tpu.memref_slice %arg13[%dma_wait3A_706, %dma_wait3A_707] : memref<64x128xf32, #tpu.memory_space<vmem>> -> memref<16x128xf32, #tpu.memory_space<vmem>>
        %dma_wait3A_709 = arith.constant 9984 : i32
        %dma_wait3A_710 = arith.constant 0 : i32
        %dma_wait3A_711 = tpu.memref_slice %arg7[%dma_wait3A_709, %dma_wait3A_710] : memref<10000x128xf32, #tpu.memory_space<vmem_shared>> -> memref<16x128xf32, #tpu.memory_space<vmem_shared>>
        %dma_wait3A_712 = arith.constant 9984 : i32
        %dma_wait3A_713 = arith.constant 0 : i32
        %dma_wait3A_714 = tpu.memref_slice %arg7[%dma_wait3A_712, %dma_wait3A_713] : memref<10000x128xf32, #tpu.memory_space<vmem_shared>> -> memref<16x128xf32, #tpu.memory_space<vmem_shared>>
        %dma_wait3A_715 = arith.constant 0 : i32
        %dma_wait3A_716 = arith.constant 0 : i32
        %dma_wait3A_717 = tpu.memref_slice %arg13[%dma_wait3A_715, %dma_wait3A_716] : memref<64x128xf32, #tpu.memory_space<vmem>> -> memref<16x128xf32, #tpu.memory_space<vmem>>
        tpu.wait_dma2 semaphore(%run_scoped3A : memref<!tpu.dma_semaphore, #tpu.memory_space<semaphore_mem>>) src(%dma_wait3A_717 : memref<16x128xf32, #tpu.memory_space<vmem>>) dst(%dma_wait3A_714 : memref<16x128xf32, #tpu.memory_space<vmem_shared>>)
        tpu.yield
      }) : () -> ()
      "tpu.region"() ({
        %run_scoped3A = tpu.sem_alloc : memref<!tpu.dma_semaphore, #tpu.memory_space<semaphore_mem>>
        %dma_start3A_694 = arith.constant 0 : i32
        %dma_start3A_695 = tpu.memref_slice %arg38[%dma_start3A_694] : memref<624xf32, #tpu.memory_space<vmem>> -> memref<16xf32, #tpu.memory_space<vmem>>
        %dma_start3A_696 = arith.constant 9984 : i32
        %dma_start3A_697 = tpu.memref_slice %arg36[%dma_start3A_696] : memref<10000xf32, #tpu.memory_space<vmem_shared>> -> memref<16xf32, #tpu.memory_space<vmem_shared>>
        %dma_start3A_698 = arith.constant 9984 : i32
        %dma_start3A_699 = tpu.memref_slice %arg36[%dma_start3A_698] : memref<10000xf32, #tpu.memory_space<vmem_shared>> -> memref<16xf32, #tpu.memory_space<vmem_shared>>
        %dma_start3A_700 = arith.constant 0 : i32
        %dma_start3A_701 = tpu.memref_slice %arg38[%dma_start3A_700] : memref<624xf32, #tpu.memory_space<vmem>> -> memref<16xf32, #tpu.memory_space<vmem>>
        tpu.enqueue_dma source(%dma_start3A_701 : memref<16xf32, #tpu.memory_space<vmem>>) target(%dma_start3A_699 : memref<16xf32, #tpu.memory_space<vmem_shared>>) target_semaphore(%run_scoped3A : memref<!tpu.dma_semaphore, #tpu.memory_space<semaphore_mem>>)
        %dma_wait3A_702 = arith.constant 0 : i32
        %dma_wait3A_703 = tpu.memref_slice %arg38[%dma_wait3A_702] : memref<624xf32, #tpu.memory_space<vmem>> -> memref<16xf32, #tpu.memory_space<vmem>>
        %dma_wait3A_704 = arith.constant 9984 : i32
        %dma_wait3A_705 = tpu.memref_slice %arg36[%dma_wait3A_704] : memref<10000xf32, #tpu.memory_space<vmem_shared>> -> memref<16xf32, #tpu.memory_space<vmem_shared>>
        %dma_wait3A_706 = arith.constant 9984 : i32
        %dma_wait3A_707 = tpu.memref_slice %arg36[%dma_wait3A_706] : memref<10000xf32, #tpu.memory_space<vmem_shared>> -> memref<16xf32, #tpu.memory_space<vmem_shared>>
        %dma_wait3A_708 = arith.constant 0 : i32
        %dma_wait3A_709 = tpu.memref_slice %arg38[%dma_wait3A_708] : memref<624xf32, #tpu.memory_space<vmem>> -> memref<16xf32, #tpu.memory_space<vmem>>
        tpu.wait_dma2 semaphore(%run_scoped3A : memref<!tpu.dma_semaphore, #tpu.memory_space<semaphore_mem>>) src(%dma_wait3A_709 : memref<16xf32, #tpu.memory_space<vmem>>) dst(%dma_wait3A_707 : memref<16xf32, #tpu.memory_space<vmem_shared>>)
        tpu.yield
      }) : () -> ()
    } else {
    }
    %barrier3A = arith.constant 0 : index
    tpu.barrier barrier_id(%barrier3A)
    %multiple_of3A_307 = arith.constant 9984 : i32
    %multiple_of3A_308 = tpu.assume_multiple %multiple_of3A_307, 8 : i32
    %add3A_309 = arith.addi %multiple_of3A_5, %multiple_of3A_308 : i32
    "tpu.region"() ({
      %run_scoped3A = tpu.sem_alloc : memref<!tpu.dma_semaphore, #tpu.memory_space<semaphore_mem>>
      %dma_start3A_694 = tpu.memref_slice %arg4[%add3A_309] : memref<320000xi32, #tpu.memory_space<hbm>> -> memref<16xi32, #tpu.memory_space<hbm>>
      %dma_start3A_695 = tpu.memref_slice %arg4[%add3A_309] : memref<320000xi32, #tpu.memory_space<hbm>> -> memref<16xi32, #tpu.memory_space<hbm>>
      tpu.enqueue_dma source(%dma_start3A_695 : memref<16xi32, #tpu.memory_space<hbm>>) target(%arg9 : memref<16xi32, #tpu.memory_space<vmem>>) target_semaphore(%run_scoped3A : memref<!tpu.dma_semaphore, #tpu.memory_space<semaphore_mem>>)
      %dma_wait3A_696 = tpu.memref_slice %arg4[%add3A_309] : memref<320000xi32, #tpu.memory_space<hbm>> -> memref<16xi32, #tpu.memory_space<hbm>>
      %dma_wait3A_697 = tpu.memref_slice %arg4[%add3A_309] : memref<320000xi32, #tpu.memory_space<hbm>> -> memref<16xi32, #tpu.memory_space<hbm>>
      tpu.wait_dma2 semaphore(%run_scoped3A : memref<!tpu.dma_semaphore, #tpu.memory_space<semaphore_mem>>) src(%dma_wait3A_697 : memref<16xi32, #tpu.memory_space<hbm>>) dst(%arg9 : memref<16xi32, #tpu.memory_space<vmem>>)
      tpu.yield
    }) : () -> ()
    %dma_start3A_310 = tpu.memref_slice %arg8[%multiple_of3A_308] : memref<10000xi32, #tpu.memory_space<vmem>> -> memref<16xi32, #tpu.memory_space<vmem>>
    %dma_start3A_311 = arith.constant 0 : i32
    %dma_start3A_312 = arith.constant 0 : i32
    %dma_start3A_313 = tpu.memref_slice %arg2[%dma_start3A_311, %dma_start3A_312] : memref<10000x128xf32, #tpu.memory_space<hbm>> -> memref<10000x128xf32, #tpu.memory_space<hbm>>
    tpu.enqueue_indirect_dma source(%dma_start3A_313 : memref<10000x128xf32, #tpu.memory_space<hbm>>) target(%arg10 : memref<16x128xf32, #tpu.memory_space<vmem>>) offsets(%dma_start3A_310 : memref<16xi32, #tpu.memory_space<vmem>>) semaphore(%arg11 : memref<!tpu.dma_semaphore, #tpu.memory_space<semaphore_mem>>)
    %add3A_314 = arith.constant 0 : i32
    %add3A_315 = arith.addi %multiple_of3A_5, %add3A_314 : i32
    %multiple_of3A_316 = tpu.assume_multiple %add3A_315, 8 : i32
    %dma_start3A_317 = tpu.memref_slice %arg4[%multiple_of3A_316] : memref<320000xi32, #tpu.memory_space<hbm>> -> memref<64xi32, #tpu.memory_space<hbm>>
    %dma_start3A_318 = tpu.memref_slice %arg4[%multiple_of3A_316] : memref<320000xi32, #tpu.memory_space<hbm>> -> memref<64xi32, #tpu.memory_space<hbm>>
    tpu.enqueue_dma source(%dma_start3A_318 : memref<64xi32, #tpu.memory_space<hbm>>) target(%arg12 : memref<64xi32, #tpu.memory_space<vmem>>) target_semaphore(%arg14 : memref<!tpu.dma_semaphore, #tpu.memory_space<semaphore_mem>>)
    %multiple_of3A_319 = arith.constant 0 : i32
    %multiple_of3A_320 = tpu.assume_multiple %multiple_of3A_319, 8 : i32
    %dma_start3A_321 = tpu.memref_slice %arg8[%multiple_of3A_320] : memref<10000xi32, #tpu.memory_space<vmem>> -> memref<64xi32, #tpu.memory_space<vmem>>
    %dma_start3A_322 = arith.constant 0 : i32
    %dma_start3A_323 = arith.constant 0 : i32
    %dma_start3A_324 = tpu.memref_slice %arg2[%dma_start3A_322, %dma_start3A_323] : memref<10000x128xf32, #tpu.memory_space<hbm>> -> memref<10000x128xf32, #tpu.memory_space<hbm>>
    tpu.enqueue_indirect_dma source(%dma_start3A_324 : memref<10000x128xf32, #tpu.memory_space<hbm>>) target(%arg13 : memref<64x128xf32, #tpu.memory_space<vmem>>) offsets(%dma_start3A_321 : memref<64xi32, #tpu.memory_space<vmem>>) semaphore(%arg15 : memref<!tpu.dma_semaphore, #tpu.memory_space<semaphore_mem>>)
    %add3A_325 = arith.constant 64 : i32
    %add3A_326 = arith.addi %multiple_of3A_5, %add3A_325 : i32
    %multiple_of3A_327 = tpu.assume_multiple %add3A_326, 8 : i32
    %dma_start3A_328 = tpu.memref_slice %arg4[%multiple_of3A_327] : memref<320000xi32, #tpu.memory_space<hbm>> -> memref<64xi32, #tpu.memory_space<hbm>>
    %dma_start3A_329 = tpu.memref_slice %arg4[%multiple_of3A_327] : memref<320000xi32, #tpu.memory_space<hbm>> -> memref<64xi32, #tpu.memory_space<hbm>>
    tpu.enqueue_dma source(%dma_start3A_329 : memref<64xi32, #tpu.memory_space<hbm>>) target(%arg18 : memref<64xi32, #tpu.memory_space<vmem>>) target_semaphore(%arg20 : memref<!tpu.dma_semaphore, #tpu.memory_space<semaphore_mem>>)
    %multiple_of3A_330 = arith.constant 64 : i32
    %multiple_of3A_331 = tpu.assume_multiple %multiple_of3A_330, 8 : i32
    %dma_start3A_332 = tpu.memref_slice %arg8[%multiple_of3A_331] : memref<10000xi32, #tpu.memory_space<vmem>> -> memref<64xi32, #tpu.memory_space<vmem>>
    %dma_start3A_333 = arith.constant 0 : i32
    %dma_start3A_334 = arith.constant 0 : i32
    %dma_start3A_335 = tpu.memref_slice %arg2[%dma_start3A_333, %dma_start3A_334] : memref<10000x128xf32, #tpu.memory_space<hbm>> -> memref<10000x128xf32, #tpu.memory_space<hbm>>
    tpu.enqueue_indirect_dma source(%dma_start3A_335 : memref<10000x128xf32, #tpu.memory_space<hbm>>) target(%arg19 : memref<64x128xf32, #tpu.memory_space<vmem>>) offsets(%dma_start3A_332 : memref<64xi32, #tpu.memory_space<vmem>>) semaphore(%arg21 : memref<!tpu.dma_semaphore, #tpu.memory_space<semaphore_mem>>)
    %add3A_336 = arith.constant 128 : i32
    %add3A_337 = arith.addi %multiple_of3A_5, %add3A_336 : i32
    %multiple_of3A_338 = tpu.assume_multiple %add3A_337, 8 : i32
    %dma_start3A_339 = tpu.memref_slice %arg4[%multiple_of3A_338] : memref<320000xi32, #tpu.memory_space<hbm>> -> memref<64xi32, #tpu.memory_space<hbm>>
    %dma_start3A_340 = tpu.memref_slice %arg4[%multiple_of3A_338] : memref<320000xi32, #tpu.memory_space<hbm>> -> memref<64xi32, #tpu.memory_space<hbm>>
    tpu.enqueue_dma source(%dma_start3A_340 : memref<64xi32, #tpu.memory_space<hbm>>) target(%arg24 : memref<64xi32, #tpu.memory_space<vmem>>) target_semaphore(%arg26 : memref<!tpu.dma_semaphore, #tpu.memory_space<semaphore_mem>>)
    %multiple_of3A_341 = arith.constant 128 : i32
    %multiple_of3A_342 = tpu.assume_multiple %multiple_of3A_341, 8 : i32
    %dma_start3A_343 = tpu.memref_slice %arg8[%multiple_of3A_342] : memref<10000xi32, #tpu.memory_space<vmem>> -> memref<64xi32, #tpu.memory_space<vmem>>
    %dma_start3A_344 = arith.constant 0 : i32
    %dma_start3A_345 = arith.constant 0 : i32
    %dma_start3A_346 = tpu.memref_slice %arg2[%dma_start3A_344, %dma_start3A_345] : memref<10000x128xf32, #tpu.memory_space<hbm>> -> memref<10000x128xf32, #tpu.memory_space<hbm>>
    tpu.enqueue_indirect_dma source(%dma_start3A_346 : memref<10000x128xf32, #tpu.memory_space<hbm>>) target(%arg25 : memref<64x128xf32, #tpu.memory_space<vmem>>) offsets(%dma_start3A_343 : memref<64xi32, #tpu.memory_space<vmem>>) semaphore(%arg27 : memref<!tpu.dma_semaphore, #tpu.memory_space<semaphore_mem>>)
    %add3A_347 = arith.constant 192 : i32
    %add3A_348 = arith.addi %multiple_of3A_5, %add3A_347 : i32
    %multiple_of3A_349 = tpu.assume_multiple %add3A_348, 8 : i32
    %dma_start3A_350 = tpu.memref_slice %arg4[%multiple_of3A_349] : memref<320000xi32, #tpu.memory_space<hbm>> -> memref<64xi32, #tpu.memory_space<hbm>>
    %dma_start3A_351 = tpu.memref_slice %arg4[%multiple_of3A_349] : memref<320000xi32, #tpu.memory_space<hbm>> -> memref<64xi32, #tpu.memory_space<hbm>>
    tpu.enqueue_dma source(%dma_start3A_351 : memref<64xi32, #tpu.memory_space<hbm>>) target(%arg30 : memref<64xi32, #tpu.memory_space<vmem>>) target_semaphore(%arg32 : memref<!tpu.dma_semaphore, #tpu.memory_space<semaphore_mem>>)
    %multiple_of3A_352 = arith.constant 192 : i32
    %multiple_of3A_353 = tpu.assume_multiple %multiple_of3A_352, 8 : i32
    %dma_start3A_354 = tpu.memref_slice %arg8[%multiple_of3A_353] : memref<10000xi32, #tpu.memory_space<vmem>> -> memref<64xi32, #tpu.memory_space<vmem>>
    %dma_start3A_355 = arith.constant 0 : i32
    %dma_start3A_356 = arith.constant 0 : i32
    %dma_start3A_357 = tpu.memref_slice %arg2[%dma_start3A_355, %dma_start3A_356] : memref<10000x128xf32, #tpu.memory_space<hbm>> -> memref<10000x128xf32, #tpu.memory_space<hbm>>
    tpu.enqueue_indirect_dma source(%dma_start3A_357 : memref<10000x128xf32, #tpu.memory_space<hbm>>) target(%arg31 : memref<64x128xf32, #tpu.memory_space<vmem>>) offsets(%dma_start3A_354 : memref<64xi32, #tpu.memory_space<vmem>>) semaphore(%arg33 : memref<!tpu.dma_semaphore, #tpu.memory_space<semaphore_mem>>)
    %scan3A_358 = arith.constant 0 : i32
    %scan3A_359 = arith.constant 0 : i32
    %scan3A_360 = arith.constant 39 : i32
    %scan3A_361 = arith.addi %scan3A_359, %scan3A_360 : i32
    %scan3A_362 = arith.constant 1 : i32
    scf.for %scan3A_694 = %scan3A_359 to %scan3A_361 step %scan3A_362  : i32 {
      %mul3A_695 = arith.constant 4 : i32
      %mul3A_696 = arith.muli %mul3A_695, %scan3A_694 : i32
      %multiple_of3A_697 = arith.constant 0 : i32
      %multiple_of3A_698 = tpu.assume_multiple %multiple_of3A_697, 8 : i32
      %dma_wait3A_699 = tpu.memref_slice %arg8[%multiple_of3A_698] : memref<10000xi32, #tpu.memory_space<vmem>> -> memref<64xi32, #tpu.memory_space<vmem>>
      %dma_wait3A_700 = arith.constant 0 : i32
      %dma_wait3A_701 = arith.constant 0 : i32
      %dma_wait3A_702 = tpu.memref_slice %arg2[%dma_wait3A_700, %dma_wait3A_701] : memref<10000x128xf32, #tpu.memory_space<hbm>> -> memref<10000x128xf32, #tpu.memory_space<hbm>>
      tpu.wait_indirect_dma semaphore(%arg15 : memref<!tpu.dma_semaphore, #tpu.memory_space<semaphore_mem>>) src(%dma_wait3A_702 : memref<10000x128xf32, #tpu.memory_space<hbm>>) dst(%arg13 : memref<64x128xf32, #tpu.memory_space<vmem>>)
      %dma_wait3A_703 = tpu.memref_slice %arg4[%multiple_of3A_5] : memref<320000xi32, #tpu.memory_space<hbm>> -> memref<64xi32, #tpu.memory_space<hbm>>
      %dma_wait3A_704 = tpu.memref_slice %arg4[%multiple_of3A_5] : memref<320000xi32, #tpu.memory_space<hbm>> -> memref<64xi32, #tpu.memory_space<hbm>>
      tpu.wait_dma2 semaphore(%arg14 : memref<!tpu.dma_semaphore, #tpu.memory_space<semaphore_mem>>) src(%dma_wait3A_704 : memref<64xi32, #tpu.memory_space<hbm>>) dst(%arg12 : memref<64xi32, #tpu.memory_space<vmem>>)
      %dma_start3A_705 = arith.constant 0 : i32
      %dma_start3A_706 = arith.constant 0 : i32
      %dma_start3A_707 = tpu.memref_slice %arg7[%dma_start3A_705, %dma_start3A_706] : memref<10000x128xf32, #tpu.memory_space<vmem_shared>> -> memref<10000x128xf32, #tpu.memory_space<vmem_shared>>
      tpu.enqueue_indirect_dma source(%arg13 : memref<64x128xf32, #tpu.memory_space<vmem>>) target(%dma_start3A_707 : memref<10000x128xf32, #tpu.memory_space<vmem_shared>>) offsets(%arg12 : memref<64xi32, #tpu.memory_space<vmem>>) semaphore(%arg16 : memref<!tpu.dma_semaphore, #tpu.memory_space<semaphore_mem>>) {add = true}
      %dma_start3A_708 = arith.constant 0 : i32
      %dma_start3A_709 = tpu.memref_slice %arg36[%dma_start3A_708] : memref<10000xf32, #tpu.memory_space<vmem_shared>> -> memref<10000xf32, #tpu.memory_space<vmem_shared>>
      tpu.enqueue_indirect_dma source(%arg37 : memref<64xf32, #tpu.memory_space<vmem>>) target(%dma_start3A_709 : memref<10000xf32, #tpu.memory_space<vmem_shared>>) offsets(%arg12 : memref<64xi32, #tpu.memory_space<vmem>>) semaphore(%arg17 : memref<!tpu.dma_semaphore, #tpu.memory_space<semaphore_mem>>) {add = true}
      %multiple_of3A_710 = arith.constant 0 : i32
      %multiple_of3A_711 = tpu.assume_multiple %multiple_of3A_710, 8 : i32
      %dma_wait3A_712 = tpu.memref_slice %arg8[%multiple_of3A_711] : memref<10000xi32, #tpu.memory_space<vmem>> -> memref<64xi32, #tpu.memory_space<vmem>>
      %dma_wait3A_713 = arith.constant 0 : i32
      %dma_wait3A_714 = arith.constant 0 : i32
      %dma_wait3A_715 = tpu.memref_slice %arg2[%dma_wait3A_713, %dma_wait3A_714] : memref<10000x128xf32, #tpu.memory_space<hbm>> -> memref<10000x128xf32, #tpu.memory_space<hbm>>
      tpu.wait_indirect_dma semaphore(%arg21 : memref<!tpu.dma_semaphore, #tpu.memory_space<semaphore_mem>>) src(%dma_wait3A_715 : memref<10000x128xf32, #tpu.memory_space<hbm>>) dst(%arg19 : memref<64x128xf32, #tpu.memory_space<vmem>>)
      %dma_wait3A_716 = tpu.memref_slice %arg4[%multiple_of3A_5] : memref<320000xi32, #tpu.memory_space<hbm>> -> memref<64xi32, #tpu.memory_space<hbm>>
      %dma_wait3A_717 = tpu.memref_slice %arg4[%multiple_of3A_5] : memref<320000xi32, #tpu.memory_space<hbm>> -> memref<64xi32, #tpu.memory_space<hbm>>
      tpu.wait_dma2 semaphore(%arg20 : memref<!tpu.dma_semaphore, #tpu.memory_space<semaphore_mem>>) src(%dma_wait3A_717 : memref<64xi32, #tpu.memory_space<hbm>>) dst(%arg18 : memref<64xi32, #tpu.memory_space<vmem>>)
      %dma_start3A_718 = arith.constant 0 : i32
      %dma_start3A_719 = arith.constant 0 : i32
      %dma_start3A_720 = tpu.memref_slice %arg7[%dma_start3A_718, %dma_start3A_719] : memref<10000x128xf32, #tpu.memory_space<vmem_shared>> -> memref<10000x128xf32, #tpu.memory_space<vmem_shared>>
      tpu.enqueue_indirect_dma source(%arg19 : memref<64x128xf32, #tpu.memory_space<vmem>>) target(%dma_start3A_720 : memref<10000x128xf32, #tpu.memory_space<vmem_shared>>) offsets(%arg18 : memref<64xi32, #tpu.memory_space<vmem>>) semaphore(%arg22 : memref<!tpu.dma_semaphore, #tpu.memory_space<semaphore_mem>>) {add = true}
      %dma_start3A_721 = arith.constant 0 : i32
      %dma_start3A_722 = tpu.memref_slice %arg36[%dma_start3A_721] : memref<10000xf32, #tpu.memory_space<vmem_shared>> -> memref<10000xf32, #tpu.memory_space<vmem_shared>>
      tpu.enqueue_indirect_dma source(%arg37 : memref<64xf32, #tpu.memory_space<vmem>>) target(%dma_start3A_722 : memref<10000xf32, #tpu.memory_space<vmem_shared>>) offsets(%arg18 : memref<64xi32, #tpu.memory_space<vmem>>) semaphore(%arg23 : memref<!tpu.dma_semaphore, #tpu.memory_space<semaphore_mem>>) {add = true}
      %multiple_of3A_723 = arith.constant 0 : i32
      %multiple_of3A_724 = tpu.assume_multiple %multiple_of3A_723, 8 : i32
      %dma_wait3A_725 = tpu.memref_slice %arg8[%multiple_of3A_724] : memref<10000xi32, #tpu.memory_space<vmem>> -> memref<64xi32, #tpu.memory_space<vmem>>
      %dma_wait3A_726 = arith.constant 0 : i32
      %dma_wait3A_727 = arith.constant 0 : i32
      %dma_wait3A_728 = tpu.memref_slice %arg2[%dma_wait3A_726, %dma_wait3A_727] : memref<10000x128xf32, #tpu.memory_space<hbm>> -> memref<10000x128xf32, #tpu.memory_space<hbm>>
      tpu.wait_indirect_dma semaphore(%arg27 : memref<!tpu.dma_semaphore, #tpu.memory_space<semaphore_mem>>) src(%dma_wait3A_728 : memref<10000x128xf32, #tpu.memory_space<hbm>>) dst(%arg25 : memref<64x128xf32, #tpu.memory_space<vmem>>)
      %dma_wait3A_729 = tpu.memref_slice %arg4[%multiple_of3A_5] : memref<320000xi32, #tpu.memory_space<hbm>> -> memref<64xi32, #tpu.memory_space<hbm>>
      %dma_wait3A_730 = tpu.memref_slice %arg4[%multiple_of3A_5] : memref<320000xi32, #tpu.memory_space<hbm>> -> memref<64xi32, #tpu.memory_space<hbm>>
      tpu.wait_dma2 semaphore(%arg26 : memref<!tpu.dma_semaphore, #tpu.memory_space<semaphore_mem>>) src(%dma_wait3A_730 : memref<64xi32, #tpu.memory_space<hbm>>) dst(%arg24 : memref<64xi32, #tpu.memory_space<vmem>>)
      %dma_start3A_731 = arith.constant 0 : i32
      %dma_start3A_732 = arith.constant 0 : i32
      %dma_start3A_733 = tpu.memref_slice %arg7[%dma_start3A_731, %dma_start3A_732] : memref<10000x128xf32, #tpu.memory_space<vmem_shared>> -> memref<10000x128xf32, #tpu.memory_space<vmem_shared>>
      tpu.enqueue_indirect_dma source(%arg25 : memref<64x128xf32, #tpu.memory_space<vmem>>) target(%dma_start3A_733 : memref<10000x128xf32, #tpu.memory_space<vmem_shared>>) offsets(%arg24 : memref<64xi32, #tpu.memory_space<vmem>>) semaphore(%arg28 : memref<!tpu.dma_semaphore, #tpu.memory_space<semaphore_mem>>) {add = true}
      %dma_start3A_734 = arith.constant 0 : i32
      %dma_start3A_735 = tpu.memref_slice %arg36[%dma_start3A_734] : memref<10000xf32, #tpu.memory_space<vmem_shared>> -> memref<10000xf32, #tpu.memory_space<vmem_shared>>
      tpu.enqueue_indirect_dma source(%arg37 : memref<64xf32, #tpu.memory_space<vmem>>) target(%dma_start3A_735 : memref<10000xf32, #tpu.memory_space<vmem_shared>>) offsets(%arg24 : memref<64xi32, #tpu.memory_space<vmem>>) semaphore(%arg29 : memref<!tpu.dma_semaphore, #tpu.memory_space<semaphore_mem>>) {add = true}
      %multiple_of3A_736 = arith.constant 0 : i32
      %multiple_of3A_737 = tpu.assume_multiple %multiple_of3A_736, 8 : i32
      %dma_wait3A_738 = tpu.memref_slice %arg8[%multiple_of3A_737] : memref<10000xi32, #tpu.memory_space<vmem>> -> memref<64xi32, #tpu.memory_space<vmem>>
      %dma_wait3A_739 = arith.constant 0 : i32
      %dma_wait3A_740 = arith.constant 0 : i32
      %dma_wait3A_741 = tpu.memref_slice %arg2[%dma_wait3A_739, %dma_wait3A_740] : memref<10000x128xf32, #tpu.memory_space<hbm>> -> memref<10000x128xf32, #tpu.memory_space<hbm>>
      tpu.wait_indirect_dma semaphore(%arg33 : memref<!tpu.dma_semaphore, #tpu.memory_space<semaphore_mem>>) src(%dma_wait3A_741 : memref<10000x128xf32, #tpu.memory_space<hbm>>) dst(%arg31 : memref<64x128xf32, #tpu.memory_space<vmem>>)
      %dma_wait3A_742 = tpu.memref_slice %arg4[%multiple_of3A_5] : memref<320000xi32, #tpu.memory_space<hbm>> -> memref<64xi32, #tpu.memory_space<hbm>>
      %dma_wait3A_743 = tpu.memref_slice %arg4[%multiple_of3A_5] : memref<320000xi32, #tpu.memory_space<hbm>> -> memref<64xi32, #tpu.memory_space<hbm>>
      tpu.wait_dma2 semaphore(%arg32 : memref<!tpu.dma_semaphore, #tpu.memory_space<semaphore_mem>>) src(%dma_wait3A_743 : memref<64xi32, #tpu.memory_space<hbm>>) dst(%arg30 : memref<64xi32, #tpu.memory_space<vmem>>)
      %dma_start3A_744 = arith.constant 0 : i32
      %dma_start3A_745 = arith.constant 0 : i32
      %dma_start3A_746 = tpu.memref_slice %arg7[%dma_start3A_744, %dma_start3A_745] : memref<10000x128xf32, #tpu.memory_space<vmem_shared>> -> memref<10000x128xf32, #tpu.memory_space<vmem_shared>>
      tpu.enqueue_indirect_dma source(%arg31 : memref<64x128xf32, #tpu.memory_space<vmem>>) target(%dma_start3A_746 : memref<10000x128xf32, #tpu.memory_space<vmem_shared>>) offsets(%arg30 : memref<64xi32, #tpu.memory_space<vmem>>) semaphore(%arg34 : memref<!tpu.dma_semaphore, #tpu.memory_space<semaphore_mem>>) {add = true}
      %dma_start3A_747 = arith.constant 0 : i32
      %dma_start3A_748 = tpu.memref_slice %arg36[%dma_start3A_747] : memref<10000xf32, #tpu.memory_space<vmem_shared>> -> memref<10000xf32, #tpu.memory_space<vmem_shared>>
      tpu.enqueue_indirect_dma source(%arg37 : memref<64xf32, #tpu.memory_space<vmem>>) target(%dma_start3A_748 : memref<10000xf32, #tpu.memory_space<vmem_shared>>) offsets(%arg30 : memref<64xi32, #tpu.memory_space<vmem>>) semaphore(%arg35 : memref<!tpu.dma_semaphore, #tpu.memory_space<semaphore_mem>>) {add = true}
      %add3A_749 = arith.constant 0 : i32
      %add3A_750 = arith.addi %mul3A_696, %add3A_749 : i32
      %add3A_751 = arith.constant 4 : i32
      %add3A_752 = arith.addi %add3A_750, %add3A_751 : i32
      %lt3A = arith.constant 156 : i32
      %lt3A_753 = arith.cmpi slt, %add3A_752, %lt3A : i32
      %add3A_754 = arith.constant 0 : i32
      %add3A_755 = arith.addi %mul3A_696, %add3A_754 : i32
      %add3A_756 = arith.constant 4 : i32
      %add3A_757 = arith.addi %add3A_755, %add3A_756 : i32
      %jit3A = arith.constant 0 : i32
      %select_n3A = arith.select %lt3A_753, %add3A_757, %jit3A : i32
      %dma_wait3A_758 = arith.constant 0 : i32
      %dma_wait3A_759 = arith.constant 0 : i32
      %dma_wait3A_760 = tpu.memref_slice %arg7[%dma_wait3A_758, %dma_wait3A_759] : memref<10000x128xf32, #tpu.memory_space<vmem_shared>> -> memref<10000x128xf32, #tpu.memory_space<vmem_shared>>
      tpu.wait_indirect_dma semaphore(%arg16 : memref<!tpu.dma_semaphore, #tpu.memory_space<semaphore_mem>>) src(%arg13 : memref<64x128xf32, #tpu.memory_space<vmem>>) dst(%dma_wait3A_760 : memref<10000x128xf32, #tpu.memory_space<vmem_shared>>)
      %dma_wait3A_761 = arith.constant 0 : i32
      %dma_wait3A_762 = tpu.memref_slice %arg36[%dma_wait3A_761] : memref<10000xf32, #tpu.memory_space<vmem_shared>> -> memref<10000xf32, #tpu.memory_space<vmem_shared>>
      tpu.wait_indirect_dma semaphore(%arg17 : memref<!tpu.dma_semaphore, #tpu.memory_space<semaphore_mem>>) src(%arg37 : memref<64xf32, #tpu.memory_space<vmem>>) dst(%dma_wait3A_762 : memref<10000xf32, #tpu.memory_space<vmem_shared>>)
      %mul3A_763 = arith.constant 64 : i32
      %mul3A_764 = arith.muli %select_n3A, %mul3A_763 : i32
      %add3A_765 = arith.addi %multiple_of3A_5, %mul3A_764 : i32
      %multiple_of3A_766 = tpu.assume_multiple %add3A_765, 8 : i32
      %dma_start3A_767 = tpu.memref_slice %arg4[%multiple_of3A_766] : memref<320000xi32, #tpu.memory_space<hbm>> -> memref<64xi32, #tpu.memory_space<hbm>>
      %dma_start3A_768 = tpu.memref_slice %arg4[%multiple_of3A_766] : memref<320000xi32, #tpu.memory_space<hbm>> -> memref<64xi32, #tpu.memory_space<hbm>>
      tpu.enqueue_dma source(%dma_start3A_768 : memref<64xi32, #tpu.memory_space<hbm>>) target(%arg12 : memref<64xi32, #tpu.memory_space<vmem>>) target_semaphore(%arg14 : memref<!tpu.dma_semaphore, #tpu.memory_space<semaphore_mem>>)
      %mul3A_769 = arith.constant 64 : i32
      %mul3A_770 = arith.muli %select_n3A, %mul3A_769 : i32
      %multiple_of3A_771 = tpu.assume_multiple %mul3A_770, 8 : i32
      %dma_start3A_772 = tpu.memref_slice %arg8[%multiple_of3A_771] : memref<10000xi32, #tpu.memory_space<vmem>> -> memref<64xi32, #tpu.memory_space<vmem>>
      %dma_start3A_773 = arith.constant 0 : i32
      %dma_start3A_774 = arith.constant 0 : i32
      %dma_start3A_775 = tpu.memref_slice %arg2[%dma_start3A_773, %dma_start3A_774] : memref<10000x128xf32, #tpu.memory_space<hbm>> -> memref<10000x128xf32, #tpu.memory_space<hbm>>
      tpu.enqueue_indirect_dma source(%dma_start3A_775 : memref<10000x128xf32, #tpu.memory_space<hbm>>) target(%arg13 : memref<64x128xf32, #tpu.memory_space<vmem>>) offsets(%dma_start3A_772 : memref<64xi32, #tpu.memory_space<vmem>>) semaphore(%arg15 : memref<!tpu.dma_semaphore, #tpu.memory_space<semaphore_mem>>)
      %add3A_776 = arith.constant 1 : i32
      %add3A_777 = arith.addi %mul3A_696, %add3A_776 : i32
      %add3A_778 = arith.constant 4 : i32
      %add3A_779 = arith.addi %add3A_777, %add3A_778 : i32
      %lt3A_780 = arith.constant 156 : i32
      %lt3A_781 = arith.cmpi slt, %add3A_779, %lt3A_780 : i32
      %add3A_782 = arith.constant 1 : i32
      %add3A_783 = arith.addi %mul3A_696, %add3A_782 : i32
      %add3A_784 = arith.constant 4 : i32
      %add3A_785 = arith.addi %add3A_783, %add3A_784 : i32
      %jit3A_786 = arith.constant 0 : i32
      %select_n3A_787 = arith.select %lt3A_781, %add3A_785, %jit3A_786 : i32
      %dma_wait3A_788 = arith.constant 0 : i32
      %dma_wait3A_789 = arith.constant 0 : i32
      %dma_wait3A_790 = tpu.memref_slice %arg7[%dma_wait3A_788, %dma_wait3A_789] : memref<10000x128xf32, #tpu.memory_space<vmem_shared>> -> memref<10000x128xf32, #tpu.memory_space<vmem_shared>>
      tpu.wait_indirect_dma semaphore(%arg22 : memref<!tpu.dma_semaphore, #tpu.memory_space<semaphore_mem>>) src(%arg19 : memref<64x128xf32, #tpu.memory_space<vmem>>) dst(%dma_wait3A_790 : memref<10000x128xf32, #tpu.memory_space<vmem_shared>>)
      %dma_wait3A_791 = arith.constant 0 : i32
      %dma_wait3A_792 = tpu.memref_slice %arg36[%dma_wait3A_791] : memref<10000xf32, #tpu.memory_space<vmem_shared>> -> memref<10000xf32, #tpu.memory_space<vmem_shared>>
      tpu.wait_indirect_dma semaphore(%arg23 : memref<!tpu.dma_semaphore, #tpu.memory_space<semaphore_mem>>) src(%arg37 : memref<64xf32, #tpu.memory_space<vmem>>) dst(%dma_wait3A_792 : memref<10000xf32, #tpu.memory_space<vmem_shared>>)
      %mul3A_793 = arith.constant 64 : i32
      %mul3A_794 = arith.muli %select_n3A_787, %mul3A_793 : i32
      %add3A_795 = arith.addi %multiple_of3A_5, %mul3A_794 : i32
      %multiple_of3A_796 = tpu.assume_multiple %add3A_795, 8 : i32
      %dma_start3A_797 = tpu.memref_slice %arg4[%multiple_of3A_796] : memref<320000xi32, #tpu.memory_space<hbm>> -> memref<64xi32, #tpu.memory_space<hbm>>
      %dma_start3A_798 = tpu.memref_slice %arg4[%multiple_of3A_796] : memref<320000xi32, #tpu.memory_space<hbm>> -> memref<64xi32, #tpu.memory_space<hbm>>
      tpu.enqueue_dma source(%dma_start3A_798 : memref<64xi32, #tpu.memory_space<hbm>>) target(%arg18 : memref<64xi32, #tpu.memory_space<vmem>>) target_semaphore(%arg20 : memref<!tpu.dma_semaphore, #tpu.memory_space<semaphore_mem>>)
      %mul3A_799 = arith.constant 64 : i32
      %mul3A_800 = arith.muli %select_n3A_787, %mul3A_799 : i32
      %multiple_of3A_801 = tpu.assume_multiple %mul3A_800, 8 : i32
      %dma_start3A_802 = tpu.memref_slice %arg8[%multiple_of3A_801] : memref<10000xi32, #tpu.memory_space<vmem>> -> memref<64xi32, #tpu.memory_space<vmem>>
      %dma_start3A_803 = arith.constant 0 : i32
      %dma_start3A_804 = arith.constant 0 : i32
      %dma_start3A_805 = tpu.memref_slice %arg2[%dma_start3A_803, %dma_start3A_804] : memref<10000x128xf32, #tpu.memory_space<hbm>> -> memref<10000x128xf32, #tpu.memory_space<hbm>>
      tpu.enqueue_indirect_dma source(%dma_start3A_805 : memref<10000x128xf32, #tpu.memory_space<hbm>>) target(%arg19 : memref<64x128xf32, #tpu.memory_space<vmem>>) offsets(%dma_start3A_802 : memref<64xi32, #tpu.memory_space<vmem>>) semaphore(%arg21 : memref<!tpu.dma_semaphore, #tpu.memory_space<semaphore_mem>>)
      %add3A_806 = arith.constant 2 : i32
      %add3A_807 = arith.addi %mul3A_696, %add3A_806 : i32
      %add3A_808 = arith.constant 4 : i32
      %add3A_809 = arith.addi %add3A_807, %add3A_808 : i32
      %lt3A_810 = arith.constant 156 : i32
      %lt3A_811 = arith.cmpi slt, %add3A_809, %lt3A_810 : i32
      %add3A_812 = arith.constant 2 : i32
      %add3A_813 = arith.addi %mul3A_696, %add3A_812 : i32
      %add3A_814 = arith.constant 4 : i32
      %add3A_815 = arith.addi %add3A_813, %add3A_814 : i32
      %jit3A_816 = arith.constant 0 : i32
      %select_n3A_817 = arith.select %lt3A_811, %add3A_815, %jit3A_816 : i32
      %dma_wait3A_818 = arith.constant 0 : i32
      %dma_wait3A_819 = arith.constant 0 : i32
      %dma_wait3A_820 = tpu.memref_slice %arg7[%dma_wait3A_818, %dma_wait3A_819] : memref<10000x128xf32, #tpu.memory_space<vmem_shared>> -> memref<10000x128xf32, #tpu.memory_space<vmem_shared>>
      tpu.wait_indirect_dma semaphore(%arg28 : memref<!tpu.dma_semaphore, #tpu.memory_space<semaphore_mem>>) src(%arg25 : memref<64x128xf32, #tpu.memory_space<vmem>>) dst(%dma_wait3A_820 : memref<10000x128xf32, #tpu.memory_space<vmem_shared>>)
      %dma_wait3A_821 = arith.constant 0 : i32
      %dma_wait3A_822 = tpu.memref_slice %arg36[%dma_wait3A_821] : memref<10000xf32, #tpu.memory_space<vmem_shared>> -> memref<10000xf32, #tpu.memory_space<vmem_shared>>
      tpu.wait_indirect_dma semaphore(%arg29 : memref<!tpu.dma_semaphore, #tpu.memory_space<semaphore_mem>>) src(%arg37 : memref<64xf32, #tpu.memory_space<vmem>>) dst(%dma_wait3A_822 : memref<10000xf32, #tpu.memory_space<vmem_shared>>)
      %mul3A_823 = arith.constant 64 : i32
      %mul3A_824 = arith.muli %select_n3A_817, %mul3A_823 : i32
      %add3A_825 = arith.addi %multiple_of3A_5, %mul3A_824 : i32
      %multiple_of3A_826 = tpu.assume_multiple %add3A_825, 8 : i32
      %dma_start3A_827 = tpu.memref_slice %arg4[%multiple_of3A_826] : memref<320000xi32, #tpu.memory_space<hbm>> -> memref<64xi32, #tpu.memory_space<hbm>>
      %dma_start3A_828 = tpu.memref_slice %arg4[%multiple_of3A_826] : memref<320000xi32, #tpu.memory_space<hbm>> -> memref<64xi32, #tpu.memory_space<hbm>>
      tpu.enqueue_dma source(%dma_start3A_828 : memref<64xi32, #tpu.memory_space<hbm>>) target(%arg24 : memref<64xi32, #tpu.memory_space<vmem>>) target_semaphore(%arg26 : memref<!tpu.dma_semaphore, #tpu.memory_space<semaphore_mem>>)
      %mul3A_829 = arith.constant 64 : i32
      %mul3A_830 = arith.muli %select_n3A_817, %mul3A_829 : i32
      %multiple_of3A_831 = tpu.assume_multiple %mul3A_830, 8 : i32
      %dma_start3A_832 = tpu.memref_slice %arg8[%multiple_of3A_831] : memref<10000xi32, #tpu.memory_space<vmem>> -> memref<64xi32, #tpu.memory_space<vmem>>
      %dma_start3A_833 = arith.constant 0 : i32
      %dma_start3A_834 = arith.constant 0 : i32
      %dma_start3A_835 = tpu.memref_slice %arg2[%dma_start3A_833, %dma_start3A_834] : memref<10000x128xf32, #tpu.memory_space<hbm>> -> memref<10000x128xf32, #tpu.memory_space<hbm>>
      tpu.enqueue_indirect_dma source(%dma_start3A_835 : memref<10000x128xf32, #tpu.memory_space<hbm>>) target(%arg25 : memref<64x128xf32, #tpu.memory_space<vmem>>) offsets(%dma_start3A_832 : memref<64xi32, #tpu.memory_space<vmem>>) semaphore(%arg27 : memref<!tpu.dma_semaphore, #tpu.memory_space<semaphore_mem>>)
      %add3A_836 = arith.constant 3 : i32
      %add3A_837 = arith.addi %mul3A_696, %add3A_836 : i32
      %add3A_838 = arith.constant 4 : i32
      %add3A_839 = arith.addi %add3A_837, %add3A_838 : i32
      %lt3A_840 = arith.constant 156 : i32
      %lt3A_841 = arith.cmpi slt, %add3A_839, %lt3A_840 : i32
      %add3A_842 = arith.constant 3 : i32
      %add3A_843 = arith.addi %mul3A_696, %add3A_842 : i32
      %add3A_844 = arith.constant 4 : i32
      %add3A_845 = arith.addi %add3A_843, %add3A_844 : i32
      %jit3A_846 = arith.constant 0 : i32
      %select_n3A_847 = arith.select %lt3A_841, %add3A_845, %jit3A_846 : i32
      %dma_wait3A_848 = arith.constant 0 : i32
      %dma_wait3A_849 = arith.constant 0 : i32
      %dma_wait3A_850 = tpu.memref_slice %arg7[%dma_wait3A_848, %dma_wait3A_849] : memref<10000x128xf32, #tpu.memory_space<vmem_shared>> -> memref<10000x128xf32, #tpu.memory_space<vmem_shared>>
      tpu.wait_indirect_dma semaphore(%arg34 : memref<!tpu.dma_semaphore, #tpu.memory_space<semaphore_mem>>) src(%arg31 : memref<64x128xf32, #tpu.memory_space<vmem>>) dst(%dma_wait3A_850 : memref<10000x128xf32, #tpu.memory_space<vmem_shared>>)
      %dma_wait3A_851 = arith.constant 0 : i32
      %dma_wait3A_852 = tpu.memref_slice %arg36[%dma_wait3A_851] : memref<10000xf32, #tpu.memory_space<vmem_shared>> -> memref<10000xf32, #tpu.memory_space<vmem_shared>>
      tpu.wait_indirect_dma semaphore(%arg35 : memref<!tpu.dma_semaphore, #tpu.memory_space<semaphore_mem>>) src(%arg37 : memref<64xf32, #tpu.memory_space<vmem>>) dst(%dma_wait3A_852 : memref<10000xf32, #tpu.memory_space<vmem_shared>>)
      %mul3A_853 = arith.constant 64 : i32
      %mul3A_854 = arith.muli %select_n3A_847, %mul3A_853 : i32
      %add3A_855 = arith.addi %multiple_of3A_5, %mul3A_854 : i32
      %multiple_of3A_856 = tpu.assume_multiple %add3A_855, 8 : i32
      %dma_start3A_857 = tpu.memref_slice %arg4[%multiple_of3A_856] : memref<320000xi32, #tpu.memory_space<hbm>> -> memref<64xi32, #tpu.memory_space<hbm>>
      %dma_start3A_858 = tpu.memref_slice %arg4[%multiple_of3A_856] : memref<320000xi32, #tpu.memory_space<hbm>> -> memref<64xi32, #tpu.memory_space<hbm>>
      tpu.enqueue_dma source(%dma_start3A_858 : memref<64xi32, #tpu.memory_space<hbm>>) target(%arg30 : memref<64xi32, #tpu.memory_space<vmem>>) target_semaphore(%arg32 : memref<!tpu.dma_semaphore, #tpu.memory_space<semaphore_mem>>)
      %mul3A_859 = arith.constant 64 : i32
      %mul3A_860 = arith.muli %select_n3A_847, %mul3A_859 : i32
      %multiple_of3A_861 = tpu.assume_multiple %mul3A_860, 8 : i32
      %dma_start3A_862 = tpu.memref_slice %arg8[%multiple_of3A_861] : memref<10000xi32, #tpu.memory_space<vmem>> -> memref<64xi32, #tpu.memory_space<vmem>>
      %dma_start3A_863 = arith.constant 0 : i32
      %dma_start3A_864 = arith.constant 0 : i32
      %dma_start3A_865 = tpu.memref_slice %arg2[%dma_start3A_863, %dma_start3A_864] : memref<10000x128xf32, #tpu.memory_space<hbm>> -> memref<10000x128xf32, #tpu.memory_space<hbm>>
      tpu.enqueue_indirect_dma source(%dma_start3A_865 : memref<10000x128xf32, #tpu.memory_space<hbm>>) target(%arg31 : memref<64x128xf32, #tpu.memory_space<vmem>>) offsets(%dma_start3A_862 : memref<64xi32, #tpu.memory_space<vmem>>) semaphore(%arg33 : memref<!tpu.dma_semaphore, #tpu.memory_space<semaphore_mem>>)
    }
    %scan3A_363 = arith.constant 39 : i32
    %dma_wait3A_364 = tpu.memref_slice %arg4[%multiple_of3A_5] : memref<320000xi32, #tpu.memory_space<hbm>> -> memref<64xi32, #tpu.memory_space<hbm>>
    %dma_wait3A_365 = tpu.memref_slice %arg4[%multiple_of3A_5] : memref<320000xi32, #tpu.memory_space<hbm>> -> memref<64xi32, #tpu.memory_space<hbm>>
    tpu.wait_dma2 semaphore(%arg14 : memref<!tpu.dma_semaphore, #tpu.memory_space<semaphore_mem>>) src(%dma_wait3A_365 : memref<64xi32, #tpu.memory_space<hbm>>) dst(%arg12 : memref<64xi32, #tpu.memory_space<vmem>>)
    %multiple_of3A_366 = arith.constant 0 : i32
    %multiple_of3A_367 = tpu.assume_multiple %multiple_of3A_366, 8 : i32
    %dma_wait3A_368 = tpu.memref_slice %arg8[%multiple_of3A_367] : memref<10000xi32, #tpu.memory_space<vmem>> -> memref<64xi32, #tpu.memory_space<vmem>>
    %dma_wait3A_369 = arith.constant 0 : i32
    %dma_wait3A_370 = arith.constant 0 : i32
    %dma_wait3A_371 = tpu.memref_slice %arg2[%dma_wait3A_369, %dma_wait3A_370] : memref<10000x128xf32, #tpu.memory_space<hbm>> -> memref<10000x128xf32, #tpu.memory_space<hbm>>
    tpu.wait_indirect_dma semaphore(%arg15 : memref<!tpu.dma_semaphore, #tpu.memory_space<semaphore_mem>>) src(%dma_wait3A_371 : memref<10000x128xf32, #tpu.memory_space<hbm>>) dst(%arg13 : memref<64x128xf32, #tpu.memory_space<vmem>>)
    %dma_wait3A_372 = tpu.memref_slice %arg4[%multiple_of3A_5] : memref<320000xi32, #tpu.memory_space<hbm>> -> memref<64xi32, #tpu.memory_space<hbm>>
    %dma_wait3A_373 = tpu.memref_slice %arg4[%multiple_of3A_5] : memref<320000xi32, #tpu.memory_space<hbm>> -> memref<64xi32, #tpu.memory_space<hbm>>
    tpu.wait_dma2 semaphore(%arg20 : memref<!tpu.dma_semaphore, #tpu.memory_space<semaphore_mem>>) src(%dma_wait3A_373 : memref<64xi32, #tpu.memory_space<hbm>>) dst(%arg18 : memref<64xi32, #tpu.memory_space<vmem>>)
    %multiple_of3A_374 = arith.constant 0 : i32
    %multiple_of3A_375 = tpu.assume_multiple %multiple_of3A_374, 8 : i32
    %dma_wait3A_376 = tpu.memref_slice %arg8[%multiple_of3A_375] : memref<10000xi32, #tpu.memory_space<vmem>> -> memref<64xi32, #tpu.memory_space<vmem>>
    %dma_wait3A_377 = arith.constant 0 : i32
    %dma_wait3A_378 = arith.constant 0 : i32
    %dma_wait3A_379 = tpu.memref_slice %arg2[%dma_wait3A_377, %dma_wait3A_378] : memref<10000x128xf32, #tpu.memory_space<hbm>> -> memref<10000x128xf32, #tpu.memory_space<hbm>>
    tpu.wait_indirect_dma semaphore(%arg21 : memref<!tpu.dma_semaphore, #tpu.memory_space<semaphore_mem>>) src(%dma_wait3A_379 : memref<10000x128xf32, #tpu.memory_space<hbm>>) dst(%arg19 : memref<64x128xf32, #tpu.memory_space<vmem>>)
    %dma_wait3A_380 = tpu.memref_slice %arg4[%multiple_of3A_5] : memref<320000xi32, #tpu.memory_space<hbm>> -> memref<64xi32, #tpu.memory_space<hbm>>
    %dma_wait3A_381 = tpu.memref_slice %arg4[%multiple_of3A_5] : memref<320000xi32, #tpu.memory_space<hbm>> -> memref<64xi32, #tpu.memory_space<hbm>>
    tpu.wait_dma2 semaphore(%arg26 : memref<!tpu.dma_semaphore, #tpu.memory_space<semaphore_mem>>) src(%dma_wait3A_381 : memref<64xi32, #tpu.memory_space<hbm>>) dst(%arg24 : memref<64xi32, #tpu.memory_space<vmem>>)
    %multiple_of3A_382 = arith.constant 0 : i32
    %multiple_of3A_383 = tpu.assume_multiple %multiple_of3A_382, 8 : i32
    %dma_wait3A_384 = tpu.memref_slice %arg8[%multiple_of3A_383] : memref<10000xi32, #tpu.memory_space<vmem>> -> memref<64xi32, #tpu.memory_space<vmem>>
    %dma_wait3A_385 = arith.constant 0 : i32
    %dma_wait3A_386 = arith.constant 0 : i32
    %dma_wait3A_387 = tpu.memref_slice %arg2[%dma_wait3A_385, %dma_wait3A_386] : memref<10000x128xf32, #tpu.memory_space<hbm>> -> memref<10000x128xf32, #tpu.memory_space<hbm>>
    tpu.wait_indirect_dma semaphore(%arg27 : memref<!tpu.dma_semaphore, #tpu.memory_space<semaphore_mem>>) src(%dma_wait3A_387 : memref<10000x128xf32, #tpu.memory_space<hbm>>) dst(%arg25 : memref<64x128xf32, #tpu.memory_space<vmem>>)
    %dma_wait3A_388 = tpu.memref_slice %arg4[%multiple_of3A_5] : memref<320000xi32, #tpu.memory_space<hbm>> -> memref<64xi32, #tpu.memory_space<hbm>>
    %dma_wait3A_389 = tpu.memref_slice %arg4[%multiple_of3A_5] : memref<320000xi32, #tpu.memory_space<hbm>> -> memref<64xi32, #tpu.memory_space<hbm>>
    tpu.wait_dma2 semaphore(%arg32 : memref<!tpu.dma_semaphore, #tpu.memory_space<semaphore_mem>>) src(%dma_wait3A_389 : memref<64xi32, #tpu.memory_space<hbm>>) dst(%arg30 : memref<64xi32, #tpu.memory_space<vmem>>)
    %multiple_of3A_390 = arith.constant 0 : i32
    %multiple_of3A_391 = tpu.assume_multiple %multiple_of3A_390, 8 : i32
    %dma_wait3A_392 = tpu.memref_slice %arg8[%multiple_of3A_391] : memref<10000xi32, #tpu.memory_space<vmem>> -> memref<64xi32, #tpu.memory_space<vmem>>
    %dma_wait3A_393 = arith.constant 0 : i32
    %dma_wait3A_394 = arith.constant 0 : i32
    %dma_wait3A_395 = tpu.memref_slice %arg2[%dma_wait3A_393, %dma_wait3A_394] : memref<10000x128xf32, #tpu.memory_space<hbm>> -> memref<10000x128xf32, #tpu.memory_space<hbm>>
    tpu.wait_indirect_dma semaphore(%arg33 : memref<!tpu.dma_semaphore, #tpu.memory_space<semaphore_mem>>) src(%dma_wait3A_395 : memref<10000x128xf32, #tpu.memory_space<hbm>>) dst(%arg31 : memref<64x128xf32, #tpu.memory_space<vmem>>)
    %dma_wait3A_396 = tpu.memref_slice %arg8[%multiple_of3A_308] : memref<10000xi32, #tpu.memory_space<vmem>> -> memref<16xi32, #tpu.memory_space<vmem>>
    %dma_wait3A_397 = arith.constant 0 : i32
    %dma_wait3A_398 = arith.constant 0 : i32
    %dma_wait3A_399 = tpu.memref_slice %arg2[%dma_wait3A_397, %dma_wait3A_398] : memref<10000x128xf32, #tpu.memory_space<hbm>> -> memref<10000x128xf32, #tpu.memory_space<hbm>>
    tpu.wait_indirect_dma semaphore(%arg11 : memref<!tpu.dma_semaphore, #tpu.memory_space<semaphore_mem>>) src(%dma_wait3A_399 : memref<10000x128xf32, #tpu.memory_space<hbm>>) dst(%arg10 : memref<16x128xf32, #tpu.memory_space<vmem>>)
    %dma_start3A_400 = arith.constant 0 : i32
    %dma_start3A_401 = arith.constant 0 : i32
    %dma_start3A_402 = tpu.memref_slice %arg7[%dma_start3A_400, %dma_start3A_401] : memref<10000x128xf32, #tpu.memory_space<vmem_shared>> -> memref<10000x128xf32, #tpu.memory_space<vmem_shared>>
    tpu.enqueue_indirect_dma source(%arg10 : memref<16x128xf32, #tpu.memory_space<vmem>>) target(%dma_start3A_402 : memref<10000x128xf32, #tpu.memory_space<vmem_shared>>) offsets(%arg9 : memref<16xi32, #tpu.memory_space<vmem>>) semaphore(%arg16 : memref<!tpu.dma_semaphore, #tpu.memory_space<semaphore_mem>>) {add = true}
    %dma_start3A_403 = arith.constant 0 : i32
    %dma_start3A_404 = tpu.memref_slice %arg37[%dma_start3A_403] : memref<64xf32, #tpu.memory_space<vmem>> -> memref<16xf32, #tpu.memory_space<vmem>>
    %dma_start3A_405 = arith.constant 0 : i32
    %dma_start3A_406 = tpu.memref_slice %arg36[%dma_start3A_405] : memref<10000xf32, #tpu.memory_space<vmem_shared>> -> memref<10000xf32, #tpu.memory_space<vmem_shared>>
    tpu.enqueue_indirect_dma source(%dma_start3A_404 : memref<16xf32, #tpu.memory_space<vmem>>) target(%dma_start3A_406 : memref<10000xf32, #tpu.memory_space<vmem_shared>>) offsets(%arg9 : memref<16xi32, #tpu.memory_space<vmem>>) semaphore(%arg17 : memref<!tpu.dma_semaphore, #tpu.memory_space<semaphore_mem>>) {add = true}
    %dma_wait3A_407 = arith.constant 0 : i32
    %dma_wait3A_408 = tpu.memref_slice %arg37[%dma_wait3A_407] : memref<64xf32, #tpu.memory_space<vmem>> -> memref<16xf32, #tpu.memory_space<vmem>>
    %dma_wait3A_409 = arith.constant 0 : i32
    %dma_wait3A_410 = tpu.memref_slice %arg36[%dma_wait3A_409] : memref<10000xf32, #tpu.memory_space<vmem_shared>> -> memref<10000xf32, #tpu.memory_space<vmem_shared>>
    tpu.wait_indirect_dma semaphore(%arg17 : memref<!tpu.dma_semaphore, #tpu.memory_space<semaphore_mem>>) src(%dma_wait3A_408 : memref<16xf32, #tpu.memory_space<vmem>>) dst(%dma_wait3A_410 : memref<10000xf32, #tpu.memory_space<vmem_shared>>)
    %dma_wait3A_411 = arith.constant 0 : i32
    %dma_wait3A_412 = arith.constant 0 : i32
    %dma_wait3A_413 = tpu.memref_slice %arg7[%dma_wait3A_411, %dma_wait3A_412] : memref<10000x128xf32, #tpu.memory_space<vmem_shared>> -> memref<10000x128xf32, #tpu.memory_space<vmem_shared>>
    tpu.wait_indirect_dma semaphore(%arg16 : memref<!tpu.dma_semaphore, #tpu.memory_space<semaphore_mem>>) src(%arg10 : memref<16x128xf32, #tpu.memory_space<vmem>>) dst(%dma_wait3A_413 : memref<10000x128xf32, #tpu.memory_space<vmem_shared>>)
    %barrier3A_414 = arith.constant 0 : index
    tpu.barrier barrier_id(%barrier3A_414)
    %add3A_415 = arith.constant 576 : i32
    %add3A_416 = arith.addi %multiple_of3A, %add3A_415 : i32
    %multiple_of3A_417 = tpu.assume_multiple %add3A_416, 8 : i32
    %add3A_418 = arith.constant 0 : i32
    %add3A_419 = arith.addi %multiple_of3A, %add3A_418 : i32
    %multiple_of3A_420 = tpu.assume_multiple %add3A_419, 8 : i32
    "tpu.region"() ({
      %run_scoped3A = tpu.sem_alloc : memref<!tpu.dma_semaphore, #tpu.memory_space<semaphore_mem>>
      %dma_start3A_694 = arith.constant 0 : i32
      %dma_start3A_695 = arith.constant 0 : i32
      %dma_start3A_696 = tpu.memref_slice %arg13[%dma_start3A_694, %dma_start3A_695] : memref<64x128xf32, #tpu.memory_space<vmem>> -> memref<64x128xf32, #tpu.memory_space<vmem>>
      %dma_start3A_697 = arith.constant 0 : i32
      %dma_start3A_698 = tpu.memref_slice %arg7[%multiple_of3A_420, %dma_start3A_697] : memref<10000x128xf32, #tpu.memory_space<vmem_shared>> -> memref<64x128xf32, #tpu.memory_space<vmem_shared>>
      %dma_start3A_699 = arith.constant 0 : i32
      %dma_start3A_700 = arith.constant 0 : i32
      %dma_start3A_701 = tpu.memref_slice %arg13[%dma_start3A_699, %dma_start3A_700] : memref<64x128xf32, #tpu.memory_space<vmem>> -> memref<64x128xf32, #tpu.memory_space<vmem>>
      %dma_start3A_702 = arith.constant 0 : i32
      %dma_start3A_703 = tpu.memref_slice %arg7[%multiple_of3A_420, %dma_start3A_702] : memref<10000x128xf32, #tpu.memory_space<vmem_shared>> -> memref<64x128xf32, #tpu.memory_space<vmem_shared>>
      tpu.enqueue_dma source(%dma_start3A_703 : memref<64x128xf32, #tpu.memory_space<vmem_shared>>) target(%dma_start3A_701 : memref<64x128xf32, #tpu.memory_space<vmem>>) target_semaphore(%run_scoped3A : memref<!tpu.dma_semaphore, #tpu.memory_space<semaphore_mem>>)
      %dma_wait3A_704 = arith.constant 0 : i32
      %dma_wait3A_705 = arith.constant 0 : i32
      %dma_wait3A_706 = tpu.memref_slice %arg13[%dma_wait3A_704, %dma_wait3A_705] : memref<64x128xf32, #tpu.memory_space<vmem>> -> memref<64x128xf32, #tpu.memory_space<vmem>>
      %dma_wait3A_707 = arith.constant 0 : i32
      %dma_wait3A_708 = tpu.memref_slice %arg7[%multiple_of3A_420, %dma_wait3A_707] : memref<10000x128xf32, #tpu.memory_space<vmem_shared>> -> memref<64x128xf32, #tpu.memory_space<vmem_shared>>
      %dma_wait3A_709 = arith.constant 0 : i32
      %dma_wait3A_710 = arith.constant 0 : i32
      %dma_wait3A_711 = tpu.memref_slice %arg13[%dma_wait3A_709, %dma_wait3A_710] : memref<64x128xf32, #tpu.memory_space<vmem>> -> memref<64x128xf32, #tpu.memory_space<vmem>>
      %dma_wait3A_712 = arith.constant 0 : i32
      %dma_wait3A_713 = tpu.memref_slice %arg7[%multiple_of3A_420, %dma_wait3A_712] : memref<10000x128xf32, #tpu.memory_space<vmem_shared>> -> memref<64x128xf32, #tpu.memory_space<vmem_shared>>
      tpu.wait_dma2 semaphore(%run_scoped3A : memref<!tpu.dma_semaphore, #tpu.memory_space<semaphore_mem>>) src(%dma_wait3A_713 : memref<64x128xf32, #tpu.memory_space<vmem_shared>>) dst(%dma_wait3A_711 : memref<64x128xf32, #tpu.memory_space<vmem>>)
      tpu.yield
    }) : () -> ()
    %dma_start3A_421 = arith.constant 0 : i32
    %dma_start3A_422 = arith.constant 0 : i32
    %dma_start3A_423 = tpu.memref_slice %arg13[%dma_start3A_421, %dma_start3A_422] : memref<64x128xf32, #tpu.memory_space<vmem>> -> memref<64x128xf32, #tpu.memory_space<vmem>>
    %dma_start3A_424 = arith.constant 0 : i32
    %dma_start3A_425 = tpu.memref_slice %arg5[%arg0, %multiple_of3A_420, %dma_start3A_424] : memref<2x10000x128xf32, #tpu.memory_space<hbm>> -> memref<1x64x128xf32, #tpu.memory_space<hbm>>
    %dma_start3A_426 = tpu.memref_squeeze %dma_start3A_425 : memref<1x64x128xf32, #tpu.memory_space<hbm>> -> memref<64x128xf32, #tpu.memory_space<hbm>>
    %dma_start3A_427 = arith.constant 0 : i32
    %dma_start3A_428 = tpu.memref_slice %arg5[%arg0, %multiple_of3A_420, %dma_start3A_427] : memref<2x10000x128xf32, #tpu.memory_space<hbm>> -> memref<1x64x128xf32, #tpu.memory_space<hbm>>
    %dma_start3A_429 = tpu.memref_squeeze %dma_start3A_428 : memref<1x64x128xf32, #tpu.memory_space<hbm>> -> memref<64x128xf32, #tpu.memory_space<hbm>>
    %dma_start3A_430 = arith.constant 0 : i32
    %dma_start3A_431 = arith.constant 0 : i32
    %dma_start3A_432 = tpu.memref_slice %arg13[%dma_start3A_430, %dma_start3A_431] : memref<64x128xf32, #tpu.memory_space<vmem>> -> memref<64x128xf32, #tpu.memory_space<vmem>>
    tpu.enqueue_dma source(%dma_start3A_432 : memref<64x128xf32, #tpu.memory_space<vmem>>) target(%dma_start3A_429 : memref<64x128xf32, #tpu.memory_space<hbm>>) target_semaphore(%arg16 : memref<!tpu.dma_semaphore, #tpu.memory_space<semaphore_mem>>)
    %add3A_433 = arith.constant 64 : i32
    %add3A_434 = arith.addi %multiple_of3A, %add3A_433 : i32
    %multiple_of3A_435 = tpu.assume_multiple %add3A_434, 8 : i32
    "tpu.region"() ({
      %run_scoped3A = tpu.sem_alloc : memref<!tpu.dma_semaphore, #tpu.memory_space<semaphore_mem>>
      %dma_start3A_694 = arith.constant 0 : i32
      %dma_start3A_695 = arith.constant 0 : i32
      %dma_start3A_696 = tpu.memref_slice %arg19[%dma_start3A_694, %dma_start3A_695] : memref<64x128xf32, #tpu.memory_space<vmem>> -> memref<64x128xf32, #tpu.memory_space<vmem>>
      %dma_start3A_697 = arith.constant 0 : i32
      %dma_start3A_698 = tpu.memref_slice %arg7[%multiple_of3A_435, %dma_start3A_697] : memref<10000x128xf32, #tpu.memory_space<vmem_shared>> -> memref<64x128xf32, #tpu.memory_space<vmem_shared>>
      %dma_start3A_699 = arith.constant 0 : i32
      %dma_start3A_700 = arith.constant 0 : i32
      %dma_start3A_701 = tpu.memref_slice %arg19[%dma_start3A_699, %dma_start3A_700] : memref<64x128xf32, #tpu.memory_space<vmem>> -> memref<64x128xf32, #tpu.memory_space<vmem>>
      %dma_start3A_702 = arith.constant 0 : i32
      %dma_start3A_703 = tpu.memref_slice %arg7[%multiple_of3A_435, %dma_start3A_702] : memref<10000x128xf32, #tpu.memory_space<vmem_shared>> -> memref<64x128xf32, #tpu.memory_space<vmem_shared>>
      tpu.enqueue_dma source(%dma_start3A_703 : memref<64x128xf32, #tpu.memory_space<vmem_shared>>) target(%dma_start3A_701 : memref<64x128xf32, #tpu.memory_space<vmem>>) target_semaphore(%run_scoped3A : memref<!tpu.dma_semaphore, #tpu.memory_space<semaphore_mem>>)
      %dma_wait3A_704 = arith.constant 0 : i32
      %dma_wait3A_705 = arith.constant 0 : i32
      %dma_wait3A_706 = tpu.memref_slice %arg19[%dma_wait3A_704, %dma_wait3A_705] : memref<64x128xf32, #tpu.memory_space<vmem>> -> memref<64x128xf32, #tpu.memory_space<vmem>>
      %dma_wait3A_707 = arith.constant 0 : i32
      %dma_wait3A_708 = tpu.memref_slice %arg7[%multiple_of3A_435, %dma_wait3A_707] : memref<10000x128xf32, #tpu.memory_space<vmem_shared>> -> memref<64x128xf32, #tpu.memory_space<vmem_shared>>
      %dma_wait3A_709 = arith.constant 0 : i32
      %dma_wait3A_710 = arith.constant 0 : i32
      %dma_wait3A_711 = tpu.memref_slice %arg19[%dma_wait3A_709, %dma_wait3A_710] : memref<64x128xf32, #tpu.memory_space<vmem>> -> memref<64x128xf32, #tpu.memory_space<vmem>>
      %dma_wait3A_712 = arith.constant 0 : i32
      %dma_wait3A_713 = tpu.memref_slice %arg7[%multiple_of3A_435, %dma_wait3A_712] : memref<10000x128xf32, #tpu.memory_space<vmem_shared>> -> memref<64x128xf32, #tpu.memory_space<vmem_shared>>
      tpu.wait_dma2 semaphore(%run_scoped3A : memref<!tpu.dma_semaphore, #tpu.memory_space<semaphore_mem>>) src(%dma_wait3A_713 : memref<64x128xf32, #tpu.memory_space<vmem_shared>>) dst(%dma_wait3A_711 : memref<64x128xf32, #tpu.memory_space<vmem>>)
      tpu.yield
    }) : () -> ()
    %dma_start3A_436 = arith.constant 0 : i32
    %dma_start3A_437 = arith.constant 0 : i32
    %dma_start3A_438 = tpu.memref_slice %arg19[%dma_start3A_436, %dma_start3A_437] : memref<64x128xf32, #tpu.memory_space<vmem>> -> memref<64x128xf32, #tpu.memory_space<vmem>>
    %dma_start3A_439 = arith.constant 0 : i32
    %dma_start3A_440 = tpu.memref_slice %arg5[%arg0, %multiple_of3A_435, %dma_start3A_439] : memref<2x10000x128xf32, #tpu.memory_space<hbm>> -> memref<1x64x128xf32, #tpu.memory_space<hbm>>
    %dma_start3A_441 = tpu.memref_squeeze %dma_start3A_440 : memref<1x64x128xf32, #tpu.memory_space<hbm>> -> memref<64x128xf32, #tpu.memory_space<hbm>>
    %dma_start3A_442 = arith.constant 0 : i32
    %dma_start3A_443 = tpu.memref_slice %arg5[%arg0, %multiple_of3A_435, %dma_start3A_442] : memref<2x10000x128xf32, #tpu.memory_space<hbm>> -> memref<1x64x128xf32, #tpu.memory_space<hbm>>
    %dma_start3A_444 = tpu.memref_squeeze %dma_start3A_443 : memref<1x64x128xf32, #tpu.memory_space<hbm>> -> memref<64x128xf32, #tpu.memory_space<hbm>>
    %dma_start3A_445 = arith.constant 0 : i32
    %dma_start3A_446 = arith.constant 0 : i32
    %dma_start3A_447 = tpu.memref_slice %arg19[%dma_start3A_445, %dma_start3A_446] : memref<64x128xf32, #tpu.memory_space<vmem>> -> memref<64x128xf32, #tpu.memory_space<vmem>>
    tpu.enqueue_dma source(%dma_start3A_447 : memref<64x128xf32, #tpu.memory_space<vmem>>) target(%dma_start3A_444 : memref<64x128xf32, #tpu.memory_space<hbm>>) target_semaphore(%arg22 : memref<!tpu.dma_semaphore, #tpu.memory_space<semaphore_mem>>)
    %add3A_448 = arith.constant 128 : i32
    %add3A_449 = arith.addi %multiple_of3A, %add3A_448 : i32
    %multiple_of3A_450 = tpu.assume_multiple %add3A_449, 8 : i32
    "tpu.region"() ({
      %run_scoped3A = tpu.sem_alloc : memref<!tpu.dma_semaphore, #tpu.memory_space<semaphore_mem>>
      %dma_start3A_694 = arith.constant 0 : i32
      %dma_start3A_695 = arith.constant 0 : i32
      %dma_start3A_696 = tpu.memref_slice %arg25[%dma_start3A_694, %dma_start3A_695] : memref<64x128xf32, #tpu.memory_space<vmem>> -> memref<64x128xf32, #tpu.memory_space<vmem>>
      %dma_start3A_697 = arith.constant 0 : i32
      %dma_start3A_698 = tpu.memref_slice %arg7[%multiple_of3A_450, %dma_start3A_697] : memref<10000x128xf32, #tpu.memory_space<vmem_shared>> -> memref<64x128xf32, #tpu.memory_space<vmem_shared>>
      %dma_start3A_699 = arith.constant 0 : i32
      %dma_start3A_700 = arith.constant 0 : i32
      %dma_start3A_701 = tpu.memref_slice %arg25[%dma_start3A_699, %dma_start3A_700] : memref<64x128xf32, #tpu.memory_space<vmem>> -> memref<64x128xf32, #tpu.memory_space<vmem>>
      %dma_start3A_702 = arith.constant 0 : i32
      %dma_start3A_703 = tpu.memref_slice %arg7[%multiple_of3A_450, %dma_start3A_702] : memref<10000x128xf32, #tpu.memory_space<vmem_shared>> -> memref<64x128xf32, #tpu.memory_space<vmem_shared>>
      tpu.enqueue_dma source(%dma_start3A_703 : memref<64x128xf32, #tpu.memory_space<vmem_shared>>) target(%dma_start3A_701 : memref<64x128xf32, #tpu.memory_space<vmem>>) target_semaphore(%run_scoped3A : memref<!tpu.dma_semaphore, #tpu.memory_space<semaphore_mem>>)
      %dma_wait3A_704 = arith.constant 0 : i32
      %dma_wait3A_705 = arith.constant 0 : i32
      %dma_wait3A_706 = tpu.memref_slice %arg25[%dma_wait3A_704, %dma_wait3A_705] : memref<64x128xf32, #tpu.memory_space<vmem>> -> memref<64x128xf32, #tpu.memory_space<vmem>>
      %dma_wait3A_707 = arith.constant 0 : i32
      %dma_wait3A_708 = tpu.memref_slice %arg7[%multiple_of3A_450, %dma_wait3A_707] : memref<10000x128xf32, #tpu.memory_space<vmem_shared>> -> memref<64x128xf32, #tpu.memory_space<vmem_shared>>
      %dma_wait3A_709 = arith.constant 0 : i32
      %dma_wait3A_710 = arith.constant 0 : i32
      %dma_wait3A_711 = tpu.memref_slice %arg25[%dma_wait3A_709, %dma_wait3A_710] : memref<64x128xf32, #tpu.memory_space<vmem>> -> memref<64x128xf32, #tpu.memory_space<vmem>>
      %dma_wait3A_712 = arith.constant 0 : i32
      %dma_wait3A_713 = tpu.memref_slice %arg7[%multiple_of3A_450, %dma_wait3A_712] : memref<10000x128xf32, #tpu.memory_space<vmem_shared>> -> memref<64x128xf32, #tpu.memory_space<vmem_shared>>
      tpu.wait_dma2 semaphore(%run_scoped3A : memref<!tpu.dma_semaphore, #tpu.memory_space<semaphore_mem>>) src(%dma_wait3A_713 : memref<64x128xf32, #tpu.memory_space<vmem_shared>>) dst(%dma_wait3A_711 : memref<64x128xf32, #tpu.memory_space<vmem>>)
      tpu.yield
    }) : () -> ()
    %dma_start3A_451 = arith.constant 0 : i32
    %dma_start3A_452 = arith.constant 0 : i32
    %dma_start3A_453 = tpu.memref_slice %arg25[%dma_start3A_451, %dma_start3A_452] : memref<64x128xf32, #tpu.memory_space<vmem>> -> memref<64x128xf32, #tpu.memory_space<vmem>>
    %dma_start3A_454 = arith.constant 0 : i32
    %dma_start3A_455 = tpu.memref_slice %arg5[%arg0, %multiple_of3A_450, %dma_start3A_454] : memref<2x10000x128xf32, #tpu.memory_space<hbm>> -> memref<1x64x128xf32, #tpu.memory_space<hbm>>
    %dma_start3A_456 = tpu.memref_squeeze %dma_start3A_455 : memref<1x64x128xf32, #tpu.memory_space<hbm>> -> memref<64x128xf32, #tpu.memory_space<hbm>>
    %dma_start3A_457 = arith.constant 0 : i32
    %dma_start3A_458 = tpu.memref_slice %arg5[%arg0, %multiple_of3A_450, %dma_start3A_457] : memref<2x10000x128xf32, #tpu.memory_space<hbm>> -> memref<1x64x128xf32, #tpu.memory_space<hbm>>
    %dma_start3A_459 = tpu.memref_squeeze %dma_start3A_458 : memref<1x64x128xf32, #tpu.memory_space<hbm>> -> memref<64x128xf32, #tpu.memory_space<hbm>>
    %dma_start3A_460 = arith.constant 0 : i32
    %dma_start3A_461 = arith.constant 0 : i32
    %dma_start3A_462 = tpu.memref_slice %arg25[%dma_start3A_460, %dma_start3A_461] : memref<64x128xf32, #tpu.memory_space<vmem>> -> memref<64x128xf32, #tpu.memory_space<vmem>>
    tpu.enqueue_dma source(%dma_start3A_462 : memref<64x128xf32, #tpu.memory_space<vmem>>) target(%dma_start3A_459 : memref<64x128xf32, #tpu.memory_space<hbm>>) target_semaphore(%arg28 : memref<!tpu.dma_semaphore, #tpu.memory_space<semaphore_mem>>)
    %add3A_463 = arith.constant 192 : i32
    %add3A_464 = arith.addi %multiple_of3A, %add3A_463 : i32
    %multiple_of3A_465 = tpu.assume_multiple %add3A_464, 8 : i32
    "tpu.region"() ({
      %run_scoped3A = tpu.sem_alloc : memref<!tpu.dma_semaphore, #tpu.memory_space<semaphore_mem>>
      %dma_start3A_694 = arith.constant 0 : i32
      %dma_start3A_695 = arith.constant 0 : i32
      %dma_start3A_696 = tpu.memref_slice %arg31[%dma_start3A_694, %dma_start3A_695] : memref<64x128xf32, #tpu.memory_space<vmem>> -> memref<64x128xf32, #tpu.memory_space<vmem>>
      %dma_start3A_697 = arith.constant 0 : i32
      %dma_start3A_698 = tpu.memref_slice %arg7[%multiple_of3A_465, %dma_start3A_697] : memref<10000x128xf32, #tpu.memory_space<vmem_shared>> -> memref<64x128xf32, #tpu.memory_space<vmem_shared>>
      %dma_start3A_699 = arith.constant 0 : i32
      %dma_start3A_700 = arith.constant 0 : i32
      %dma_start3A_701 = tpu.memref_slice %arg31[%dma_start3A_699, %dma_start3A_700] : memref<64x128xf32, #tpu.memory_space<vmem>> -> memref<64x128xf32, #tpu.memory_space<vmem>>
      %dma_start3A_702 = arith.constant 0 : i32
      %dma_start3A_703 = tpu.memref_slice %arg7[%multiple_of3A_465, %dma_start3A_702] : memref<10000x128xf32, #tpu.memory_space<vmem_shared>> -> memref<64x128xf32, #tpu.memory_space<vmem_shared>>
      tpu.enqueue_dma source(%dma_start3A_703 : memref<64x128xf32, #tpu.memory_space<vmem_shared>>) target(%dma_start3A_701 : memref<64x128xf32, #tpu.memory_space<vmem>>) target_semaphore(%run_scoped3A : memref<!tpu.dma_semaphore, #tpu.memory_space<semaphore_mem>>)
      %dma_wait3A_704 = arith.constant 0 : i32
      %dma_wait3A_705 = arith.constant 0 : i32
      %dma_wait3A_706 = tpu.memref_slice %arg31[%dma_wait3A_704, %dma_wait3A_705] : memref<64x128xf32, #tpu.memory_space<vmem>> -> memref<64x128xf32, #tpu.memory_space<vmem>>
      %dma_wait3A_707 = arith.constant 0 : i32
      %dma_wait3A_708 = tpu.memref_slice %arg7[%multiple_of3A_465, %dma_wait3A_707] : memref<10000x128xf32, #tpu.memory_space<vmem_shared>> -> memref<64x128xf32, #tpu.memory_space<vmem_shared>>
      %dma_wait3A_709 = arith.constant 0 : i32
      %dma_wait3A_710 = arith.constant 0 : i32
      %dma_wait3A_711 = tpu.memref_slice %arg31[%dma_wait3A_709, %dma_wait3A_710] : memref<64x128xf32, #tpu.memory_space<vmem>> -> memref<64x128xf32, #tpu.memory_space<vmem>>
      %dma_wait3A_712 = arith.constant 0 : i32
      %dma_wait3A_713 = tpu.memref_slice %arg7[%multiple_of3A_465, %dma_wait3A_712] : memref<10000x128xf32, #tpu.memory_space<vmem_shared>> -> memref<64x128xf32, #tpu.memory_space<vmem_shared>>
      tpu.wait_dma2 semaphore(%run_scoped3A : memref<!tpu.dma_semaphore, #tpu.memory_space<semaphore_mem>>) src(%dma_wait3A_713 : memref<64x128xf32, #tpu.memory_space<vmem_shared>>) dst(%dma_wait3A_711 : memref<64x128xf32, #tpu.memory_space<vmem>>)
      tpu.yield
    }) : () -> ()
    %dma_start3A_466 = arith.constant 0 : i32
    %dma_start3A_467 = arith.constant 0 : i32
    %dma_start3A_468 = tpu.memref_slice %arg31[%dma_start3A_466, %dma_start3A_467] : memref<64x128xf32, #tpu.memory_space<vmem>> -> memref<64x128xf32, #tpu.memory_space<vmem>>
    %dma_start3A_469 = arith.constant 0 : i32
    %dma_start3A_470 = tpu.memref_slice %arg5[%arg0, %multiple_of3A_465, %dma_start3A_469] : memref<2x10000x128xf32, #tpu.memory_space<hbm>> -> memref<1x64x128xf32, #tpu.memory_space<hbm>>
    %dma_start3A_471 = tpu.memref_squeeze %dma_start3A_470 : memref<1x64x128xf32, #tpu.memory_space<hbm>> -> memref<64x128xf32, #tpu.memory_space<hbm>>
    %dma_start3A_472 = arith.constant 0 : i32
    %dma_start3A_473 = tpu.memref_slice %arg5[%arg0, %multiple_of3A_465, %dma_start3A_472] : memref<2x10000x128xf32, #tpu.memory_space<hbm>> -> memref<1x64x128xf32, #tpu.memory_space<hbm>>
    %dma_start3A_474 = tpu.memref_squeeze %dma_start3A_473 : memref<1x64x128xf32, #tpu.memory_space<hbm>> -> memref<64x128xf32, #tpu.memory_space<hbm>>
    %dma_start3A_475 = arith.constant 0 : i32
    %dma_start3A_476 = arith.constant 0 : i32
    %dma_start3A_477 = tpu.memref_slice %arg31[%dma_start3A_475, %dma_start3A_476] : memref<64x128xf32, #tpu.memory_space<vmem>> -> memref<64x128xf32, #tpu.memory_space<vmem>>
    tpu.enqueue_dma source(%dma_start3A_477 : memref<64x128xf32, #tpu.memory_space<vmem>>) target(%dma_start3A_474 : memref<64x128xf32, #tpu.memory_space<hbm>>) target_semaphore(%arg34 : memref<!tpu.dma_semaphore, #tpu.memory_space<semaphore_mem>>)
    %dma_wait3A_478 = arith.constant 0 : i32
    %dma_wait3A_479 = arith.constant 0 : i32
    %dma_wait3A_480 = tpu.memref_slice %arg13[%dma_wait3A_478, %dma_wait3A_479] : memref<64x128xf32, #tpu.memory_space<vmem>> -> memref<64x128xf32, #tpu.memory_space<vmem>>
    %dma_wait3A_481 = arith.constant 0 : i32
    %dma_wait3A_482 = tpu.memref_slice %arg5[%arg0, %multiple_of3A_417, %dma_wait3A_481] : memref<2x10000x128xf32, #tpu.memory_space<hbm>> -> memref<1x64x128xf32, #tpu.memory_space<hbm>>
    %dma_wait3A_483 = tpu.memref_squeeze %dma_wait3A_482 : memref<1x64x128xf32, #tpu.memory_space<hbm>> -> memref<64x128xf32, #tpu.memory_space<hbm>>
    %dma_wait3A_484 = arith.constant 0 : i32
    %dma_wait3A_485 = tpu.memref_slice %arg5[%arg0, %multiple_of3A_417, %dma_wait3A_484] : memref<2x10000x128xf32, #tpu.memory_space<hbm>> -> memref<1x64x128xf32, #tpu.memory_space<hbm>>
    %dma_wait3A_486 = tpu.memref_squeeze %dma_wait3A_485 : memref<1x64x128xf32, #tpu.memory_space<hbm>> -> memref<64x128xf32, #tpu.memory_space<hbm>>
    %dma_wait3A_487 = arith.constant 0 : i32
    %dma_wait3A_488 = arith.constant 0 : i32
    %dma_wait3A_489 = tpu.memref_slice %arg13[%dma_wait3A_487, %dma_wait3A_488] : memref<64x128xf32, #tpu.memory_space<vmem>> -> memref<64x128xf32, #tpu.memory_space<vmem>>
    tpu.wait_dma2 semaphore(%arg16 : memref<!tpu.dma_semaphore, #tpu.memory_space<semaphore_mem>>) src(%dma_wait3A_489 : memref<64x128xf32, #tpu.memory_space<vmem>>) dst(%dma_wait3A_486 : memref<64x128xf32, #tpu.memory_space<hbm>>)
    %add3A_490 = arith.constant 256 : i32
    %add3A_491 = arith.addi %multiple_of3A, %add3A_490 : i32
    %multiple_of3A_492 = tpu.assume_multiple %add3A_491, 8 : i32
    "tpu.region"() ({
      %run_scoped3A = tpu.sem_alloc : memref<!tpu.dma_semaphore, #tpu.memory_space<semaphore_mem>>
      %dma_start3A_694 = arith.constant 0 : i32
      %dma_start3A_695 = arith.constant 0 : i32
      %dma_start3A_696 = tpu.memref_slice %arg13[%dma_start3A_694, %dma_start3A_695] : memref<64x128xf32, #tpu.memory_space<vmem>> -> memref<64x128xf32, #tpu.memory_space<vmem>>
      %dma_start3A_697 = arith.constant 0 : i32
      %dma_start3A_698 = tpu.memref_slice %arg7[%multiple_of3A_492, %dma_start3A_697] : memref<10000x128xf32, #tpu.memory_space<vmem_shared>> -> memref<64x128xf32, #tpu.memory_space<vmem_shared>>
      %dma_start3A_699 = arith.constant 0 : i32
      %dma_start3A_700 = arith.constant 0 : i32
      %dma_start3A_701 = tpu.memref_slice %arg13[%dma_start3A_699, %dma_start3A_700] : memref<64x128xf32, #tpu.memory_space<vmem>> -> memref<64x128xf32, #tpu.memory_space<vmem>>
      %dma_start3A_702 = arith.constant 0 : i32
      %dma_start3A_703 = tpu.memref_slice %arg7[%multiple_of3A_492, %dma_start3A_702] : memref<10000x128xf32, #tpu.memory_space<vmem_shared>> -> memref<64x128xf32, #tpu.memory_space<vmem_shared>>
      tpu.enqueue_dma source(%dma_start3A_703 : memref<64x128xf32, #tpu.memory_space<vmem_shared>>) target(%dma_start3A_701 : memref<64x128xf32, #tpu.memory_space<vmem>>) target_semaphore(%run_scoped3A : memref<!tpu.dma_semaphore, #tpu.memory_space<semaphore_mem>>)
      %dma_wait3A_704 = arith.constant 0 : i32
      %dma_wait3A_705 = arith.constant 0 : i32
      %dma_wait3A_706 = tpu.memref_slice %arg13[%dma_wait3A_704, %dma_wait3A_705] : memref<64x128xf32, #tpu.memory_space<vmem>> -> memref<64x128xf32, #tpu.memory_space<vmem>>
      %dma_wait3A_707 = arith.constant 0 : i32
      %dma_wait3A_708 = tpu.memref_slice %arg7[%multiple_of3A_492, %dma_wait3A_707] : memref<10000x128xf32, #tpu.memory_space<vmem_shared>> -> memref<64x128xf32, #tpu.memory_space<vmem_shared>>
      %dma_wait3A_709 = arith.constant 0 : i32
      %dma_wait3A_710 = arith.constant 0 : i32
      %dma_wait3A_711 = tpu.memref_slice %arg13[%dma_wait3A_709, %dma_wait3A_710] : memref<64x128xf32, #tpu.memory_space<vmem>> -> memref<64x128xf32, #tpu.memory_space<vmem>>
      %dma_wait3A_712 = arith.constant 0 : i32
      %dma_wait3A_713 = tpu.memref_slice %arg7[%multiple_of3A_492, %dma_wait3A_712] : memref<10000x128xf32, #tpu.memory_space<vmem_shared>> -> memref<64x128xf32, #tpu.memory_space<vmem_shared>>
      tpu.wait_dma2 semaphore(%run_scoped3A : memref<!tpu.dma_semaphore, #tpu.memory_space<semaphore_mem>>) src(%dma_wait3A_713 : memref<64x128xf32, #tpu.memory_space<vmem_shared>>) dst(%dma_wait3A_711 : memref<64x128xf32, #tpu.memory_space<vmem>>)
      tpu.yield
    }) : () -> ()
    %dma_start3A_493 = arith.constant 0 : i32
    %dma_start3A_494 = arith.constant 0 : i32
    %dma_start3A_495 = tpu.memref_slice %arg13[%dma_start3A_493, %dma_start3A_494] : memref<64x128xf32, #tpu.memory_space<vmem>> -> memref<64x128xf32, #tpu.memory_space<vmem>>
    %dma_start3A_496 = arith.constant 0 : i32
    %dma_start3A_497 = tpu.memref_slice %arg5[%arg0, %multiple_of3A_492, %dma_start3A_496] : memref<2x10000x128xf32, #tpu.memory_space<hbm>> -> memref<1x64x128xf32, #tpu.memory_space<hbm>>
    %dma_start3A_498 = tpu.memref_squeeze %dma_start3A_497 : memref<1x64x128xf32, #tpu.memory_space<hbm>> -> memref<64x128xf32, #tpu.memory_space<hbm>>
    %dma_start3A_499 = arith.constant 0 : i32
    %dma_start3A_500 = tpu.memref_slice %arg5[%arg0, %multiple_of3A_492, %dma_start3A_499] : memref<2x10000x128xf32, #tpu.memory_space<hbm>> -> memref<1x64x128xf32, #tpu.memory_space<hbm>>
    %dma_start3A_501 = tpu.memref_squeeze %dma_start3A_500 : memref<1x64x128xf32, #tpu.memory_space<hbm>> -> memref<64x128xf32, #tpu.memory_space<hbm>>
    %dma_start3A_502 = arith.constant 0 : i32
    %dma_start3A_503 = arith.constant 0 : i32
    %dma_start3A_504 = tpu.memref_slice %arg13[%dma_start3A_502, %dma_start3A_503] : memref<64x128xf32, #tpu.memory_space<vmem>> -> memref<64x128xf32, #tpu.memory_space<vmem>>
    tpu.enqueue_dma source(%dma_start3A_504 : memref<64x128xf32, #tpu.memory_space<vmem>>) target(%dma_start3A_501 : memref<64x128xf32, #tpu.memory_space<hbm>>) target_semaphore(%arg16 : memref<!tpu.dma_semaphore, #tpu.memory_space<semaphore_mem>>)
    %dma_wait3A_505 = arith.constant 0 : i32
    %dma_wait3A_506 = arith.constant 0 : i32
    %dma_wait3A_507 = tpu.memref_slice %arg19[%dma_wait3A_505, %dma_wait3A_506] : memref<64x128xf32, #tpu.memory_space<vmem>> -> memref<64x128xf32, #tpu.memory_space<vmem>>
    %dma_wait3A_508 = arith.constant 0 : i32
    %dma_wait3A_509 = tpu.memref_slice %arg5[%arg0, %multiple_of3A_417, %dma_wait3A_508] : memref<2x10000x128xf32, #tpu.memory_space<hbm>> -> memref<1x64x128xf32, #tpu.memory_space<hbm>>
    %dma_wait3A_510 = tpu.memref_squeeze %dma_wait3A_509 : memref<1x64x128xf32, #tpu.memory_space<hbm>> -> memref<64x128xf32, #tpu.memory_space<hbm>>
    %dma_wait3A_511 = arith.constant 0 : i32
    %dma_wait3A_512 = tpu.memref_slice %arg5[%arg0, %multiple_of3A_417, %dma_wait3A_511] : memref<2x10000x128xf32, #tpu.memory_space<hbm>> -> memref<1x64x128xf32, #tpu.memory_space<hbm>>
    %dma_wait3A_513 = tpu.memref_squeeze %dma_wait3A_512 : memref<1x64x128xf32, #tpu.memory_space<hbm>> -> memref<64x128xf32, #tpu.memory_space<hbm>>
    %dma_wait3A_514 = arith.constant 0 : i32
    %dma_wait3A_515 = arith.constant 0 : i32
    %dma_wait3A_516 = tpu.memref_slice %arg19[%dma_wait3A_514, %dma_wait3A_515] : memref<64x128xf32, #tpu.memory_space<vmem>> -> memref<64x128xf32, #tpu.memory_space<vmem>>
    tpu.wait_dma2 semaphore(%arg22 : memref<!tpu.dma_semaphore, #tpu.memory_space<semaphore_mem>>) src(%dma_wait3A_516 : memref<64x128xf32, #tpu.memory_space<vmem>>) dst(%dma_wait3A_513 : memref<64x128xf32, #tpu.memory_space<hbm>>)
    %add3A_517 = arith.constant 320 : i32
    %add3A_518 = arith.addi %multiple_of3A, %add3A_517 : i32
    %multiple_of3A_519 = tpu.assume_multiple %add3A_518, 8 : i32
    "tpu.region"() ({
      %run_scoped3A = tpu.sem_alloc : memref<!tpu.dma_semaphore, #tpu.memory_space<semaphore_mem>>
      %dma_start3A_694 = arith.constant 0 : i32
      %dma_start3A_695 = arith.constant 0 : i32
      %dma_start3A_696 = tpu.memref_slice %arg19[%dma_start3A_694, %dma_start3A_695] : memref<64x128xf32, #tpu.memory_space<vmem>> -> memref<64x128xf32, #tpu.memory_space<vmem>>
      %dma_start3A_697 = arith.constant 0 : i32
      %dma_start3A_698 = tpu.memref_slice %arg7[%multiple_of3A_519, %dma_start3A_697] : memref<10000x128xf32, #tpu.memory_space<vmem_shared>> -> memref<64x128xf32, #tpu.memory_space<vmem_shared>>
      %dma_start3A_699 = arith.constant 0 : i32
      %dma_start3A_700 = arith.constant 0 : i32
      %dma_start3A_701 = tpu.memref_slice %arg19[%dma_start3A_699, %dma_start3A_700] : memref<64x128xf32, #tpu.memory_space<vmem>> -> memref<64x128xf32, #tpu.memory_space<vmem>>
      %dma_start3A_702 = arith.constant 0 : i32
      %dma_start3A_703 = tpu.memref_slice %arg7[%multiple_of3A_519, %dma_start3A_702] : memref<10000x128xf32, #tpu.memory_space<vmem_shared>> -> memref<64x128xf32, #tpu.memory_space<vmem_shared>>
      tpu.enqueue_dma source(%dma_start3A_703 : memref<64x128xf32, #tpu.memory_space<vmem_shared>>) target(%dma_start3A_701 : memref<64x128xf32, #tpu.memory_space<vmem>>) target_semaphore(%run_scoped3A : memref<!tpu.dma_semaphore, #tpu.memory_space<semaphore_mem>>)
      %dma_wait3A_704 = arith.constant 0 : i32
      %dma_wait3A_705 = arith.constant 0 : i32
      %dma_wait3A_706 = tpu.memref_slice %arg19[%dma_wait3A_704, %dma_wait3A_705] : memref<64x128xf32, #tpu.memory_space<vmem>> -> memref<64x128xf32, #tpu.memory_space<vmem>>
      %dma_wait3A_707 = arith.constant 0 : i32
      %dma_wait3A_708 = tpu.memref_slice %arg7[%multiple_of3A_519, %dma_wait3A_707] : memref<10000x128xf32, #tpu.memory_space<vmem_shared>> -> memref<64x128xf32, #tpu.memory_space<vmem_shared>>
      %dma_wait3A_709 = arith.constant 0 : i32
      %dma_wait3A_710 = arith.constant 0 : i32
      %dma_wait3A_711 = tpu.memref_slice %arg19[%dma_wait3A_709, %dma_wait3A_710] : memref<64x128xf32, #tpu.memory_space<vmem>> -> memref<64x128xf32, #tpu.memory_space<vmem>>
      %dma_wait3A_712 = arith.constant 0 : i32
      %dma_wait3A_713 = tpu.memref_slice %arg7[%multiple_of3A_519, %dma_wait3A_712] : memref<10000x128xf32, #tpu.memory_space<vmem_shared>> -> memref<64x128xf32, #tpu.memory_space<vmem_shared>>
      tpu.wait_dma2 semaphore(%run_scoped3A : memref<!tpu.dma_semaphore, #tpu.memory_space<semaphore_mem>>) src(%dma_wait3A_713 : memref<64x128xf32, #tpu.memory_space<vmem_shared>>) dst(%dma_wait3A_711 : memref<64x128xf32, #tpu.memory_space<vmem>>)
      tpu.yield
    }) : () -> ()
    %dma_start3A_520 = arith.constant 0 : i32
    %dma_start3A_521 = arith.constant 0 : i32
    %dma_start3A_522 = tpu.memref_slice %arg19[%dma_start3A_520, %dma_start3A_521] : memref<64x128xf32, #tpu.memory_space<vmem>> -> memref<64x128xf32, #tpu.memory_space<vmem>>
    %dma_start3A_523 = arith.constant 0 : i32
    %dma_start3A_524 = tpu.memref_slice %arg5[%arg0, %multiple_of3A_519, %dma_start3A_523] : memref<2x10000x128xf32, #tpu.memory_space<hbm>> -> memref<1x64x128xf32, #tpu.memory_space<hbm>>
    %dma_start3A_525 = tpu.memref_squeeze %dma_start3A_524 : memref<1x64x128xf32, #tpu.memory_space<hbm>> -> memref<64x128xf32, #tpu.memory_space<hbm>>
    %dma_start3A_526 = arith.constant 0 : i32
    %dma_start3A_527 = tpu.memref_slice %arg5[%arg0, %multiple_of3A_519, %dma_start3A_526] : memref<2x10000x128xf32, #tpu.memory_space<hbm>> -> memref<1x64x128xf32, #tpu.memory_space<hbm>>
    %dma_start3A_528 = tpu.memref_squeeze %dma_start3A_527 : memref<1x64x128xf32, #tpu.memory_space<hbm>> -> memref<64x128xf32, #tpu.memory_space<hbm>>
    %dma_start3A_529 = arith.constant 0 : i32
    %dma_start3A_530 = arith.constant 0 : i32
    %dma_start3A_531 = tpu.memref_slice %arg19[%dma_start3A_529, %dma_start3A_530] : memref<64x128xf32, #tpu.memory_space<vmem>> -> memref<64x128xf32, #tpu.memory_space<vmem>>
    tpu.enqueue_dma source(%dma_start3A_531 : memref<64x128xf32, #tpu.memory_space<vmem>>) target(%dma_start3A_528 : memref<64x128xf32, #tpu.memory_space<hbm>>) target_semaphore(%arg22 : memref<!tpu.dma_semaphore, #tpu.memory_space<semaphore_mem>>)
    %dma_wait3A_532 = arith.constant 0 : i32
    %dma_wait3A_533 = arith.constant 0 : i32
    %dma_wait3A_534 = tpu.memref_slice %arg25[%dma_wait3A_532, %dma_wait3A_533] : memref<64x128xf32, #tpu.memory_space<vmem>> -> memref<64x128xf32, #tpu.memory_space<vmem>>
    %dma_wait3A_535 = arith.constant 0 : i32
    %dma_wait3A_536 = tpu.memref_slice %arg5[%arg0, %multiple_of3A_417, %dma_wait3A_535] : memref<2x10000x128xf32, #tpu.memory_space<hbm>> -> memref<1x64x128xf32, #tpu.memory_space<hbm>>
    %dma_wait3A_537 = tpu.memref_squeeze %dma_wait3A_536 : memref<1x64x128xf32, #tpu.memory_space<hbm>> -> memref<64x128xf32, #tpu.memory_space<hbm>>
    %dma_wait3A_538 = arith.constant 0 : i32
    %dma_wait3A_539 = tpu.memref_slice %arg5[%arg0, %multiple_of3A_417, %dma_wait3A_538] : memref<2x10000x128xf32, #tpu.memory_space<hbm>> -> memref<1x64x128xf32, #tpu.memory_space<hbm>>
    %dma_wait3A_540 = tpu.memref_squeeze %dma_wait3A_539 : memref<1x64x128xf32, #tpu.memory_space<hbm>> -> memref<64x128xf32, #tpu.memory_space<hbm>>
    %dma_wait3A_541 = arith.constant 0 : i32
    %dma_wait3A_542 = arith.constant 0 : i32
    %dma_wait3A_543 = tpu.memref_slice %arg25[%dma_wait3A_541, %dma_wait3A_542] : memref<64x128xf32, #tpu.memory_space<vmem>> -> memref<64x128xf32, #tpu.memory_space<vmem>>
    tpu.wait_dma2 semaphore(%arg28 : memref<!tpu.dma_semaphore, #tpu.memory_space<semaphore_mem>>) src(%dma_wait3A_543 : memref<64x128xf32, #tpu.memory_space<vmem>>) dst(%dma_wait3A_540 : memref<64x128xf32, #tpu.memory_space<hbm>>)
    %add3A_544 = arith.constant 384 : i32
    %add3A_545 = arith.addi %multiple_of3A, %add3A_544 : i32
    %multiple_of3A_546 = tpu.assume_multiple %add3A_545, 8 : i32
    "tpu.region"() ({
      %run_scoped3A = tpu.sem_alloc : memref<!tpu.dma_semaphore, #tpu.memory_space<semaphore_mem>>
      %dma_start3A_694 = arith.constant 0 : i32
      %dma_start3A_695 = arith.constant 0 : i32
      %dma_start3A_696 = tpu.memref_slice %arg25[%dma_start3A_694, %dma_start3A_695] : memref<64x128xf32, #tpu.memory_space<vmem>> -> memref<64x128xf32, #tpu.memory_space<vmem>>
      %dma_start3A_697 = arith.constant 0 : i32
      %dma_start3A_698 = tpu.memref_slice %arg7[%multiple_of3A_546, %dma_start3A_697] : memref<10000x128xf32, #tpu.memory_space<vmem_shared>> -> memref<64x128xf32, #tpu.memory_space<vmem_shared>>
      %dma_start3A_699 = arith.constant 0 : i32
      %dma_start3A_700 = arith.constant 0 : i32
      %dma_start3A_701 = tpu.memref_slice %arg25[%dma_start3A_699, %dma_start3A_700] : memref<64x128xf32, #tpu.memory_space<vmem>> -> memref<64x128xf32, #tpu.memory_space<vmem>>
      %dma_start3A_702 = arith.constant 0 : i32
      %dma_start3A_703 = tpu.memref_slice %arg7[%multiple_of3A_546, %dma_start3A_702] : memref<10000x128xf32, #tpu.memory_space<vmem_shared>> -> memref<64x128xf32, #tpu.memory_space<vmem_shared>>
      tpu.enqueue_dma source(%dma_start3A_703 : memref<64x128xf32, #tpu.memory_space<vmem_shared>>) target(%dma_start3A_701 : memref<64x128xf32, #tpu.memory_space<vmem>>) target_semaphore(%run_scoped3A : memref<!tpu.dma_semaphore, #tpu.memory_space<semaphore_mem>>)
      %dma_wait3A_704 = arith.constant 0 : i32
      %dma_wait3A_705 = arith.constant 0 : i32
      %dma_wait3A_706 = tpu.memref_slice %arg25[%dma_wait3A_704, %dma_wait3A_705] : memref<64x128xf32, #tpu.memory_space<vmem>> -> memref<64x128xf32, #tpu.memory_space<vmem>>
      %dma_wait3A_707 = arith.constant 0 : i32
      %dma_wait3A_708 = tpu.memref_slice %arg7[%multiple_of3A_546, %dma_wait3A_707] : memref<10000x128xf32, #tpu.memory_space<vmem_shared>> -> memref<64x128xf32, #tpu.memory_space<vmem_shared>>
      %dma_wait3A_709 = arith.constant 0 : i32
      %dma_wait3A_710 = arith.constant 0 : i32
      %dma_wait3A_711 = tpu.memref_slice %arg25[%dma_wait3A_709, %dma_wait3A_710] : memref<64x128xf32, #tpu.memory_space<vmem>> -> memref<64x128xf32, #tpu.memory_space<vmem>>
      %dma_wait3A_712 = arith.constant 0 : i32
      %dma_wait3A_713 = tpu.memref_slice %arg7[%multiple_of3A_546, %dma_wait3A_712] : memref<10000x128xf32, #tpu.memory_space<vmem_shared>> -> memref<64x128xf32, #tpu.memory_space<vmem_shared>>
      tpu.wait_dma2 semaphore(%run_scoped3A : memref<!tpu.dma_semaphore, #tpu.memory_space<semaphore_mem>>) src(%dma_wait3A_713 : memref<64x128xf32, #tpu.memory_space<vmem_shared>>) dst(%dma_wait3A_711 : memref<64x128xf32, #tpu.memory_space<vmem>>)
      tpu.yield
    }) : () -> ()
    %dma_start3A_547 = arith.constant 0 : i32
    %dma_start3A_548 = arith.constant 0 : i32
    %dma_start3A_549 = tpu.memref_slice %arg25[%dma_start3A_547, %dma_start3A_548] : memref<64x128xf32, #tpu.memory_space<vmem>> -> memref<64x128xf32, #tpu.memory_space<vmem>>
    %dma_start3A_550 = arith.constant 0 : i32
    %dma_start3A_551 = tpu.memref_slice %arg5[%arg0, %multiple_of3A_546, %dma_start3A_550] : memref<2x10000x128xf32, #tpu.memory_space<hbm>> -> memref<1x64x128xf32, #tpu.memory_space<hbm>>
    %dma_start3A_552 = tpu.memref_squeeze %dma_start3A_551 : memref<1x64x128xf32, #tpu.memory_space<hbm>> -> memref<64x128xf32, #tpu.memory_space<hbm>>
    %dma_start3A_553 = arith.constant 0 : i32
    %dma_start3A_554 = tpu.memref_slice %arg5[%arg0, %multiple_of3A_546, %dma_start3A_553] : memref<2x10000x128xf32, #tpu.memory_space<hbm>> -> memref<1x64x128xf32, #tpu.memory_space<hbm>>
    %dma_start3A_555 = tpu.memref_squeeze %dma_start3A_554 : memref<1x64x128xf32, #tpu.memory_space<hbm>> -> memref<64x128xf32, #tpu.memory_space<hbm>>
    %dma_start3A_556 = arith.constant 0 : i32
    %dma_start3A_557 = arith.constant 0 : i32
    %dma_start3A_558 = tpu.memref_slice %arg25[%dma_start3A_556, %dma_start3A_557] : memref<64x128xf32, #tpu.memory_space<vmem>> -> memref<64x128xf32, #tpu.memory_space<vmem>>
    tpu.enqueue_dma source(%dma_start3A_558 : memref<64x128xf32, #tpu.memory_space<vmem>>) target(%dma_start3A_555 : memref<64x128xf32, #tpu.memory_space<hbm>>) target_semaphore(%arg28 : memref<!tpu.dma_semaphore, #tpu.memory_space<semaphore_mem>>)
    %dma_wait3A_559 = arith.constant 0 : i32
    %dma_wait3A_560 = arith.constant 0 : i32
    %dma_wait3A_561 = tpu.memref_slice %arg31[%dma_wait3A_559, %dma_wait3A_560] : memref<64x128xf32, #tpu.memory_space<vmem>> -> memref<64x128xf32, #tpu.memory_space<vmem>>
    %dma_wait3A_562 = arith.constant 0 : i32
    %dma_wait3A_563 = tpu.memref_slice %arg5[%arg0, %multiple_of3A_417, %dma_wait3A_562] : memref<2x10000x128xf32, #tpu.memory_space<hbm>> -> memref<1x64x128xf32, #tpu.memory_space<hbm>>
    %dma_wait3A_564 = tpu.memref_squeeze %dma_wait3A_563 : memref<1x64x128xf32, #tpu.memory_space<hbm>> -> memref<64x128xf32, #tpu.memory_space<hbm>>
    %dma_wait3A_565 = arith.constant 0 : i32
    %dma_wait3A_566 = tpu.memref_slice %arg5[%arg0, %multiple_of3A_417, %dma_wait3A_565] : memref<2x10000x128xf32, #tpu.memory_space<hbm>> -> memref<1x64x128xf32, #tpu.memory_space<hbm>>
    %dma_wait3A_567 = tpu.memref_squeeze %dma_wait3A_566 : memref<1x64x128xf32, #tpu.memory_space<hbm>> -> memref<64x128xf32, #tpu.memory_space<hbm>>
    %dma_wait3A_568 = arith.constant 0 : i32
    %dma_wait3A_569 = arith.constant 0 : i32
    %dma_wait3A_570 = tpu.memref_slice %arg31[%dma_wait3A_568, %dma_wait3A_569] : memref<64x128xf32, #tpu.memory_space<vmem>> -> memref<64x128xf32, #tpu.memory_space<vmem>>
    tpu.wait_dma2 semaphore(%arg34 : memref<!tpu.dma_semaphore, #tpu.memory_space<semaphore_mem>>) src(%dma_wait3A_570 : memref<64x128xf32, #tpu.memory_space<vmem>>) dst(%dma_wait3A_567 : memref<64x128xf32, #tpu.memory_space<hbm>>)
    %add3A_571 = arith.constant 448 : i32
    %add3A_572 = arith.addi %multiple_of3A, %add3A_571 : i32
    %multiple_of3A_573 = tpu.assume_multiple %add3A_572, 8 : i32
    "tpu.region"() ({
      %run_scoped3A = tpu.sem_alloc : memref<!tpu.dma_semaphore, #tpu.memory_space<semaphore_mem>>
      %dma_start3A_694 = arith.constant 0 : i32
      %dma_start3A_695 = arith.constant 0 : i32
      %dma_start3A_696 = tpu.memref_slice %arg31[%dma_start3A_694, %dma_start3A_695] : memref<64x128xf32, #tpu.memory_space<vmem>> -> memref<64x128xf32, #tpu.memory_space<vmem>>
      %dma_start3A_697 = arith.constant 0 : i32
      %dma_start3A_698 = tpu.memref_slice %arg7[%multiple_of3A_573, %dma_start3A_697] : memref<10000x128xf32, #tpu.memory_space<vmem_shared>> -> memref<64x128xf32, #tpu.memory_space<vmem_shared>>
      %dma_start3A_699 = arith.constant 0 : i32
      %dma_start3A_700 = arith.constant 0 : i32
      %dma_start3A_701 = tpu.memref_slice %arg31[%dma_start3A_699, %dma_start3A_700] : memref<64x128xf32, #tpu.memory_space<vmem>> -> memref<64x128xf32, #tpu.memory_space<vmem>>
      %dma_start3A_702 = arith.constant 0 : i32
      %dma_start3A_703 = tpu.memref_slice %arg7[%multiple_of3A_573, %dma_start3A_702] : memref<10000x128xf32, #tpu.memory_space<vmem_shared>> -> memref<64x128xf32, #tpu.memory_space<vmem_shared>>
      tpu.enqueue_dma source(%dma_start3A_703 : memref<64x128xf32, #tpu.memory_space<vmem_shared>>) target(%dma_start3A_701 : memref<64x128xf32, #tpu.memory_space<vmem>>) target_semaphore(%run_scoped3A : memref<!tpu.dma_semaphore, #tpu.memory_space<semaphore_mem>>)
      %dma_wait3A_704 = arith.constant 0 : i32
      %dma_wait3A_705 = arith.constant 0 : i32
      %dma_wait3A_706 = tpu.memref_slice %arg31[%dma_wait3A_704, %dma_wait3A_705] : memref<64x128xf32, #tpu.memory_space<vmem>> -> memref<64x128xf32, #tpu.memory_space<vmem>>
      %dma_wait3A_707 = arith.constant 0 : i32
      %dma_wait3A_708 = tpu.memref_slice %arg7[%multiple_of3A_573, %dma_wait3A_707] : memref<10000x128xf32, #tpu.memory_space<vmem_shared>> -> memref<64x128xf32, #tpu.memory_space<vmem_shared>>
      %dma_wait3A_709 = arith.constant 0 : i32
      %dma_wait3A_710 = arith.constant 0 : i32
      %dma_wait3A_711 = tpu.memref_slice %arg31[%dma_wait3A_709, %dma_wait3A_710] : memref<64x128xf32, #tpu.memory_space<vmem>> -> memref<64x128xf32, #tpu.memory_space<vmem>>
      %dma_wait3A_712 = arith.constant 0 : i32
      %dma_wait3A_713 = tpu.memref_slice %arg7[%multiple_of3A_573, %dma_wait3A_712] : memref<10000x128xf32, #tpu.memory_space<vmem_shared>> -> memref<64x128xf32, #tpu.memory_space<vmem_shared>>
      tpu.wait_dma2 semaphore(%run_scoped3A : memref<!tpu.dma_semaphore, #tpu.memory_space<semaphore_mem>>) src(%dma_wait3A_713 : memref<64x128xf32, #tpu.memory_space<vmem_shared>>) dst(%dma_wait3A_711 : memref<64x128xf32, #tpu.memory_space<vmem>>)
      tpu.yield
    }) : () -> ()
    %dma_start3A_574 = arith.constant 0 : i32
    %dma_start3A_575 = arith.constant 0 : i32
    %dma_start3A_576 = tpu.memref_slice %arg31[%dma_start3A_574, %dma_start3A_575] : memref<64x128xf32, #tpu.memory_space<vmem>> -> memref<64x128xf32, #tpu.memory_space<vmem>>
    %dma_start3A_577 = arith.constant 0 : i32
    %dma_start3A_578 = tpu.memref_slice %arg5[%arg0, %multiple_of3A_573, %dma_start3A_577] : memref<2x10000x128xf32, #tpu.memory_space<hbm>> -> memref<1x64x128xf32, #tpu.memory_space<hbm>>
    %dma_start3A_579 = tpu.memref_squeeze %dma_start3A_578 : memref<1x64x128xf32, #tpu.memory_space<hbm>> -> memref<64x128xf32, #tpu.memory_space<hbm>>
    %dma_start3A_580 = arith.constant 0 : i32
    %dma_start3A_581 = tpu.memref_slice %arg5[%arg0, %multiple_of3A_573, %dma_start3A_580] : memref<2x10000x128xf32, #tpu.memory_space<hbm>> -> memref<1x64x128xf32, #tpu.memory_space<hbm>>
    %dma_start3A_582 = tpu.memref_squeeze %dma_start3A_581 : memref<1x64x128xf32, #tpu.memory_space<hbm>> -> memref<64x128xf32, #tpu.memory_space<hbm>>
    %dma_start3A_583 = arith.constant 0 : i32
    %dma_start3A_584 = arith.constant 0 : i32
    %dma_start3A_585 = tpu.memref_slice %arg31[%dma_start3A_583, %dma_start3A_584] : memref<64x128xf32, #tpu.memory_space<vmem>> -> memref<64x128xf32, #tpu.memory_space<vmem>>
    tpu.enqueue_dma source(%dma_start3A_585 : memref<64x128xf32, #tpu.memory_space<vmem>>) target(%dma_start3A_582 : memref<64x128xf32, #tpu.memory_space<hbm>>) target_semaphore(%arg34 : memref<!tpu.dma_semaphore, #tpu.memory_space<semaphore_mem>>)
    %dma_wait3A_586 = arith.constant 0 : i32
    %dma_wait3A_587 = arith.constant 0 : i32
    %dma_wait3A_588 = tpu.memref_slice %arg13[%dma_wait3A_586, %dma_wait3A_587] : memref<64x128xf32, #tpu.memory_space<vmem>> -> memref<64x128xf32, #tpu.memory_space<vmem>>
    %dma_wait3A_589 = arith.constant 0 : i32
    %dma_wait3A_590 = tpu.memref_slice %arg5[%arg0, %multiple_of3A_417, %dma_wait3A_589] : memref<2x10000x128xf32, #tpu.memory_space<hbm>> -> memref<1x64x128xf32, #tpu.memory_space<hbm>>
    %dma_wait3A_591 = tpu.memref_squeeze %dma_wait3A_590 : memref<1x64x128xf32, #tpu.memory_space<hbm>> -> memref<64x128xf32, #tpu.memory_space<hbm>>
    %dma_wait3A_592 = arith.constant 0 : i32
    %dma_wait3A_593 = tpu.memref_slice %arg5[%arg0, %multiple_of3A_417, %dma_wait3A_592] : memref<2x10000x128xf32, #tpu.memory_space<hbm>> -> memref<1x64x128xf32, #tpu.memory_space<hbm>>
    %dma_wait3A_594 = tpu.memref_squeeze %dma_wait3A_593 : memref<1x64x128xf32, #tpu.memory_space<hbm>> -> memref<64x128xf32, #tpu.memory_space<hbm>>
    %dma_wait3A_595 = arith.constant 0 : i32
    %dma_wait3A_596 = arith.constant 0 : i32
    %dma_wait3A_597 = tpu.memref_slice %arg13[%dma_wait3A_595, %dma_wait3A_596] : memref<64x128xf32, #tpu.memory_space<vmem>> -> memref<64x128xf32, #tpu.memory_space<vmem>>
    tpu.wait_dma2 semaphore(%arg16 : memref<!tpu.dma_semaphore, #tpu.memory_space<semaphore_mem>>) src(%dma_wait3A_597 : memref<64x128xf32, #tpu.memory_space<vmem>>) dst(%dma_wait3A_594 : memref<64x128xf32, #tpu.memory_space<hbm>>)
    %add3A_598 = arith.constant 512 : i32
    %add3A_599 = arith.addi %multiple_of3A, %add3A_598 : i32
    %multiple_of3A_600 = tpu.assume_multiple %add3A_599, 8 : i32
    "tpu.region"() ({
      %run_scoped3A = tpu.sem_alloc : memref<!tpu.dma_semaphore, #tpu.memory_space<semaphore_mem>>
      %dma_start3A_694 = arith.constant 0 : i32
      %dma_start3A_695 = arith.constant 0 : i32
      %dma_start3A_696 = tpu.memref_slice %arg13[%dma_start3A_694, %dma_start3A_695] : memref<64x128xf32, #tpu.memory_space<vmem>> -> memref<64x128xf32, #tpu.memory_space<vmem>>
      %dma_start3A_697 = arith.constant 0 : i32
      %dma_start3A_698 = tpu.memref_slice %arg7[%multiple_of3A_600, %dma_start3A_697] : memref<10000x128xf32, #tpu.memory_space<vmem_shared>> -> memref<64x128xf32, #tpu.memory_space<vmem_shared>>
      %dma_start3A_699 = arith.constant 0 : i32
      %dma_start3A_700 = arith.constant 0 : i32
      %dma_start3A_701 = tpu.memref_slice %arg13[%dma_start3A_699, %dma_start3A_700] : memref<64x128xf32, #tpu.memory_space<vmem>> -> memref<64x128xf32, #tpu.memory_space<vmem>>
      %dma_start3A_702 = arith.constant 0 : i32
      %dma_start3A_703 = tpu.memref_slice %arg7[%multiple_of3A_600, %dma_start3A_702] : memref<10000x128xf32, #tpu.memory_space<vmem_shared>> -> memref<64x128xf32, #tpu.memory_space<vmem_shared>>
      tpu.enqueue_dma source(%dma_start3A_703 : memref<64x128xf32, #tpu.memory_space<vmem_shared>>) target(%dma_start3A_701 : memref<64x128xf32, #tpu.memory_space<vmem>>) target_semaphore(%run_scoped3A : memref<!tpu.dma_semaphore, #tpu.memory_space<semaphore_mem>>)
      %dma_wait3A_704 = arith.constant 0 : i32
      %dma_wait3A_705 = arith.constant 0 : i32
      %dma_wait3A_706 = tpu.memref_slice %arg13[%dma_wait3A_704, %dma_wait3A_705] : memref<64x128xf32, #tpu.memory_space<vmem>> -> memref<64x128xf32, #tpu.memory_space<vmem>>
      %dma_wait3A_707 = arith.constant 0 : i32
      %dma_wait3A_708 = tpu.memref_slice %arg7[%multiple_of3A_600, %dma_wait3A_707] : memref<10000x128xf32, #tpu.memory_space<vmem_shared>> -> memref<64x128xf32, #tpu.memory_space<vmem_shared>>
      %dma_wait3A_709 = arith.constant 0 : i32
      %dma_wait3A_710 = arith.constant 0 : i32
      %dma_wait3A_711 = tpu.memref_slice %arg13[%dma_wait3A_709, %dma_wait3A_710] : memref<64x128xf32, #tpu.memory_space<vmem>> -> memref<64x128xf32, #tpu.memory_space<vmem>>
      %dma_wait3A_712 = arith.constant 0 : i32
      %dma_wait3A_713 = tpu.memref_slice %arg7[%multiple_of3A_600, %dma_wait3A_712] : memref<10000x128xf32, #tpu.memory_space<vmem_shared>> -> memref<64x128xf32, #tpu.memory_space<vmem_shared>>
      tpu.wait_dma2 semaphore(%run_scoped3A : memref<!tpu.dma_semaphore, #tpu.memory_space<semaphore_mem>>) src(%dma_wait3A_713 : memref<64x128xf32, #tpu.memory_space<vmem_shared>>) dst(%dma_wait3A_711 : memref<64x128xf32, #tpu.memory_space<vmem>>)
      tpu.yield
    }) : () -> ()
    %dma_start3A_601 = arith.constant 0 : i32
    %dma_start3A_602 = arith.constant 0 : i32
    %dma_start3A_603 = tpu.memref_slice %arg13[%dma_start3A_601, %dma_start3A_602] : memref<64x128xf32, #tpu.memory_space<vmem>> -> memref<64x128xf32, #tpu.memory_space<vmem>>
    %dma_start3A_604 = arith.constant 0 : i32
    %dma_start3A_605 = tpu.memref_slice %arg5[%arg0, %multiple_of3A_600, %dma_start3A_604] : memref<2x10000x128xf32, #tpu.memory_space<hbm>> -> memref<1x64x128xf32, #tpu.memory_space<hbm>>
    %dma_start3A_606 = tpu.memref_squeeze %dma_start3A_605 : memref<1x64x128xf32, #tpu.memory_space<hbm>> -> memref<64x128xf32, #tpu.memory_space<hbm>>
    %dma_start3A_607 = arith.constant 0 : i32
    %dma_start3A_608 = tpu.memref_slice %arg5[%arg0, %multiple_of3A_600, %dma_start3A_607] : memref<2x10000x128xf32, #tpu.memory_space<hbm>> -> memref<1x64x128xf32, #tpu.memory_space<hbm>>
    %dma_start3A_609 = tpu.memref_squeeze %dma_start3A_608 : memref<1x64x128xf32, #tpu.memory_space<hbm>> -> memref<64x128xf32, #tpu.memory_space<hbm>>
    %dma_start3A_610 = arith.constant 0 : i32
    %dma_start3A_611 = arith.constant 0 : i32
    %dma_start3A_612 = tpu.memref_slice %arg13[%dma_start3A_610, %dma_start3A_611] : memref<64x128xf32, #tpu.memory_space<vmem>> -> memref<64x128xf32, #tpu.memory_space<vmem>>
    tpu.enqueue_dma source(%dma_start3A_612 : memref<64x128xf32, #tpu.memory_space<vmem>>) target(%dma_start3A_609 : memref<64x128xf32, #tpu.memory_space<hbm>>) target_semaphore(%arg16 : memref<!tpu.dma_semaphore, #tpu.memory_space<semaphore_mem>>)
    %dma_wait3A_613 = arith.constant 0 : i32
    %dma_wait3A_614 = arith.constant 0 : i32
    %dma_wait3A_615 = tpu.memref_slice %arg19[%dma_wait3A_613, %dma_wait3A_614] : memref<64x128xf32, #tpu.memory_space<vmem>> -> memref<64x128xf32, #tpu.memory_space<vmem>>
    %dma_wait3A_616 = arith.constant 0 : i32
    %dma_wait3A_617 = tpu.memref_slice %arg5[%arg0, %multiple_of3A_417, %dma_wait3A_616] : memref<2x10000x128xf32, #tpu.memory_space<hbm>> -> memref<1x64x128xf32, #tpu.memory_space<hbm>>
    %dma_wait3A_618 = tpu.memref_squeeze %dma_wait3A_617 : memref<1x64x128xf32, #tpu.memory_space<hbm>> -> memref<64x128xf32, #tpu.memory_space<hbm>>
    %dma_wait3A_619 = arith.constant 0 : i32
    %dma_wait3A_620 = tpu.memref_slice %arg5[%arg0, %multiple_of3A_417, %dma_wait3A_619] : memref<2x10000x128xf32, #tpu.memory_space<hbm>> -> memref<1x64x128xf32, #tpu.memory_space<hbm>>
    %dma_wait3A_621 = tpu.memref_squeeze %dma_wait3A_620 : memref<1x64x128xf32, #tpu.memory_space<hbm>> -> memref<64x128xf32, #tpu.memory_space<hbm>>
    %dma_wait3A_622 = arith.constant 0 : i32
    %dma_wait3A_623 = arith.constant 0 : i32
    %dma_wait3A_624 = tpu.memref_slice %arg19[%dma_wait3A_622, %dma_wait3A_623] : memref<64x128xf32, #tpu.memory_space<vmem>> -> memref<64x128xf32, #tpu.memory_space<vmem>>
    tpu.wait_dma2 semaphore(%arg22 : memref<!tpu.dma_semaphore, #tpu.memory_space<semaphore_mem>>) src(%dma_wait3A_624 : memref<64x128xf32, #tpu.memory_space<vmem>>) dst(%dma_wait3A_621 : memref<64x128xf32, #tpu.memory_space<hbm>>)
    "tpu.region"() ({
      %run_scoped3A = tpu.sem_alloc : memref<!tpu.dma_semaphore, #tpu.memory_space<semaphore_mem>>
      %dma_start3A_694 = arith.constant 0 : i32
      %dma_start3A_695 = arith.constant 0 : i32
      %dma_start3A_696 = tpu.memref_slice %arg19[%dma_start3A_694, %dma_start3A_695] : memref<64x128xf32, #tpu.memory_space<vmem>> -> memref<48x128xf32, #tpu.memory_space<vmem>>
      %dma_start3A_697 = arith.constant 0 : i32
      %dma_start3A_698 = tpu.memref_slice %arg7[%multiple_of3A_417, %dma_start3A_697] : memref<10000x128xf32, #tpu.memory_space<vmem_shared>> -> memref<48x128xf32, #tpu.memory_space<vmem_shared>>
      %dma_start3A_699 = arith.constant 0 : i32
      %dma_start3A_700 = arith.constant 0 : i32
      %dma_start3A_701 = tpu.memref_slice %arg19[%dma_start3A_699, %dma_start3A_700] : memref<64x128xf32, #tpu.memory_space<vmem>> -> memref<48x128xf32, #tpu.memory_space<vmem>>
      %dma_start3A_702 = arith.constant 0 : i32
      %dma_start3A_703 = tpu.memref_slice %arg7[%multiple_of3A_417, %dma_start3A_702] : memref<10000x128xf32, #tpu.memory_space<vmem_shared>> -> memref<48x128xf32, #tpu.memory_space<vmem_shared>>
      tpu.enqueue_dma source(%dma_start3A_703 : memref<48x128xf32, #tpu.memory_space<vmem_shared>>) target(%dma_start3A_701 : memref<48x128xf32, #tpu.memory_space<vmem>>) target_semaphore(%run_scoped3A : memref<!tpu.dma_semaphore, #tpu.memory_space<semaphore_mem>>)
      %dma_wait3A_704 = arith.constant 0 : i32
      %dma_wait3A_705 = arith.constant 0 : i32
      %dma_wait3A_706 = tpu.memref_slice %arg19[%dma_wait3A_704, %dma_wait3A_705] : memref<64x128xf32, #tpu.memory_space<vmem>> -> memref<48x128xf32, #tpu.memory_space<vmem>>
      %dma_wait3A_707 = arith.constant 0 : i32
      %dma_wait3A_708 = tpu.memref_slice %arg7[%multiple_of3A_417, %dma_wait3A_707] : memref<10000x128xf32, #tpu.memory_space<vmem_shared>> -> memref<48x128xf32, #tpu.memory_space<vmem_shared>>
      %dma_wait3A_709 = arith.constant 0 : i32
      %dma_wait3A_710 = arith.constant 0 : i32
      %dma_wait3A_711 = tpu.memref_slice %arg19[%dma_wait3A_709, %dma_wait3A_710] : memref<64x128xf32, #tpu.memory_space<vmem>> -> memref<48x128xf32, #tpu.memory_space<vmem>>
      %dma_wait3A_712 = arith.constant 0 : i32
      %dma_wait3A_713 = tpu.memref_slice %arg7[%multiple_of3A_417, %dma_wait3A_712] : memref<10000x128xf32, #tpu.memory_space<vmem_shared>> -> memref<48x128xf32, #tpu.memory_space<vmem_shared>>
      tpu.wait_dma2 semaphore(%run_scoped3A : memref<!tpu.dma_semaphore, #tpu.memory_space<semaphore_mem>>) src(%dma_wait3A_713 : memref<48x128xf32, #tpu.memory_space<vmem_shared>>) dst(%dma_wait3A_711 : memref<48x128xf32, #tpu.memory_space<vmem>>)
      tpu.yield
    }) : () -> ()
    %dma_start3A_625 = arith.constant 0 : i32
    %dma_start3A_626 = arith.constant 0 : i32
    %dma_start3A_627 = tpu.memref_slice %arg19[%dma_start3A_625, %dma_start3A_626] : memref<64x128xf32, #tpu.memory_space<vmem>> -> memref<48x128xf32, #tpu.memory_space<vmem>>
    %dma_start3A_628 = arith.constant 0 : i32
    %dma_start3A_629 = tpu.memref_slice %arg5[%arg0, %multiple_of3A_417, %dma_start3A_628] : memref<2x10000x128xf32, #tpu.memory_space<hbm>> -> memref<1x48x128xf32, #tpu.memory_space<hbm>>
    %dma_start3A_630 = tpu.memref_squeeze %dma_start3A_629 : memref<1x48x128xf32, #tpu.memory_space<hbm>> -> memref<48x128xf32, #tpu.memory_space<hbm>>
    %dma_start3A_631 = arith.constant 0 : i32
    %dma_start3A_632 = tpu.memref_slice %arg5[%arg0, %multiple_of3A_417, %dma_start3A_631] : memref<2x10000x128xf32, #tpu.memory_space<hbm>> -> memref<1x48x128xf32, #tpu.memory_space<hbm>>
    %dma_start3A_633 = tpu.memref_squeeze %dma_start3A_632 : memref<1x48x128xf32, #tpu.memory_space<hbm>> -> memref<48x128xf32, #tpu.memory_space<hbm>>
    %dma_start3A_634 = arith.constant 0 : i32
    %dma_start3A_635 = arith.constant 0 : i32
    %dma_start3A_636 = tpu.memref_slice %arg19[%dma_start3A_634, %dma_start3A_635] : memref<64x128xf32, #tpu.memory_space<vmem>> -> memref<48x128xf32, #tpu.memory_space<vmem>>
    tpu.enqueue_dma source(%dma_start3A_636 : memref<48x128xf32, #tpu.memory_space<vmem>>) target(%dma_start3A_633 : memref<48x128xf32, #tpu.memory_space<hbm>>) target_semaphore(%arg22 : memref<!tpu.dma_semaphore, #tpu.memory_space<semaphore_mem>>)
    %dma_wait3A_637 = arith.constant 0 : i32
    %dma_wait3A_638 = arith.constant 0 : i32
    %dma_wait3A_639 = tpu.memref_slice %arg25[%dma_wait3A_637, %dma_wait3A_638] : memref<64x128xf32, #tpu.memory_space<vmem>> -> memref<64x128xf32, #tpu.memory_space<vmem>>
    %dma_wait3A_640 = arith.constant 0 : i32
    %dma_wait3A_641 = tpu.memref_slice %arg5[%arg0, %multiple_of3A_417, %dma_wait3A_640] : memref<2x10000x128xf32, #tpu.memory_space<hbm>> -> memref<1x64x128xf32, #tpu.memory_space<hbm>>
    %dma_wait3A_642 = tpu.memref_squeeze %dma_wait3A_641 : memref<1x64x128xf32, #tpu.memory_space<hbm>> -> memref<64x128xf32, #tpu.memory_space<hbm>>
    %dma_wait3A_643 = arith.constant 0 : i32
    %dma_wait3A_644 = tpu.memref_slice %arg5[%arg0, %multiple_of3A_417, %dma_wait3A_643] : memref<2x10000x128xf32, #tpu.memory_space<hbm>> -> memref<1x64x128xf32, #tpu.memory_space<hbm>>
    %dma_wait3A_645 = tpu.memref_squeeze %dma_wait3A_644 : memref<1x64x128xf32, #tpu.memory_space<hbm>> -> memref<64x128xf32, #tpu.memory_space<hbm>>
    %dma_wait3A_646 = arith.constant 0 : i32
    %dma_wait3A_647 = arith.constant 0 : i32
    %dma_wait3A_648 = tpu.memref_slice %arg25[%dma_wait3A_646, %dma_wait3A_647] : memref<64x128xf32, #tpu.memory_space<vmem>> -> memref<64x128xf32, #tpu.memory_space<vmem>>
    tpu.wait_dma2 semaphore(%arg28 : memref<!tpu.dma_semaphore, #tpu.memory_space<semaphore_mem>>) src(%dma_wait3A_648 : memref<64x128xf32, #tpu.memory_space<vmem>>) dst(%dma_wait3A_645 : memref<64x128xf32, #tpu.memory_space<hbm>>)
    %dma_wait3A_649 = arith.constant 0 : i32
    %dma_wait3A_650 = arith.constant 0 : i32
    %dma_wait3A_651 = tpu.memref_slice %arg31[%dma_wait3A_649, %dma_wait3A_650] : memref<64x128xf32, #tpu.memory_space<vmem>> -> memref<64x128xf32, #tpu.memory_space<vmem>>
    %dma_wait3A_652 = arith.constant 0 : i32
    %dma_wait3A_653 = tpu.memref_slice %arg5[%arg0, %multiple_of3A_417, %dma_wait3A_652] : memref<2x10000x128xf32, #tpu.memory_space<hbm>> -> memref<1x64x128xf32, #tpu.memory_space<hbm>>
    %dma_wait3A_654 = tpu.memref_squeeze %dma_wait3A_653 : memref<1x64x128xf32, #tpu.memory_space<hbm>> -> memref<64x128xf32, #tpu.memory_space<hbm>>
    %dma_wait3A_655 = arith.constant 0 : i32
    %dma_wait3A_656 = tpu.memref_slice %arg5[%arg0, %multiple_of3A_417, %dma_wait3A_655] : memref<2x10000x128xf32, #tpu.memory_space<hbm>> -> memref<1x64x128xf32, #tpu.memory_space<hbm>>
    %dma_wait3A_657 = tpu.memref_squeeze %dma_wait3A_656 : memref<1x64x128xf32, #tpu.memory_space<hbm>> -> memref<64x128xf32, #tpu.memory_space<hbm>>
    %dma_wait3A_658 = arith.constant 0 : i32
    %dma_wait3A_659 = arith.constant 0 : i32
    %dma_wait3A_660 = tpu.memref_slice %arg31[%dma_wait3A_658, %dma_wait3A_659] : memref<64x128xf32, #tpu.memory_space<vmem>> -> memref<64x128xf32, #tpu.memory_space<vmem>>
    tpu.wait_dma2 semaphore(%arg34 : memref<!tpu.dma_semaphore, #tpu.memory_space<semaphore_mem>>) src(%dma_wait3A_660 : memref<64x128xf32, #tpu.memory_space<vmem>>) dst(%dma_wait3A_657 : memref<64x128xf32, #tpu.memory_space<hbm>>)
    %dma_wait3A_661 = arith.constant 0 : i32
    %dma_wait3A_662 = arith.constant 0 : i32
    %dma_wait3A_663 = tpu.memref_slice %arg13[%dma_wait3A_661, %dma_wait3A_662] : memref<64x128xf32, #tpu.memory_space<vmem>> -> memref<64x128xf32, #tpu.memory_space<vmem>>
    %dma_wait3A_664 = arith.constant 0 : i32
    %dma_wait3A_665 = tpu.memref_slice %arg5[%arg0, %multiple_of3A_417, %dma_wait3A_664] : memref<2x10000x128xf32, #tpu.memory_space<hbm>> -> memref<1x64x128xf32, #tpu.memory_space<hbm>>
    %dma_wait3A_666 = tpu.memref_squeeze %dma_wait3A_665 : memref<1x64x128xf32, #tpu.memory_space<hbm>> -> memref<64x128xf32, #tpu.memory_space<hbm>>
    %dma_wait3A_667 = arith.constant 0 : i32
    %dma_wait3A_668 = tpu.memref_slice %arg5[%arg0, %multiple_of3A_417, %dma_wait3A_667] : memref<2x10000x128xf32, #tpu.memory_space<hbm>> -> memref<1x64x128xf32, #tpu.memory_space<hbm>>
    %dma_wait3A_669 = tpu.memref_squeeze %dma_wait3A_668 : memref<1x64x128xf32, #tpu.memory_space<hbm>> -> memref<64x128xf32, #tpu.memory_space<hbm>>
    %dma_wait3A_670 = arith.constant 0 : i32
    %dma_wait3A_671 = arith.constant 0 : i32
    %dma_wait3A_672 = tpu.memref_slice %arg13[%dma_wait3A_670, %dma_wait3A_671] : memref<64x128xf32, #tpu.memory_space<vmem>> -> memref<64x128xf32, #tpu.memory_space<vmem>>
    tpu.wait_dma2 semaphore(%arg16 : memref<!tpu.dma_semaphore, #tpu.memory_space<semaphore_mem>>) src(%dma_wait3A_672 : memref<64x128xf32, #tpu.memory_space<vmem>>) dst(%dma_wait3A_669 : memref<64x128xf32, #tpu.memory_space<hbm>>)
    %dma_wait3A_673 = arith.constant 0 : i32
    %dma_wait3A_674 = arith.constant 0 : i32
    %dma_wait3A_675 = tpu.memref_slice %arg19[%dma_wait3A_673, %dma_wait3A_674] : memref<64x128xf32, #tpu.memory_space<vmem>> -> memref<48x128xf32, #tpu.memory_space<vmem>>
    %dma_wait3A_676 = arith.constant 0 : i32
    %dma_wait3A_677 = tpu.memref_slice %arg5[%arg0, %multiple_of3A_417, %dma_wait3A_676] : memref<2x10000x128xf32, #tpu.memory_space<hbm>> -> memref<1x48x128xf32, #tpu.memory_space<hbm>>
    %dma_wait3A_678 = tpu.memref_squeeze %dma_wait3A_677 : memref<1x48x128xf32, #tpu.memory_space<hbm>> -> memref<48x128xf32, #tpu.memory_space<hbm>>
    %dma_wait3A_679 = arith.constant 0 : i32
    %dma_wait3A_680 = tpu.memref_slice %arg5[%arg0, %multiple_of3A_417, %dma_wait3A_679] : memref<2x10000x128xf32, #tpu.memory_space<hbm>> -> memref<1x48x128xf32, #tpu.memory_space<hbm>>
    %dma_wait3A_681 = tpu.memref_squeeze %dma_wait3A_680 : memref<1x48x128xf32, #tpu.memory_space<hbm>> -> memref<48x128xf32, #tpu.memory_space<hbm>>
    %dma_wait3A_682 = arith.constant 0 : i32
    %dma_wait3A_683 = arith.constant 0 : i32
    %dma_wait3A_684 = tpu.memref_slice %arg19[%dma_wait3A_682, %dma_wait3A_683] : memref<64x128xf32, #tpu.memory_space<vmem>> -> memref<48x128xf32, #tpu.memory_space<vmem>>
    tpu.wait_dma2 semaphore(%arg22 : memref<!tpu.dma_semaphore, #tpu.memory_space<semaphore_mem>>) src(%dma_wait3A_684 : memref<48x128xf32, #tpu.memory_space<vmem>>) dst(%dma_wait3A_681 : memref<48x128xf32, #tpu.memory_space<hbm>>)
    "tpu.region"() ({
      %run_scoped3A = tpu.sem_alloc : memref<!tpu.dma_semaphore, #tpu.memory_space<semaphore_mem>>
      %dma_start3A_694 = tpu.memref_slice %arg36[%multiple_of3A] : memref<10000xf32, #tpu.memory_space<vmem_shared>> -> memref<624xf32, #tpu.memory_space<vmem_shared>>
      %dma_start3A_695 = tpu.memref_slice %arg36[%multiple_of3A] : memref<10000xf32, #tpu.memory_space<vmem_shared>> -> memref<624xf32, #tpu.memory_space<vmem_shared>>
      tpu.enqueue_dma source(%dma_start3A_695 : memref<624xf32, #tpu.memory_space<vmem_shared>>) target(%arg38 : memref<624xf32, #tpu.memory_space<vmem>>) target_semaphore(%run_scoped3A : memref<!tpu.dma_semaphore, #tpu.memory_space<semaphore_mem>>)
      %dma_wait3A_696 = tpu.memref_slice %arg36[%multiple_of3A] : memref<10000xf32, #tpu.memory_space<vmem_shared>> -> memref<624xf32, #tpu.memory_space<vmem_shared>>
      %dma_wait3A_697 = tpu.memref_slice %arg36[%multiple_of3A] : memref<10000xf32, #tpu.memory_space<vmem_shared>> -> memref<624xf32, #tpu.memory_space<vmem_shared>>
      tpu.wait_dma2 semaphore(%run_scoped3A : memref<!tpu.dma_semaphore, #tpu.memory_space<semaphore_mem>>) src(%dma_wait3A_697 : memref<624xf32, #tpu.memory_space<vmem_shared>>) dst(%arg38 : memref<624xf32, #tpu.memory_space<vmem>>)
      tpu.yield
    }) : () -> ()
    %mul3A_685 = arith.constant 10000 : i32
    %mul3A_686 = arith.muli %arg0, %mul3A_685 : i32
    %add3A_687 = arith.addi %mul3A_686, %multiple_of3A : i32
    %multiple_of3A_688 = tpu.assume_multiple %add3A_687, 8 : i32
    "tpu.region"() ({
      %run_scoped3A = tpu.sem_alloc : memref<!tpu.dma_semaphore, #tpu.memory_space<semaphore_mem>>
      %dma_start3A_694 = tpu.memref_slice %arg6[%multiple_of3A_688] : memref<20000xf32, #tpu.memory_space<hbm>> -> memref<624xf32, #tpu.memory_space<hbm>>
      %dma_start3A_695 = tpu.memref_slice %arg6[%multiple_of3A_688] : memref<20000xf32, #tpu.memory_space<hbm>> -> memref<624xf32, #tpu.memory_space<hbm>>
      tpu.enqueue_dma source(%arg38 : memref<624xf32, #tpu.memory_space<vmem>>) target(%dma_start3A_695 : memref<624xf32, #tpu.memory_space<hbm>>) target_semaphore(%run_scoped3A : memref<!tpu.dma_semaphore, #tpu.memory_space<semaphore_mem>>)
      %dma_wait3A_696 = tpu.memref_slice %arg6[%multiple_of3A_688] : memref<20000xf32, #tpu.memory_space<hbm>> -> memref<624xf32, #tpu.memory_space<hbm>>
      %dma_wait3A_697 = tpu.memref_slice %arg6[%multiple_of3A_688] : memref<20000xf32, #tpu.memory_space<hbm>> -> memref<624xf32, #tpu.memory_space<hbm>>
      tpu.wait_dma2 semaphore(%run_scoped3A : memref<!tpu.dma_semaphore, #tpu.memory_space<semaphore_mem>>) src(%arg38 : memref<624xf32, #tpu.memory_space<vmem>>) dst(%dma_wait3A_697 : memref<624xf32, #tpu.memory_space<hbm>>)
      tpu.yield
    }) : () -> ()
    %eq3A_689 = arith.constant 15 : i32
    %eq3A_690 = arith.cmpi eq, %arg1, %eq3A_689 : i32
    %convert_element_type3A_691 = arith.extui %eq3A_690 : i1 to i32
    %cond3A_692 = arith.constant 0 : i32
    %cond3A_693 = arith.cmpi ne, %convert_element_type3A_691, %cond3A_692 : i32
    scf.if %cond3A_693 {
      "tpu.region"() ({
        %run_scoped3A = tpu.sem_alloc : memref<!tpu.dma_semaphore, #tpu.memory_space<semaphore_mem>>
        %dma_start3A_699 = arith.constant 0 : i32
        %dma_start3A_700 = arith.constant 0 : i32
        %dma_start3A_701 = tpu.memref_slice %arg13[%dma_start3A_699, %dma_start3A_700] : memref<64x128xf32, #tpu.memory_space<vmem>> -> memref<16x128xf32, #tpu.memory_space<vmem>>
        %dma_start3A_702 = arith.constant 9984 : i32
        %dma_start3A_703 = arith.constant 0 : i32
        %dma_start3A_704 = tpu.memref_slice %arg7[%dma_start3A_702, %dma_start3A_703] : memref<10000x128xf32, #tpu.memory_space<vmem_shared>> -> memref<16x128xf32, #tpu.memory_space<vmem_shared>>
        %dma_start3A_705 = arith.constant 0 : i32
        %dma_start3A_706 = arith.constant 0 : i32
        %dma_start3A_707 = tpu.memref_slice %arg13[%dma_start3A_705, %dma_start3A_706] : memref<64x128xf32, #tpu.memory_space<vmem>> -> memref<16x128xf32, #tpu.memory_space<vmem>>
        %dma_start3A_708 = arith.constant 9984 : i32
        %dma_start3A_709 = arith.constant 0 : i32
        %dma_start3A_710 = tpu.memref_slice %arg7[%dma_start3A_708, %dma_start3A_709] : memref<10000x128xf32, #tpu.memory_space<vmem_shared>> -> memref<16x128xf32, #tpu.memory_space<vmem_shared>>
        tpu.enqueue_dma source(%dma_start3A_710 : memref<16x128xf32, #tpu.memory_space<vmem_shared>>) target(%dma_start3A_707 : memref<16x128xf32, #tpu.memory_space<vmem>>) target_semaphore(%run_scoped3A : memref<!tpu.dma_semaphore, #tpu.memory_space<semaphore_mem>>)
        %dma_wait3A_711 = arith.constant 0 : i32
        %dma_wait3A_712 = arith.constant 0 : i32
        %dma_wait3A_713 = tpu.memref_slice %arg13[%dma_wait3A_711, %dma_wait3A_712] : memref<64x128xf32, #tpu.memory_space<vmem>> -> memref<16x128xf32, #tpu.memory_space<vmem>>
        %dma_wait3A_714 = arith.constant 9984 : i32
        %dma_wait3A_715 = arith.constant 0 : i32
        %dma_wait3A_716 = tpu.memref_slice %arg7[%dma_wait3A_714, %dma_wait3A_715] : memref<10000x128xf32, #tpu.memory_space<vmem_shared>> -> memref<16x128xf32, #tpu.memory_space<vmem_shared>>
        %dma_wait3A_717 = arith.constant 0 : i32
        %dma_wait3A_718 = arith.constant 0 : i32
        %dma_wait3A_719 = tpu.memref_slice %arg13[%dma_wait3A_717, %dma_wait3A_718] : memref<64x128xf32, #tpu.memory_space<vmem>> -> memref<16x128xf32, #tpu.memory_space<vmem>>
        %dma_wait3A_720 = arith.constant 9984 : i32
        %dma_wait3A_721 = arith.constant 0 : i32
        %dma_wait3A_722 = tpu.memref_slice %arg7[%dma_wait3A_720, %dma_wait3A_721] : memref<10000x128xf32, #tpu.memory_space<vmem_shared>> -> memref<16x128xf32, #tpu.memory_space<vmem_shared>>
        tpu.wait_dma2 semaphore(%run_scoped3A : memref<!tpu.dma_semaphore, #tpu.memory_space<semaphore_mem>>) src(%dma_wait3A_722 : memref<16x128xf32, #tpu.memory_space<vmem_shared>>) dst(%dma_wait3A_719 : memref<16x128xf32, #tpu.memory_space<vmem>>)
        tpu.yield
      }) : () -> ()
      "tpu.region"() ({
        %run_scoped3A = tpu.sem_alloc : memref<!tpu.dma_semaphore, #tpu.memory_space<semaphore_mem>>
        %dma_start3A_699 = arith.constant 0 : i32
        %dma_start3A_700 = arith.constant 0 : i32
        %dma_start3A_701 = tpu.memref_slice %arg13[%dma_start3A_699, %dma_start3A_700] : memref<64x128xf32, #tpu.memory_space<vmem>> -> memref<16x128xf32, #tpu.memory_space<vmem>>
        %dma_start3A_702 = arith.constant 9984 : i32
        %dma_start3A_703 = arith.constant 0 : i32
        %dma_start3A_704 = tpu.memref_slice %arg5[%arg0, %dma_start3A_702, %dma_start3A_703] : memref<2x10000x128xf32, #tpu.memory_space<hbm>> -> memref<1x16x128xf32, #tpu.memory_space<hbm>>
        %dma_start3A_705 = tpu.memref_squeeze %dma_start3A_704 : memref<1x16x128xf32, #tpu.memory_space<hbm>> -> memref<16x128xf32, #tpu.memory_space<hbm>>
        %dma_start3A_706 = arith.constant 9984 : i32
        %dma_start3A_707 = arith.constant 0 : i32
        %dma_start3A_708 = tpu.memref_slice %arg5[%arg0, %dma_start3A_706, %dma_start3A_707] : memref<2x10000x128xf32, #tpu.memory_space<hbm>> -> memref<1x16x128xf32, #tpu.memory_space<hbm>>
        %dma_start3A_709 = tpu.memref_squeeze %dma_start3A_708 : memref<1x16x128xf32, #tpu.memory_space<hbm>> -> memref<16x128xf32, #tpu.memory_space<hbm>>
        %dma_start3A_710 = arith.constant 0 : i32
        %dma_start3A_711 = arith.constant 0 : i32
        %dma_start3A_712 = tpu.memref_slice %arg13[%dma_start3A_710, %dma_start3A_711] : memref<64x128xf32, #tpu.memory_space<vmem>> -> memref<16x128xf32, #tpu.memory_space<vmem>>
        tpu.enqueue_dma source(%dma_start3A_712 : memref<16x128xf32, #tpu.memory_space<vmem>>) target(%dma_start3A_709 : memref<16x128xf32, #tpu.memory_space<hbm>>) target_semaphore(%run_scoped3A : memref<!tpu.dma_semaphore, #tpu.memory_space<semaphore_mem>>)
        %dma_wait3A_713 = arith.constant 0 : i32
        %dma_wait3A_714 = arith.constant 0 : i32
        %dma_wait3A_715 = tpu.memref_slice %arg13[%dma_wait3A_713, %dma_wait3A_714] : memref<64x128xf32, #tpu.memory_space<vmem>> -> memref<16x128xf32, #tpu.memory_space<vmem>>
        %dma_wait3A_716 = arith.constant 9984 : i32
        %dma_wait3A_717 = arith.constant 0 : i32
        %dma_wait3A_718 = tpu.memref_slice %arg5[%arg0, %dma_wait3A_716, %dma_wait3A_717] : memref<2x10000x128xf32, #tpu.memory_space<hbm>> -> memref<1x16x128xf32, #tpu.memory_space<hbm>>
        %dma_wait3A_719 = tpu.memref_squeeze %dma_wait3A_718 : memref<1x16x128xf32, #tpu.memory_space<hbm>> -> memref<16x128xf32, #tpu.memory_space<hbm>>
        %dma_wait3A_720 = arith.constant 9984 : i32
        %dma_wait3A_721 = arith.constant 0 : i32
        %dma_wait3A_722 = tpu.memref_slice %arg5[%arg0, %dma_wait3A_720, %dma_wait3A_721] : memref<2x10000x128xf32, #tpu.memory_space<hbm>> -> memref<1x16x128xf32, #tpu.memory_space<hbm>>
        %dma_wait3A_723 = tpu.memref_squeeze %dma_wait3A_722 : memref<1x16x128xf32, #tpu.memory_space<hbm>> -> memref<16x128xf32, #tpu.memory_space<hbm>>
        %dma_wait3A_724 = arith.constant 0 : i32
        %dma_wait3A_725 = arith.constant 0 : i32
        %dma_wait3A_726 = tpu.memref_slice %arg13[%dma_wait3A_724, %dma_wait3A_725] : memref<64x128xf32, #tpu.memory_space<vmem>> -> memref<16x128xf32, #tpu.memory_space<vmem>>
        tpu.wait_dma2 semaphore(%run_scoped3A : memref<!tpu.dma_semaphore, #tpu.memory_space<semaphore_mem>>) src(%dma_wait3A_726 : memref<16x128xf32, #tpu.memory_space<vmem>>) dst(%dma_wait3A_723 : memref<16x128xf32, #tpu.memory_space<hbm>>)
        tpu.yield
      }) : () -> ()
      "tpu.region"() ({
        %run_scoped3A = tpu.sem_alloc : memref<!tpu.dma_semaphore, #tpu.memory_space<semaphore_mem>>
        %dma_start3A_699 = arith.constant 0 : i32
        %dma_start3A_700 = tpu.memref_slice %arg38[%dma_start3A_699] : memref<624xf32, #tpu.memory_space<vmem>> -> memref<16xf32, #tpu.memory_space<vmem>>
        %dma_start3A_701 = arith.constant 9984 : i32
        %dma_start3A_702 = tpu.memref_slice %arg36[%dma_start3A_701] : memref<10000xf32, #tpu.memory_space<vmem_shared>> -> memref<16xf32, #tpu.memory_space<vmem_shared>>
        %dma_start3A_703 = arith.constant 0 : i32
        %dma_start3A_704 = tpu.memref_slice %arg38[%dma_start3A_703] : memref<624xf32, #tpu.memory_space<vmem>> -> memref<16xf32, #tpu.memory_space<vmem>>
        %dma_start3A_705 = arith.constant 9984 : i32
        %dma_start3A_706 = tpu.memref_slice %arg36[%dma_start3A_705] : memref<10000xf32, #tpu.memory_space<vmem_shared>> -> memref<16xf32, #tpu.memory_space<vmem_shared>>
        tpu.enqueue_dma source(%dma_start3A_706 : memref<16xf32, #tpu.memory_space<vmem_shared>>) target(%dma_start3A_704 : memref<16xf32, #tpu.memory_space<vmem>>) target_semaphore(%run_scoped3A : memref<!tpu.dma_semaphore, #tpu.memory_space<semaphore_mem>>)
        %dma_wait3A_707 = arith.constant 0 : i32
        %dma_wait3A_708 = tpu.memref_slice %arg38[%dma_wait3A_707] : memref<624xf32, #tpu.memory_space<vmem>> -> memref<16xf32, #tpu.memory_space<vmem>>
        %dma_wait3A_709 = arith.constant 9984 : i32
        %dma_wait3A_710 = tpu.memref_slice %arg36[%dma_wait3A_709] : memref<10000xf32, #tpu.memory_space<vmem_shared>> -> memref<16xf32, #tpu.memory_space<vmem_shared>>
        %dma_wait3A_711 = arith.constant 0 : i32
        %dma_wait3A_712 = tpu.memref_slice %arg38[%dma_wait3A_711] : memref<624xf32, #tpu.memory_space<vmem>> -> memref<16xf32, #tpu.memory_space<vmem>>
        %dma_wait3A_713 = arith.constant 9984 : i32
        %dma_wait3A_714 = tpu.memref_slice %arg36[%dma_wait3A_713] : memref<10000xf32, #tpu.memory_space<vmem_shared>> -> memref<16xf32, #tpu.memory_space<vmem_shared>>
        tpu.wait_dma2 semaphore(%run_scoped3A : memref<!tpu.dma_semaphore, #tpu.memory_space<semaphore_mem>>) src(%dma_wait3A_714 : memref<16xf32, #tpu.memory_space<vmem_shared>>) dst(%dma_wait3A_712 : memref<16xf32, #tpu.memory_space<vmem>>)
        tpu.yield
      }) : () -> ()
      %mul3A_694 = arith.constant 10000 : i32
      %mul3A_695 = arith.muli %arg0, %mul3A_694 : i32
      %add3A_696 = arith.constant 9984 : i32
      %add3A_697 = arith.addi %mul3A_695, %add3A_696 : i32
      %multiple_of3A_698 = tpu.assume_multiple %add3A_697, 8 : i32
      "tpu.region"() ({
        %run_scoped3A = tpu.sem_alloc : memref<!tpu.dma_semaphore, #tpu.memory_space<semaphore_mem>>
        %dma_start3A_699 = arith.constant 0 : i32
        %dma_start3A_700 = tpu.memref_slice %arg38[%dma_start3A_699] : memref<624xf32, #tpu.memory_space<vmem>> -> memref<16xf32, #tpu.memory_space<vmem>>
        %dma_start3A_701 = tpu.memref_slice %arg6[%multiple_of3A_698] : memref<20000xf32, #tpu.memory_space<hbm>> -> memref<16xf32, #tpu.memory_space<hbm>>
        %dma_start3A_702 = tpu.memref_slice %arg6[%multiple_of3A_698] : memref<20000xf32, #tpu.memory_space<hbm>> -> memref<16xf32, #tpu.memory_space<hbm>>
        %dma_start3A_703 = arith.constant 0 : i32
        %dma_start3A_704 = tpu.memref_slice %arg38[%dma_start3A_703] : memref<624xf32, #tpu.memory_space<vmem>> -> memref<16xf32, #tpu.memory_space<vmem>>
        tpu.enqueue_dma source(%dma_start3A_704 : memref<16xf32, #tpu.memory_space<vmem>>) target(%dma_start3A_702 : memref<16xf32, #tpu.memory_space<hbm>>) target_semaphore(%run_scoped3A : memref<!tpu.dma_semaphore, #tpu.memory_space<semaphore_mem>>)
        %dma_wait3A_705 = arith.constant 0 : i32
        %dma_wait3A_706 = tpu.memref_slice %arg38[%dma_wait3A_705] : memref<624xf32, #tpu.memory_space<vmem>> -> memref<16xf32, #tpu.memory_space<vmem>>
        %dma_wait3A_707 = tpu.memref_slice %arg6[%multiple_of3A_698] : memref<20000xf32, #tpu.memory_space<hbm>> -> memref<16xf32, #tpu.memory_space<hbm>>
        %dma_wait3A_708 = tpu.memref_slice %arg6[%multiple_of3A_698] : memref<20000xf32, #tpu.memory_space<hbm>> -> memref<16xf32, #tpu.memory_space<hbm>>
        %dma_wait3A_709 = arith.constant 0 : i32
        %dma_wait3A_710 = tpu.memref_slice %arg38[%dma_wait3A_709] : memref<624xf32, #tpu.memory_space<vmem>> -> memref<16xf32, #tpu.memory_space<vmem>>
        tpu.wait_dma2 semaphore(%run_scoped3A : memref<!tpu.dma_semaphore, #tpu.memory_space<semaphore_mem>>) src(%dma_wait3A_710 : memref<16xf32, #tpu.memory_space<vmem>>) dst(%dma_wait3A_708 : memref<16xf32, #tpu.memory_space<hbm>>)
        tpu.yield
      }) : () -> ()
    } else {
    }
    return
  }
}

module attributes {stable_mosaic.version = 14 : i64} {
  func.func @_mm_body(%arg0: i32, %arg1: memref<5000x128xf32, #tpu.memory_space<vmem>>, %arg2: memref<128x128xf32, #tpu.memory_space<vmem>>, %arg3: memref<1x128xf32, #tpu.memory_space<vmem>>, %arg4: memref<5000x128xf32, #tpu.memory_space<vmem>>) attributes {dimension_semantics = [#tpu.dimension_semantics<arbitrary>], iteration_bounds = array<i64: 2>, scalar_prefetch = 0 : i64, scratch_operands = 0 : i64, tpu.core_type = #tpu.core_type<tc>, window_params = [{transform_indices = @transform_0, window_bounds = array<i64: 5000, 128>}, {pipeline_mode = #tpu.pipeline_mode<synchronous>, transform_indices = @transform_1, window_bounds = array<i64: 128, 128>}, {pipeline_mode = #tpu.pipeline_mode<synchronous>, transform_indices = @transform_2, window_bounds = array<i64: 1, 128>}, {transform_indices = @transform_3, window_bounds = array<i64: 5000, 128>}]} {
    %get3A = arith.constant 0 : index
    %get3A_0 = arith.constant 0 : index
    %get3A_1 = vector.load %arg1[%get3A, %get3A_0] : memref<5000x128xf32, #tpu.memory_space<vmem>>, vector<5000x128xf32>
    %get3A_2 = arith.constant 0 : index
    %get3A_3 = arith.constant 0 : index
    %get3A_4 = vector.load %arg2[%get3A_2, %get3A_3] : memref<128x128xf32, #tpu.memory_space<vmem>>, vector<128x128xf32>
    %dot_general3A = arith.constant dense<0.000000e+00> : vector<5000x128xf32>
    %dot_general3A_5 = tpu.matmul %get3A_1, %get3A_4, %dot_general3A {dimension_numbers = #tpu.dot_dimension_numbers<[1], [0], [0], [1], [0, 0, 1, 1], [], []>, transpose_lhs_hint = false} : vector<5000x128xf32>, vector<128x128xf32>, vector<5000x128xf32> -> vector<5000x128xf32>
    %get3A_6 = arith.constant 0 : index
    %get3A_7 = arith.constant 0 : index
    %get3A_8 = vector.load %arg3[%get3A_6, %get3A_7] : memref<1x128xf32, #tpu.memory_space<vmem>>, vector<1x128xf32>
    %add3A = vector.broadcast %get3A_8 : vector<1x128xf32> to vector<5000x128xf32>
    %add3A_9 = arith.addf %dot_general3A_5, %add3A : vector<5000x128xf32>
    %swap3A = arith.constant 0 : index
    %swap3A_10 = arith.constant 0 : index
    %swap3A_11 = vector.load %arg4[%swap3A, %swap3A_10] : memref<5000x128xf32, #tpu.memory_space<vmem>>, vector<5000x128xf32>
    tpu.vector_store %arg4[%swap3A, %swap3A_10], %add3A_9 {strides = array<i32>} : memref<5000x128xf32, #tpu.memory_space<vmem>>, vector<5000x128xf32>,
    return
  }
  func.func @transform_0(%arg0: i32) -> (i32, i32) {
    %c0_i32 = arith.constant 0 : i32
    %c0_i32_0 = arith.constant 0 : i32
    return %arg0, %c0_i32 : i32, i32
  }
  func.func @transform_1(%arg0: i32) -> (i32, i32) {
    %c0_i32 = arith.constant 0 : i32
    %c0_i32_0 = arith.constant 0 : i32
    %c0_i32_1 = arith.constant 0 : i32
    return %c0_i32, %c0_i32_0 : i32, i32
  }
  func.func @transform_2(%arg0: i32) -> (i32, i32) {
    %c0_i32 = arith.constant 0 : i32
    %c0_i32_0 = arith.constant 0 : i32
    %c0_i32_1 = arith.constant 0 : i32
    return %c0_i32, %c0_i32_0 : i32, i32
  }
  func.func @transform_3(%arg0: i32) -> (i32, i32) {
    %c0_i32 = arith.constant 0 : i32
    %c0_i32_0 = arith.constant 0 : i32
    return %arg0, %c0_i32 : i32, i32
  }
}

module attributes {stable_mosaic.version = 14 : i64} {
  func.func @_relu_comb_body(%arg0: i32, %arg1: memref<5000x128xf32, #tpu.memory_space<vmem>>, %arg2: memref<2x5000x128xf32, #tpu.memory_space<vmem>>, %arg3: memref<2x5000x1xf32, #tpu.memory_space<vmem>>, %arg4: memref<5000x128xf32, #tpu.memory_space<vmem>>) attributes {dimension_semantics = [#tpu.dimension_semantics<arbitrary>], iteration_bounds = array<i64: 2>, scalar_prefetch = 0 : i64, scratch_operands = 0 : i64, tpu.core_type = #tpu.core_type<tc>, window_params = [{transform_indices = @transform_0, window_bounds = array<i64: 5000, 128>}, {transform_indices = @transform_1, window_bounds = array<i64: 2, 5000, 128>}, {transform_indices = @transform_2, window_bounds = array<i64: 2, 5000, 1>}, {transform_indices = @transform_3, window_bounds = array<i64: 5000, 128>}]} {
    %get3A = arith.constant 0 : index
    %get3A_0 = arith.constant 0 : index
    %get3A_1 = arith.constant 0 : index
    %get3A_2 = vector.load %arg3[%get3A, %get3A_0, %get3A_1] : memref<2x5000x1xf32, #tpu.memory_space<vmem>>, vector<1x5000x1xf32>
    %get3A_3 = vector.shape_cast %get3A_2 : vector<1x5000x1xf32> to vector<5000x1xf32>
    %get3A_4 = arith.constant 1 : index
    %get3A_5 = arith.constant 0 : index
    %get3A_6 = arith.constant 0 : index
    %get3A_7 = vector.load %arg3[%get3A_4, %get3A_5, %get3A_6] : memref<2x5000x1xf32, #tpu.memory_space<vmem>>, vector<1x5000x1xf32>
    %get3A_8 = vector.shape_cast %get3A_7 : vector<1x5000x1xf32> to vector<5000x1xf32>
    %add3A = arith.addf %get3A_3, %get3A_8 : vector<5000x1xf32>
    %max3A = arith.constant 1.000000e+00 : f32
    %max3A_9 = vector.broadcast %max3A : f32 to vector<5000x1xf32>
    %max3A_10 = arith.maximumf %add3A, %max3A_9 : vector<5000x1xf32>
    %get3A_11 = arith.constant 0 : index
    %get3A_12 = arith.constant 0 : index
    %get3A_13 = vector.load %arg1[%get3A_11, %get3A_12] : memref<5000x128xf32, #tpu.memory_space<vmem>>, vector<5000x128xf32>
    %get3A_14 = arith.constant 0 : index
    %get3A_15 = arith.constant 0 : index
    %get3A_16 = arith.constant 0 : index
    %get3A_17 = vector.load %arg2[%get3A_14, %get3A_15, %get3A_16] : memref<2x5000x128xf32, #tpu.memory_space<vmem>>, vector<1x5000x128xf32>
    %get3A_18 = vector.shape_cast %get3A_17 : vector<1x5000x128xf32> to vector<5000x128xf32>
    %get3A_19 = arith.constant 1 : index
    %get3A_20 = arith.constant 0 : index
    %get3A_21 = arith.constant 0 : index
    %get3A_22 = vector.load %arg2[%get3A_19, %get3A_20, %get3A_21] : memref<2x5000x128xf32, #tpu.memory_space<vmem>>, vector<1x5000x128xf32>
    %get3A_23 = vector.shape_cast %get3A_22 : vector<1x5000x128xf32> to vector<5000x128xf32>
    %add3A_24 = arith.addf %get3A_18, %get3A_23 : vector<5000x128xf32>
    %div3A = vector.broadcast %max3A_10 : vector<5000x1xf32> to vector<5000x128xf32>
    %div3A_25 = arith.divf %add3A_24, %div3A : vector<5000x128xf32>
    %add3A_26 = arith.addf %get3A_13, %div3A_25 : vector<5000x128xf32>
    %max3A_27 = arith.constant 0.000000e+00 : f32
    %max3A_28 = vector.broadcast %max3A_27 : f32 to vector<5000x128xf32>
    %max3A_29 = arith.maximumf %add3A_26, %max3A_28 : vector<5000x128xf32>
    %swap3A = arith.constant 0 : index
    %swap3A_30 = arith.constant 0 : index
    %swap3A_31 = vector.load %arg4[%swap3A, %swap3A_30] : memref<5000x128xf32, #tpu.memory_space<vmem>>, vector<5000x128xf32>
    tpu.vector_store %arg4[%swap3A, %swap3A_30], %max3A_29 {strides = array<i32>} : memref<5000x128xf32, #tpu.memory_space<vmem>>, vector<5000x128xf32>,
    return
  }
  func.func @transform_0(%arg0: i32) -> (i32, i32) {
    %c0_i32 = arith.constant 0 : i32
    %c0_i32_0 = arith.constant 0 : i32
    return %arg0, %c0_i32 : i32, i32
  }
  func.func @transform_1(%arg0: i32) -> (i32, i32, i32) {
    %c0_i32 = arith.constant 0 : i32
    %c0_i32_0 = arith.constant 0 : i32
    %c0_i32_1 = arith.constant 0 : i32
    return %c0_i32, %arg0, %c0_i32_0 : i32, i32, i32
  }
  func.func @transform_2(%arg0: i32) -> (i32, i32, i32) {
    %c0_i32 = arith.constant 0 : i32
    %c0_i32_0 = arith.constant 0 : i32
    %c0_i32_1 = arith.constant 0 : i32
    return %c0_i32, %arg0, %c0_i32_0 : i32, i32, i32
  }
  func.func @transform_3(%arg0: i32) -> (i32, i32) {
    %c0_i32 = arith.constant 0 : i32
    %c0_i32_0 = arith.constant 0 : i32
    return %arg0, %c0_i32 : i32, i32
  }
}

module attributes {stable_mosaic.version = 14 : i64} {
  func.func @_mm_body(%arg0: i32, %arg1: memref<5000x128xf32, #tpu.memory_space<vmem>>, %arg2: memref<128x64xf32, #tpu.memory_space<vmem>>, %arg3: memref<1x64xf32, #tpu.memory_space<vmem>>, %arg4: memref<5000x64xf32, #tpu.memory_space<vmem>>) attributes {dimension_semantics = [#tpu.dimension_semantics<arbitrary>], iteration_bounds = array<i64: 2>, scalar_prefetch = 0 : i64, scratch_operands = 0 : i64, tpu.core_type = #tpu.core_type<tc>, window_params = [{transform_indices = @transform_0, window_bounds = array<i64: 5000, 128>}, {pipeline_mode = #tpu.pipeline_mode<synchronous>, transform_indices = @transform_1, window_bounds = array<i64: 128, 64>}, {pipeline_mode = #tpu.pipeline_mode<synchronous>, transform_indices = @transform_2, window_bounds = array<i64: 1, 64>}, {transform_indices = @transform_3, window_bounds = array<i64: 5000, 64>}]} {
    %get3A = arith.constant 0 : index
    %get3A_0 = arith.constant 0 : index
    %get3A_1 = vector.load %arg1[%get3A, %get3A_0] : memref<5000x128xf32, #tpu.memory_space<vmem>>, vector<5000x128xf32>
    %get3A_2 = arith.constant 0 : index
    %get3A_3 = arith.constant 0 : index
    %get3A_4 = vector.load %arg2[%get3A_2, %get3A_3] : memref<128x64xf32, #tpu.memory_space<vmem>>, vector<128x64xf32>
    %dot_general3A = arith.constant dense<0.000000e+00> : vector<5000x64xf32>
    %dot_general3A_5 = tpu.matmul %get3A_1, %get3A_4, %dot_general3A {dimension_numbers = #tpu.dot_dimension_numbers<[1], [0], [0], [1], [0, 0, 1, 1], [], []>, transpose_lhs_hint = false} : vector<5000x128xf32>, vector<128x64xf32>, vector<5000x64xf32> -> vector<5000x64xf32>
    %get3A_6 = arith.constant 0 : index
    %get3A_7 = arith.constant 0 : index
    %get3A_8 = vector.load %arg3[%get3A_6, %get3A_7] : memref<1x64xf32, #tpu.memory_space<vmem>>, vector<1x64xf32>
    %add3A = vector.broadcast %get3A_8 : vector<1x64xf32> to vector<5000x64xf32>
    %add3A_9 = arith.addf %dot_general3A_5, %add3A : vector<5000x64xf32>
    %swap3A = arith.constant 0 : index
    %swap3A_10 = arith.constant 0 : index
    %swap3A_11 = vector.load %arg4[%swap3A, %swap3A_10] : memref<5000x64xf32, #tpu.memory_space<vmem>>, vector<5000x64xf32>
    tpu.vector_store %arg4[%swap3A, %swap3A_10], %add3A_9 {strides = array<i32>} : memref<5000x64xf32, #tpu.memory_space<vmem>>, vector<5000x64xf32>,
    return
  }
  func.func @transform_0(%arg0: i32) -> (i32, i32) {
    %c0_i32 = arith.constant 0 : i32
    %c0_i32_0 = arith.constant 0 : i32
    return %arg0, %c0_i32 : i32, i32
  }
  func.func @transform_1(%arg0: i32) -> (i32, i32) {
    %c0_i32 = arith.constant 0 : i32
    %c0_i32_0 = arith.constant 0 : i32
    %c0_i32_1 = arith.constant 0 : i32
    return %c0_i32, %c0_i32_0 : i32, i32
  }
  func.func @transform_2(%arg0: i32) -> (i32, i32) {
    %c0_i32 = arith.constant 0 : i32
    %c0_i32_0 = arith.constant 0 : i32
    %c0_i32_1 = arith.constant 0 : i32
    return %c0_i32, %c0_i32_0 : i32, i32
  }
  func.func @transform_3(%arg0: i32) -> (i32, i32) {
    %c0_i32 = arith.constant 0 : i32
    %c0_i32_0 = arith.constant 0 : i32
    return %arg0, %c0_i32 : i32, i32
  }
}

module attributes {stable_mosaic.version = 14 : i64} {
  func.func @_comb_body(%arg0: i32, %arg1: memref<5000x64xf32, #tpu.memory_space<vmem>>, %arg2: memref<2x5000x128xf32, #tpu.memory_space<vmem>>, %arg3: memref<2x5000x1xf32, #tpu.memory_space<vmem>>, %arg4: memref<128x64xf32, #tpu.memory_space<vmem>>, %arg5: memref<5000x64xf32, #tpu.memory_space<vmem>>) attributes {dimension_semantics = [#tpu.dimension_semantics<arbitrary>], iteration_bounds = array<i64: 2>, scalar_prefetch = 0 : i64, scratch_operands = 0 : i64, tpu.core_type = #tpu.core_type<tc>, window_params = [{transform_indices = @transform_0, window_bounds = array<i64: 5000, 64>}, {transform_indices = @transform_1, window_bounds = array<i64: 2, 5000, 128>}, {transform_indices = @transform_2, window_bounds = array<i64: 2, 5000, 1>}, {pipeline_mode = #tpu.pipeline_mode<synchronous>, transform_indices = @transform_3, window_bounds = array<i64: 128, 64>}, {transform_indices = @transform_4, window_bounds = array<i64: 5000, 64>}]} {
    %get3A = arith.constant 0 : index
    %get3A_0 = arith.constant 0 : index
    %get3A_1 = arith.constant 0 : index
    %get3A_2 = vector.load %arg3[%get3A, %get3A_0, %get3A_1] : memref<2x5000x1xf32, #tpu.memory_space<vmem>>, vector<1x5000x1xf32>
    %get3A_3 = vector.shape_cast %get3A_2 : vector<1x5000x1xf32> to vector<5000x1xf32>
    %get3A_4 = arith.constant 1 : index
    %get3A_5 = arith.constant 0 : index
    %get3A_6 = arith.constant 0 : index
    %get3A_7 = vector.load %arg3[%get3A_4, %get3A_5, %get3A_6] : memref<2x5000x1xf32, #tpu.memory_space<vmem>>, vector<1x5000x1xf32>
    %get3A_8 = vector.shape_cast %get3A_7 : vector<1x5000x1xf32> to vector<5000x1xf32>
    %add3A = arith.addf %get3A_3, %get3A_8 : vector<5000x1xf32>
    %max3A = arith.constant 1.000000e+00 : f32
    %max3A_9 = vector.broadcast %max3A : f32 to vector<5000x1xf32>
    %max3A_10 = arith.maximumf %add3A, %max3A_9 : vector<5000x1xf32>
    %get3A_11 = arith.constant 0 : index
    %get3A_12 = arith.constant 0 : index
    %get3A_13 = arith.constant 0 : index
    %get3A_14 = vector.load %arg2[%get3A_11, %get3A_12, %get3A_13] : memref<2x5000x128xf32, #tpu.memory_space<vmem>>, vector<1x5000x128xf32>
    %get3A_15 = vector.shape_cast %get3A_14 : vector<1x5000x128xf32> to vector<5000x128xf32>
    %get3A_16 = arith.constant 1 : index
    %get3A_17 = arith.constant 0 : index
    %get3A_18 = arith.constant 0 : index
    %get3A_19 = vector.load %arg2[%get3A_16, %get3A_17, %get3A_18] : memref<2x5000x128xf32, #tpu.memory_space<vmem>>, vector<1x5000x128xf32>
    %get3A_20 = vector.shape_cast %get3A_19 : vector<1x5000x128xf32> to vector<5000x128xf32>
    %add3A_21 = arith.addf %get3A_15, %get3A_20 : vector<5000x128xf32>
    %div3A = vector.broadcast %max3A_10 : vector<5000x1xf32> to vector<5000x128xf32>
    %div3A_22 = arith.divf %add3A_21, %div3A : vector<5000x128xf32>
    %get3A_23 = arith.constant 0 : index
    %get3A_24 = arith.constant 0 : index
    %get3A_25 = vector.load %arg1[%get3A_23, %get3A_24] : memref<5000x64xf32, #tpu.memory_space<vmem>>, vector<5000x64xf32>
    %get3A_26 = arith.constant 0 : index
    %get3A_27 = arith.constant 0 : index
    %get3A_28 = vector.load %arg4[%get3A_26, %get3A_27] : memref<128x64xf32, #tpu.memory_space<vmem>>, vector<128x64xf32>
    %dot_general3A = arith.constant dense<0.000000e+00> : vector<5000x64xf32>
    %dot_general3A_29 = tpu.matmul %div3A_22, %get3A_28, %dot_general3A {dimension_numbers = #tpu.dot_dimension_numbers<[1], [0], [0], [1], [0, 0, 1, 1], [], []>, transpose_lhs_hint = false} : vector<5000x128xf32>, vector<128x64xf32>, vector<5000x64xf32> -> vector<5000x64xf32>
    %add3A_30 = arith.addf %get3A_25, %dot_general3A_29 : vector<5000x64xf32>
    %swap3A = arith.constant 0 : index
    %swap3A_31 = arith.constant 0 : index
    %swap3A_32 = vector.load %arg5[%swap3A, %swap3A_31] : memref<5000x64xf32, #tpu.memory_space<vmem>>, vector<5000x64xf32>
    tpu.vector_store %arg5[%swap3A, %swap3A_31], %add3A_30 {strides = array<i32>} : memref<5000x64xf32, #tpu.memory_space<vmem>>, vector<5000x64xf32>,
    return
  }
  func.func @transform_0(%arg0: i32) -> (i32, i32) {
    %c0_i32 = arith.constant 0 : i32
    %c0_i32_0 = arith.constant 0 : i32
    return %arg0, %c0_i32 : i32, i32
  }
  func.func @transform_1(%arg0: i32) -> (i32, i32, i32) {
    %c0_i32 = arith.constant 0 : i32
    %c0_i32_0 = arith.constant 0 : i32
    %c0_i32_1 = arith.constant 0 : i32
    return %c0_i32, %arg0, %c0_i32_0 : i32, i32, i32
  }
  func.func @transform_2(%arg0: i32) -> (i32, i32, i32) {
    %c0_i32 = arith.constant 0 : i32
    %c0_i32_0 = arith.constant 0 : i32
    %c0_i32_1 = arith.constant 0 : i32
    return %c0_i32, %arg0, %c0_i32_0 : i32, i32, i32
  }
  func.func @transform_3(%arg0: i32) -> (i32, i32) {
    %c0_i32 = arith.constant 0 : i32
    %c0_i32_0 = arith.constant 0 : i32
    %c0_i32_1 = arith.constant 0 : i32
    return %c0_i32, %c0_i32_0 : i32, i32
  }
  func.func @transform_4(%arg0: i32) -> (i32, i32) {
    %c0_i32 = arith.constant 0 : i32
    %c0_i32_0 = arith.constant 0 : i32
    return %arg0, %c0_i32 : i32, i32
  }
}

</mosaic_0001>

<sc_bundles>
// kernel: sc_agg_d128.3.cloned.1.call-start
scs
__scs_entry_jumppad:
0x0: {  	(pc) =	sbr.rel $0x88, $3  }
0x1: {  	(tag) =	ssettag $0x0;
	lr =	simm.s32 $0x1  }
0x2: {  	[smem:$0x3F99] =	sst lr;
	_ =	strace $0xD0000000  }
0x3: {  	_ = 	snop  }
0x4: {  	_ = 	snop  }
0x5: {  	_ = 	snop  }
0x6: {  	_ = 	snop  }
0x7: {  	_ = 	snop  }
__scs_overlays_trampoline_lowered:
0x8: {  	[smem:$0x3FA8] =	sst s0  }
0x9: {  	[smem:$0x3FA9] =	sst s1  }
0xa: {  	[smem:$0x3FAA] =	sst s2  }
0xb: {  	[smem:$0x3FAB] =	sst s3  }
0xc: {  	[smem:$0x3FAC] =	sst s4  }
0xd: {  	[smem:$0x3FAD] =	sst s5  }
0xe: {  	[smem:$0x3FAE] =	sst s6  }
0xf: {  	[smem:$0x3FAF] =	sst s7  }
0x10: {  	[smem:$0x3FB0] =	sst s8  }
0x11: {  	[smem:$0x3FB1] =	sst s9;
	s0 =	simm.s32 @!p0 $0x0  }
0x12: {  	s1 =	sld [smem:$0x3F97];
	s0 =	simm.s32 @p0 $0x1  }
0x13: {  	[smem:$0x3FB2] =	sst s0;
	s0 =	simm.s32 @!p1 $0x0  }
0x14: {  	s2 =	sld [smem:$0x3F96];
	s0 =	simm.s32 @p1 $0x1  }
0x15: {  	[smem:$0x3FB3] =	sst s0;
	s0 =	simm.s32 @!p2 $0x0  }
0x16: {  	s3 =	sld [smem:$0x3FDB];
	s0 =	simm.s32 @p2 $0x1  }
0x17: {  	s4 =	simm.s32 $0x1BF5;
	[smem:$0x3FB5] =	sst s0  }
0x18: {  	s0 =	sld [smem:$0x3F98];
	_ =	swait.ge [sflag:s4], $0x0  }
0x19: {  	s7 =	sld [smem:$0x3F99]  }
0x1a: {  	s8 =	sadd.s32 $0xFFFFE003, lr  }
0x1b: {  	s9 =	sadd.s32 $0xFFFFFEF7, lr;
	s5 =	simm.s32 $0xFFFFFFFF;
	p2 =	slt.u32 s8, $0xFFFFF086  }
0x1c: {  	p1 =	slt.u32 s9, $0xF7A;
	s5 =	simm.s32 @!p2 $0x0  }
0x1d: {  	s5 =	simm.s32 @p1 $0x1;
	p0 =	seq.s32 s7, s2  }
0x1e: {  	s7 =	smul.u32 @!p0 $0xF7A, s2;
	p2 =	seq.s32 @!p0 s5, $0x0  }
0x1f: {  	s9 =	smul.u32 $0xF7A, s1;
	s8 =	simm.s32 @!p0 $0x1BF5;
	p2 =	por !p2, p0  }
0x20: {  	[sflag:s8] =	ssyncset.s32 @!p0 $0xFFFFF086;
	s6 =	sadd.s32 @!p0 s3, s7;
	s7 =	simm.s32 @!p0 $0x108  }
0x21: {  	s3 =	sadd.s32 s3, s9;
	s6 =	sadd.s32 @!p0 $0x88, s6;
	s7 =	simm.s32 @p2 $0x1082  }
0x22: {  	[simem:s7], [sflag:s8] =	dma.local @!p0 [hbm:s6], $0xF7A  }
0x23: {  	s9 =	sor.u32 $0xD0000000, s2;
	s6 =	simm.s32 $0x108;
	_ =	swait.ge @!p0 [sflag:s8], $0x0  }
0x24: {  	s3 =	sadd.s32 $0x88, s3;
	s6 =	simm.s32 @!p1 $0x1082;
	[sflag:s4] =	ssyncset.s32 $0xFFFFF086  }
0x25: {  	[simem:s6], [sflag:s4] =	dma.local [hbm:s3], $0xF7A  }
0x26: {  	[smem:$0x3F99] =	sst s1;
	(tag) =	ssettag s2;
	_ =	strace s9  }
0x27: {  	s1 =	sld [smem:$0x3FA9]  }
0x28: {  	s2 =	sld [smem:$0x3FAA]  }
0x29: {  	s4 =	sld [smem:$0x3FAC]  }
0x2a: {  	p0 =	seq.s32 s5, $0x0;
	s5 =	sld [smem:$0x3FAD]  }
0x2b: {  	s6 =	sld [smem:$0x3FAE]  }
0x2c: {  	s7 =	sld [smem:$0x3FAF]  }
0x2d: {  	s3 =	simm.s32 $0x108;
	s8 =	sld [smem:$0x3FB0]  }
0x2e: {  	s3 =	simm.s32 @!p0 $0x1082;
	s9 =	sld [smem:$0x3FB1]  }
0x2f: {  	lr =	sadd.s32 s0, s3;
	s0 =	sld [smem:$0x3FA8]  }
0x30: {  	s3 =	sld [smem:$0x3FAB]  }
0x31: {  	[smem:$0x3FB4] =	sst s10  }
0x32: {  	s10 =	sld [smem:$0x3FB2];
	_ =	sdelay $0x3  }
0x33: {  	p0 =	seq.s32 s10, $0x1;
	s10 =	sld [smem:$0x3FB4];
	_ =	sdelay $0x3  }
0x34: {  	[smem:$0x3FB4] =	sst s10  }
0x35: {  	s10 =	sld [smem:$0x3FB3];
	_ =	sdelay $0x3  }
0x36: {  	p1 =	seq.s32 s10, $0x1;
	s10 =	sld [smem:$0x3FB4];
	_ =	sdelay $0x3  }
0x37: {  	[smem:$0x3FB4] =	sst s10  }
0x38: {  	s10 =	sld [smem:$0x3FB5]  }
0x39: {  	_ = 	snop;
	(pc) =	sbr.ind lr, $3  }
0x3a: {  	_ = 	snop  }
0x3b: {  	_ = 	snop  }
0x3c: {  	p2 =	seq.s32 s10, $0x1;
	s10 =	sld [smem:$0x3FB4]  }
0x3d: {  	_ =	shalt  }
0x3e: {  	_ =	shalt  }
0x3f: {  	_ =	shalt  }
0x40: {  	_ =	shalt  }
0x41: {  	_ =	shalt  }
0x42: {  	_ =	shalt  }
0x43: {  	_ =	shalt  }
0x44: {  	_ =	shalt  }
0x45: {  	_ =	shalt  }
0x46: {  	_ =	shalt  }
0x47: {  	_ =	shalt  }
0x48: {  	_ =	shalt  }
0x49: {  	_ =	shalt  }
0x4a: {  	_ =	shalt  }
0x4b: {  	_ =	shalt  }
0x4c: {  	_ =	shalt  }
0x4d: {  	_ =	shalt  }
0x4e: {  	_ =	shalt  }
0x4f: {  	_ =	shalt  }
0x50: {  	_ =	shalt  }
0x51: {  	_ =	shalt  }
0x52: {  	_ =	shalt  }
0x53: {  	_ =	shalt  }
0x54: {  	_ =	shalt  }
0x55: {  	_ =	shalt  }
0x56: {  	_ =	shalt  }
0x57: {  	_ =	shalt  }
0x58: {  	_ =	shalt  }
0x59: {  	_ =	shalt  }
0x5a: {  	_ =	shalt  }
0x5b: {  	_ =	shalt  }
0x5c: {  	_ =	shalt  }
0x5d: {  	_ =	shalt  }
0x5e: {  	_ =	shalt  }
0x5f: {  	_ =	shalt  }
0x60: {  	_ =	shalt  }
0x61: {  	_ =	shalt  }
0x62: {  	_ =	shalt  }
0x63: {  	_ =	shalt  }
0x64: {  	_ =	shalt  }
0x65: {  	_ =	shalt  }
0x66: {  	_ =	shalt  }
0x67: {  	_ =	shalt  }
0x68: {  	_ =	shalt  }
0x69: {  	_ =	shalt  }
0x6a: {  	_ =	shalt  }
0x6b: {  	_ =	shalt  }
0x6c: {  	_ =	shalt  }
0x6d: {  	_ =	shalt  }
0x6e: {  	_ =	shalt  }
0x6f: {  	_ =	shalt  }
0x70: {  	_ =	shalt  }
0x71: {  	_ =	shalt  }
0x72: {  	_ =	shalt  }
0x73: {  	_ =	shalt  }
0x74: {  	_ =	shalt  }
0x75: {  	_ =	shalt  }
0x76: {  	_ =	shalt  }
0x77: {  	_ =	shalt  }
0x78: {  	_ =	shalt  }
0x79: {  	_ =	shalt  }
0x7a: {  	_ =	shalt  }
0x7b: {  	_ =	shalt  }
0x7c: {  	_ =	shalt  }
0x7d: {  	_ =	shalt  }
0x7e: {  	_ =	shalt  }
0x7f: {  	_ =	shalt  }
0x80: {  	_ =	shalt  }
0x81: {  	_ =	shalt  }
0x82: {  	_ =	shalt  }
0x83: {  	_ =	shalt  }
0x84: {  	_ =	shalt  }
0x85: {  	_ =	shalt  }
0x86: {  	_ =	shalt  }
0x87: {  	_ =	shalt  }
.Lfunc_end0:
.L_simem_size_0:
called_computation.1_lowered:
.L_overlay_start_0:
0x88: {  	s2 =	sld [smem:$0x3FD9]  }
0x89: {  	s3 =	sld [smem:$0x3FFE];
	_ =	sdelay $0x1  }
0x8a: {  	s1 =	srdreg.scid  }
0x8b: {  	s0 =	sand.u32 $0x1, s1  }
0x8c: {  	s17 =	sshll.u32 s0, $0xA;
	s2 =	sadd.s32 s3, s2  }
0x8d: {  	s2 =	sadd.s32 s2, s17  }
0x8e: {  	[smem:$0x3FC0] =	sst s2  }
0x8f: {  	_ = 	snop  }
0x90: {  	s2 =	sld [smem:$0x3FD0];
	(tm) =	ssettm $0x1  }
0x91: {  	s18 =	sld [smem:$0x3FFB];
	_ =	sdelay $0x3  }
0x92: {  	_ =	strace s18  }
0x93: {  	s3 =	sld [smem:$0x3FFC];
	_ =	sdelay $0x3  }
0x94: {  	_ =	strace s3  }
0x95: {  	s3 =	sld [smem:$0x3FFD];
	_ =	sdelay $0x3  }
0x96: {  	_ =	strace s3  }
0x97: {  	_ =	strace $0x8FFFFFFF  }
0x98: {  	s19 =	sld [smem:$0x3FDB];
	_ =	sdelay $0x1  }
0x99: {  	s4 =	simm.s32 $_scs_section_size  }
0x9a: {  	s5 =	simm.s32 $_size__tile_overlayer_lowered;
	s6 =	simm.s32 $_tile_overlayer_lowered  }
0x9b: {  	s22 =	simm.s32 $0x1BFF;
	s21 =	sshll.u32 s6, $0x1;
	s3 =	sadd.s32 s4, s19  }
0x9c: {  	s7 =	simm.s32 $0x0;
	s20 =	sshll.u32 s5, $0x1;
	s5 =	sadd.s32 s21, s3  }
0x9d: {  	[timem:s7], [sflag:s22] =	dma.local [hbm:s5], s20  }
0x9e: {  	_ =	swait.ge [sflag:s22], s20  }
0x9f: {  	s4 =	ssub.s32 $0x0, s20;
	[sflag:s22] =	ssyncset.done $0x0  }
0xa0: {  	[sflag:s22] =	ssyncadd.s32 s4;
	_ =	sdelay $0x1  }
0xa1: {  	s23 =	simm.s32 $0x1B8B  }
0xa2: {  	_ =	swait.ge [sflag:s23], $0x1  }
0xa3: {  	[sflag:s23] =	ssyncset.done $0x0  }
0xa4: {  	s25 =	simm.s32 $0x1B8E;
	s24 =	sld [smem:$0x3FFE];
	[sflag:s23] =	ssyncadd.s32 $0xFFFFFFFF  }
0xa5: {  	s26 =	simm.s32 $execute0_lowered;
	[smem:$0x3FD2] =	sst s25  }
0xa6: {  	s5 =	sshll.u32 s26, $0x1;
	_ =	strace $0x80000049;
	[dreg:$0x1] =	wrdreg $0xFFFFFFFF  }
0xa7: {  	s28 =	simm.s32 $_size_execute0_lowered;
	s3 =	sadd.s32 s3, s5;
	[dreg:$0x0] =	wrdreg $0x0  }
0xa8: {  	s5 =	sshll.u32 s28, $0x1;
	[dreg:$0x2] =	wrdreg s3  }
0xa9: {  	[dreg:$0x3] =	wrdreg s5  }
0xaa: {  	[dreg:$0x4] =	wrdreg $0xC0  }
0xab: {  	_ =	task [dreg:s7], $0x5FFFF  }
0xac: {  	[dreg:$0x1] =	wrdreg $0xFFFFFFFF  }
0xad: {  	[dreg:$0x0] =	wrdreg $0x60  }
0xae: {  	[dreg:$0x2] =	wrdreg s24  }
0xaf: {  	[dreg:$0x3] =	wrdreg s2  }
0xb0: {  	[dreg:$0x4] =	wrdreg $0x0  }
0xb1: {  	[dreg:$0x5] =	wrdreg $0x9  }
0xb2: {  	_ =	task.clear_ibuf [dreg:s7], $0x6FFFF;
	_ =	strace $0x90000049  }
0xb3: {  	s29 =	simm.s32 $0x9;
	_ =	strace $0x8000004B  }
0xb4: {  	_ =	swait.ge [sflag:s29], $0x1  }
0xb5: {  	[sflag:s29] =	ssyncadd.s32 $0xFFFFFFFF  }
0xb6: {  	_ =	strace $0x9000004B  }
0xb7: {  	_ =	sfence  }
0xb8: {  	s30 =	sld [smem:$0x0];
	_ =	sdelay $0x2  }
0xb9: {  	s31 =	sshll.u32 s1, $0xD;
	s1 =	sshrl.u32 s1, $0x2  }
0xba: {  	s3 =	sand.u32 $0x4000, s31;
	s1 =	sadd.s32 s1, s30  }
0xbb: {  	s0 =	sor.u32 s3, s0;
	s1 =	sshll.u32 s1, $0x11  }
0xbc: {  	s0 =	sor.u32 s1, s0  }
0xbd: {  	s0 =	sadd.s32 $0x8F2B, s0  }
0xbe: {  	[sflag:s0] =	ssyncadd.remote.s32 $0x1  }
0xbf: {  	_ =	sfence.sel $0xFFFF  }
0xc0: {  	[dreg:$0x0] =	wrdreg $0xFFFFFFFF;
	(pc) =	sbr.abs _section_cstart, $3  }
0xc1: {  	[dreg:$0x1] =	wrdreg $0xFFFFFFFF  }
0xc2: {  	_ =	task.clear_ibuf [dreg:s7], $0x2FFFF;
	_ =	strace $0x9FFFFFFF  }
0xc3: {  	(tm) =	ssettm $0x7FFFFFFF  }
tec
execute0_lowered:
.L_overlay_start_1:
0x0: {  	(tag) =	ssettag $0x1  }
0x1: {  	s0 =	srdreg.scid  }
0x2: {  	s3 =	rddreg [dreg:$0x0];
	s1 =	simm.s32 $0x0;
	s19 =	stileid.u32  }
0x3: {  	s29 =	simm.s32 $0x3;
	s28 =	simm.s32 $0x16880;
	s4 =	sand.u32 $0x1, s0  }
0x4: {  	s6 =	smul.u32 $0x13800, s19;
	[smem:$0x7FF] =	sst s1;
	s7 =	sadd.s32 $0x32C00, s3  }
0x5: {  	s0 =	sshll.u32 s4, $0x4;
	s5 =	ssub.s32 $0x2, s4;
	s4 =	smul.u32 $0x138800, s4  }
0x6: {  	s0 =	sor.u32 s19, s0;
	s13 =	sshrl.u32 s5, $0x1;
	s8 =	sadd.s32 $0x4000, s6  }
0x7: {  	s9 =	sadd.s32 $0x6000, s6;
	s10 =	sadd.s32 $0x8000, s6;
	s11 =	sadd.s32 $0xA000, s6  }
0x8: {  	s12 =	sadd.s32 $0xC000, s6;
	s15 =	sadd.s32 $0xE000, s6;
	s17 =	sadd.s32 $0x10000, s6  }
0x9: {  	s2 =	smul.u32 $0x2710, s0;
	s0 =	ssub.s32 s5, s13;
	s5 =	sadd.s32 $0x2000, s6  }
0xa: {  	s13 =	sadd.s32 s6, s4;
	s6 =	sadd.s32 $0x12000, s6;
	s16 =	sadd.s32 s4, s8  }
0xb: {  	s20 =	sadd.s32 s4, s9;
	s22 =	sadd.s32 s4, s10;
	s24 =	sadd.s32 s4, s11  }
0xc: {  	s26 =	sadd.s32 s4, s12;
	s13 =	sshrl.u32 s13, $0x3;
	s14 =	sadd.s32 s4, s5  }
0xd: {  	s18 =	sshrl.u32 s16, $0x3;
	s21 =	sshrl.u32 s20, $0x3;
	s13 =	sadd.s32 s7, s13  }
0xe: {  	s23 =	sshrl.u32 s22, $0x3;
	s14 =	sshrl.u32 s14, $0x3;
	[dreg:$0x4] =	wrdreg s13  }
0xf: {  	s25 =	sshrl.u32 s24, $0x3;
	s13 =	sadd.s32 s7, s14;
	s14 =	rddreg [dreg:$0x2]  }
0x10: {  	s16 =	sshrl.u32 s26, $0x3;
	[dreg:$0x5] =	wrdreg s13;
	s13 =	sadd.s32 s7, s18  }
0x11: {  	s18 =	sadd.s32 s4, s15;
	[dreg:$0x6] =	wrdreg s13;
	s13 =	sadd.s32 s7, s21  }
0x12: {  	s20 =	sshrl.u32 s18, $0x3;
	[dreg:$0x7] =	wrdreg s13;
	s13 =	sadd.s32 s7, s23  }
0x13: {  	s21 =	sadd.s32 s4, s17;
	[dreg:$0x8] =	wrdreg s13;
	s13 =	sadd.s32 s7, s25  }
0x14: {  	s23 =	sadd.s32 s4, s6;
	[dreg:$0x9] =	wrdreg s13;
	s13 =	sadd.s32 s7, s16  }
0x15: {  	s16 =	sshrl.u32 s23, $0x3;
	[dreg:$0xa] =	wrdreg s13;
	s13 =	sadd.s32 s7, s20  }
0x16: {  	s22 =	sshrl.u32 s21, $0x3;
	s16 =	sadd.s32 s7, s16;
	[dreg:$0xb] =	wrdreg s13  }
0x17: {  	s30 =	simm.s32 $0x18980;
	s13 =	sadd.s32 s7, s22;
	[dreg:$0xd] =	wrdreg s16  }
0x18: {  	s31 =	simm.s32 $0x1AA00;
	p0 =	sne.s32 s19, $0xF;
	[dreg:$0xc] =	wrdreg s13  }
0x19: {  	s0 =	smax.u32 s0, $0x1;
	s26 =	sadd.s32 s9, s14;
	s13 =	rddreg [dreg:$0x1]  }
0x1a: {  	s9 =	sadd.s32 s10, s14;
	_ =	strace $0x8000004A;
	[dreg:$0x11] =	wrdreg s26  }
0x1b: {  	s10 =	sadd.s32 s11, s14;
	s11 =	sadd.s32 s15, s14;
	[dreg:$0x12] =	wrdreg s9  }
0x1c: {  	s15 =	sadd.s32 s17, s14;
	s17 =	sadd.s32 s6, s14;
	[dreg:$0x13] =	wrdreg s10  }
0x1d: {  	s4 =	sshrl.u32 s4, $0x3;
	s25 =	sshrl.u32 s2, $0x3;
	[dreg:$0x15] =	wrdreg s11  }
0x1e: {  	s16 =	sadd.s32 $0xBA00, s3;
	s3 =	sadd.s32 s25, s3;
	[dreg:$0x16] =	wrdreg s15  }
0x1f: {  	s4 =	sadd.s32 s7, s4;
	s3 =	sadd.s32 $0x1C00, s3;
	[dreg:$0x17] =	wrdreg s17  }
0x20: {  	s18 =	smul.u32 $0x4E000, s19;
	s4 =	sadd.s32 $0x27000, s4;
	[dreg:$0x18] =	wrdreg s3  }
0x21: {  	s8 =	sadd.s32 s8, s14;
	s12 =	sadd.s32 s12, s14;
	[dreg:$0x1a] =	wrdreg s4  }
0x22: {  	s21 =	sadd.s32 $0x138000, s14;
	s24 =	sshrl.u32 s18, $0x2;
	[dreg:$0x1b] =	wrdreg s0  }
0x23: {  	s19 =	simm.s32 $0x5;
	s7 =	sadd.s32 s24, s14;
	[dreg:$0x1c] =	wrdreg s21  }
0x24: {  	s18 =	simm.s32 $0x6;
	s24 =	sadd.s32 s5, s14;
	[dreg:$0xe] =	wrdreg s7  }
0x25: {  	s20 =	sadd.s32 s13, s25;
	s9 =	simm.s32 $0x4;
	[dreg:$0xf] =	wrdreg s24  }
0x26: {  	s10 =	simm.s32 $0x7;
	s11 =	simm.s32 $0xA;
	[dreg:$0x10] =	wrdreg s8  }
0x27: {  	s15 =	simm.s32 $0xD;
	s0 =	simm.s32 $0x40;
	[dreg:$0x14] =	wrdreg s12  }
0x28: {  	s17 =	simm.s32 $0x2;
	s22 =	sadd.s32 $0x4E0, s20;
	[dreg:$0x19] =	wrdreg s20  }
0x29: {  	s21 =	simm.s32 $0x8;
	s23 =	sadd.s32 $0x8, s20;
	[dreg:$0x1d] =	wrdreg s22  }
0x2a: {  	s4 =	simm.s32 $0x0;
	s25 =	sadd.s32 $0x10, s20;
	[dreg:$0x1e] =	wrdreg s23  }
0x2b: {  	s26 =	sadd.s32 $0x18, s20;
	s20 =	simm.s32 $0x9;
	[dreg:$0x1f] =	wrdreg s25  }
0x2c: {  	v0 =	vimm.f32 $0.0e+00;
	[smem:$0x7FD] =	sst s26;
	s22 =	simm.s32 $0xC;
	s23 =	simm.s32 $0xB  }
.LBB2_1:
0x2d: {  	[smem:$0x7FC] =	sst s4;
	s25 =	simm.s32 $0x0;
	s26 =	simm.s32 $0x200  }
.LBB2_2:
0x2e: {  	p1 =	sne.s32 s26, $0x7E00;
	[tilespmem:s25+$0x16970] =	vst v0  }
0x2f: {  	[tilespmem:s25+$0x16900] =	vst v0  }
0x30: {  	[tilespmem:s25+$0x16910] =	vst v0  }
.Ltmp0:
0x31: {  	[tilespmem:s25+$0x16920] =	vst v0;
	(pc) =	sbr.rel @p1 .LBB2_2-.Ltmp0, $4  }
0x32: {  	[tilespmem:s25+$0x16930] =	vst v0  }
0x33: {  	[tilespmem:s25+$0x16940] =	vst v0  }
0x34: {  	[tilespmem:s25+$0x16950] =	vst v0  }
0x35: {  	[tilespmem:s25+$0x16960] =	vst v0;
	s25 =	sshra.s32 s26, $0x2;
	s26 =	sadd.s32 $0x200, s26  }
0x36: {  	[tilespmem:s25+$0x16970] =	vst v0  }
0x37: {  	[tilespmem:s25+$0x16900] =	vst v0  }
0x38: {  	[tilespmem:s25+$0x16910] =	vst v0  }
0x39: {  	[tilespmem:s25+$0x16920] =	vst v0  }
0x3a: {  	[tilespmem:s25+$0x16930] =	vst v0  }
0x3b: {  	[tilespmem:s25+$0x16940] =	vst v0  }
0x3c: {  	[tilespmem:s25+$0x16950] =	vst v0  }
0x3d: {  	[tilespmem:s25+$0x16960] =	vst v0;
	s4 =	simm.s32 $0x16900  }
0x3e: {  	[spmem:s7] =	stream.linear.scatter [tilespmem:s4], [sflag:$0x4], $0x2000, $0x38;
	[tilespmem:$0x1EA80] =	vst v63  }
0x3f: {  	_ = 	snop  }
0x40: {  	[spmem:s24] =	stream.linear.scatter [tilespmem:s4], [sflag:$0x7], $0x2000, $0x38;
	[tilespmem:$0x1EA80] =	vst v63  }
0x41: {  	_ = 	snop  }
0x42: {  	[spmem:s8] =	stream.linear.scatter [tilespmem:s4], [sflag:$0xA], $0x2000, $0x38;
	[tilespmem:$0x1EA80] =	vst v63  }
0x43: {  	s3 =	rddreg [dreg:$0x11]  }
0x44: {  	[spmem:s3] =	stream.linear.scatter [tilespmem:s4], [sflag:$0xD], $0x2000, $0x38;
	[tilespmem:$0x1EA80] =	vst v63  }
0x45: {  	s8 =	rddreg [dreg:$0x12]  }
0x46: {  	[spmem:s8] =	stream.linear.scatter [tilespmem:s4], [sflag:$0x4], $0x2000, $0x38;
	[tilespmem:$0x1EA80] =	vst v63  }
0x47: {  	s24 =	rddreg [dreg:$0x13]  }
0x48: {  	[spmem:s24] =	stream.linear.scatter [tilespmem:s4], [sflag:$0x7], $0x2000, $0x38;
	[tilespmem:$0x1EA80] =	vst v63  }
0x49: {  	_ = 	snop  }
0x4a: {  	[spmem:s12] =	stream.linear.scatter [tilespmem:s4], [sflag:$0xA], $0x2000, $0x38;
	[tilespmem:$0x1EA80] =	vst v63  }
0x4b: {  	s25 =	rddreg [dreg:$0x15]  }
0x4c: {  	[spmem:s25] =	stream.linear.scatter [tilespmem:s4], [sflag:$0xD], $0x2000, $0x38;
	[tilespmem:$0x1EA80] =	vst v63  }
0x4d: {  	s26 =	rddreg [dreg:$0x16]  }
0x4e: {  	[spmem:s26] =	stream.linear.scatter [tilespmem:s4], [sflag:$0x4], $0x2000, $0x38;
	[tilespmem:$0x1EA80] =	vst v63  }
0x4f: {  	s5 =	rddreg [dreg:$0x17]  }
0x50: {  	[spmem:s5] =	stream.linear.scatter [tilespmem:s4], [sflag:$0x7], $0x1800, $0x38;
	[tilespmem:$0x1EA80] =	vst v63  }
0x51: {  	s6 =	rddreg [dreg:$0x18];
	s5 =	simm.s32 $0x13880  }
0x52: {  	[tilespmem:s5], [sflag:$0xE] =	stream.linear.gather [hbm4b:s6+s1], $0x2710, $0x38;
	[tilespmem:$0x1EA80] =	vst v63  }
0x53: {  	s6 =	simm.s32 $0xE  }
0x54: {  	_ =	swait.ge [sflag:s6], $0x2710  }
0x55: {  	[sflag:s6] =	ssyncset.done $0x0  }
0x56: {  	[sflag:s6] =	ssyncadd.s32 $0xFFFFD8F0  }
0x57: {  	_ =	swait.ge [sflag:s9], $0x2000  }
0x58: {  	[sflag:s9] =	ssyncset.done $0x0  }
0x59: {  	[sflag:s9] =	ssyncadd.s32 $0xFFFFE000  }
0x5a: {  	_ =	swait.ge [sflag:s10], $0x2000  }
0x5b: {  	[sflag:s10] =	ssyncset.done $0x0  }
0x5c: {  	[sflag:s10] =	ssyncadd.s32 $0xFFFFE000  }
0x5d: {  	_ =	swait.ge [sflag:s11], $0x2000  }
0x5e: {  	[sflag:s11] =	ssyncset.done $0x0  }
0x5f: {  	[sflag:s11] =	ssyncadd.s32 $0xFFFFE000  }
0x60: {  	_ =	swait.ge [sflag:s15], $0x2000  }
0x61: {  	[sflag:s15] =	ssyncset.done $0x0  }
0x62: {  	[sflag:s15] =	ssyncadd.s32 $0xFFFFE000  }
0x63: {  	_ =	swait.ge [sflag:s9], $0x2000  }
0x64: {  	[sflag:s9] =	ssyncset.done $0x0  }
0x65: {  	[sflag:s9] =	ssyncadd.s32 $0xFFFFE000  }
0x66: {  	_ =	swait.ge [sflag:s10], $0x2000  }
0x67: {  	[sflag:s10] =	ssyncset.done $0x0  }
0x68: {  	[sflag:s10] =	ssyncadd.s32 $0xFFFFE000  }
0x69: {  	_ =	swait.ge [sflag:s11], $0x2000  }
0x6a: {  	[sflag:s11] =	ssyncset.done $0x0  }
0x6b: {  	[sflag:s11] =	ssyncadd.s32 $0xFFFFE000  }
0x6c: {  	_ =	swait.ge [sflag:s15], $0x2000  }
0x6d: {  	[sflag:s15] =	ssyncset.done $0x0  }
0x6e: {  	[sflag:s15] =	ssyncadd.s32 $0xFFFFE000  }
0x6f: {  	_ =	swait.ge [sflag:s9], $0x2000  }
0x70: {  	[sflag:s9] =	ssyncset.done $0x0  }
0x71: {  	[sflag:s9] =	ssyncadd.s32 $0xFFFFE000  }
0x72: {  	_ =	swait.ge [sflag:s10], $0x1800  }
0x73: {  	[sflag:s10] =	ssyncset.done $0x0  }
0x74: {  	s12 =	simm.s32 @!p0 $0x16900;
	s3 =	rddreg [dreg:$0x1c];
	[sflag:s10] =	ssyncadd.s32 $0xFFFFE800  }
0x75: {  	[spmem:s3] =	stream.linear.scatter @!p0 [tilespmem:s12], [sflag:$0xE], $0x800, $0x38;
	[tilespmem:$0x1EA80] =	vst v63  }
0x76: {  	s12 =	simm.s32 @!p0 $0xE  }
0x77: {  	_ =	swait.ge @!p0 [sflag:s12], $0x800  }
0x78: {  	[sflag:s12] =	ssyncset.done @!p0 $0x0  }
0x79: {  	[sflag:s12] =	ssyncadd.s32 @!p0 $0xFFFFF800  }
0x7a: {  	[bflag:$0x0] =	sbarrier.arrive $0xFFFF  }
0x7b: {  	s8 =	simm.s32 $0x16000;
	s7 =	rddreg [dreg:$0x1d]  }
0x7c: {  	[tilespmem:s8], [sflag:$0xE] =	stream.linear.gather [hbm4b:s7+s1], $0x10, $0x38;
	[tilespmem:$0x1EA80] =	vst v63  }
0x7d: {  	_ =	swait.ge [sflag:s6], $0x10  }
0x7e: {  	s24 =	simm.s32 $0x15F80;
	[sflag:s6] =	ssyncset.done $0x0  }
0x7f: {  	s25 =	simm.s32 $0x16080;
	s12 =	simm.s32 $0x10;
	[sflag:s6] =	ssyncadd.s32 $0xFFFFFFF0  }
0x80: {  	[tilespmem:s25], [sflag:$0x1] =	stream.indirect.gather [hbm4b:s16+s12], $0x80, s24, s12, $0xb8;
	[tilespmem:$0x1EA80] =	vst v63  }
0x81: {  	s26 =	rddreg [dreg:$0x19]  }
0x82: {  	[tilespmem:s28], [sflag:$0x2] =	stream.linear.gather [hbm4b:s26+s1], $0x40, $0x38;
	[tilespmem:$0x1EA80] =	vst v63  }
0x83: {  	_ = 	snop  }
0x84: {  	[tilespmem:s4], [sflag:$0x3] =	stream.indirect.gather [hbm4b:s16+s0], $0x80, s5, s0, $0xb8;
	[tilespmem:$0x1EA80] =	vst v63  }
0x85: {  	s8 =	simm.s32 $0x18900;
	s6 =	rddreg [dreg:$0x1e]  }
0x86: {  	[tilespmem:s8], [sflag:$0x5] =	stream.linear.gather [hbm4b:s6+s1], $0x40, $0x38;
	[tilespmem:$0x1EA80] =	vst v63  }
0x87: {  	s7 =	simm.s32 $0x138C0  }
0x88: {  	[tilespmem:s30], [sflag:$0x6] =	stream.indirect.gather [hbm4b:s16+s0], $0x80, s7, s0, $0xb8;
	[tilespmem:$0x1EA80] =	vst v63  }
0x89: {  	s12 =	rddreg [dreg:$0x1f];
	s7 =	simm.s32 $0x1A980  }
0x8a: {  	[tilespmem:s7], [sflag:$0x8] =	stream.linear.gather [hbm4b:s12+s1], $0x40, $0x38;
	[tilespmem:$0x1EA80] =	vst v63  }
0x8b: {  	s24 =	simm.s32 $0x13900;
	s25 =	sld [smem:$0x7FD]  }
0x8c: {  	[tilespmem:s31], [sflag:$0x9] =	stream.indirect.gather [hbm4b:s16+s0], $0x80, s24, s0, $0xb8;
	[tilespmem:$0x1EA80] =	vst v63  }
0x8d: {  	s26 =	simm.s32 $0x1CA00  }
0x8e: {  	[tilespmem:s26], [sflag:$0xB] =	stream.linear.gather [hbm4b:s25+s1], $0x40, $0x38;
	[tilespmem:$0x1EA80] =	vst v63  }
0x8f: {  	s6 =	simm.s32 $0x13940;
	s12 =	simm.s32 $0x1CA80  }
0x90: {  	[tilespmem:s12], [sflag:$0xC] =	stream.indirect.gather [hbm4b:s16+s0], $0x80, s6, s0, $0xb8;
	[tilespmem:$0x1EA80] =	vst v63  }
0x91: {  	_ =	swait.ge [sflag:s29], $0x2000  }
0x92: {  	[sflag:s29] =	ssyncset.done $0x0  }
0x93: {  	[sflag:s29] =	ssyncadd.s32 $0xFFFFE000  }
0x94: {  	_ =	swait.ge [sflag:s17], $0x40  }
0x95: {  	[sflag:s17] =	ssyncset.done $0x0  }
0x96: {  	[sflag:s17] =	ssyncadd.s32 $0xFFFFFFC0  }
0x97: {  	[spmem:s14] =	stream.indirect.scatter.add.f32 [tilespmem:s4], [sflag:$0x4], $0x80, s28, s0, $0xb8;
	[tilespmem:$0x1EA80] =	vst v63  }
0x98: {  	_ =	swait.ge [sflag:s18], $0x2000  }
0x99: {  	[sflag:s18] =	ssyncset.done $0x0  }
0x9a: {  	[sflag:s18] =	ssyncadd.s32 $0xFFFFE000  }
0x9b: {  	_ =	swait.ge [sflag:s19], $0x40  }
0x9c: {  	[sflag:s19] =	ssyncset.done $0x0  }
0x9d: {  	[sflag:s19] =	ssyncadd.s32 $0xFFFFFFC0  }
0x9e: {  	[spmem:s14] =	stream.indirect.scatter.add.f32 [tilespmem:s30], [sflag:$0x7], $0x80, s8, s0, $0xb8;
	[tilespmem:$0x1EA80] =	vst v63  }
0x9f: {  	_ =	swait.ge [sflag:s20], $0x2000  }
0xa0: {  	[sflag:s20] =	ssyncset.done $0x0  }
0xa1: {  	[sflag:s20] =	ssyncadd.s32 $0xFFFFE000  }
0xa2: {  	_ =	swait.ge [sflag:s21], $0x40  }
0xa3: {  	[sflag:s21] =	ssyncset.done $0x0  }
0xa4: {  	[sflag:s21] =	ssyncadd.s32 $0xFFFFFFC0  }
0xa5: {  	[spmem:s14] =	stream.indirect.scatter.add.f32 [tilespmem:s31], [sflag:$0xA], $0x80, s7, s0, $0xb8;
	[tilespmem:$0x1EA80] =	vst v63  }
0xa6: {  	_ =	swait.ge [sflag:s22], $0x2000  }
0xa7: {  	[sflag:s22] =	ssyncset.done $0x0  }
0xa8: {  	[sflag:s22] =	ssyncadd.s32 $0xFFFFE000  }
0xa9: {  	p1 =	por $0x0, $0x0;
	_ =	swait.ge [sflag:s23], $0x40  }
0xaa: {  	s3 =	simm.s32 $0x1CA00;
	s12 =	simm.s32 $0x100;
	[sflag:s23] =	ssyncset.done $0x0  }
0xab: {  	s5 =	simm.s32 $0x1CA80;
	s12 =	simm.s32 @p1 $0x0;
	[sflag:s23] =	ssyncadd.s32 $0xFFFFFFC0  }
0xac: {  	[spmem:s14] =	stream.indirect.scatter.add.f32 [tilespmem:s5], [sflag:$0xD], $0x80, s3, s0, $0xb8;
	[tilespmem:$0x1EA80] =	vst v63  }
0xad: {  	s24 =	sadd.s32 s2, s12;
	_ =	swait.ge [sflag:s9], $0x2000  }
0xae: {  	s25 =	sshrl.u32 s24, $0x3;
	[sflag:s9] =	ssyncset.done $0x0  }
0xaf: {  	s26 =	simm.s32 $0x140;
	s25 =	sadd.s32 s13, s25;
	[sflag:s9] =	ssyncadd.s32 $0xFFFFE000  }
0xb0: {  	[tilespmem:s28], [sflag:$0x2] =	stream.linear.gather [hbm4b:s25+s1], $0x40, $0x38;
	[tilespmem:$0x1EA80] =	vst v63  }
0xb1: {  	s26 =	simm.s32 @p1 $0x0;
	s12 =	sadd.s32 $0x13880, s12  }
0xb2: {  	[tilespmem:s4], [sflag:$0x3] =	stream.indirect.gather [hbm4b:s16+s0], $0x80, s12, s0, $0xb8;
	[tilespmem:$0x1EA80] =	vst v63  }
0xb3: {  	s25 =	sadd.s32 s2, s26;
	_ =	swait.ge [sflag:s10], $0x2000  }
0xb4: {  	s12 =	sshrl.u32 s25, $0x3;
	[sflag:s10] =	ssyncset.done $0x0  }
0xb5: {  	s24 =	simm.s32 $0x180;
	s12 =	sadd.s32 s13, s12;
	[sflag:s10] =	ssyncadd.s32 $0xFFFFE000  }
0xb6: {  	[tilespmem:s8], [sflag:$0x5] =	stream.linear.gather [hbm4b:s12+s1], $0x40, $0x38;
	[tilespmem:$0x1EA80] =	vst v63  }
0xb7: {  	s24 =	simm.s32 @p1 $0x0;
	s26 =	sadd.s32 $0x13880, s26  }
0xb8: {  	[tilespmem:s30], [sflag:$0x6] =	stream.indirect.gather [hbm4b:s16+s0], $0x80, s26, s0, $0xb8;
	[tilespmem:$0x1EA80] =	vst v63  }
0xb9: {  	s6 =	sadd.s32 s2, s24;
	_ =	swait.ge [sflag:s11], $0x2000  }
0xba: {  	s25 =	simm.s32 $0x1C0;
	s12 =	sshrl.u32 s6, $0x3;
	[sflag:s11] =	ssyncset.done $0x0  }
0xbb: {  	s25 =	simm.s32 @p1 $0x0;
	s12 =	sadd.s32 s13, s12;
	[sflag:s11] =	ssyncadd.s32 $0xFFFFE000  }
0xbc: {  	[tilespmem:s7], [sflag:$0x8] =	stream.linear.gather [hbm4b:s12+s1], $0x40, $0x38;
	[tilespmem:$0x1EA80] =	vst v63  }
0xbd: {  	s24 =	sadd.s32 $0x13880, s24;
	s26 =	sadd.s32 s2, s25  }
0xbe: {  	[tilespmem:s31], [sflag:$0x9] =	stream.indirect.gather [hbm4b:s16+s0], $0x80, s24, s0, $0xb8;
	[tilespmem:$0x1EA80] =	vst v63  }
0xbf: {  	s12 =	sshrl.u32 s26, $0x3;
	_ =	swait.ge [sflag:s15], $0x2000  }
0xc0: {  	s26 =	simm.s32 $0x2C0;
	s12 =	sadd.s32 s13, s12;
	[sflag:s15] =	ssyncset.done $0x0  }
.LBB2_4:
0xc1: {  	p1 =	sne.s32 s26, $0x27C0;
	[sflag:s15] =	ssyncadd.s32 $0xFFFFE000;
	s24 =	sadd.s32 $0x13880, s25  }
0xc2: {  	[tilespmem:s3], [sflag:$0xB] =	stream.linear.gather [hbm4b:s12+s1], $0x40, $0x38;
	[tilespmem:$0x1EA80] =	vst v63  }
0xc3: {  	s25 =	smov.u32 s26;
	s26 =	sadd.s32 $0x100, s26  }
0xc4: {  	[tilespmem:s5], [sflag:$0xC] =	stream.indirect.gather [hbm4b:s16+s0], $0x80, s24, s0, $0xb8;
	[tilespmem:$0x1EA80] =	vst v63  }
0xc5: {  	_ =	swait.ge [sflag:s29], $0x2000  }
0xc6: {  	[sflag:s29] =	ssyncset.done $0x0  }
0xc7: {  	[sflag:s29] =	ssyncadd.s32 $0xFFFFE000  }
0xc8: {  	_ =	swait.ge [sflag:s17], $0x40  }
0xc9: {  	[sflag:s17] =	ssyncset.done $0x0  }
0xca: {  	[sflag:s17] =	ssyncadd.s32 $0xFFFFFFC0  }
0xcb: {  	[spmem:s14] =	stream.indirect.scatter.add.f32 [tilespmem:s4], [sflag:$0x4], $0x80, s28, s0, $0xb8;
	[tilespmem:$0x1EA80] =	vst v63  }
0xcc: {  	_ =	swait.ge [sflag:s18], $0x2000  }
0xcd: {  	[sflag:s18] =	ssyncset.done $0x0  }
0xce: {  	[sflag:s18] =	ssyncadd.s32 $0xFFFFE000  }
0xcf: {  	_ =	swait.ge [sflag:s19], $0x40  }
0xd0: {  	[sflag:s19] =	ssyncset.done $0x0  }
0xd1: {  	[sflag:s19] =	ssyncadd.s32 $0xFFFFFFC0  }
0xd2: {  	[spmem:s14] =	stream.indirect.scatter.add.f32 [tilespmem:s30], [sflag:$0x7], $0x80, s8, s0, $0xb8;
	[tilespmem:$0x1EA80] =	vst v63  }
0xd3: {  	_ =	swait.ge [sflag:s20], $0x2000  }
0xd4: {  	[sflag:s20] =	ssyncset.done $0x0  }
0xd5: {  	[sflag:s20] =	ssyncadd.s32 $0xFFFFE000  }
0xd6: {  	_ =	swait.ge [sflag:s21], $0x40  }
0xd7: {  	[sflag:s21] =	ssyncset.done $0x0  }
0xd8: {  	[sflag:s21] =	ssyncadd.s32 $0xFFFFFFC0  }
0xd9: {  	[spmem:s14] =	stream.indirect.scatter.add.f32 [tilespmem:s31], [sflag:$0xA], $0x80, s7, s0, $0xb8;
	[tilespmem:$0x1EA80] =	vst v63  }
0xda: {  	_ =	swait.ge [sflag:s22], $0x2000  }
0xdb: {  	[sflag:s22] =	ssyncset.done $0x0  }
0xdc: {  	s12 =	sadd.s32 $0xFFFFFF40, s25;
	s24 =	sadd.s32 $0xFFFFFFC0, s25;
	[sflag:s22] =	ssyncadd.s32 $0xFFFFE000  }
0xdd: {  	p2 =	seq.s32 s25, $0x27C0;
	s8 =	sadd.s32 $0xFFFFFF80, s25;
	_ =	swait.ge [sflag:s23], $0x40  }
0xde: {  	s25 =	simm.s32 @p2 $0x0;
	s8 =	simm.s32 @p2 $0x0;
	[sflag:s23] =	ssyncset.done $0x0  }
0xdf: {  	s24 =	simm.s32 @p2 $0x0;
	s6 =	sadd.s32 s2, s8;
	[sflag:s23] =	ssyncadd.s32 $0xFFFFFFC0  }
0xe0: {  	[spmem:s14] =	stream.indirect.scatter.add.f32 [tilespmem:s5], [sflag:$0xD], $0x80, s3, s0, $0xb8;
	[tilespmem:$0x1EA80] =	vst v63  }
0xe1: {  	s12 =	simm.s32 @p2 $0x0;
	s6 =	sshrl.u32 s6, $0x3;
	_ =	swait.ge [sflag:s9], $0x2000  }
0xe2: {  	s7 =	sadd.s32 s2, s12;
	s3 =	sadd.s32 s2, s24;
	[sflag:s9] =	ssyncset.done $0x0  }
0xe3: {  	s7 =	sshrl.u32 s7, $0x3;
	s3 =	sshrl.u32 s3, $0x3;
	[sflag:s9] =	ssyncadd.s32 $0xFFFFE000  }
0xe4: {  	s12 =	sadd.s32 $0x13880, s12;
	s7 =	sadd.s32 s13, s7;
	s5 =	sadd.s32 s2, s25  }
0xe5: {  	[tilespmem:s28], [sflag:$0x2] =	stream.linear.gather [hbm4b:s7+s1], $0x40, $0x38;
	[tilespmem:$0x1EA80] =	vst v63  }
0xe6: {  	_ = 	snop  }
0xe7: {  	[tilespmem:s4], [sflag:$0x3] =	stream.indirect.gather [hbm4b:s16+s0], $0x80, s12, s0, $0xb8;
	[tilespmem:$0x1EA80] =	vst v63  }
0xe8: {  	s7 =	sadd.s32 $0x13880, s8;
	s8 =	simm.s32 $0x18900;
	_ =	swait.ge [sflag:s10], $0x2000  }
0xe9: {  	[sflag:s10] =	ssyncset.done $0x0  }
0xea: {  	s6 =	sadd.s32 s13, s6;
	[sflag:s10] =	ssyncadd.s32 $0xFFFFE000  }
0xeb: {  	[tilespmem:s8], [sflag:$0x5] =	stream.linear.gather [hbm4b:s6+s1], $0x40, $0x38;
	[tilespmem:$0x1EA80] =	vst v63  }
0xec: {  	_ = 	snop  }
0xed: {  	[tilespmem:s30], [sflag:$0x6] =	stream.indirect.gather [hbm4b:s16+s0], $0x80, s7, s0, $0xb8;
	[tilespmem:$0x1EA80] =	vst v63  }
0xee: {  	s7 =	simm.s32 $0x1A980  }
0xef: {  	s6 =	sadd.s32 $0x13880, s24;
	_ =	swait.ge [sflag:s11], $0x2000  }
0xf0: {  	[sflag:s11] =	ssyncset.done $0x0  }
0xf1: {  	s3 =	sadd.s32 s13, s3;
	[sflag:s11] =	ssyncadd.s32 $0xFFFFE000  }
0xf2: {  	[tilespmem:s7], [sflag:$0x8] =	stream.linear.gather [hbm4b:s3+s1], $0x40, $0x38;
	[tilespmem:$0x1EA80] =	vst v63  }
.Ltmp1:
0xf3: {  	_ = 	snop;
	(pc) =	sbr.rel @p1 .LBB2_4-.Ltmp1, $4  }
0xf4: {  	s3 =	sshrl.u32 s5, $0x3;
	s5 =	simm.s32 $0x1CA80  }
0xf5: {  	[tilespmem:s31], [sflag:$0x9] =	stream.indirect.gather [hbm4b:s16+s0], $0x80, s6, s0, $0xb8;
	[tilespmem:$0x1EA80] =	vst v63  }
0xf6: {  	s12 =	sadd.s32 s13, s3;
	s3 =	simm.s32 $0x1CA00;
	_ =	swait.ge [sflag:s15], $0x2000  }
0xf7: {  	[sflag:s15] =	ssyncset.done $0x0  }
0xf8: {  	[sflag:s15] =	ssyncadd.s32 $0xFFFFE000  }
0xf9: {  	[tilespmem:s3], [sflag:$0xB] =	stream.linear.gather [hbm4b:s12+s1], $0x40, $0x38;
	[tilespmem:$0x1EA80] =	vst v63  }
0xfa: {  	s25 =	sadd.s32 $0x13880, s25  }
0xfb: {  	[tilespmem:s5], [sflag:$0xC] =	stream.indirect.gather [hbm4b:s16+s0], $0x80, s25, s0, $0xb8;
	[tilespmem:$0x1EA80] =	vst v63  }
0xfc: {  	_ =	swait.ge [sflag:s17], $0x40  }
0xfd: {  	[sflag:s17] =	ssyncset.done $0x0  }
0xfe: {  	[sflag:s17] =	ssyncadd.s32 $0xFFFFFFC0  }
0xff: {  	_ =	swait.ge [sflag:s29], $0x2000  }
0x100: {  	[sflag:s29] =	ssyncset.done $0x0  }
0x101: {  	[sflag:s29] =	ssyncadd.s32 $0xFFFFE000  }
0x102: {  	_ =	swait.ge [sflag:s19], $0x40  }
0x103: {  	[sflag:s19] =	ssyncset.done $0x0  }
0x104: {  	[sflag:s19] =	ssyncadd.s32 $0xFFFFFFC0  }
0x105: {  	_ =	swait.ge [sflag:s18], $0x2000  }
0x106: {  	[sflag:s18] =	ssyncset.done $0x0  }
0x107: {  	[sflag:s18] =	ssyncadd.s32 $0xFFFFE000  }
0x108: {  	_ =	swait.ge [sflag:s21], $0x40  }
0x109: {  	[sflag:s21] =	ssyncset.done $0x0  }
0x10a: {  	[sflag:s21] =	ssyncadd.s32 $0xFFFFFFC0  }
0x10b: {  	_ =	swait.ge [sflag:s20], $0x2000  }
0x10c: {  	[sflag:s20] =	ssyncset.done $0x0  }
0x10d: {  	[sflag:s20] =	ssyncadd.s32 $0xFFFFE000  }
0x10e: {  	_ =	swait.ge [sflag:s23], $0x40  }
0x10f: {  	[sflag:s23] =	ssyncset.done $0x0  }
0x110: {  	[sflag:s23] =	ssyncadd.s32 $0xFFFFFFC0  }
0x111: {  	_ =	swait.ge [sflag:s22], $0x2000  }
0x112: {  	[sflag:s22] =	ssyncset.done $0x0  }
0x113: {  	s26 =	simm.s32 $0x1;
	[sflag:s22] =	ssyncadd.s32 $0xFFFFE000  }
0x114: {  	_ =	swait.ge [sflag:s26], $0x800  }
0x115: {  	s7 =	simm.s32 $0x10;
	[sflag:s26] =	ssyncset.done $0x0  }
0x116: {  	s6 =	simm.s32 $0x16080;
	s5 =	simm.s32 $0x16000;
	[sflag:s26] =	ssyncadd.s32 $0xFFFFF800  }
0x117: {  	[spmem:s14] =	stream.indirect.scatter.add.f32 [tilespmem:s6], [sflag:$0x4], $0x80, s5, s7, $0xb8;
	[tilespmem:$0x1EA80] =	vst v63  }
0x118: {  	_ =	swait.ge [sflag:s9], $0x800  }
0x119: {  	[sflag:s9] =	ssyncset.done $0x0  }
0x11a: {  	[sflag:s9] =	ssyncadd.s32 $0xFFFFF800  }
0x11b: {  	[bflag:$0x0] =	sbarrier.arrive $0xFFFF  }
0x11c: {  	s5 =	simm.s32 $0xE;
	s7 =	rddreg [dreg:$0xe]  }
0x11d: {  	[tilespmem:s4], [sflag:$0xE] =	stream.linear.gather [spmem:s7], $0x2000, $0x38;
	[tilespmem:$0x1EA80] =	vst v63  }
0x11e: {  	_ =	swait.ge [sflag:s5], $0x2000  }
0x11f: {  	[sflag:s5] =	ssyncset.done $0x0  }
0x120: {  	s8 =	rddreg [dreg:$0x4];
	[sflag:s5] =	ssyncadd.s32 $0xFFFFE000  }
0x121: {  	[hbm4b:s8+s1] =	stream.linear.scatter [tilespmem:s4], [sflag:$0x4], $0x2000, $0x38;
	[tilespmem:$0x1EA80] =	vst v63  }
0x122: {  	s24 =	rddreg [dreg:$0xf]  }
0x123: {  	[tilespmem:s30], [sflag:$0xE] =	stream.linear.gather [spmem:s24], $0x2000, $0x38;
	[tilespmem:$0x1EA80] =	vst v63  }
0x124: {  	_ =	swait.ge [sflag:s5], $0x2000  }
0x125: {  	[sflag:s5] =	ssyncset.done $0x0  }
0x126: {  	s12 =	rddreg [dreg:$0x5];
	[sflag:s5] =	ssyncadd.s32 $0xFFFFE000  }
0x127: {  	[hbm4b:s12+s1] =	stream.linear.scatter [tilespmem:s30], [sflag:$0x7], $0x2000, $0x38;
	[tilespmem:$0x1EA80] =	vst v63  }
0x128: {  	s8 =	rddreg [dreg:$0x10]  }
0x129: {  	[tilespmem:s31], [sflag:$0xE] =	stream.linear.gather [spmem:s8], $0x2000, $0x38;
	[tilespmem:$0x1EA80] =	vst v63  }
0x12a: {  	_ =	swait.ge [sflag:s5], $0x2000  }
0x12b: {  	[sflag:s5] =	ssyncset.done $0x0  }
0x12c: {  	s26 =	rddreg [dreg:$0x6];
	[sflag:s5] =	ssyncadd.s32 $0xFFFFE000  }
0x12d: {  	[hbm4b:s26+s1] =	stream.linear.scatter [tilespmem:s31], [sflag:$0xA], $0x2000, $0x38;
	[tilespmem:$0x1EA80] =	vst v63  }
0x12e: {  	s25 =	simm.s32 $0x1CA80;
	s6 =	rddreg [dreg:$0x11]  }
0x12f: {  	[tilespmem:s25], [sflag:$0xE] =	stream.linear.gather [spmem:s6], $0x2000, $0x38;
	[tilespmem:$0x1EA80] =	vst v63  }
0x130: {  	_ =	swait.ge [sflag:s5], $0x2000  }
0x131: {  	[sflag:s5] =	ssyncset.done $0x0  }
0x132: {  	s12 =	rddreg [dreg:$0x7];
	[sflag:s5] =	ssyncadd.s32 $0xFFFFE000  }
0x133: {  	[hbm4b:s12+s1] =	stream.linear.scatter [tilespmem:s25], [sflag:$0xD], $0x2000, $0x38;
	[tilespmem:$0x1EA80] =	vst v63  }
0x134: {  	_ =	swait.ge [sflag:s9], $0x2000  }
0x135: {  	[sflag:s9] =	ssyncset.done $0x0  }
0x136: {  	s26 =	rddreg [dreg:$0x12];
	[sflag:s9] =	ssyncadd.s32 $0xFFFFE000  }
0x137: {  	[tilespmem:s4], [sflag:$0xE] =	stream.linear.gather [spmem:s26], $0x2000, $0x38;
	[tilespmem:$0x1EA80] =	vst v63  }
0x138: {  	_ =	swait.ge [sflag:s5], $0x2000  }
0x139: {  	[sflag:s5] =	ssyncset.done $0x0  }
0x13a: {  	s6 =	rddreg [dreg:$0x8];
	[sflag:s5] =	ssyncadd.s32 $0xFFFFE000  }
0x13b: {  	[hbm4b:s6+s1] =	stream.linear.scatter [tilespmem:s4], [sflag:$0x4], $0x2000, $0x38;
	[tilespmem:$0x1EA80] =	vst v63  }
0x13c: {  	_ =	swait.ge [sflag:s10], $0x2000  }
0x13d: {  	[sflag:s10] =	ssyncset.done $0x0  }
0x13e: {  	s12 =	rddreg [dreg:$0x13];
	[sflag:s10] =	ssyncadd.s32 $0xFFFFE000  }
0x13f: {  	[tilespmem:s30], [sflag:$0xE] =	stream.linear.gather [spmem:s12], $0x2000, $0x38;
	[tilespmem:$0x1EA80] =	vst v63  }
0x140: {  	_ =	swait.ge [sflag:s5], $0x2000  }
0x141: {  	[sflag:s5] =	ssyncset.done $0x0  }
0x142: {  	s26 =	rddreg [dreg:$0x9];
	[sflag:s5] =	ssyncadd.s32 $0xFFFFE000  }
0x143: {  	[hbm4b:s26+s1] =	stream.linear.scatter [tilespmem:s30], [sflag:$0x7], $0x2000, $0x38;
	[tilespmem:$0x1EA80] =	vst v63  }
0x144: {  	_ =	swait.ge [sflag:s11], $0x2000  }
0x145: {  	[sflag:s11] =	ssyncset.done $0x0  }
0x146: {  	s12 =	rddreg [dreg:$0x14];
	[sflag:s11] =	ssyncadd.s32 $0xFFFFE000  }
0x147: {  	[tilespmem:s31], [sflag:$0xE] =	stream.linear.gather [spmem:s12], $0x2000, $0x38;
	[tilespmem:$0x1EA80] =	vst v63  }
0x148: {  	_ =	swait.ge [sflag:s5], $0x2000  }
0x149: {  	[sflag:s5] =	ssyncset.done $0x0  }
0x14a: {  	s6 =	rddreg [dreg:$0xa];
	[sflag:s5] =	ssyncadd.s32 $0xFFFFE000  }
0x14b: {  	[hbm4b:s6+s1] =	stream.linear.scatter [tilespmem:s31], [sflag:$0xA], $0x2000, $0x38;
	[tilespmem:$0x1EA80] =	vst v63  }
0x14c: {  	_ =	swait.ge [sflag:s15], $0x2000  }
0x14d: {  	[sflag:s15] =	ssyncset.done $0x0  }
0x14e: {  	s26 =	rddreg [dreg:$0x15];
	[sflag:s15] =	ssyncadd.s32 $0xFFFFE000  }
0x14f: {  	[tilespmem:s25], [sflag:$0xE] =	stream.linear.gather [spmem:s26], $0x2000, $0x38;
	[tilespmem:$0x1EA80] =	vst v63  }
0x150: {  	_ =	swait.ge [sflag:s5], $0x2000  }
0x151: {  	[sflag:s5] =	ssyncset.done $0x0  }
0x152: {  	s6 =	rddreg [dreg:$0xb];
	[sflag:s5] =	ssyncadd.s32 $0xFFFFE000  }
0x153: {  	[hbm4b:s6+s1] =	stream.linear.scatter [tilespmem:s25], [sflag:$0xD], $0x2000, $0x38;
	[tilespmem:$0x1EA80] =	vst v63  }
0x154: {  	_ =	swait.ge [sflag:s9], $0x2000  }
0x155: {  	[sflag:s9] =	ssyncset.done $0x0  }
0x156: {  	s25 =	rddreg [dreg:$0x16];
	[sflag:s9] =	ssyncadd.s32 $0xFFFFE000  }
0x157: {  	[tilespmem:s4], [sflag:$0xE] =	stream.linear.gather [spmem:s25], $0x2000, $0x38;
	[tilespmem:$0x1EA80] =	vst v63  }
0x158: {  	_ =	swait.ge [sflag:s5], $0x2000  }
0x159: {  	[sflag:s5] =	ssyncset.done $0x0  }
0x15a: {  	s26 =	rddreg [dreg:$0xc];
	[sflag:s5] =	ssyncadd.s32 $0xFFFFE000  }
0x15b: {  	[hbm4b:s26+s1] =	stream.linear.scatter [tilespmem:s4], [sflag:$0x4], $0x2000, $0x38;
	[tilespmem:$0x1EA80] =	vst v63  }
0x15c: {  	_ =	swait.ge [sflag:s10], $0x2000  }
0x15d: {  	[sflag:s10] =	ssyncset.done $0x0  }
0x15e: {  	s4 =	rddreg [dreg:$0x17];
	[sflag:s10] =	ssyncadd.s32 $0xFFFFE000  }
0x15f: {  	[tilespmem:s30], [sflag:$0xE] =	stream.linear.gather [spmem:s4], $0x1800, $0x38;
	[tilespmem:$0x1EA80] =	vst v63  }
0x160: {  	_ =	swait.ge [sflag:s5], $0x1800  }
0x161: {  	[sflag:s5] =	ssyncset.done $0x0  }
0x162: {  	s6 =	rddreg [dreg:$0xd];
	[sflag:s5] =	ssyncadd.s32 $0xFFFFE800  }
0x163: {  	[hbm4b:s6+s1] =	stream.linear.scatter [tilespmem:s30], [sflag:$0x7], $0x1800, $0x38;
	[tilespmem:$0x1EA80] =	vst v63  }
0x164: {  	_ =	swait.ge [sflag:s11], $0x2000  }
0x165: {  	[sflag:s11] =	ssyncset.done $0x0  }
0x166: {  	[sflag:s11] =	ssyncadd.s32 $0xFFFFE000  }
0x167: {  	_ =	swait.ge [sflag:s15], $0x2000  }
0x168: {  	[sflag:s15] =	ssyncset.done $0x0  }
0x169: {  	[sflag:s15] =	ssyncadd.s32 $0xFFFFE000  }
0x16a: {  	_ =	swait.ge [sflag:s9], $0x2000  }
0x16b: {  	[sflag:s9] =	ssyncset.done $0x0  }
0x16c: {  	[sflag:s9] =	ssyncadd.s32 $0xFFFFE000  }
0x16d: {  	_ =	swait.ge [sflag:s10], $0x1800  }
0x16e: {  	[sflag:s10] =	ssyncset.done $0x0  }
0x16f: {  	s3 =	simm.s32 @!p0 $0x16900;
	s5 =	rddreg [dreg:$0x1c];
	[sflag:s10] =	ssyncadd.s32 $0xFFFFE800  }
0x170: {  	[tilespmem:s3], [sflag:$0xE] =	stream.linear.gather @!p0 [spmem:s5], $0x800, $0x38;
	[tilespmem:$0x1EA80] =	vst v63  }
0x171: {  	s5 =	simm.s32 @!p0 $0xE  }
0x172: {  	_ =	swait.ge @!p0 [sflag:s5], $0x800  }
0x173: {  	[sflag:s5] =	ssyncset.done @!p0 $0x0  }
0x174: {  	s6 =	simm.s32 @!p0 $0x0;
	s25 =	rddreg [dreg:$0x1a];
	[sflag:s5] =	ssyncadd.s32 @!p0 $0xFFFFF800  }
0x175: {  	[hbm4b:s25+s6] =	stream.linear.scatter @!p0 [tilespmem:s3], [sflag:$0xE], $0x800, $0x38;
	[tilespmem:$0x1EA80] =	vst v63  }
0x176: {  	_ =	swait.ge @!p0 [sflag:s5], $0x800  }
0x177: {  	s25 =	sld [smem:$0x7FC];
	_ =	sdelay $0x2  }
0x178: {  	s26 =	rddreg [dreg:$0x1b];
	s4 =	sadd.s32 $0x1, s25  }
0x179: {  	p1 =	sne.s32 s4, s26  }
.Ltmp2:
0x17a: {  	_ = 	snop;
	(pc) =	sbr.rel @p1 .LBB2_1-.Ltmp2, $3  }
0x17b: {  	_ =	sdelay $0x1  }
0x17c: {  	[sflag:s5] =	ssyncset.done @!p0 $0x0  }
0x17d: {  	[sflag:s5] =	ssyncadd.s32 @!p0 $0xFFFFF800  }
0x17e: {  	_ =	sfence.sel $0x180000  }
0x17f: {  	[bflag:$0x0] =	sbarrier.arrive $0xFFFF  }
0x180: {  	_ =	strace $0x9000004A  }
0x181: {  	s0 =	stileid.u32;
	[bflag:$0x2] =	sbarrier.arrive $0xFFFF  }
0x182: {  	p0 =	sne.s32 s0, $0x0;
	s0 =	rddreg [dreg:$0x3]  }
0x183: {  	s0 =	sadd.s32 @!p0 $0x100000, s0  }
0x184: {  	[sflag:s0] =	ssyncadd.tile.s32 @!p0 $0x1;
	_ =	shalt  }
.Lfunc_end2:
_tile_overlayer_lowered:
.L_overlay_start_2:
0x185: {  	(tag) =	ssettag $0x2  }
0x186: {  	s0 =	rddreg [dreg:$0x0];
	s2 =	stileid.u32  }
0x187: {  	s1 =	rddreg [dreg:$0x1];
	p0 =	sne.s32 s2, $0x0  }
0x188: {  	s3 =	rddreg [dreg:$0x2];
	[bflag:$0x3] =	sbarrier.arrive $0xFFFF;
	s2 =	simm.s32 @!p0 $0x1C0E  }
0x189: {  	[timem:s3], [sflag:s2] =	dma.local @!p0 [hbm:s0], s1  }
0x18a: {  	s0 =	simm.s32 @!p0 $0xE  }
0x18b: {  	_ =	swait.ge @!p0 [sflag:s0], s1  }
0x18c: {  	s1 =	ssub.s32 @!p0 $0x0, s1;
	[sflag:s0] =	ssyncset.done @!p0 $0x0  }
0x18d: {  	[sflag:s0] =	ssyncadd.s32 @!p0 s1  }
0x18e: {  	[bflag:$0x3] =	sbarrier.arrive $0xFFFF  }
0x18f: {  	_ =	shalt  }

// kernel: sc_agg_d128_deg.3.cloned.1.call-start
scs
__scs_entry_jumppad:
0x0: {  	(pc) =	sbr.rel $0x88, $3  }
0x1: {  	(tag) =	ssettag $0x0;
	lr =	simm.s32 $0x1  }
0x2: {  	[smem:$0x3F99] =	sst lr;
	_ =	strace $0xD0000000  }
0x3: {  	_ = 	snop  }
0x4: {  	_ = 	snop  }
0x5: {  	_ = 	snop  }
0x6: {  	_ = 	snop  }
0x7: {  	_ = 	snop  }
__scs_overlays_trampoline_lowered:
0x8: {  	[smem:$0x3FA8] =	sst s0  }
0x9: {  	[smem:$0x3FA9] =	sst s1  }
0xa: {  	[smem:$0x3FAA] =	sst s2  }
0xb: {  	[smem:$0x3FAB] =	sst s3  }
0xc: {  	[smem:$0x3FAC] =	sst s4  }
0xd: {  	[smem:$0x3FAD] =	sst s5  }
0xe: {  	[smem:$0x3FAE] =	sst s6  }
0xf: {  	[smem:$0x3FAF] =	sst s7  }
0x10: {  	[smem:$0x3FB0] =	sst s8  }
0x11: {  	[smem:$0x3FB1] =	sst s9;
	s0 =	simm.s32 @!p0 $0x0  }
0x12: {  	s1 =	sld [smem:$0x3F97];
	s0 =	simm.s32 @p0 $0x1  }
0x13: {  	[smem:$0x3FB2] =	sst s0;
	s0 =	simm.s32 @!p1 $0x0  }
0x14: {  	s2 =	sld [smem:$0x3F96];
	s0 =	simm.s32 @p1 $0x1  }
0x15: {  	[smem:$0x3FB3] =	sst s0;
	s0 =	simm.s32 @!p2 $0x0  }
0x16: {  	s3 =	sld [smem:$0x3FDB];
	s0 =	simm.s32 @p2 $0x1  }
0x17: {  	s4 =	simm.s32 $0x1BF5;
	[smem:$0x3FB5] =	sst s0  }
0x18: {  	s0 =	sld [smem:$0x3F98];
	_ =	swait.ge [sflag:s4], $0x0  }
0x19: {  	s7 =	sld [smem:$0x3F99]  }
0x1a: {  	s8 =	sadd.s32 $0xFFFFE003, lr  }
0x1b: {  	s9 =	sadd.s32 $0xFFFFFEF7, lr;
	s5 =	simm.s32 $0xFFFFFFFF;
	p2 =	slt.u32 s8, $0xFFFFF086  }
0x1c: {  	p1 =	slt.u32 s9, $0xF7A;
	s5 =	simm.s32 @!p2 $0x0  }
0x1d: {  	s5 =	simm.s32 @p1 $0x1;
	p0 =	seq.s32 s7, s2  }
0x1e: {  	s7 =	smul.u32 @!p0 $0xF7A, s2;
	p2 =	seq.s32 @!p0 s5, $0x0  }
0x1f: {  	s9 =	smul.u32 $0xF7A, s1;
	s8 =	simm.s32 @!p0 $0x1BF5;
	p2 =	por !p2, p0  }
0x20: {  	[sflag:s8] =	ssyncset.s32 @!p0 $0xFFFFF086;
	s6 =	sadd.s32 @!p0 s3, s7;
	s7 =	simm.s32 @!p0 $0x108  }
0x21: {  	s3 =	sadd.s32 s3, s9;
	s6 =	sadd.s32 @!p0 $0x88, s6;
	s7 =	simm.s32 @p2 $0x1082  }
0x22: {  	[simem:s7], [sflag:s8] =	dma.local @!p0 [hbm:s6], $0xF7A  }
0x23: {  	s9 =	sor.u32 $0xD0000000, s2;
	s6 =	simm.s32 $0x108;
	_ =	swait.ge @!p0 [sflag:s8], $0x0  }
0x24: {  	s3 =	sadd.s32 $0x88, s3;
	s6 =	simm.s32 @!p1 $0x1082;
	[sflag:s4] =	ssyncset.s32 $0xFFFFF086  }
0x25: {  	[simem:s6], [sflag:s4] =	dma.local [hbm:s3], $0xF7A  }
0x26: {  	[smem:$0x3F99] =	sst s1;
	(tag) =	ssettag s2;
	_ =	strace s9  }
0x27: {  	s1 =	sld [smem:$0x3FA9]  }
0x28: {  	s2 =	sld [smem:$0x3FAA]  }
0x29: {  	s4 =	sld [smem:$0x3FAC]  }
0x2a: {  	p0 =	seq.s32 s5, $0x0;
	s5 =	sld [smem:$0x3FAD]  }
0x2b: {  	s6 =	sld [smem:$0x3FAE]  }
0x2c: {  	s7 =	sld [smem:$0x3FAF]  }
0x2d: {  	s3 =	simm.s32 $0x108;
	s8 =	sld [smem:$0x3FB0]  }
0x2e: {  	s3 =	simm.s32 @!p0 $0x1082;
	s9 =	sld [smem:$0x3FB1]  }
0x2f: {  	lr =	sadd.s32 s0, s3;
	s0 =	sld [smem:$0x3FA8]  }
0x30: {  	s3 =	sld [smem:$0x3FAB]  }
0x31: {  	[smem:$0x3FB4] =	sst s10  }
0x32: {  	s10 =	sld [smem:$0x3FB2];
	_ =	sdelay $0x3  }
0x33: {  	p0 =	seq.s32 s10, $0x1;
	s10 =	sld [smem:$0x3FB4];
	_ =	sdelay $0x3  }
0x34: {  	[smem:$0x3FB4] =	sst s10  }
0x35: {  	s10 =	sld [smem:$0x3FB3];
	_ =	sdelay $0x3  }
0x36: {  	p1 =	seq.s32 s10, $0x1;
	s10 =	sld [smem:$0x3FB4];
	_ =	sdelay $0x3  }
0x37: {  	[smem:$0x3FB4] =	sst s10  }
0x38: {  	s10 =	sld [smem:$0x3FB5]  }
0x39: {  	_ = 	snop;
	(pc) =	sbr.ind lr, $3  }
0x3a: {  	_ = 	snop  }
0x3b: {  	_ = 	snop  }
0x3c: {  	p2 =	seq.s32 s10, $0x1;
	s10 =	sld [smem:$0x3FB4]  }
0x3d: {  	_ =	shalt  }
0x3e: {  	_ =	shalt  }
0x3f: {  	_ =	shalt  }
0x40: {  	_ =	shalt  }
0x41: {  	_ =	shalt  }
0x42: {  	_ =	shalt  }
0x43: {  	_ =	shalt  }
0x44: {  	_ =	shalt  }
0x45: {  	_ =	shalt  }
0x46: {  	_ =	shalt  }
0x47: {  	_ =	shalt  }
0x48: {  	_ =	shalt  }
0x49: {  	_ =	shalt  }
0x4a: {  	_ =	shalt  }
0x4b: {  	_ =	shalt  }
0x4c: {  	_ =	shalt  }
0x4d: {  	_ =	shalt  }
0x4e: {  	_ =	shalt  }
0x4f: {  	_ =	shalt  }
0x50: {  	_ =	shalt  }
0x51: {  	_ =	shalt  }
0x52: {  	_ =	shalt  }
0x53: {  	_ =	shalt  }
0x54: {  	_ =	shalt  }
0x55: {  	_ =	shalt  }
0x56: {  	_ =	shalt  }
0x57: {  	_ =	shalt  }
0x58: {  	_ =	shalt  }
0x59: {  	_ =	shalt  }
0x5a: {  	_ =	shalt  }
0x5b: {  	_ =	shalt  }
0x5c: {  	_ =	shalt  }
0x5d: {  	_ =	shalt  }
0x5e: {  	_ =	shalt  }
0x5f: {  	_ =	shalt  }
0x60: {  	_ =	shalt  }
0x61: {  	_ =	shalt  }
0x62: {  	_ =	shalt  }
0x63: {  	_ =	shalt  }
0x64: {  	_ =	shalt  }
0x65: {  	_ =	shalt  }
0x66: {  	_ =	shalt  }
0x67: {  	_ =	shalt  }
0x68: {  	_ =	shalt  }
0x69: {  	_ =	shalt  }
0x6a: {  	_ =	shalt  }
0x6b: {  	_ =	shalt  }
0x6c: {  	_ =	shalt  }
0x6d: {  	_ =	shalt  }
0x6e: {  	_ =	shalt  }
0x6f: {  	_ =	shalt  }
0x70: {  	_ =	shalt  }
0x71: {  	_ =	shalt  }
0x72: {  	_ =	shalt  }
0x73: {  	_ =	shalt  }
0x74: {  	_ =	shalt  }
0x75: {  	_ =	shalt  }
0x76: {  	_ =	shalt  }
0x77: {  	_ =	shalt  }
0x78: {  	_ =	shalt  }
0x79: {  	_ =	shalt  }
0x7a: {  	_ =	shalt  }
0x7b: {  	_ =	shalt  }
0x7c: {  	_ =	shalt  }
0x7d: {  	_ =	shalt  }
0x7e: {  	_ =	shalt  }
0x7f: {  	_ =	shalt  }
0x80: {  	_ =	shalt  }
0x81: {  	_ =	shalt  }
0x82: {  	_ =	shalt  }
0x83: {  	_ =	shalt  }
0x84: {  	_ =	shalt  }
0x85: {  	_ =	shalt  }
0x86: {  	_ =	shalt  }
0x87: {  	_ =	shalt  }
.Lfunc_end0:
.L_simem_size_0:
called_computation_lowered:
.L_overlay_start_0:
0x88: {  	s2 =	sld [smem:$0x3FD9]  }
0x89: {  	s3 =	sld [smem:$0x3FFE];
	_ =	sdelay $0x1  }
0x8a: {  	s1 =	srdreg.scid  }
0x8b: {  	s0 =	sand.u32 $0x1, s1  }
0x8c: {  	s17 =	sshll.u32 s0, $0xA;
	s2 =	sadd.s32 s3, s2  }
0x8d: {  	s2 =	sadd.s32 s2, s17  }
0x8e: {  	[smem:$0x3FC0] =	sst s2  }
0x8f: {  	_ = 	snop  }
0x90: {  	s2 =	sld [smem:$0x3FD0];
	(tm) =	ssettm $0x1  }
0x91: {  	s18 =	sld [smem:$0x3FFB];
	_ =	sdelay $0x3  }
0x92: {  	_ =	strace s18  }
0x93: {  	s3 =	sld [smem:$0x3FFC];
	_ =	sdelay $0x3  }
0x94: {  	_ =	strace s3  }
0x95: {  	s3 =	sld [smem:$0x3FFD];
	_ =	sdelay $0x3  }
0x96: {  	_ =	strace s3  }
0x97: {  	_ =	strace $0x8FFFFFFF  }
0x98: {  	s19 =	sld [smem:$0x3FDB];
	_ =	sdelay $0x1  }
0x99: {  	s4 =	simm.s32 $_scs_section_size  }
0x9a: {  	s5 =	simm.s32 $_size__tile_overlayer_lowered;
	s6 =	simm.s32 $_tile_overlayer_lowered  }
0x9b: {  	s22 =	simm.s32 $0x1BFF;
	s21 =	sshll.u32 s6, $0x1;
	s3 =	sadd.s32 s4, s19  }
0x9c: {  	s7 =	simm.s32 $0x0;
	s20 =	sshll.u32 s5, $0x1;
	s5 =	sadd.s32 s21, s3  }
0x9d: {  	[timem:s7], [sflag:s22] =	dma.local [hbm:s5], s20  }
0x9e: {  	_ =	swait.ge [sflag:s22], s20  }
0x9f: {  	s4 =	ssub.s32 $0x0, s20;
	[sflag:s22] =	ssyncset.done $0x0  }
0xa0: {  	[sflag:s22] =	ssyncadd.s32 s4;
	_ =	sdelay $0x1  }
0xa1: {  	s23 =	simm.s32 $0x1B8B  }
0xa2: {  	_ =	swait.ge [sflag:s23], $0x1  }
0xa3: {  	[sflag:s23] =	ssyncset.done $0x0  }
0xa4: {  	s25 =	simm.s32 $0x1B8E;
	s24 =	sld [smem:$0x3FFE];
	[sflag:s23] =	ssyncadd.s32 $0xFFFFFFFF  }
0xa5: {  	s26 =	simm.s32 $execute0_lowered;
	[smem:$0x3FD2] =	sst s25  }
0xa6: {  	s5 =	sshll.u32 s26, $0x1;
	_ =	strace $0x80000046;
	[dreg:$0x1] =	wrdreg $0xFFFFFFFF  }
0xa7: {  	s28 =	simm.s32 $_size_execute0_lowered;
	s3 =	sadd.s32 s3, s5;
	[dreg:$0x0] =	wrdreg $0x0  }
0xa8: {  	s5 =	sshll.u32 s28, $0x1;
	[dreg:$0x2] =	wrdreg s3  }
0xa9: {  	[dreg:$0x3] =	wrdreg s5  }
0xaa: {  	[dreg:$0x4] =	wrdreg $0xC0  }
0xab: {  	_ =	task [dreg:s7], $0x5FFFF  }
0xac: {  	[dreg:$0x1] =	wrdreg $0xFFFFFFFF  }
0xad: {  	[dreg:$0x0] =	wrdreg $0x60  }
0xae: {  	[dreg:$0x2] =	wrdreg s24  }
0xaf: {  	[dreg:$0x3] =	wrdreg s2  }
0xb0: {  	[dreg:$0x4] =	wrdreg $0x0  }
0xb1: {  	[dreg:$0x5] =	wrdreg $0x1EA800  }
0xb2: {  	[dreg:$0x6] =	wrdreg $0x9  }
0xb3: {  	_ =	task.clear_ibuf [dreg:s7], $0x7FFFF;
	_ =	strace $0x90000046  }
0xb4: {  	s29 =	simm.s32 $0x9;
	_ =	strace $0x80000048  }
0xb5: {  	_ =	swait.ge [sflag:s29], $0x1  }
0xb6: {  	[sflag:s29] =	ssyncadd.s32 $0xFFFFFFFF  }
0xb7: {  	_ =	strace $0x90000048  }
0xb8: {  	_ =	sfence  }
0xb9: {  	s30 =	sld [smem:$0x0];
	_ =	sdelay $0x2  }
0xba: {  	s31 =	sshll.u32 s1, $0xD;
	s1 =	sshrl.u32 s1, $0x2  }
0xbb: {  	s3 =	sand.u32 $0x4000, s31;
	s1 =	sadd.s32 s1, s30  }
0xbc: {  	s0 =	sor.u32 s3, s0;
	s1 =	sshll.u32 s1, $0x11  }
0xbd: {  	s0 =	sor.u32 s1, s0  }
0xbe: {  	s0 =	sadd.s32 $0x8F2B, s0  }
0xbf: {  	[sflag:s0] =	ssyncadd.remote.s32 $0x1  }
0xc0: {  	_ =	sfence.sel $0xFFFF  }
0xc1: {  	[dreg:$0x0] =	wrdreg $0xFFFFFFFF;
	(pc) =	sbr.abs _section_cstart, $3  }
0xc2: {  	[dreg:$0x1] =	wrdreg $0xFFFFFFFF  }
0xc3: {  	_ =	task.clear_ibuf [dreg:s7], $0x2FFFF;
	_ =	strace $0x9FFFFFFF  }
0xc4: {  	(tm) =	ssettm $0x7FFFFFFF  }
0xc5: {  	_ =	shalt  }
tec
execute0_lowered:
.L_overlay_start_1:
0x0: {  	(tag) =	ssettag $0x1  }
0x1: {  	s0 =	srdreg.scid;
	s22 =	stileid.u32  }
0x2: {  	s2 =	rddreg [dreg:$0x0];
	s10 =	sand.u32 $0x1, s0;
	s1 =	smul.u32 $0x270, s22  }
0x3: {  	s12 =	sadd.s32 $0x33600, s2;
	s0 =	ssub.s32 $0x2, s10  }
0x4: {  	s8 =	smul.u32 $0x13800, s22;
	s3 =	sshrl.u32 s0, $0x1;
	s13 =	sshll.u32 s1, $0x7  }
0x5: {  	s11 =	smul.u32 $0x138800, s10;
	s0 =	ssub.s32 s0, s3;
	s3 =	sadd.s32 $0x2000, s13  }
0x6: {  	s4 =	sadd.s32 $0x4000, s13;
	s5 =	sadd.s32 $0x6000, s13;
	s6 =	sadd.s32 $0x8000, s13  }
0x7: {  	s7 =	sadd.s32 $0xA000, s13;
	s14 =	sadd.s32 s8, s11;
	s8 =	sadd.s32 $0xC000, s13  }
0x8: {  	s9 =	sadd.s32 $0xE000, s13;
	s16 =	sadd.s32 $0x10000, s13;
	s13 =	sadd.s32 $0x12000, s13  }
0x9: {  	s14 =	sshrl.u32 s14, $0x3;
	s18 =	sadd.s32 s11, s3;
	s15 =	sadd.s32 s11, s4  }
0xa: {  	s17 =	sadd.s32 s11, s5;
	s21 =	sadd.s32 s11, s6;
	s23 =	sadd.s32 s11, s7  }
0xb: {  	s24 =	sadd.s32 s11, s8;
	s14 =	sadd.s32 s12, s14;
	s15 =	sshrl.u32 s15, $0x3  }
0xc: {  	s17 =	sshrl.u32 s17, $0x3;
	[dreg:$0x5] =	wrdreg s14;
	s14 =	sshrl.u32 s18, $0x3  }
0xd: {  	s19 =	sadd.s32 s12, s15;
	s20 =	sadd.s32 s12, s17;
	s15 =	sshrl.u32 s23, $0x3  }
0xe: {  	s17 =	sshrl.u32 s24, $0x3;
	s18 =	sadd.s32 s11, s13;
	[dreg:$0x7] =	wrdreg s19  }
0xf: {  	s14 =	sadd.s32 s12, s14;
	[dreg:$0x8] =	wrdreg s20;
	s25 =	sadd.s32 s12, s15  }
0x10: {  	s26 =	sadd.s32 s12, s17;
	s15 =	sadd.s32 s11, s9;
	[dreg:$0x6] =	wrdreg s14  }
0x11: {  	s17 =	sadd.s32 s11, s16;
	s14 =	sshrl.u32 s21, $0x3;
	[dreg:$0xa] =	wrdreg s25  }
0x12: {  	[dreg:$0xb] =	wrdreg s26;
	s21 =	sshrl.u32 s11, $0x3;
	s11 =	simm.s32 $0x0  }
0x13: {  	s14 =	sadd.s32 s12, s14;
	[smem:$0x7FF] =	sst s11  }
0x14: {  	[dreg:$0x9] =	wrdreg s14;
	s14 =	sshrl.u32 s15, $0x3  }
0x15: {  	s15 =	sshrl.u32 s17, $0x3;
	s17 =	sshrl.u32 s18, $0x3;
	s14 =	sadd.s32 s12, s14  }
0x16: {  	s18 =	smul.u32 $0x2710, s10;
	s19 =	sadd.s32 s12, s15;
	[dreg:$0xc] =	wrdreg s14  }
0x17: {  	s20 =	sadd.s32 s12, s17;
	[dreg:$0xd] =	wrdreg s19  }
0x18: {  	[dreg:$0xe] =	wrdreg s20;
	s19 =	sadd.s32 s12, s21;
	s23 =	sadd.s32 s1, s18  }
0x19: {  	s12 =	rddreg [dreg:$0x1];
	s20 =	sadd.s32 $0x32C00, s2;
	s24 =	sshrl.u32 s23, $0x3  }
0x1a: {  	s10 =	sshll.u32 s10, $0x4;
	s14 =	rddreg [dreg:$0x2];
	s25 =	sadd.s32 s20, s24  }
0x1b: {  	s10 =	sor.u32 s22, s10;
	[dreg:$0xf] =	wrdreg s25  }
0x1c: {  	s15 =	smul.u32 $0x2710, s10;
	s3 =	sadd.s32 s3, s14;
	s25 =	rddreg [dreg:$0x3]  }
0x1d: {  	s23 =	sadd.s32 s4, s14;
	_ =	strace $0x80000047;
	[dreg:$0x11] =	wrdreg s3  }
0x1e: {  	s26 =	sshrl.u32 s18, $0x3;
	s24 =	sadd.s32 s6, s14;
	[dreg:$0x12] =	wrdreg s23  }
0x1f: {  	s10 =	sadd.s32 s20, s26;
	s26 =	sadd.s32 s7, s14;
	[dreg:$0x14] =	wrdreg s24  }
0x20: {  	s4 =	sadd.s32 s8, s14;
	[dreg:$0x15] =	wrdreg s26  }
0x21: {  	s6 =	sadd.s32 s9, s14;
	[dreg:$0x16] =	wrdreg s4  }
0x22: {  	s18 =	sadd.s32 $0xBA00, s2;
	s7 =	sadd.s32 s16, s14;
	[dreg:$0x17] =	wrdreg s6  }
0x23: {  	s8 =	sadd.s32 s13, s14;
	s17 =	sshrl.u32 s15, $0x3;
	[dreg:$0x18] =	wrdreg s7  }
0x24: {  	s16 =	sadd.s32 $0x27000, s19;
	s2 =	sadd.s32 s17, s2;
	[dreg:$0x19] =	wrdreg s8  }
0x25: {  	s13 =	sadd.s32 s12, s17;
	s17 =	sadd.s32 $0x4E0, s10;
	[dreg:$0x1d] =	wrdreg s16  }
0x26: {  	s0 =	smax.u32 s0, $0x1;
	s21 =	smul.u32 $0x4E000, s22;
	[dreg:$0x1e] =	wrdreg s17  }
0x27: {  	s19 =	sadd.s32 $0x138000, s14;
	[dreg:$0x1f] =	wrdreg s0  }
0x28: {  	s21 =	sshrl.u32 s21, $0x2;
	[smem:$0x7F8] =	sst s19  }
0x29: {  	s21 =	sadd.s32 s21, s14;
	[dreg:$0x1c] =	wrdreg s13  }
0x2a: {  	s28 =	simm.s32 $0x2;
	s5 =	sadd.s32 s5, s14;
	[dreg:$0x10] =	wrdreg s21  }
0x2b: {  	s30 =	simm.s32 $0x6;
	s1 =	sadd.s32 s1, s25;
	[dreg:$0x13] =	wrdreg s5  }
0x2c: {  	s31 =	simm.s32 $0xF;
	s9 =	sadd.s32 $0x1C00, s2;
	[dreg:$0x1a] =	wrdreg s1  }
0x2d: {  	s29 =	simm.s32 $0x16880;
	s20 =	sadd.s32 $0x2700, s25;
	[dreg:$0x1b] =	wrdreg s9  }
0x2e: {  	p0 =	sne.s32 s22, $0xF;
	s22 =	sadd.s32 $0x4E0, s13;
	[smem:$0x7F9] =	sst s20  }
0x2f: {  	s23 =	sadd.s32 $0x8, s13;
	s24 =	sadd.s32 $0x10, s13;
	[smem:$0x7FA] =	sst s22  }
0x30: {  	s26 =	sadd.s32 $0x18, s13;
	s7 =	simm.s32 $0x40;
	[smem:$0x7FB] =	sst s23  }
0x31: {  	s8 =	simm.s32 $0x1ECF8;
	s2 =	simm.s32 $0x0;
	[smem:$0x7FC] =	sst s24  }
0x32: {  	v0 =	vimm.f32 $0.0e+00;
	v1 =	vimm.f32 $1.000000000e+00;
	[smem:$0x7FD] =	sst s26;
	s26 =	simm.s32 $0x1CA80;
	s22 =	simm.s32 $0xE  }
.LBB2_1:
0x33: {  	[smem:$0x7F7] =	sst s2;
	s10 =	simm.s32 $0x0;
	s19 =	simm.s32 $0x200  }
.LBB2_2:
0x34: {  	p1 =	sne.s32 s19, $0x7E00;
	[tilespmem:s10+$0x16970] =	vst v0  }
0x35: {  	[tilespmem:s10+$0x16900] =	vst v0  }
0x36: {  	[tilespmem:s10+$0x16910] =	vst v0  }
.Ltmp0:
0x37: {  	[tilespmem:s10+$0x16920] =	vst v0;
	(pc) =	sbr.rel @p1 .LBB2_2-.Ltmp0, $4  }
0x38: {  	[tilespmem:s10+$0x16930] =	vst v0  }
0x39: {  	[tilespmem:s10+$0x16940] =	vst v0  }
0x3a: {  	[tilespmem:s10+$0x16950] =	vst v0  }
0x3b: {  	[tilespmem:s10+$0x16960] =	vst v0;
	s10 =	sshra.s32 s19, $0x2;
	s19 =	sadd.s32 $0x200, s19  }
0x3c: {  	[tilespmem:s10+$0x16970] =	vst v0  }
0x3d: {  	[tilespmem:s10+$0x16900] =	vst v0  }
0x3e: {  	[tilespmem:s10+$0x16910] =	vst v0  }
0x3f: {  	[tilespmem:s10+$0x16920] =	vst v0  }
0x40: {  	[tilespmem:s10+$0x16930] =	vst v0  }
0x41: {  	[tilespmem:s10+$0x16940] =	vst v0  }
0x42: {  	[tilespmem:s10+$0x16950] =	vst v0  }
0x43: {  	[tilespmem:s10+$0x16960] =	vst v0;
	s9 =	simm.s32 $0x16900  }
0x44: {  	[spmem:s21] =	stream.linear.scatter [tilespmem:s9], [sflag:$0x4], $0x2000, $0x38;
	[tilespmem:$0x1EFF8] =	vst v63  }
0x45: {  	s0 =	rddreg [dreg:$0x11]  }
0x46: {  	[spmem:s0] =	stream.linear.scatter [tilespmem:s9], [sflag:$0x8], $0x2000, $0x38;
	[tilespmem:$0x1EFF8] =	vst v63  }
0x47: {  	s23 =	rddreg [dreg:$0x12]  }
0x48: {  	[spmem:s23] =	stream.linear.scatter [tilespmem:s9], [sflag:$0xC], $0x2000, $0x38;
	[tilespmem:$0x1EFF8] =	vst v63  }
0x49: {  	_ = 	snop  }
0x4a: {  	[spmem:s5] =	stream.linear.scatter [tilespmem:s9], [sflag:$0x10], $0x2000, $0x38;
	[tilespmem:$0x1EFF8] =	vst v63  }
0x4b: {  	s24 =	rddreg [dreg:$0x14]  }
0x4c: {  	[spmem:s24] =	stream.linear.scatter [tilespmem:s9], [sflag:$0x4], $0x2000, $0x38;
	[tilespmem:$0x1EFF8] =	vst v63  }
0x4d: {  	s1 =	rddreg [dreg:$0x15]  }
0x4e: {  	[spmem:s1] =	stream.linear.scatter [tilespmem:s9], [sflag:$0x8], $0x2000, $0x38;
	[tilespmem:$0x1EFF8] =	vst v63  }
0x4f: {  	s2 =	rddreg [dreg:$0x16]  }
0x50: {  	[spmem:s2] =	stream.linear.scatter [tilespmem:s9], [sflag:$0xC], $0x2000, $0x38;
	[tilespmem:$0x1EFF8] =	vst v63  }
0x51: {  	s3 =	rddreg [dreg:$0x17]  }
0x52: {  	[spmem:s3] =	stream.linear.scatter [tilespmem:s9], [sflag:$0x10], $0x2000, $0x38;
	[tilespmem:$0x1EFF8] =	vst v63  }
0x53: {  	s4 =	rddreg [dreg:$0x18]  }
0x54: {  	[spmem:s4] =	stream.linear.scatter [tilespmem:s9], [sflag:$0x4], $0x2000, $0x38;
	[tilespmem:$0x1EFF8] =	vst v63  }
0x55: {  	s5 =	rddreg [dreg:$0x19]  }
0x56: {  	[spmem:s5] =	stream.linear.scatter [tilespmem:s9], [sflag:$0x8], $0x1800, $0x38;
	[tilespmem:$0x1EFF8] =	vst v63  }
0x57: {  	[tilespmem:$0x1ECF8] =	vst v1  }
0x58: {  	[tilespmem:$0x1ED08] =	vst v1  }
0x59: {  	[tilespmem:$0x1ED18] =	vst v1  }
0x5a: {  	[tilespmem:$0x1ED28] =	vst v1  }
0x5b: {  	[tilespmem:$0x1ED78] =	vst v0  }
0x5c: {  	[tilespmem:$0x1ED88] =	vst v0  }
0x5d: {  	[tilespmem:$0x1ED98] =	vst v0  }
0x5e: {  	[tilespmem:$0x1EDA8] =	vst v0  }
0x5f: {  	[tilespmem:$0x1EDB8] =	vst v0  }
0x60: {  	[tilespmem:$0x1EDC8] =	vst v0  }
0x61: {  	[tilespmem:$0x1EDD8] =	vst v0  }
0x62: {  	[tilespmem:$0x1EDE8] =	vst v0  }
0x63: {  	[tilespmem:$0x1EDF8] =	vst v0  }
0x64: {  	[tilespmem:$0x1EE08] =	vst v0  }
0x65: {  	[tilespmem:$0x1EE18] =	vst v0  }
0x66: {  	[tilespmem:$0x1EE28] =	vst v0  }
0x67: {  	[tilespmem:$0x1EE38] =	vst v0  }
0x68: {  	[tilespmem:$0x1EE48] =	vst v0  }
0x69: {  	[tilespmem:$0x1EE58] =	vst v0  }
0x6a: {  	[tilespmem:$0x1EE68] =	vst v0  }
0x6b: {  	[tilespmem:$0x1EE78] =	vst v0  }
0x6c: {  	[tilespmem:$0x1EE88] =	vst v0  }
0x6d: {  	[tilespmem:$0x1EE98] =	vst v0  }
0x6e: {  	[tilespmem:$0x1EEA8] =	vst v0  }
0x6f: {  	[tilespmem:$0x1EEB8] =	vst v0  }
0x70: {  	[tilespmem:$0x1EEC8] =	vst v0  }
0x71: {  	[tilespmem:$0x1EED8] =	vst v0  }
0x72: {  	[tilespmem:$0x1EEE8] =	vst v0  }
0x73: {  	[tilespmem:$0x1EEF8] =	vst v0  }
0x74: {  	[tilespmem:$0x1EF08] =	vst v0  }
0x75: {  	[tilespmem:$0x1EF18] =	vst v0  }
0x76: {  	[tilespmem:$0x1EF28] =	vst v0  }
0x77: {  	[tilespmem:$0x1EF38] =	vst v0  }
0x78: {  	[tilespmem:$0x1EF48] =	vst v0  }
0x79: {  	[tilespmem:$0x1EF58] =	vst v0  }
0x7a: {  	[tilespmem:$0x1EF68] =	vst v0  }
0x7b: {  	[tilespmem:$0x1EF78] =	vst v0  }
0x7c: {  	[tilespmem:$0x1EF88] =	vst v0  }
0x7d: {  	[tilespmem:$0x1EF98] =	vst v0  }
0x7e: {  	[tilespmem:$0x1EFA8] =	vst v0  }
0x7f: {  	[tilespmem:$0x1EFB8] =	vst v0  }
0x80: {  	[tilespmem:$0x1EFC8] =	vst v0  }
0x81: {  	s6 =	rddreg [dreg:$0x1a];
	s1 =	simm.s32 $0x1ED78;
	[tilespmem:$0x1EFD8] =	vst v0  }
0x82: {  	[spmem:s6] =	stream.linear.scatter [tilespmem:s1], [sflag:$0x5], $0x270, $0x38;
	[tilespmem:$0x1EFF8] =	vst v63  }
0x83: {  	s10 =	rddreg [dreg:$0x1b];
	s13 =	simm.s32 $0x13880;
	s2 =	simm.s32 $0x12  }
0x84: {  	[tilespmem:s13], [sflag:$0x12] =	stream.linear.gather [hbm4b:s10+s11], $0x2710, $0x38;
	[tilespmem:$0x1EFF8] =	vst v63  }
0x85: {  	_ =	swait.ge [sflag:s2], $0x2710  }
0x86: {  	[sflag:s2] =	ssyncset.done $0x0  }
0x87: {  	s20 =	simm.s32 $0x4;
	[sflag:s2] =	ssyncadd.s32 $0xFFFFD8F0  }
0x88: {  	_ =	swait.ge [sflag:s20], $0x2000  }
0x89: {  	[sflag:s20] =	ssyncset.done $0x0  }
0x8a: {  	s16 =	simm.s32 $0x8;
	[sflag:s20] =	ssyncadd.s32 $0xFFFFE000  }
0x8b: {  	_ =	swait.ge [sflag:s16], $0x2000  }
0x8c: {  	[sflag:s16] =	ssyncset.done $0x0  }
0x8d: {  	s17 =	simm.s32 $0xC;
	[sflag:s16] =	ssyncadd.s32 $0xFFFFE000  }
0x8e: {  	_ =	swait.ge [sflag:s17], $0x2000  }
0x8f: {  	[sflag:s17] =	ssyncset.done $0x0  }
0x90: {  	s5 =	simm.s32 $0x10;
	[sflag:s17] =	ssyncadd.s32 $0xFFFFE000  }
0x91: {  	_ =	swait.ge [sflag:s5], $0x2000  }
0x92: {  	[sflag:s5] =	ssyncset.done $0x0  }
0x93: {  	[sflag:s5] =	ssyncadd.s32 $0xFFFFE000  }
0x94: {  	_ =	swait.ge [sflag:s20], $0x2000  }
0x95: {  	[sflag:s20] =	ssyncset.done $0x0  }
0x96: {  	[sflag:s20] =	ssyncadd.s32 $0xFFFFE000  }
0x97: {  	_ =	swait.ge [sflag:s16], $0x2000  }
0x98: {  	[sflag:s16] =	ssyncset.done $0x0  }
0x99: {  	[sflag:s16] =	ssyncadd.s32 $0xFFFFE000  }
0x9a: {  	_ =	swait.ge [sflag:s17], $0x2000  }
0x9b: {  	[sflag:s17] =	ssyncset.done $0x0  }
0x9c: {  	[sflag:s17] =	ssyncadd.s32 $0xFFFFE000  }
0x9d: {  	_ =	swait.ge [sflag:s5], $0x2000  }
0x9e: {  	[sflag:s5] =	ssyncset.done $0x0  }
0x9f: {  	[sflag:s5] =	ssyncadd.s32 $0xFFFFE000  }
0xa0: {  	_ =	swait.ge [sflag:s20], $0x2000  }
0xa1: {  	[sflag:s20] =	ssyncset.done $0x0  }
0xa2: {  	[sflag:s20] =	ssyncadd.s32 $0xFFFFE000  }
0xa3: {  	_ =	swait.ge [sflag:s16], $0x1800  }
0xa4: {  	[sflag:s16] =	ssyncset.done $0x0  }
0xa5: {  	s24 =	simm.s32 $0x5;
	[sflag:s16] =	ssyncadd.s32 $0xFFFFE800  }
0xa6: {  	_ =	swait.ge [sflag:s24], $0x270  }
0xa7: {  	s0 =	sld [smem:$0x7F8]  }
0xa8: {  	[sflag:s24] =	ssyncset.done $0x0  }
0xa9: {  	s10 =	simm.s32 @!p0 $0x16900;
	[sflag:s24] =	ssyncadd.s32 $0xFFFFFD90  }
0xaa: {  	[spmem:s0] =	stream.linear.scatter @!p0 [tilespmem:s10], [sflag:$0x12], $0x800, $0x38;
	[tilespmem:$0x1EFF8] =	vst v63  }
0xab: {  	s10 =	simm.s32 @!p0 $0x12  }
0xac: {  	_ =	swait.ge @!p0 [sflag:s10], $0x800  }
0xad: {  	s0 =	sld [smem:$0x7F9]  }
0xae: {  	[sflag:s10] =	ssyncset.done @!p0 $0x0  }
0xaf: {  	s19 =	simm.s32 @!p0 $0x1ED78;
	[sflag:s10] =	ssyncadd.s32 @!p0 $0xFFFFF800  }
0xb0: {  	[spmem:s0] =	stream.linear.scatter @!p0 [tilespmem:s19], [sflag:$0x12], $0x10, $0x38;
	[tilespmem:$0x1EFF8] =	vst v63  }
0xb1: {  	_ =	swait.ge @!p0 [sflag:s10], $0x10  }
0xb2: {  	[sflag:s10] =	ssyncset.done @!p0 $0x0  }
0xb3: {  	[sflag:s10] =	ssyncadd.s32 @!p0 $0xFFFFFFF0  }
0xb4: {  	[bflag:$0x0] =	sbarrier.arrive $0xFFFF  }
0xb5: {  	s21 =	sld [smem:$0x7FA];
	_ =	sdelay $0x1  }
0xb6: {  	s23 =	simm.s32 $0x16000  }
0xb7: {  	[tilespmem:s23], [sflag:$0x12] =	stream.linear.gather [hbm4b:s21+s11], $0x10, $0x38;
	[tilespmem:$0x1EFF8] =	vst v63  }
0xb8: {  	_ =	swait.ge [sflag:s2], $0x10  }
0xb9: {  	[sflag:s2] =	ssyncset.done $0x0  }
0xba: {  	s3 =	simm.s32 $0x16080;
	[sflag:s2] =	ssyncadd.s32 $0xFFFFFFF0;
	s2 =	simm.s32 $0x15F80  }
0xbb: {  	[tilespmem:s3], [sflag:$0x1] =	stream.indirect.gather [hbm4b:s18+s5], $0x80, s2, s5, $0xb8;
	[tilespmem:$0x1EFF8] =	vst v63  }
0xbc: {  	s20 =	simm.s32 $0x16880;
	s4 =	rddreg [dreg:$0x1c]  }
0xbd: {  	[tilespmem:s20], [sflag:$0x2] =	stream.linear.gather [hbm4b:s4+s11], $0x40, $0x38;
	[tilespmem:$0x1EFF8] =	vst v63  }
0xbe: {  	s6 =	sld [smem:$0x7FB]  }
0xbf: {  	[tilespmem:s9], [sflag:$0x3] =	stream.indirect.gather [hbm4b:s18+s7], $0x80, s13, s7, $0xb8;
	[tilespmem:$0x1EFF8] =	vst v63  }
0xc0: {  	s23 =	simm.s32 $0x18900  }
0xc1: {  	[tilespmem:s23], [sflag:$0x6] =	stream.linear.gather [hbm4b:s6+s11], $0x40, $0x38;
	[tilespmem:$0x1EFF8] =	vst v63  }
0xc2: {  	s10 =	simm.s32 $0x138C0;
	s19 =	sld [smem:$0x7FC];
	s13 =	simm.s32 $0x18980  }
0xc3: {  	[tilespmem:s13], [sflag:$0x7] =	stream.indirect.gather [hbm4b:s18+s7], $0x80, s10, s7, $0xb8;
	[tilespmem:$0x1EFF8] =	vst v63  }
0xc4: {  	s3 =	simm.s32 $0x1A980  }
0xc5: {  	[tilespmem:s3], [sflag:$0xA] =	stream.linear.gather [hbm4b:s19+s11], $0x40, $0x38;
	[tilespmem:$0x1EFF8] =	vst v63  }
0xc6: {  	s21 =	simm.s32 $0x13900;
	s2 =	sld [smem:$0x7FD];
	s6 =	simm.s32 $0x1AA00  }
0xc7: {  	[tilespmem:s6], [sflag:$0xB] =	stream.indirect.gather [hbm4b:s18+s7], $0x80, s21, s7, $0xb8;
	[tilespmem:$0x1EFF8] =	vst v63  }
0xc8: {  	s4 =	simm.s32 $0x1CA00  }
0xc9: {  	[tilespmem:s4], [sflag:$0xE] =	stream.linear.gather [hbm4b:s2+s11], $0x40, $0x38;
	[tilespmem:$0x1EFF8] =	vst v63  }
0xca: {  	s10 =	simm.s32 $0x13940;
	s21 =	simm.s32 $0x3  }
0xcb: {  	[tilespmem:s26], [sflag:$0xF] =	stream.indirect.gather [hbm4b:s18+s7], $0x80, s10, s7, $0xb8;
	[tilespmem:$0x1EFF8] =	vst v63  }
0xcc: {  	_ =	swait.ge [sflag:s21], $0x2000  }
0xcd: {  	[sflag:s21] =	ssyncset.done $0x0  }
0xce: {  	[sflag:s21] =	ssyncadd.s32 $0xFFFFE000  }
0xcf: {  	_ =	swait.ge [sflag:s28], $0x40  }
0xd0: {  	[sflag:s28] =	ssyncset.done $0x0  }
0xd1: {  	[sflag:s28] =	ssyncadd.s32 $0xFFFFFFC0  }
0xd2: {  	[spmem:s14] =	stream.indirect.scatter.add.f32 [tilespmem:s9], [sflag:$0x4], $0x80, s20, s7, $0xb8;
	[tilespmem:$0x1EFF8] =	vst v63  }
0xd3: {  	s19 =	simm.s32 $0x7  }
0xd4: {  	[spmem:s25] =	stream.indirect.scatter.add.f32 [tilespmem:s8], [sflag:$0x5], $0x1, s20, s7, $0xb8;
	[tilespmem:$0x1EFF8] =	vst v63  }
0xd5: {  	_ =	swait.ge [sflag:s19], $0x2000  }
0xd6: {  	[sflag:s19] =	ssyncset.done $0x0  }
0xd7: {  	[sflag:s19] =	ssyncadd.s32 $0xFFFFE000  }
0xd8: {  	_ =	swait.ge [sflag:s30], $0x40  }
0xd9: {  	[sflag:s30] =	ssyncset.done $0x0  }
0xda: {  	[sflag:s30] =	ssyncadd.s32 $0xFFFFFFC0  }
0xdb: {  	[spmem:s14] =	stream.indirect.scatter.add.f32 [tilespmem:s13], [sflag:$0x8], $0x80, s23, s7, $0xb8;
	[tilespmem:$0x1EFF8] =	vst v63  }
0xdc: {  	s4 =	simm.s32 $0xB  }
0xdd: {  	[spmem:s25] =	stream.indirect.scatter.add.f32 [tilespmem:s8], [sflag:$0x9], $0x1, s23, s7, $0xb8;
	[tilespmem:$0x1EFF8] =	vst v63  }
0xde: {  	_ =	swait.ge [sflag:s4], $0x2000  }
0xdf: {  	[sflag:s4] =	ssyncset.done $0x0  }
0xe0: {  	[sflag:s4] =	ssyncadd.s32 $0xFFFFE000;
	s4 =	simm.s32 $0xA  }
0xe1: {  	_ =	swait.ge [sflag:s4], $0x40  }
0xe2: {  	[sflag:s4] =	ssyncset.done $0x0  }
0xe3: {  	[sflag:s4] =	ssyncadd.s32 $0xFFFFFFC0  }
0xe4: {  	[spmem:s14] =	stream.indirect.scatter.add.f32 [tilespmem:s6], [sflag:$0xC], $0x80, s3, s7, $0xb8;
	[tilespmem:$0x1EFF8] =	vst v63  }
0xe5: {  	_ = 	snop  }
0xe6: {  	[spmem:s25] =	stream.indirect.scatter.add.f32 [tilespmem:s8], [sflag:$0xD], $0x1, s3, s7, $0xb8;
	[tilespmem:$0x1EFF8] =	vst v63  }
0xe7: {  	_ =	swait.ge [sflag:s31], $0x2000  }
0xe8: {  	[sflag:s31] =	ssyncset.done $0x0  }
0xe9: {  	[sflag:s31] =	ssyncadd.s32 $0xFFFFE000  }
0xea: {  	_ =	swait.ge [sflag:s22], $0x40  }
0xeb: {  	[sflag:s22] =	ssyncset.done $0x0  }
0xec: {  	s0 =	simm.s32 $0x1CA00;
	[sflag:s22] =	ssyncadd.s32 $0xFFFFFFC0  }
0xed: {  	[spmem:s14] =	stream.indirect.scatter.add.f32 [tilespmem:s26], [sflag:$0x10], $0x80, s0, s7, $0xb8;
	[tilespmem:$0x1EFF8] =	vst v63  }
0xee: {  	s1 =	simm.s32 $0x4  }
0xef: {  	[spmem:s25] =	stream.indirect.scatter.add.f32 [tilespmem:s8], [sflag:$0x11], $0x1, s0, s7, $0xb8;
	[tilespmem:$0x1EFF8] =	vst v63  }
0xf0: {  	_ =	swait.ge [sflag:s1], $0x2000  }
0xf1: {  	p1 =	por $0x0, $0x0;
	s10 =	simm.s32 $0x100;
	[sflag:s1] =	ssyncset.done $0x0  }
0xf2: {  	s10 =	simm.s32 @p1 $0x0;
	[sflag:s1] =	ssyncadd.s32 $0xFFFFE000  }
0xf3: {  	s8 =	sadd.s32 s15, s10;
	_ =	swait.ge [sflag:s24], $0x40  }
0xf4: {  	s19 =	sshrl.u32 s8, $0x3;
	[sflag:s24] =	ssyncset.done $0x0  }
0xf5: {  	s19 =	sadd.s32 s12, s19;
	[sflag:s24] =	ssyncadd.s32 $0xFFFFFFC0  }
0xf6: {  	[tilespmem:s20], [sflag:$0x2] =	stream.linear.gather [hbm4b:s19+s11], $0x40, $0x38;
	[tilespmem:$0x1EFF8] =	vst v63  }
0xf7: {  	s10 =	sadd.s32 $0x13880, s10  }
0xf8: {  	[tilespmem:s9], [sflag:$0x3] =	stream.indirect.gather [hbm4b:s18+s7], $0x80, s10, s7, $0xb8;
	[tilespmem:$0x1EFF8] =	vst v63  }
0xf9: {  	_ =	swait.ge [sflag:s16], $0x2000  }
0xfa: {  	s10 =	simm.s32 $0x140;
	[sflag:s16] =	ssyncset.done $0x0  }
0xfb: {  	s9 =	simm.s32 $0x9;
	s10 =	simm.s32 @p1 $0x0;
	[sflag:s16] =	ssyncadd.s32 $0xFFFFE000  }
0xfc: {  	s20 =	sadd.s32 s15, s10;
	_ =	swait.ge [sflag:s9], $0x40  }
0xfd: {  	s19 =	sshrl.u32 s20, $0x3;
	[sflag:s9] =	ssyncset.done $0x0  }
0xfe: {  	s19 =	sadd.s32 s12, s19;
	[sflag:s9] =	ssyncadd.s32 $0xFFFFFFC0  }
0xff: {  	[tilespmem:s23], [sflag:$0x6] =	stream.linear.gather [hbm4b:s19+s11], $0x40, $0x38;
	[tilespmem:$0x1EFF8] =	vst v63  }
0x100: {  	s10 =	sadd.s32 $0x13880, s10  }
0x101: {  	[tilespmem:s13], [sflag:$0x7] =	stream.indirect.gather [hbm4b:s18+s7], $0x80, s10, s7, $0xb8;
	[tilespmem:$0x1EFF8] =	vst v63  }
0x102: {  	_ =	swait.ge [sflag:s17], $0x2000  }
0x103: {  	s16 =	smov.u32 s25;
	s10 =	simm.s32 $0x180;
	[sflag:s17] =	ssyncset.done $0x0  }
0x104: {  	s25 =	simm.s32 $0xD;
	s10 =	simm.s32 @p1 $0x0;
	[sflag:s17] =	ssyncadd.s32 $0xFFFFE000  }
0x105: {  	s23 =	sadd.s32 s15, s10;
	_ =	swait.ge [sflag:s25], $0x40  }
0x106: {  	s19 =	sshrl.u32 s23, $0x3;
	[sflag:s25] =	ssyncset.done $0x0  }
0x107: {  	s19 =	sadd.s32 s12, s19;
	[sflag:s25] =	ssyncadd.s32 $0xFFFFFFC0  }
0x108: {  	[tilespmem:s3], [sflag:$0xA] =	stream.linear.gather [hbm4b:s19+s11], $0x40, $0x38;
	[tilespmem:$0x1EFF8] =	vst v63  }
0x109: {  	s10 =	sadd.s32 $0x13880, s10  }
0x10a: {  	[tilespmem:s6], [sflag:$0xB] =	stream.indirect.gather [hbm4b:s18+s7], $0x80, s10, s7, $0xb8;
	[tilespmem:$0x1EFF8] =	vst v63  }
0x10b: {  	_ =	swait.ge [sflag:s5], $0x2000  }
0x10c: {  	s19 =	simm.s32 $0x1C0;
	[sflag:s5] =	ssyncset.done $0x0  }
0x10d: {  	s11 =	simm.s32 $0x11;
	s19 =	simm.s32 @p1 $0x0;
	[sflag:s5] =	ssyncadd.s32 $0xFFFFE000  }
0x10e: {  	s17 =	smov.u32 s14;
	s24 =	sadd.s32 s15, s19;
	_ =	swait.ge [sflag:s11], $0x40  }
0x10f: {  	s14 =	smov.u32 s12;
	s10 =	sshrl.u32 s24, $0x3;
	[sflag:s11] =	ssyncset.done $0x0  }
0x110: {  	s12 =	simm.s32 $0x0;
	s10 =	sadd.s32 s14, s10;
	[sflag:s11] =	ssyncadd.s32 $0xFFFFFFC0  }
0x111: {  	[tilespmem:s0], [sflag:$0xE] =	stream.linear.gather [hbm4b:s10+s12], $0x40, $0x38;
	[tilespmem:$0x1EFF8] =	vst v63  }
0x112: {  	s8 =	simm.s32 $0x1ECF8;
	s19 =	sadd.s32 $0x13880, s19;
	s10 =	simm.s32 $0x2C0  }
.LBB2_4:
0x113: {  	[tilespmem:s26], [sflag:$0xF] =	stream.indirect.gather [hbm4b:s18+s7], $0x80, s19, s7, $0xb8;
	[tilespmem:$0x1EFF8] =	vst v63  }
0x114: {  	s19 =	smov.u32 s10  }
0x115: {  	p1 =	sne.s32 s10, $0x27C0;
	s10 =	sadd.s32 $0x100, s10;
	_ =	swait.ge [sflag:s21], $0x2000  }
0x116: {  	[sflag:s21] =	ssyncset.done $0x0  }
0x117: {  	[sflag:s21] =	ssyncadd.s32 $0xFFFFE000  }
0x118: {  	_ =	swait.ge [sflag:s28], $0x40  }
0x119: {  	[sflag:s28] =	ssyncset.done $0x0  }
0x11a: {  	s24 =	simm.s32 $0x16900;
	[sflag:s28] =	ssyncadd.s32 $0xFFFFFFC0  }
0x11b: {  	[spmem:s17] =	stream.indirect.scatter.add.f32 [tilespmem:s24], [sflag:$0x4], $0x80, s29, s7, $0xb8;
	[tilespmem:$0x1EFF8] =	vst v63  }
0x11c: {  	s2 =	simm.s32 $0x7  }
0x11d: {  	[spmem:s16] =	stream.indirect.scatter.add.f32 [tilespmem:s8], [sflag:$0x5], $0x1, s29, s7, $0xb8;
	[tilespmem:$0x1EFF8] =	vst v63  }
0x11e: {  	_ =	swait.ge [sflag:s2], $0x2000  }
0x11f: {  	[sflag:s2] =	ssyncset.done $0x0  }
0x120: {  	[sflag:s2] =	ssyncadd.s32 $0xFFFFE000  }
0x121: {  	_ =	swait.ge [sflag:s30], $0x40  }
0x122: {  	[sflag:s30] =	ssyncset.done $0x0  }
0x123: {  	s13 =	simm.s32 $0x18980;
	s23 =	simm.s32 $0x18900;
	[sflag:s30] =	ssyncadd.s32 $0xFFFFFFC0  }
0x124: {  	[spmem:s17] =	stream.indirect.scatter.add.f32 [tilespmem:s13], [sflag:$0x8], $0x80, s23, s7, $0xb8;
	[tilespmem:$0x1EFF8] =	vst v63  }
0x125: {  	s2 =	simm.s32 $0xB  }
0x126: {  	[spmem:s16] =	stream.indirect.scatter.add.f32 [tilespmem:s8], [sflag:$0x9], $0x1, s23, s7, $0xb8;
	[tilespmem:$0x1EFF8] =	vst v63  }
0x127: {  	_ =	swait.ge [sflag:s2], $0x2000  }
0x128: {  	[sflag:s2] =	ssyncset.done $0x0  }
0x129: {  	[sflag:s2] =	ssyncadd.s32 $0xFFFFE000  }
0x12a: {  	_ =	swait.ge [sflag:s4], $0x40  }
0x12b: {  	[sflag:s4] =	ssyncset.done $0x0  }
0x12c: {  	s6 =	simm.s32 $0x1AA00;
	s3 =	simm.s32 $0x1A980;
	[sflag:s4] =	ssyncadd.s32 $0xFFFFFFC0  }
0x12d: {  	[spmem:s17] =	stream.indirect.scatter.add.f32 [tilespmem:s6], [sflag:$0xC], $0x80, s3, s7, $0xb8;
	[tilespmem:$0x1EFF8] =	vst v63  }
0x12e: {  	_ = 	snop  }
0x12f: {  	[spmem:s16] =	stream.indirect.scatter.add.f32 [tilespmem:s8], [sflag:$0xD], $0x1, s3, s7, $0xb8;
	[tilespmem:$0x1EFF8] =	vst v63  }
0x130: {  	_ =	swait.ge [sflag:s31], $0x2000  }
0x131: {  	[sflag:s31] =	ssyncset.done $0x0  }
0x132: {  	[sflag:s31] =	ssyncadd.s32 $0xFFFFE000  }
0x133: {  	_ =	swait.ge [sflag:s22], $0x40  }
0x134: {  	[sflag:s22] =	ssyncset.done $0x0  }
0x135: {  	[sflag:s22] =	ssyncadd.s32 $0xFFFFFFC0  }
0x136: {  	[spmem:s17] =	stream.indirect.scatter.add.f32 [tilespmem:s26], [sflag:$0x10], $0x80, s0, s7, $0xb8;
	[tilespmem:$0x1EFF8] =	vst v63  }
0x137: {  	s20 =	simm.s32 $0x5;
	s21 =	sadd.s32 $0xFFFFFFC0, s19  }
0x138: {  	[spmem:s16] =	stream.indirect.scatter.add.f32 [tilespmem:s8], [sflag:$0x11], $0x1, s0, s7, $0xb8;
	[tilespmem:$0x1EFF8] =	vst v63  }
0x139: {  	s26 =	simm.s32 $0x1CA00;
	s0 =	sadd.s32 $0xFFFFFF80, s19;
	_ =	swait.ge [sflag:s1], $0x2000  }
0x13a: {  	p2 =	seq.s32 s19, $0x27C0;
	s2 =	sadd.s32 $0xFFFFFF40, s19;
	[sflag:s1] =	ssyncset.done $0x0  }
0x13b: {  	s2 =	simm.s32 @p2 $0x0;
	s19 =	simm.s32 @p2 $0x0;
	[sflag:s1] =	ssyncadd.s32 $0xFFFFE000  }
0x13c: {  	s0 =	simm.s32 @p2 $0x0;
	s1 =	sadd.s32 s15, s2;
	_ =	swait.ge [sflag:s20], $0x40  }
0x13d: {  	s5 =	sadd.s32 s15, s19;
	s1 =	sshrl.u32 s1, $0x3;
	[sflag:s20] =	ssyncset.done $0x0  }
0x13e: {  	s5 =	sshrl.u32 s5, $0x3;
	s1 =	sadd.s32 s14, s1;
	[sflag:s20] =	ssyncadd.s32 $0xFFFFFFC0  }
0x13f: {  	[tilespmem:s29], [sflag:$0x2] =	stream.linear.gather [hbm4b:s1+s12], $0x40, $0x38;
	[tilespmem:$0x1EFF8] =	vst v63  }
0x140: {  	s21 =	simm.s32 @p2 $0x0;
	s1 =	sadd.s32 $0x13880, s2;
	s2 =	sadd.s32 s15, s0  }
0x141: {  	[tilespmem:s24], [sflag:$0x3] =	stream.indirect.gather [hbm4b:s18+s7], $0x80, s1, s7, $0xb8;
	[tilespmem:$0x1EFF8] =	vst v63  }
0x142: {  	s24 =	simm.s32 $0x8  }
0x143: {  	s1 =	sshrl.u32 s2, $0x3;
	s2 =	sadd.s32 s15, s21;
	_ =	swait.ge [sflag:s24], $0x2000  }
0x144: {  	s2 =	sshrl.u32 s2, $0x3;
	[sflag:s24] =	ssyncset.done $0x0  }
0x145: {  	[sflag:s24] =	ssyncadd.s32 $0xFFFFE000  }
0x146: {  	_ =	swait.ge [sflag:s9], $0x40  }
0x147: {  	[sflag:s9] =	ssyncset.done $0x0  }
0x148: {  	s1 =	sadd.s32 s14, s1;
	[sflag:s9] =	ssyncadd.s32 $0xFFFFFFC0  }
0x149: {  	[tilespmem:s23], [sflag:$0x6] =	stream.linear.gather [hbm4b:s1+s12], $0x40, $0x38;
	[tilespmem:$0x1EFF8] =	vst v63  }
0x14a: {  	s1 =	simm.s32 $0x4  }
0x14b: {  	s0 =	sadd.s32 $0x13880, s0  }
0x14c: {  	[tilespmem:s13], [sflag:$0x7] =	stream.indirect.gather [hbm4b:s18+s7], $0x80, s0, s7, $0xb8;
	[tilespmem:$0x1EFF8] =	vst v63  }
0x14d: {  	s0 =	simm.s32 $0xC  }
0x14e: {  	_ =	swait.ge [sflag:s0], $0x2000  }
0x14f: {  	[sflag:s0] =	ssyncset.done $0x0  }
0x150: {  	[sflag:s0] =	ssyncadd.s32 $0xFFFFE000  }
0x151: {  	_ =	swait.ge [sflag:s25], $0x40  }
0x152: {  	[sflag:s25] =	ssyncset.done $0x0  }
0x153: {  	s0 =	sadd.s32 s14, s2;
	[sflag:s25] =	ssyncadd.s32 $0xFFFFFFC0  }
0x154: {  	[tilespmem:s3], [sflag:$0xA] =	stream.linear.gather [hbm4b:s0+s12], $0x40, $0x38;
	[tilespmem:$0x1EFF8] =	vst v63  }
0x155: {  	s2 =	simm.s32 $0x10;
	s0 =	sadd.s32 $0x13880, s21;
	s21 =	simm.s32 $0x3  }
0x156: {  	[tilespmem:s6], [sflag:$0xB] =	stream.indirect.gather [hbm4b:s18+s7], $0x80, s0, s7, $0xb8;
	[tilespmem:$0x1EFF8] =	vst v63  }
0x157: {  	_ =	swait.ge [sflag:s2], $0x2000  }
0x158: {  	[sflag:s2] =	ssyncset.done $0x0  }
0x159: {  	[sflag:s2] =	ssyncadd.s32 $0xFFFFE000  }
0x15a: {  	_ =	swait.ge [sflag:s11], $0x40  }
.Ltmp1:
0x15b: {  	[sflag:s11] =	ssyncset.done $0x0;
	(pc) =	sbr.rel @p1 .LBB2_4-.Ltmp1, $4  }
0x15c: {  	s0 =	sadd.s32 s14, s5;
	[sflag:s11] =	ssyncadd.s32 $0xFFFFFFC0  }
0x15d: {  	[tilespmem:s26], [sflag:$0xE] =	stream.linear.gather [hbm4b:s0+s12], $0x40, $0x38;
	[tilespmem:$0x1EFF8] =	vst v63  }
0x15e: {  	s26 =	simm.s32 $0x1CA80;
	s0 =	simm.s32 $0x1CA00  }
0x15f: {  	s19 =	sadd.s32 $0x13880, s19  }
0x160: {  	[tilespmem:s26], [sflag:$0xF] =	stream.indirect.gather [hbm4b:s18+s7], $0x80, s19, s7, $0xb8;
	[tilespmem:$0x1EFF8] =	vst v63  }
0x161: {  	_ =	swait.ge [sflag:s28], $0x40  }
0x162: {  	[sflag:s28] =	ssyncset.done $0x0  }
0x163: {  	[sflag:s28] =	ssyncadd.s32 $0xFFFFFFC0  }
0x164: {  	_ =	swait.ge [sflag:s21], $0x2000  }
0x165: {  	[sflag:s21] =	ssyncset.done $0x0  }
0x166: {  	[sflag:s21] =	ssyncadd.s32 $0xFFFFE000  }
0x167: {  	_ =	swait.ge [sflag:s30], $0x40  }
0x168: {  	[sflag:s30] =	ssyncset.done $0x0  }
0x169: {  	s0 =	simm.s32 $0x7;
	[sflag:s30] =	ssyncadd.s32 $0xFFFFFFC0  }
0x16a: {  	_ =	swait.ge [sflag:s0], $0x2000  }
0x16b: {  	[sflag:s0] =	ssyncset.done $0x0  }
0x16c: {  	[sflag:s0] =	ssyncadd.s32 $0xFFFFE000  }
0x16d: {  	_ =	swait.ge [sflag:s4], $0x40  }
0x16e: {  	[sflag:s4] =	ssyncset.done $0x0  }
0x16f: {  	s6 =	simm.s32 $0xB;
	[sflag:s4] =	ssyncadd.s32 $0xFFFFFFC0  }
0x170: {  	_ =	swait.ge [sflag:s6], $0x2000  }
0x171: {  	[sflag:s6] =	ssyncset.done $0x0  }
0x172: {  	[sflag:s6] =	ssyncadd.s32 $0xFFFFE000  }
0x173: {  	_ =	swait.ge [sflag:s22], $0x40  }
0x174: {  	[sflag:s22] =	ssyncset.done $0x0  }
0x175: {  	[sflag:s22] =	ssyncadd.s32 $0xFFFFFFC0  }
0x176: {  	_ =	swait.ge [sflag:s31], $0x2000  }
0x177: {  	[sflag:s31] =	ssyncset.done $0x0  }
0x178: {  	s9 =	simm.s32 $0x1;
	[sflag:s31] =	ssyncadd.s32 $0xFFFFE000  }
0x179: {  	_ =	swait.ge [sflag:s9], $0x800  }
0x17a: {  	[sflag:s9] =	ssyncset.done $0x0  }
0x17b: {  	s10 =	simm.s32 $0x16000;
	s5 =	simm.s32 $0x16080;
	[sflag:s9] =	ssyncadd.s32 $0xFFFFF800  }
0x17c: {  	[spmem:s17] =	stream.indirect.scatter.add.f32 [tilespmem:s5], [sflag:$0x4], $0x80, s10, s2, $0xb8;
	[tilespmem:$0x1EFF8] =	vst v63  }
0x17d: {  	s11 =	simm.s32 $0x5  }
0x17e: {  	[spmem:s16] =	stream.indirect.scatter.add.f32 [tilespmem:s8], [sflag:$0x5], $0x1, s10, s2, $0xb8;
	[tilespmem:$0x1EFF8] =	vst v63  }
0x17f: {  	_ =	swait.ge [sflag:s11], $0x10  }
0x180: {  	[sflag:s11] =	ssyncset.done $0x0  }
0x181: {  	[sflag:s11] =	ssyncadd.s32 $0xFFFFFFF0  }
0x182: {  	_ =	swait.ge [sflag:s1], $0x800  }
0x183: {  	[sflag:s1] =	ssyncset.done $0x0  }
0x184: {  	[sflag:s1] =	ssyncadd.s32 $0xFFFFF800  }
0x185: {  	[bflag:$0x0] =	sbarrier.arrive $0xFFFF  }
0x186: {  	s3 =	simm.s32 $0x16900;
	s2 =	simm.s32 $0x12;
	s21 =	rddreg [dreg:$0x10]  }
0x187: {  	[tilespmem:s3], [sflag:$0x12] =	stream.linear.gather [spmem:s21], $0x2000, $0x38;
	[tilespmem:$0x1EFF8] =	vst v63  }
0x188: {  	_ =	swait.ge [sflag:s2], $0x2000  }
0x189: {  	[sflag:s2] =	ssyncset.done $0x0  }
0x18a: {  	s13 =	rddreg [dreg:$0x5];
	[sflag:s2] =	ssyncadd.s32 $0xFFFFE000  }
0x18b: {  	[hbm4b:s13+s12] =	stream.linear.scatter [tilespmem:s3], [sflag:$0x4], $0x2000, $0x38;
	[tilespmem:$0x1EFF8] =	vst v63  }
0x18c: {  	s8 =	simm.s32 $0x18980;
	s19 =	rddreg [dreg:$0x11]  }
0x18d: {  	[tilespmem:s8], [sflag:$0x12] =	stream.linear.gather [spmem:s19], $0x2000, $0x38;
	[tilespmem:$0x1EFF8] =	vst v63  }
0x18e: {  	_ =	swait.ge [sflag:s2], $0x2000  }
0x18f: {  	[sflag:s2] =	ssyncset.done $0x0  }
0x190: {  	s20 =	rddreg [dreg:$0x6];
	[sflag:s2] =	ssyncadd.s32 $0xFFFFE000  }
0x191: {  	[hbm4b:s20+s12] =	stream.linear.scatter [tilespmem:s8], [sflag:$0x8], $0x2000, $0x38;
	[tilespmem:$0x1EFF8] =	vst v63  }
0x192: {  	s9 =	simm.s32 $0x1AA00;
	s23 =	rddreg [dreg:$0x12]  }
0x193: {  	[tilespmem:s9], [sflag:$0x12] =	stream.linear.gather [spmem:s23], $0x2000, $0x38;
	[tilespmem:$0x1EFF8] =	vst v63  }
0x194: {  	_ =	swait.ge [sflag:s2], $0x2000  }
0x195: {  	[sflag:s2] =	ssyncset.done $0x0  }
0x196: {  	s24 =	rddreg [dreg:$0x7];
	[sflag:s2] =	ssyncadd.s32 $0xFFFFE000  }
0x197: {  	[hbm4b:s24+s12] =	stream.linear.scatter [tilespmem:s9], [sflag:$0xC], $0x2000, $0x38;
	[tilespmem:$0x1EFF8] =	vst v63  }
0x198: {  	s5 =	rddreg [dreg:$0x13]  }
0x199: {  	[tilespmem:s26], [sflag:$0x12] =	stream.linear.gather [spmem:s5], $0x2000, $0x38;
	[tilespmem:$0x1EFF8] =	vst v63  }
0x19a: {  	_ =	swait.ge [sflag:s2], $0x2000  }
0x19b: {  	[sflag:s2] =	ssyncset.done $0x0  }
0x19c: {  	s25 =	rddreg [dreg:$0x8];
	[sflag:s2] =	ssyncadd.s32 $0xFFFFE000  }
0x19d: {  	[hbm4b:s25+s12] =	stream.linear.scatter [tilespmem:s26], [sflag:$0x10], $0x2000, $0x38;
	[tilespmem:$0x1EFF8] =	vst v63  }
0x19e: {  	_ =	swait.ge [sflag:s1], $0x2000  }
0x19f: {  	[sflag:s1] =	ssyncset.done $0x0  }
0x1a0: {  	s4 =	rddreg [dreg:$0x14];
	[sflag:s1] =	ssyncadd.s32 $0xFFFFE000  }
0x1a1: {  	[tilespmem:s3], [sflag:$0x12] =	stream.linear.gather [spmem:s4], $0x2000, $0x38;
	[tilespmem:$0x1EFF8] =	vst v63  }
0x1a2: {  	_ =	swait.ge [sflag:s2], $0x2000  }
0x1a3: {  	[sflag:s2] =	ssyncset.done $0x0  }
0x1a4: {  	s4 =	simm.s32 $0x8;
	s6 =	rddreg [dreg:$0x9];
	[sflag:s2] =	ssyncadd.s32 $0xFFFFE000  }
0x1a5: {  	[hbm4b:s6+s12] =	stream.linear.scatter [tilespmem:s3], [sflag:$0x4], $0x2000, $0x38;
	[tilespmem:$0x1EFF8] =	vst v63  }
0x1a6: {  	_ =	swait.ge [sflag:s4], $0x2000  }
0x1a7: {  	[sflag:s4] =	ssyncset.done $0x0  }
0x1a8: {  	s11 =	rddreg [dreg:$0x15];
	[sflag:s4] =	ssyncadd.s32 $0xFFFFE000  }
0x1a9: {  	[tilespmem:s8], [sflag:$0x12] =	stream.linear.gather [spmem:s11], $0x2000, $0x38;
	[tilespmem:$0x1EFF8] =	vst v63  }
0x1aa: {  	_ =	swait.ge [sflag:s2], $0x2000  }
0x1ab: {  	[sflag:s2] =	ssyncset.done $0x0  }
0x1ac: {  	s6 =	simm.s32 $0xC;
	s13 =	rddreg [dreg:$0xa];
	[sflag:s2] =	ssyncadd.s32 $0xFFFFE000  }
0x1ad: {  	[hbm4b:s13+s12] =	stream.linear.scatter [tilespmem:s8], [sflag:$0x8], $0x2000, $0x38;
	[tilespmem:$0x1EFF8] =	vst v63  }
0x1ae: {  	_ =	swait.ge [sflag:s6], $0x2000  }
0x1af: {  	[sflag:s6] =	ssyncset.done $0x0  }
0x1b0: {  	s19 =	rddreg [dreg:$0x16];
	[sflag:s6] =	ssyncadd.s32 $0xFFFFE000  }
0x1b1: {  	[tilespmem:s9], [sflag:$0x12] =	stream.linear.gather [spmem:s19], $0x2000, $0x38;
	[tilespmem:$0x1EFF8] =	vst v63  }
0x1b2: {  	_ =	swait.ge [sflag:s2], $0x2000  }
0x1b3: {  	[sflag:s2] =	ssyncset.done $0x0  }
0x1b4: {  	s10 =	simm.s32 $0x10;
	s20 =	rddreg [dreg:$0xb];
	[sflag:s2] =	ssyncadd.s32 $0xFFFFE000  }
0x1b5: {  	[hbm4b:s20+s12] =	stream.linear.scatter [tilespmem:s9], [sflag:$0xC], $0x2000, $0x38;
	[tilespmem:$0x1EFF8] =	vst v63  }
0x1b6: {  	_ =	swait.ge [sflag:s10], $0x2000  }
0x1b7: {  	[sflag:s10] =	ssyncset.done $0x0  }
0x1b8: {  	s23 =	rddreg [dreg:$0x17];
	[sflag:s10] =	ssyncadd.s32 $0xFFFFE000  }
0x1b9: {  	[tilespmem:s26], [sflag:$0x12] =	stream.linear.gather [spmem:s23], $0x2000, $0x38;
	[tilespmem:$0x1EFF8] =	vst v63  }
0x1ba: {  	_ =	swait.ge [sflag:s2], $0x2000  }
0x1bb: {  	[sflag:s2] =	ssyncset.done $0x0  }
0x1bc: {  	s24 =	rddreg [dreg:$0xc];
	[sflag:s2] =	ssyncadd.s32 $0xFFFFE000  }
0x1bd: {  	[hbm4b:s24+s12] =	stream.linear.scatter [tilespmem:s26], [sflag:$0x10], $0x2000, $0x38;
	[tilespmem:$0x1EFF8] =	vst v63  }
0x1be: {  	_ =	swait.ge [sflag:s1], $0x2000  }
0x1bf: {  	[sflag:s1] =	ssyncset.done $0x0  }
0x1c0: {  	s25 =	rddreg [dreg:$0x18];
	[sflag:s1] =	ssyncadd.s32 $0xFFFFE000  }
0x1c1: {  	[tilespmem:s3], [sflag:$0x12] =	stream.linear.gather [spmem:s25], $0x2000, $0x38;
	[tilespmem:$0x1EFF8] =	vst v63  }
0x1c2: {  	_ =	swait.ge [sflag:s2], $0x2000  }
0x1c3: {  	[sflag:s2] =	ssyncset.done $0x0  }
0x1c4: {  	s9 =	rddreg [dreg:$0xd];
	[sflag:s2] =	ssyncadd.s32 $0xFFFFE000  }
0x1c5: {  	[hbm4b:s9+s12] =	stream.linear.scatter [tilespmem:s3], [sflag:$0x4], $0x2000, $0x38;
	[tilespmem:$0x1EFF8] =	vst v63  }
0x1c6: {  	_ =	swait.ge [sflag:s4], $0x2000  }
0x1c7: {  	[sflag:s4] =	ssyncset.done $0x0  }
0x1c8: {  	s11 =	rddreg [dreg:$0x19];
	[sflag:s4] =	ssyncadd.s32 $0xFFFFE000  }
0x1c9: {  	[tilespmem:s8], [sflag:$0x12] =	stream.linear.gather [spmem:s11], $0x1800, $0x38;
	[tilespmem:$0x1EFF8] =	vst v63  }
0x1ca: {  	_ =	swait.ge [sflag:s2], $0x1800  }
0x1cb: {  	[sflag:s2] =	ssyncset.done $0x0  }
0x1cc: {  	s13 =	rddreg [dreg:$0xe];
	[sflag:s2] =	ssyncadd.s32 $0xFFFFE800  }
0x1cd: {  	[hbm4b:s13+s12] =	stream.linear.scatter [tilespmem:s8], [sflag:$0x8], $0x1800, $0x38;
	[tilespmem:$0x1EFF8] =	vst v63  }
0x1ce: {  	_ =	swait.ge [sflag:s6], $0x2000  }
0x1cf: {  	[sflag:s6] =	ssyncset.done $0x0  }
0x1d0: {  	[sflag:s6] =	ssyncadd.s32 $0xFFFFE000  }
0x1d1: {  	_ =	swait.ge [sflag:s10], $0x2000  }
0x1d2: {  	[sflag:s10] =	ssyncset.done $0x0  }
0x1d3: {  	[sflag:s10] =	ssyncadd.s32 $0xFFFFE000  }
0x1d4: {  	_ =	swait.ge [sflag:s1], $0x2000  }
0x1d5: {  	[sflag:s1] =	ssyncset.done $0x0  }
0x1d6: {  	[sflag:s1] =	ssyncadd.s32 $0xFFFFE000  }
0x1d7: {  	_ =	swait.ge [sflag:s4], $0x1800  }
0x1d8: {  	[sflag:s4] =	ssyncset.done $0x0  }
0x1d9: {  	s20 =	simm.s32 $0x1ED78;
	s19 =	rddreg [dreg:$0x1a];
	[sflag:s4] =	ssyncadd.s32 $0xFFFFE800  }
0x1da: {  	[tilespmem:s20], [sflag:$0x12] =	stream.linear.gather [spmem:s19], $0x270, $0x38;
	[tilespmem:$0x1EFF8] =	vst v63  }
0x1db: {  	_ =	swait.ge [sflag:s2], $0x270  }
0x1dc: {  	[sflag:s2] =	ssyncset.done $0x0  }
0x1dd: {  	s23 =	rddreg [dreg:$0xf];
	[sflag:s2] =	ssyncadd.s32 $0xFFFFFD90  }
0x1de: {  	[hbm4b:s23+s12] =	stream.linear.scatter [tilespmem:s20], [sflag:$0x12], $0x270, $0x38;
	[tilespmem:$0x1EFF8] =	vst v63  }
0x1df: {  	_ =	swait.ge [sflag:s2], $0x270  }
0x1e0: {  	s1 =	sld [smem:$0x7F8]  }
0x1e1: {  	[sflag:s2] =	ssyncset.done $0x0  }
0x1e2: {  	s0 =	simm.s32 @!p0 $0x16900;
	[sflag:s2] =	ssyncadd.s32 $0xFFFFFD90  }
0x1e3: {  	[tilespmem:s0], [sflag:$0x12] =	stream.linear.gather @!p0 [spmem:s1], $0x800, $0x38;
	[tilespmem:$0x1EFF8] =	vst v63  }
0x1e4: {  	s1 =	simm.s32 @!p0 $0x12  }
0x1e5: {  	_ =	swait.ge @!p0 [sflag:s1], $0x800  }
0x1e6: {  	[sflag:s1] =	ssyncset.done @!p0 $0x0  }
0x1e7: {  	s2 =	simm.s32 @!p0 $0x0;
	s10 =	rddreg [dreg:$0x1d];
	[sflag:s1] =	ssyncadd.s32 @!p0 $0xFFFFF800  }
0x1e8: {  	[hbm4b:s10+s2] =	stream.linear.scatter @!p0 [tilespmem:s0], [sflag:$0x12], $0x800, $0x38;
	[tilespmem:$0x1EFF8] =	vst v63  }
0x1e9: {  	_ =	swait.ge @!p0 [sflag:s1], $0x800  }
0x1ea: {  	s10 =	sld [smem:$0x7F9]  }
0x1eb: {  	[sflag:s1] =	ssyncset.done @!p0 $0x0  }
0x1ec: {  	s0 =	simm.s32 @!p0 $0x1ED78;
	[sflag:s1] =	ssyncadd.s32 @!p0 $0xFFFFF800  }
0x1ed: {  	[tilespmem:s0], [sflag:$0x12] =	stream.linear.gather @!p0 [spmem:s10], $0x10, $0x38;
	[tilespmem:$0x1EFF8] =	vst v63  }
0x1ee: {  	_ =	swait.ge @!p0 [sflag:s1], $0x10  }
0x1ef: {  	[sflag:s1] =	ssyncset.done @!p0 $0x0  }
0x1f0: {  	s10 =	rddreg [dreg:$0x1e];
	[sflag:s1] =	ssyncadd.s32 @!p0 $0xFFFFFFF0  }
0x1f1: {  	[hbm4b:s10+s2] =	stream.linear.scatter @!p0 [tilespmem:s0], [sflag:$0x12], $0x10, $0x38;
	[tilespmem:$0x1EFF8] =	vst v63  }
0x1f2: {  	_ =	swait.ge @!p0 [sflag:s1], $0x10  }
0x1f3: {  	s24 =	sld [smem:$0x7F7];
	_ =	sdelay $0x2  }
0x1f4: {  	s25 =	rddreg [dreg:$0x1f];
	s2 =	sadd.s32 $0x1, s24  }
0x1f5: {  	p1 =	sne.s32 s2, s25  }
.Ltmp2:
0x1f6: {  	_ = 	snop;
	(pc) =	sbr.rel @p1 .LBB2_1-.Ltmp2, $4  }
0x1f7: {  	_ = 	snop  }
0x1f8: {  	s11 =	simm.s32 $0x0  }
0x1f9: {  	s8 =	simm.s32 $0x1ECF8;
	s12 =	smov.u32 s14;
	[sflag:s1] =	ssyncset.done @!p0 $0x0  }
0x1fa: {  	s14 =	smov.u32 s17;
	[sflag:s1] =	ssyncadd.s32 @!p0 $0xFFFFFFF0;
	s25 =	smov.u32 s16  }
0x1fb: {  	_ =	sfence.sel $0x180000  }
0x1fc: {  	[bflag:$0x0] =	sbarrier.arrive $0xFFFF  }
0x1fd: {  	_ =	strace $0x90000047  }
0x1fe: {  	s0 =	stileid.u32;
	[bflag:$0x2] =	sbarrier.arrive $0xFFFF  }
0x1ff: {  	p0 =	sne.s32 s0, $0x0;
	s0 =	rddreg [dreg:$0x4]  }
0x200: {  	s0 =	sadd.s32 @!p0 $0x100000, s0  }
0x201: {  	[sflag:s0] =	ssyncadd.tile.s32 @!p0 $0x1;
	_ =	shalt  }
.Lfunc_end2:
_tile_overlayer_lowered:
.L_overlay_start_2:
0x202: {  	(tag) =	ssettag $0x2  }
0x203: {  	s0 =	rddreg [dreg:$0x0];
	s2 =	stileid.u32  }
0x204: {  	s1 =	rddreg [dreg:$0x1];
	p0 =	sne.s32 s2, $0x0  }
0x205: {  	s3 =	rddreg [dreg:$0x2];
	[bflag:$0x3] =	sbarrier.arrive $0xFFFF;
	s2 =	simm.s32 @!p0 $0x1C12  }
0x206: {  	[timem:s3], [sflag:s2] =	dma.local @!p0 [hbm:s0], s1  }
0x207: {  	s0 =	simm.s32 @!p0 $0x12  }
0x208: {  	_ =	swait.ge @!p0 [sflag:s0], s1  }
0x209: {  	s1 =	ssub.s32 @!p0 $0x0, s1;
	[sflag:s0] =	ssyncset.done @!p0 $0x0  }
0x20a: {  	[sflag:s0] =	ssyncadd.s32 @!p0 s1  }
0x20b: {  	[bflag:$0x3] =	sbarrier.arrive $0xFFFF  }
0x20c: {  	_ =	shalt  }

</sc_bundles>
